<compile_context>
chip_gen: v7x
topology: tpu7x:2x2x1
jax: 0.10.2.dev20260603
libtpu: 0.0.44.dev20260713+nightly
codegen_flags: <defaults>
</compile_context>

<pallas_src>
import functools

import jax
import jax.numpy as jnp
from jax import lax
from jax.experimental import pallas as pl
from jax.experimental.pallas import tpu as pltpu
from jax.experimental.pallas import tpu_sc as plsc

_G = 64
_NPAD = 240
_CHUNK = 128
_NW = 32
_EALIGN = _NW * _CHUNK * 8


def _dotT(a, w):
    return lax.dot_general(a, w, (((1,), (1,)), ((), ())),
                           preferred_element_type=jnp.float32)



def _proj1_body(x_ref, wrel_ref, wroot_ref, p_ref, r_ref):
    n = x_ref.shape[0]
    x = x_ref[...]
    p_ref[0:n, :] = _dotT(x, wrel_ref[...])
    r_ref[0:n, :] = _dotT(x, wroot_ref[...])
    pad = p_ref.shape[0] - n
    p_ref[n:, :] = jnp.zeros((pad, p_ref.shape[1]), jnp.float32)
    r_ref[n:, :] = jnp.zeros((pad, r_ref.shape[1]), jnp.float32)


def _combine_mm_body(acc_ref, h_ref, wra_ref, wta_ref, wrb_ref, wtb_ref,
                     ba_ref, bb_ref, outa_ref, outb_ref, *, npk):
    agg = acc_ref[0] + acc_ref[1]
    h = h_ref[...]
    pad = outa_ref.shape[0] - npk
    z = jnp.zeros((pad, 128), jnp.float32)
    va = jnp.maximum(agg @ wra_ref[...] + h @ wta_ref[...] + ba_ref[...], 0.0)
    outa_ref[0:npk, :] = va[0:npk, :]
    outa_ref[npk:, :] = z
    vb = jnp.maximum(agg @ wrb_ref[...] + h @ wtb_ref[...] + bb_ref[...], 0.0)
    outb_ref[0:npk, :] = vb[0:npk, :]
    outb_ref[npk:, :] = z


def _final_body(acca_ref, accb_ref, ha_ref, hb_ref, wstack_ref, ba_ref,
                bb_ref, bcols_ref, wlin_ref, blin_ref, out_ref):
    pk = ha_ref.shape[0]
    agg_a = acca_ref[0] + acca_ref[1]
    agg_b = accb_ref[0] + accb_ref[1]
    h2a = ha_ref[...]
    h2b = hb_ref[...]
    h3a = jnp.maximum(agg_a @ wstack_ref[0] + agg_b @ wstack_ref[1]
                      + h2a @ wstack_ref[2] + h2b @ wstack_ref[3]
                      + ba_ref[...], 0.0)
    h3b = jnp.maximum(agg_a @ wstack_ref[4] + agg_b @ wstack_ref[5]
                      + h2a @ wstack_ref[6] + h2b @ wstack_ref[7]
                      + bb_ref[...], 0.0)
    pooled_a = jnp.zeros((_G, 16), jnp.float32)
    pooled_b = jnp.zeros((_G, 16), jnp.float32)
    for i in range(8):
        seg = bcols_ref[i:i + 1, :]
        mt = (lax.broadcasted_iota(jnp.int32, (_G, pk), 0) == seg)
        mtf = mt.astype(jnp.float32)
        pa = lax.dot_general(mtf, h3a, (((1,), (0,)), ((), ())),
                             preferred_element_type=jnp.float32)
        pb = lax.dot_general(mtf, h3b, (((1,), (0,)), ((), ())),
                             preferred_element_type=jnp.float32)
        pooled_a = pooled_a + pa[:, 16 * i:16 * (i + 1)]
        pooled_b = pooled_b + pb[:, 16 * i:16 * (i + 1)]
    pooled = jnp.concatenate([pooled_a, pooled_b], axis=1)
    out_ref[...] = _dotT(pooled, wlin_ref[...]) + blin_ref[...]


def _tc_call(body, out_shapes, *args):
    return pl.pallas_call(
        body,
        out_shape=out_shapes,
    )(*args)



def _make_seg_sum(npd, d, ec):
    cpw = ec // _NW
    rpt = npd // 16
    k = 8
    ng = cpw // k
    mesh = plsc.VectorSubcoreMesh(core_axis_name="c", subcore_axis_name="s",
                                  num_cores=2, num_subcores=16)

    @functools.partial(
        pl.kernel,
        out_type=jax.ShapeDtypeStruct((2, npd, d), jnp.float32),
        mesh=mesh,
        compiler_params=pltpu.CompilerParams(use_tc_tiling_on_sc=False),
        scratch_types=[
            pltpu.VMEM((cpw, _CHUNK), jnp.int32),
            pltpu.VMEM((cpw, _CHUNK), jnp.int32),
            pltpu.VMEM((2, k, _CHUNK, d), jnp.float32),
            pltpu.VMEM_SHARED((npd, d), jnp.float32),
            pltpu.VMEM_SHARED((npd, d), jnp.float32),
            pltpu.SemaphoreType.DMA,
            pltpu.SemaphoreType.DMA,
            pltpu.SemaphoreType.DMA,
        ],
    )
    def seg(table, ei, zeros, out, sidx, didx, rows, tbl, acc,
            sem0, gsem, ssem):
        c = lax.axis_index("c")
        s = lax.axis_index("s")
        w = c * 16 + s
        cp1 = pltpu.async_copy(ei.at[0, pl.ds(w * cpw, cpw)], sidx, sem0)
        cp2 = pltpu.async_copy(ei.at[1, pl.ds(w * cpw, cpw)], didx, sem0)
        cp3 = pltpu.async_copy(table.at[pl.ds(s * rpt, rpt)],
                               tbl.at[pl.ds(s * rpt, rpt)], sem0)
        cp4 = pltpu.async_copy(zeros.at[pl.ds(s * rpt, rpt)],
                               acc.at[pl.ds(s * rpt, rpt)], sem0)
        cp1.wait(); cp2.wait(); cp3.wait(); cp4.wait()
        plsc.subcore_barrier()

        def start_gathers(g, p):
            for b in range(k):
                pltpu.async_copy(tbl.at[sidx.at[g * k + b]],
                                 rows.at[p, b], gsem)

        start_gathers(0, 0)

        def body(g, carry):
            p = lax.rem(g, 2)
            for b in range(k):
                pltpu.make_async_copy(tbl.at[sidx.at[g * k + b]],
                                      rows.at[p, b], gsem).wait()
            @pl.when(g + 1 < ng)
            def _():
                start_gathers(g + 1, 1 - p)
            for b in range(k):
                pltpu.async_copy(rows.at[p, b], acc.at[didx.at[g * k + b]],
                                 ssem, add=True)
            for b in range(k):
                pltpu.make_async_copy(rows.at[p, b],
                                      acc.at[didx.at[g * k + b]],
                                      ssem).wait()
            return carry

        lax.fori_loop(0, ng, body, 0, unroll=False)
        plsc.subcore_barrier()
        pltpu.sync_copy(acc.at[pl.ds(s * rpt, rpt)],
                        out.at[c, pl.ds(s * rpt, rpt)])

    return seg


def _make_combine_seg_sum(npd, ec):
    d = 16
    cpw = ec // _NW
    rpt = npd // 16
    k = 8
    ng = cpw // k
    mesh = plsc.VectorSubcoreMesh(core_axis_name="c", subcore_axis_name="s",
                                  num_cores=2, num_subcores=16)

    @functools.partial(
        pl.kernel,
        out_type=(jax.ShapeDtypeStruct((2, npd, d), jnp.float32),
                  jax.ShapeDtypeStruct((npd, d), jnp.float32)),
        mesh=mesh,
        compiler_params=pltpu.CompilerParams(use_tc_tiling_on_sc=False),
        scratch_types=[
            pltpu.VMEM((cpw, _CHUNK), jnp.int32),
            pltpu.VMEM((cpw, _CHUNK), jnp.int32),
            pltpu.VMEM((2, k, _CHUNK, d), jnp.float32),
            pltpu.VMEM((rpt, d), jnp.float32),
            pltpu.VMEM((rpt, d), jnp.float32),
            pltpu.VMEM((rpt, d), jnp.float32),
            pltpu.VMEM((d,), jnp.float32),
            pltpu.VMEM_SHARED((npd, d), jnp.float32),
            pltpu.VMEM_SHARED((npd, d), jnp.float32),
            pltpu.SemaphoreType.DMA,
            pltpu.SemaphoreType.DMA,
            pltpu.SemaphoreType.DMA,
        ],
    )
    def seg(acc1, r1, b1, ei, zeros, out, h1_out, sidx, didx, rows,
            bufa, bufb, bufc, bvec, tbl, acc, sem0, gsem, ssem):
        c = lax.axis_index("c")
        s = lax.axis_index("s")
        w = c * 16 + s
        sl = pl.ds(s * rpt, rpt)
        cps = [
            pltpu.async_copy(ei.at[0, pl.ds(w * cpw, cpw)], sidx, sem0),
            pltpu.async_copy(ei.at[1, pl.ds(w * cpw, cpw)], didx, sem0),
            pltpu.async_copy(acc1.at[0, sl], bufa, sem0),
            pltpu.async_copy(acc1.at[1, sl], bufb, sem0),
            pltpu.async_copy(r1.at[sl], bufc, sem0),
            pltpu.async_copy(b1, bvec, sem0),
            pltpu.async_copy(zeros.at[sl], acc.at[sl], sem0),
        ]
        for cp in cps:
            cp.wait()
        bv = bvec[...]

        def crow(i, carry):
            bufc[i] = jnp.maximum(bufa[i] + bufb[i] + bufc[i] + bv, 0.0)
            return carry

        lax.fori_loop(0, rpt, crow, 0, unroll=False)
        pltpu.sync_copy(bufc, tbl.at[sl])

        @pl.when(c == 0)
        def _():
            pltpu.sync_copy(bufc, h1_out.at[sl])

        plsc.subcore_barrier()

        def start_gathers(g, p):
            for b in range(k):
                pltpu.async_copy(tbl.at[sidx.at[g * k + b]],
                                 rows.at[p, b], gsem)

        start_gathers(0, 0)

        def body(g, carry):
            p = lax.rem(g, 2)
            for b in range(k):
                pltpu.make_async_copy(tbl.at[sidx.at[g * k + b]],
                                      rows.at[p, b], gsem).wait()

            @pl.when(g + 1 < ng)
            def _():
                start_gathers(g + 1, 1 - p)

            for b in range(k):
                pltpu.async_copy(rows.at[p, b], acc.at[didx.at[g * k + b]],
                                 ssem, add=True)
            for b in range(k):
                pltpu.make_async_copy(rows.at[p, b],
                                      acc.at[didx.at[g * k + b]],
                                      ssem).wait()
            return carry

        lax.fori_loop(0, ng, body, 0, unroll=False)
        plsc.subcore_barrier()
        pltpu.sync_copy(acc.at[sl], out.at[c, sl])

    return seg


def _make_seg_sum_pair(npd, ec):
    d = 16
    cpw = ec // _NW
    rpt = npd // 16
    k = 4
    ng = cpw // k
    mesh = plsc.VectorSubcoreMesh(core_axis_name="c", subcore_axis_name="s",
                                  num_cores=2, num_subcores=16)

    @functools.partial(
        pl.kernel,
        out_type=(jax.ShapeDtypeStruct((2, npd, d), jnp.float32),
                  jax.ShapeDtypeStruct((2, npd, d), jnp.float32)),
        mesh=mesh,
        compiler_params=pltpu.CompilerParams(use_tc_tiling_on_sc=False),
        scratch_types=[
            pltpu.VMEM((cpw, _CHUNK), jnp.int32),
            pltpu.VMEM((cpw, _CHUNK), jnp.int32),
            pltpu.VMEM((2, k, _CHUNK, d), jnp.float32),
            pltpu.VMEM((2, k, _CHUNK, d), jnp.float32),
            pltpu.VMEM_SHARED((npd, d), jnp.float32),
            pltpu.VMEM_SHARED((npd, d), jnp.float32),
            pltpu.VMEM_SHARED((npd, d), jnp.float32),
            pltpu.VMEM_SHARED((npd, d), jnp.float32),
            pltpu.SemaphoreType.DMA,
            pltpu.SemaphoreType.DMA,
            pltpu.SemaphoreType.DMA,
        ],
    )
    def seg(ta_hbm, tb_hbm, ei, zeros, outa, outb, sidx, didx, rowsa, rowsb,
            tba, tbb, acca, accb, sem0, gsem, ssem):
        c = lax.axis_index("c")
        s = lax.axis_index("s")
        w = c * 16 + s
        sl = pl.ds(s * rpt, rpt)
        cps = [
            pltpu.async_copy(ei.at[0, pl.ds(w * cpw, cpw)], sidx, sem0),
            pltpu.async_copy(ei.at[1, pl.ds(w * cpw, cpw)], didx, sem0),
            pltpu.async_copy(ta_hbm.at[sl], tba.at[sl], sem0),
            pltpu.async_copy(tb_hbm.at[sl], tbb.at[sl], sem0),
            pltpu.async_copy(zeros.at[sl], acca.at[sl], sem0),
            pltpu.async_copy(zeros.at[sl], accb.at[sl], sem0),
        ]
        for cp in cps:
            cp.wait()
        plsc.subcore_barrier()

        def start_gathers(g, p):
            for b in range(k):
                pltpu.async_copy(tba.at[sidx.at[g * k + b]],
                                 rowsa.at[p, b], gsem)
                pltpu.async_copy(tbb.at[sidx.at[g * k + b]],
                                 rowsb.at[p, b], gsem)

        start_gathers(0, 0)

        def body(g, carry):
            p = lax.rem(g, 2)
            for b in range(k):
                pltpu.make_async_copy(tba.at[sidx.at[g * k + b]],
                                      rowsa.at[p, b], gsem).wait()
                pltpu.make_async_copy(tbb.at[sidx.at[g * k + b]],
                                      rowsb.at[p, b], gsem).wait()

            @pl.when(g + 1 < ng)
            def _():
                start_gathers(g + 1, 1 - p)

            for b in range(k):
                pltpu.async_copy(rowsa.at[p, b], acca.at[didx.at[g * k + b]],
                                 ssem, add=True)
                pltpu.async_copy(rowsb.at[p, b], accb.at[didx.at[g * k + b]],
                                 ssem, add=True)
            for b in range(k):
                pltpu.make_async_copy(rowsa.at[p, b],
                                      acca.at[didx.at[g * k + b]],
                                      ssem).wait()
                pltpu.make_async_copy(rowsb.at[p, b],
                                      accb.at[didx.at[g * k + b]],
                                      ssem).wait()
            return carry

        lax.fori_loop(0, ng, body, 0, unroll=False)
        plsc.subcore_barrier()
        pltpu.sync_copy(acca.at[sl], outa.at[c, sl])
        pltpu.sync_copy(accb.at[sl], outb.at[c, sl])

    return seg



def kernel(x, edge_index, batch, W1_rel, b1_rel, W1_root, W2_rel, b2_rel,
           W2_root, W3_rel, b3_rel, W3_root, W_lin, b_lin):
    n, d_in = x.shape
    e = edge_index.shape[1]
    npd = n + _NPAD

    epad = -(-e // _EALIGN) * _EALIGN
    ec = epad // _CHUNK
    ei = jnp.pad(edge_index, ((0, 0), (0, epad - e)),
                 constant_values=n).reshape(2, ec, _CHUNK)

    zeros16 = jnp.zeros((npd, 16), jnp.float32)
    batch_cols = jnp.pad(batch.astype(jnp.int32), (0, _NPAD),
                         constant_values=_G).reshape(npd // 8, 8).T

    seg16 = _make_seg_sum(npd, 16, ec)
    seg2 = _make_combine_seg_sum(npd, ec)
    seg3 = _make_seg_sum_pair(npd, ec)

    pk16 = npd * 16 // 128
    npk = n * 16 // 128

    eye8 = jnp.eye(8, dtype=jnp.float32)

    def _kr(half):
        return jnp.kron(eye8, half)

    def _tile8(b):
        return jnp.tile(b, 8).reshape(1, 128)

    p1, r1 = _tc_call(
        _proj1_body,
        [jax.ShapeDtypeStruct((npd, 16), jnp.float32),
         jax.ShapeDtypeStruct((npd, 16), jnp.float32)],
        x, W1_rel, W1_root)
    acc1 = seg16(p1, ei, zeros16)

    acc2, h1 = seg2(acc1, r1, b1_rel, ei, zeros16)

    w2rT = W2_rel.T
    w2tT = W2_root.T
    h2a, h2b = _tc_call(
        functools.partial(_combine_mm_body, npk=npk),
        [jax.ShapeDtypeStruct((pk16, 128), jnp.float32),
         jax.ShapeDtypeStruct((pk16, 128), jnp.float32)],
        acc2.reshape(2, pk16, 128), h1.reshape(pk16, 128),
        _kr(w2rT[:, 0:16]), _kr(w2tT[:, 0:16]),
        _kr(w2rT[:, 16:32]), _kr(w2tT[:, 16:32]),
        _tile8(b2_rel[0:16]), _tile8(b2_rel[16:32]))

    acc3a, acc3b = seg3(h2a.reshape(npd, 16), h2b.reshape(npd, 16),
                        ei, zeros16)
    w3rT = W3_rel.T
    w3tT = W3_root.T
    wstack = jnp.stack([
        _kr(w3rT[0:16, 0:16]), _kr(w3rT[16:32, 0:16]),
        _kr(w3tT[0:16, 0:16]), _kr(w3tT[16:32, 0:16]),
        _kr(w3rT[0:16, 16:32]), _kr(w3rT[16:32, 16:32]),
        _kr(w3tT[0:16, 16:32]), _kr(w3tT[16:32, 16:32])])
    out = _tc_call(
        _final_body, jax.ShapeDtypeStruct((_G, d_in), jnp.float32),
        acc3a.reshape(2, pk16, 128), acc3b.reshape(2, pk16, 128),
        h2a, h2b, wstack, _tile8(b3_rel[0:16]), _tile8(b3_rel[16:32]),
        batch_cols, W_lin, b_lin.reshape(1, d_in))
    return out

# --- scband reference (transcript-rebuilt; emitter-appended) ---
"""Pipeline reference for scband-gcn-46102178955973 (READ-ONLY COPY).

The authoritative reference and input builder live on the scoring server;
editing this copy changes nothing except your own understanding.
"""

import jax, jax.numpy as jnp
import numpy as np

N = 10000
E = 320000
D_IN = 128
D_OUT = 128
G = 64


def _glorot(key, shape):
    fan = shape[0] + shape[1]
    return jax.random.normal(key, shape, dtype=jnp.float32) * (2.0 / fan) ** 0.5


def setup_inputs(seed: int = 0) -> dict:
    key = jax.random.key(seed)
    ks = jax.random.split(key, 16)
    x = jax.random.normal(ks[0], (N, D_IN), dtype=jnp.float32)
    edge_index = jax.random.randint(ks[1], (2, E), 0, N, dtype=jnp.int32)
    batch = jnp.sort(jax.random.randint(ks[2], (N,), 0, G, dtype=jnp.int32))
    return {
        "x": x,
        "edge_index": edge_index,
        "batch": batch,
        "W1_rel": _glorot(ks[3], (16, D_IN)),
        "b1_rel": jnp.zeros((16,), dtype=jnp.float32),
        "W1_root": _glorot(ks[4], (16, D_IN)),
        "W2_rel": _glorot(ks[5], (32, 16)),
        "b2_rel": jnp.zeros((32,), dtype=jnp.float32),
        "W2_root": _glorot(ks[6], (32, 16)),
        "W3_rel": _glorot(ks[7], (32, 32)),
        "b3_rel": jnp.zeros((32,), dtype=jnp.float32),
        "W3_root": _glorot(ks[8], (32, 32)),
        "W_lin": _glorot(ks[9], (D_OUT, 32)),
        "b_lin": jnp.zeros((D_OUT,), dtype=jnp.float32),
    }


def _graph_conv(x, edge_index, W_rel, b_rel, W_root):
    # PyG GraphConv: out = lin_rel(sum_{j in N(i)} x_j) + lin_root(x_i)
    src = edge_index[0]
    dst = edge_index[1]
    msg = x[src]
    agg = jax.ops.segment_sum(msg, dst, num_segments=N)
    return agg @ W_rel.T + b_rel + x @ W_root.T


def reference(x, edge_index, batch, W1_rel, b1_rel, W1_root, W2_rel, b2_rel, W2_root, W3_rel, b3_rel, W3_root, W_lin, b_lin):
    h = jax.nn.relu(_graph_conv(x, edge_index, W1_rel, b1_rel, W1_root))
    h = jax.nn.relu(_graph_conv(h, edge_index, W2_rel, b2_rel, W2_root))
    h = jax.nn.relu(_graph_conv(h, edge_index, W3_rel, b3_rel, W3_root))
    pooled = jax.ops.segment_sum(h, batch, num_segments=G)
    return pooled @ W_lin.T + b_lin

if __name__ == "__main__":
    import jax
    _d = setup_inputs()
    print(jax.jit(kernel)(*tuple(_d.values())))

</pallas_src>

<mosaic_0001>
#map = affine_map<(d0, d1) -> (0, 0)>
#map1 = affine_map<(d0, d1) -> (0, 0, 0)>
module attributes {stable_mosaic.version = 14 : i64} {
  func.func @seg(%arg0: i32, %arg1: i32, %arg2: memref<10240x16xf32, #tpu.memory_space<hbm>>, %arg3: memref<2x2560x128xi32, #tpu.memory_space<hbm>>, %arg4: memref<10240x16xf32, #tpu.memory_space<hbm>>, %arg5: memref<2x10240x16xf32, #tpu.memory_space<hbm>>, %arg6: memref<80x128xi32, #tpu.memory_space<vmem>>, %arg7: memref<80x128xi32, #tpu.memory_space<vmem>>, %arg8: memref<2x8x128x16xf32, #tpu.memory_space<vmem>>, %arg9: memref<10240x16xf32, #tpu.memory_space<vmem_shared>>, %arg10: memref<10240x16xf32, #tpu.memory_space<vmem_shared>>, %arg11: memref<!tpu.dma_semaphore, #tpu.memory_space<semaphore_mem>>, %arg12: memref<!tpu.dma_semaphore, #tpu.memory_space<semaphore_mem>>, %arg13: memref<!tpu.dma_semaphore, #tpu.memory_space<semaphore_mem>>) attributes {dimension_semantics = [#tpu.dimension_semantics<core_parallel>, #tpu.dimension_semantics<subcore_parallel>], iteration_bounds = array<i64: 2, 16>, scalar_prefetch = 0 : i64, scratch_operands = 8 : i64, tpu.core_type = #tpu.core_type<sc_vector_subcore>, window_params = [{transform_indices = #map}, {transform_indices = #map1}, {transform_indices = #map}, {transform_indices = #map1}]} {
    %mul3A = arith.constant 16 : i32
    %mul3A_0 = arith.muli %arg0, %mul3A : i32
    %add3A = arith.addi %mul3A_0, %arg1 : i32
    %mul3A_1 = arith.constant 80 : i32
    %mul3A_2 = arith.muli %add3A, %mul3A_1 : i32
    %dma_start3A = arith.constant 0 : i32
    %dma_start3A_3 = arith.constant 0 : i32
    %dma_start3A_4 = tpu.memref_slice %arg3[%dma_start3A, %mul3A_2, %dma_start3A_3] : memref<2x2560x128xi32, #tpu.memory_space<hbm>> -> memref<1x80x128xi32, #tpu.memory_space<hbm>>
    %dma_start3A_5 = tpu.memref_squeeze %dma_start3A_4 : memref<1x80x128xi32, #tpu.memory_space<hbm>> -> memref<80x128xi32, #tpu.memory_space<hbm>>
    %dma_start3A_6 = arith.constant 0 : i32
    %dma_start3A_7 = tpu.memref_slice %arg3[%dma_start3A, %mul3A_2, %dma_start3A_6] : memref<2x2560x128xi32, #tpu.memory_space<hbm>> -> memref<1x80x128xi32, #tpu.memory_space<hbm>>
    %dma_start3A_8 = tpu.memref_squeeze %dma_start3A_7 : memref<1x80x128xi32, #tpu.memory_space<hbm>> -> memref<80x128xi32, #tpu.memory_space<hbm>>
    tpu.enqueue_dma source(%dma_start3A_8 : memref<80x128xi32, #tpu.memory_space<hbm>>) target(%arg6 : memref<80x128xi32, #tpu.memory_space<vmem>>) target_semaphore(%arg11 : memref<!tpu.dma_semaphore, #tpu.memory_space<semaphore_mem>>)
    %mul3A_9 = arith.constant 80 : i32
    %mul3A_10 = arith.muli %add3A, %mul3A_9 : i32
    %dma_start3A_11 = arith.constant 1 : i32
    %dma_start3A_12 = arith.constant 0 : i32
    %dma_start3A_13 = tpu.memref_slice %arg3[%dma_start3A_11, %mul3A_10, %dma_start3A_12] : memref<2x2560x128xi32, #tpu.memory_space<hbm>> -> memref<1x80x128xi32, #tpu.memory_space<hbm>>
    %dma_start3A_14 = tpu.memref_squeeze %dma_start3A_13 : memref<1x80x128xi32, #tpu.memory_space<hbm>> -> memref<80x128xi32, #tpu.memory_space<hbm>>
    %dma_start3A_15 = arith.constant 0 : i32
    %dma_start3A_16 = tpu.memref_slice %arg3[%dma_start3A_11, %mul3A_10, %dma_start3A_15] : memref<2x2560x128xi32, #tpu.memory_space<hbm>> -> memref<1x80x128xi32, #tpu.memory_space<hbm>>
    %dma_start3A_17 = tpu.memref_squeeze %dma_start3A_16 : memref<1x80x128xi32, #tpu.memory_space<hbm>> -> memref<80x128xi32, #tpu.memory_space<hbm>>
    tpu.enqueue_dma source(%dma_start3A_17 : memref<80x128xi32, #tpu.memory_space<hbm>>) target(%arg7 : memref<80x128xi32, #tpu.memory_space<vmem>>) target_semaphore(%arg11 : memref<!tpu.dma_semaphore, #tpu.memory_space<semaphore_mem>>)
    %mul3A_18 = arith.constant 640 : i32
    %mul3A_19 = arith.muli %arg1, %mul3A_18 : i32
    %mul3A_20 = arith.constant 640 : i32
    %mul3A_21 = arith.muli %arg1, %mul3A_20 : i32
    %dma_start3A_22 = arith.constant 0 : i32
    %dma_start3A_23 = tpu.memref_slice %arg9[%mul3A_21, %dma_start3A_22] : memref<10240x16xf32, #tpu.memory_space<vmem_shared>> -> memref<640x16xf32, #tpu.memory_space<vmem_shared>>
    %dma_start3A_24 = arith.constant 0 : i32
    %dma_start3A_25 = tpu.memref_slice %arg2[%mul3A_19, %dma_start3A_24] : memref<10240x16xf32, #tpu.memory_space<hbm>> -> memref<640x16xf32, #tpu.memory_space<hbm>>
    tpu.enqueue_dma source(%dma_start3A_25 : memref<640x16xf32, #tpu.memory_space<hbm>>) target(%dma_start3A_23 : memref<640x16xf32, #tpu.memory_space<vmem_shared>>) target_semaphore(%arg11 : memref<!tpu.dma_semaphore, #tpu.memory_space<semaphore_mem>>)
    %mul3A_26 = arith.constant 640 : i32
    %mul3A_27 = arith.muli %arg1, %mul3A_26 : i32
    %mul3A_28 = arith.constant 640 : i32
    %mul3A_29 = arith.muli %arg1, %mul3A_28 : i32
    %dma_start3A_30 = arith.constant 0 : i32
    %dma_start3A_31 = tpu.memref_slice %arg10[%mul3A_29, %dma_start3A_30] : memref<10240x16xf32, #tpu.memory_space<vmem_shared>> -> memref<640x16xf32, #tpu.memory_space<vmem_shared>>
    %dma_start3A_32 = arith.constant 0 : i32
    %dma_start3A_33 = tpu.memref_slice %arg4[%mul3A_27, %dma_start3A_32] : memref<10240x16xf32, #tpu.memory_space<hbm>> -> memref<640x16xf32, #tpu.memory_space<hbm>>
    tpu.enqueue_dma source(%dma_start3A_33 : memref<640x16xf32, #tpu.memory_space<hbm>>) target(%dma_start3A_31 : memref<640x16xf32, #tpu.memory_space<vmem_shared>>) target_semaphore(%arg11 : memref<!tpu.dma_semaphore, #tpu.memory_space<semaphore_mem>>)
    %dma_wait3A = arith.constant 0 : i32
    %dma_wait3A_34 = arith.constant 0 : i32
    %dma_wait3A_35 = tpu.memref_slice %arg3[%dma_wait3A, %mul3A_2, %dma_wait3A_34] : memref<2x2560x128xi32, #tpu.memory_space<hbm>> -> memref<1x80x128xi32, #tpu.memory_space<hbm>>
    %dma_wait3A_36 = tpu.memref_squeeze %dma_wait3A_35 : memref<1x80x128xi32, #tpu.memory_space<hbm>> -> memref<80x128xi32, #tpu.memory_space<hbm>>
    %dma_wait3A_37 = arith.constant 0 : i32
    %dma_wait3A_38 = tpu.memref_slice %arg3[%dma_wait3A, %mul3A_2, %dma_wait3A_37] : memref<2x2560x128xi32, #tpu.memory_space<hbm>> -> memref<1x80x128xi32, #tpu.memory_space<hbm>>
    %dma_wait3A_39 = tpu.memref_squeeze %dma_wait3A_38 : memref<1x80x128xi32, #tpu.memory_space<hbm>> -> memref<80x128xi32, #tpu.memory_space<hbm>>
    tpu.wait_dma2 semaphore(%arg11 : memref<!tpu.dma_semaphore, #tpu.memory_space<semaphore_mem>>) src(%dma_wait3A_39 : memref<80x128xi32, #tpu.memory_space<hbm>>) dst(%arg6 : memref<80x128xi32, #tpu.memory_space<vmem>>)
    %dma_wait3A_40 = arith.constant 1 : i32
    %dma_wait3A_41 = arith.constant 0 : i32
    %dma_wait3A_42 = tpu.memref_slice %arg3[%dma_wait3A_40, %mul3A_10, %dma_wait3A_41] : memref<2x2560x128xi32, #tpu.memory_space<hbm>> -> memref<1x80x128xi32, #tpu.memory_space<hbm>>
    %dma_wait3A_43 = tpu.memref_squeeze %dma_wait3A_42 : memref<1x80x128xi32, #tpu.memory_space<hbm>> -> memref<80x128xi32, #tpu.memory_space<hbm>>
    %dma_wait3A_44 = arith.constant 0 : i32
    %dma_wait3A_45 = tpu.memref_slice %arg3[%dma_wait3A_40, %mul3A_10, %dma_wait3A_44] : memref<2x2560x128xi32, #tpu.memory_space<hbm>> -> memref<1x80x128xi32, #tpu.memory_space<hbm>>
    %dma_wait3A_46 = tpu.memref_squeeze %dma_wait3A_45 : memref<1x80x128xi32, #tpu.memory_space<hbm>> -> memref<80x128xi32, #tpu.memory_space<hbm>>
    tpu.wait_dma2 semaphore(%arg11 : memref<!tpu.dma_semaphore, #tpu.memory_space<semaphore_mem>>) src(%dma_wait3A_46 : memref<80x128xi32, #tpu.memory_space<hbm>>) dst(%arg7 : memref<80x128xi32, #tpu.memory_space<vmem>>)
    %dma_wait3A_47 = arith.constant 0 : i32
    %dma_wait3A_48 = tpu.memref_slice %arg9[%mul3A_21, %dma_wait3A_47] : memref<10240x16xf32, #tpu.memory_space<vmem_shared>> -> memref<640x16xf32, #tpu.memory_space<vmem_shared>>
    %dma_wait3A_49 = arith.constant 0 : i32
    %dma_wait3A_50 = tpu.memref_slice %arg2[%mul3A_19, %dma_wait3A_49] : memref<10240x16xf32, #tpu.memory_space<hbm>> -> memref<640x16xf32, #tpu.memory_space<hbm>>
    tpu.wait_dma2 semaphore(%arg11 : memref<!tpu.dma_semaphore, #tpu.memory_space<semaphore_mem>>) src(%dma_wait3A_50 : memref<640x16xf32, #tpu.memory_space<hbm>>) dst(%dma_wait3A_48 : memref<640x16xf32, #tpu.memory_space<vmem_shared>>)
    %dma_wait3A_51 = arith.constant 0 : i32
    %dma_wait3A_52 = tpu.memref_slice %arg10[%mul3A_29, %dma_wait3A_51] : memref<10240x16xf32, #tpu.memory_space<vmem_shared>> -> memref<640x16xf32, #tpu.memory_space<vmem_shared>>
    %dma_wait3A_53 = arith.constant 0 : i32
    %dma_wait3A_54 = tpu.memref_slice %arg4[%mul3A_27, %dma_wait3A_53] : memref<10240x16xf32, #tpu.memory_space<hbm>> -> memref<640x16xf32, #tpu.memory_space<hbm>>
    tpu.wait_dma2 semaphore(%arg11 : memref<!tpu.dma_semaphore, #tpu.memory_space<semaphore_mem>>) src(%dma_wait3A_54 : memref<640x16xf32, #tpu.memory_space<hbm>>) dst(%dma_wait3A_52 : memref<640x16xf32, #tpu.memory_space<vmem_shared>>)
    %barrier3A = arith.constant 0 : index
    tpu.barrier barrier_id(%barrier3A)
    %dma_start3A_55 = arith.constant 0 : i32
    %dma_start3A_56 = arith.constant 0 : i32
    %dma_start3A_57 = arith.constant 0 : i32
    %dma_start3A_58 = arith.constant 0 : i32
    %dma_start3A_59 = arith.constant 0 : i32
    %dma_start3A_60 = tpu.memref_slice %arg8[%dma_start3A_56, %dma_start3A_57, %dma_start3A_58, %dma_start3A_59] : memref<2x8x128x16xf32, #tpu.memory_space<vmem>> -> memref<1x1x128x16xf32, #tpu.memory_space<vmem>>
    %dma_start3A_61 = tpu.memref_squeeze %dma_start3A_60 : memref<1x1x128x16xf32, #tpu.memory_space<vmem>> -> memref<128x16xf32, #tpu.memory_space<vmem>>
    %dma_start3A_62 = arith.constant 0 : i32
    %dma_start3A_63 = tpu.memref_slice %arg6[%dma_start3A_55, %dma_start3A_62] : memref<80x128xi32, #tpu.memory_space<vmem>> -> memref<1x128xi32, #tpu.memory_space<vmem>>
    %dma_start3A_64 = tpu.memref_squeeze %dma_start3A_63 : memref<1x128xi32, #tpu.memory_space<vmem>> -> memref<128xi32, #tpu.memory_space<vmem>>
    %dma_start3A_65 = arith.constant 0 : i32
    %dma_start3A_66 = arith.constant 0 : i32
    %dma_start3A_67 = tpu.memref_slice %arg9[%dma_start3A_65, %dma_start3A_66] : memref<10240x16xf32, #tpu.memory_space<vmem_shared>> -> memref<10240x16xf32, #tpu.memory_space<vmem_shared>>
    tpu.enqueue_indirect_dma source(%dma_start3A_67 : memref<10240x16xf32, #tpu.memory_space<vmem_shared>>) target(%dma_start3A_61 : memref<128x16xf32, #tpu.memory_space<vmem>>) offsets(%dma_start3A_64 : memref<128xi32, #tpu.memory_space<vmem>>) semaphore(%arg12 : memref<!tpu.dma_semaphore, #tpu.memory_space<semaphore_mem>>)
    %dma_start3A_68 = arith.constant 1 : i32
    %dma_start3A_69 = arith.constant 0 : i32
    %dma_start3A_70 = arith.constant 1 : i32
    %dma_start3A_71 = arith.constant 0 : i32
    %dma_start3A_72 = arith.constant 0 : i32
    %dma_start3A_73 = tpu.memref_slice %arg8[%dma_start3A_69, %dma_start3A_70, %dma_start3A_71, %dma_start3A_72] : memref<2x8x128x16xf32, #tpu.memory_space<vmem>> -> memref<1x1x128x16xf32, #tpu.memory_space<vmem>>
    %dma_start3A_74 = tpu.memref_squeeze %dma_start3A_73 : memref<1x1x128x16xf32, #tpu.memory_space<vmem>> -> memref<128x16xf32, #tpu.memory_space<vmem>>
    %dma_start3A_75 = arith.constant 0 : i32
    %dma_start3A_76 = tpu.memref_slice %arg6[%dma_start3A_68, %dma_start3A_75] : memref<80x128xi32, #tpu.memory_space<vmem>> -> memref<1x128xi32, #tpu.memory_space<vmem>>
    %dma_start3A_77 = tpu.memref_squeeze %dma_start3A_76 : memref<1x128xi32, #tpu.memory_space<vmem>> -> memref<128xi32, #tpu.memory_space<vmem>>
    %dma_start3A_78 = arith.constant 0 : i32
    %dma_start3A_79 = arith.constant 0 : i32
    %dma_start3A_80 = tpu.memref_slice %arg9[%dma_start3A_78, %dma_start3A_79] : memref<10240x16xf32, #tpu.memory_space<vmem_shared>> -> memref<10240x16xf32, #tpu.memory_space<vmem_shared>>
    tpu.enqueue_indirect_dma source(%dma_start3A_80 : memref<10240x16xf32, #tpu.memory_space<vmem_shared>>) target(%dma_start3A_74 : memref<128x16xf32, #tpu.memory_space<vmem>>) offsets(%dma_start3A_77 : memref<128xi32, #tpu.memory_space<vmem>>) semaphore(%arg12 : memref<!tpu.dma_semaphore, #tpu.memory_space<semaphore_mem>>)
    %dma_start3A_81 = arith.constant 2 : i32
    %dma_start3A_82 = arith.constant 0 : i32
    %dma_start3A_83 = arith.constant 2 : i32
    %dma_start3A_84 = arith.constant 0 : i32
    %dma_start3A_85 = arith.constant 0 : i32
    %dma_start3A_86 = tpu.memref_slice %arg8[%dma_start3A_82, %dma_start3A_83, %dma_start3A_84, %dma_start3A_85] : memref<2x8x128x16xf32, #tpu.memory_space<vmem>> -> memref<1x1x128x16xf32, #tpu.memory_space<vmem>>
    %dma_start3A_87 = tpu.memref_squeeze %dma_start3A_86 : memref<1x1x128x16xf32, #tpu.memory_space<vmem>> -> memref<128x16xf32, #tpu.memory_space<vmem>>
    %dma_start3A_88 = arith.constant 0 : i32
    %dma_start3A_89 = tpu.memref_slice %arg6[%dma_start3A_81, %dma_start3A_88] : memref<80x128xi32, #tpu.memory_space<vmem>> -> memref<1x128xi32, #tpu.memory_space<vmem>>
    %dma_start3A_90 = tpu.memref_squeeze %dma_start3A_89 : memref<1x128xi32, #tpu.memory_space<vmem>> -> memref<128xi32, #tpu.memory_space<vmem>>
    %dma_start3A_91 = arith.constant 0 : i32
    %dma_start3A_92 = arith.constant 0 : i32
    %dma_start3A_93 = tpu.memref_slice %arg9[%dma_start3A_91, %dma_start3A_92] : memref<10240x16xf32, #tpu.memory_space<vmem_shared>> -> memref<10240x16xf32, #tpu.memory_space<vmem_shared>>
    tpu.enqueue_indirect_dma source(%dma_start3A_93 : memref<10240x16xf32, #tpu.memory_space<vmem_shared>>) target(%dma_start3A_87 : memref<128x16xf32, #tpu.memory_space<vmem>>) offsets(%dma_start3A_90 : memref<128xi32, #tpu.memory_space<vmem>>) semaphore(%arg12 : memref<!tpu.dma_semaphore, #tpu.memory_space<semaphore_mem>>)
    %dma_start3A_94 = arith.constant 3 : i32
    %dma_start3A_95 = arith.constant 0 : i32
    %dma_start3A_96 = arith.constant 3 : i32
    %dma_start3A_97 = arith.constant 0 : i32
    %dma_start3A_98 = arith.constant 0 : i32
    %dma_start3A_99 = tpu.memref_slice %arg8[%dma_start3A_95, %dma_start3A_96, %dma_start3A_97, %dma_start3A_98] : memref<2x8x128x16xf32, #tpu.memory_space<vmem>> -> memref<1x1x128x16xf32, #tpu.memory_space<vmem>>
    %dma_start3A_100 = tpu.memref_squeeze %dma_start3A_99 : memref<1x1x128x16xf32, #tpu.memory_space<vmem>> -> memref<128x16xf32, #tpu.memory_space<vmem>>
    %dma_start3A_101 = arith.constant 0 : i32
    %dma_start3A_102 = tpu.memref_slice %arg6[%dma_start3A_94, %dma_start3A_101] : memref<80x128xi32, #tpu.memory_space<vmem>> -> memref<1x128xi32, #tpu.memory_space<vmem>>
    %dma_start3A_103 = tpu.memref_squeeze %dma_start3A_102 : memref<1x128xi32, #tpu.memory_space<vmem>> -> memref<128xi32, #tpu.memory_space<vmem>>
    %dma_start3A_104 = arith.constant 0 : i32
    %dma_start3A_105 = arith.constant 0 : i32
    %dma_start3A_106 = tpu.memref_slice %arg9[%dma_start3A_104, %dma_start3A_105] : memref<10240x16xf32, #tpu.memory_space<vmem_shared>> -> memref<10240x16xf32, #tpu.memory_space<vmem_shared>>
    tpu.enqueue_indirect_dma source(%dma_start3A_106 : memref<10240x16xf32, #tpu.memory_space<vmem_shared>>) target(%dma_start3A_100 : memref<128x16xf32, #tpu.memory_space<vmem>>) offsets(%dma_start3A_103 : memref<128xi32, #tpu.memory_space<vmem>>) semaphore(%arg12 : memref<!tpu.dma_semaphore, #tpu.memory_space<semaphore_mem>>)
    %dma_start3A_107 = arith.constant 4 : i32
    %dma_start3A_108 = arith.constant 0 : i32
    %dma_start3A_109 = arith.constant 4 : i32
    %dma_start3A_110 = arith.constant 0 : i32
    %dma_start3A_111 = arith.constant 0 : i32
    %dma_start3A_112 = tpu.memref_slice %arg8[%dma_start3A_108, %dma_start3A_109, %dma_start3A_110, %dma_start3A_111] : memref<2x8x128x16xf32, #tpu.memory_space<vmem>> -> memref<1x1x128x16xf32, #tpu.memory_space<vmem>>
    %dma_start3A_113 = tpu.memref_squeeze %dma_start3A_112 : memref<1x1x128x16xf32, #tpu.memory_space<vmem>> -> memref<128x16xf32, #tpu.memory_space<vmem>>
    %dma_start3A_114 = arith.constant 0 : i32
    %dma_start3A_115 = tpu.memref_slice %arg6[%dma_start3A_107, %dma_start3A_114] : memref<80x128xi32, #tpu.memory_space<vmem>> -> memref<1x128xi32, #tpu.memory_space<vmem>>
    %dma_start3A_116 = tpu.memref_squeeze %dma_start3A_115 : memref<1x128xi32, #tpu.memory_space<vmem>> -> memref<128xi32, #tpu.memory_space<vmem>>
    %dma_start3A_117 = arith.constant 0 : i32
    %dma_start3A_118 = arith.constant 0 : i32
    %dma_start3A_119 = tpu.memref_slice %arg9[%dma_start3A_117, %dma_start3A_118] : memref<10240x16xf32, #tpu.memory_space<vmem_shared>> -> memref<10240x16xf32, #tpu.memory_space<vmem_shared>>
    tpu.enqueue_indirect_dma source(%dma_start3A_119 : memref<10240x16xf32, #tpu.memory_space<vmem_shared>>) target(%dma_start3A_113 : memref<128x16xf32, #tpu.memory_space<vmem>>) offsets(%dma_start3A_116 : memref<128xi32, #tpu.memory_space<vmem>>) semaphore(%arg12 : memref<!tpu.dma_semaphore, #tpu.memory_space<semaphore_mem>>)
    %dma_start3A_120 = arith.constant 5 : i32
    %dma_start3A_121 = arith.constant 0 : i32
    %dma_start3A_122 = arith.constant 5 : i32
    %dma_start3A_123 = arith.constant 0 : i32
    %dma_start3A_124 = arith.constant 0 : i32
    %dma_start3A_125 = tpu.memref_slice %arg8[%dma_start3A_121, %dma_start3A_122, %dma_start3A_123, %dma_start3A_124] : memref<2x8x128x16xf32, #tpu.memory_space<vmem>> -> memref<1x1x128x16xf32, #tpu.memory_space<vmem>>
    %dma_start3A_126 = tpu.memref_squeeze %dma_start3A_125 : memref<1x1x128x16xf32, #tpu.memory_space<vmem>> -> memref<128x16xf32, #tpu.memory_space<vmem>>
    %dma_start3A_127 = arith.constant 0 : i32
    %dma_start3A_128 = tpu.memref_slice %arg6[%dma_start3A_120, %dma_start3A_127] : memref<80x128xi32, #tpu.memory_space<vmem>> -> memref<1x128xi32, #tpu.memory_space<vmem>>
    %dma_start3A_129 = tpu.memref_squeeze %dma_start3A_128 : memref<1x128xi32, #tpu.memory_space<vmem>> -> memref<128xi32, #tpu.memory_space<vmem>>
    %dma_start3A_130 = arith.constant 0 : i32
    %dma_start3A_131 = arith.constant 0 : i32
    %dma_start3A_132 = tpu.memref_slice %arg9[%dma_start3A_130, %dma_start3A_131] : memref<10240x16xf32, #tpu.memory_space<vmem_shared>> -> memref<10240x16xf32, #tpu.memory_space<vmem_shared>>
    tpu.enqueue_indirect_dma source(%dma_start3A_132 : memref<10240x16xf32, #tpu.memory_space<vmem_shared>>) target(%dma_start3A_126 : memref<128x16xf32, #tpu.memory_space<vmem>>) offsets(%dma_start3A_129 : memref<128xi32, #tpu.memory_space<vmem>>) semaphore(%arg12 : memref<!tpu.dma_semaphore, #tpu.memory_space<semaphore_mem>>)
    %dma_start3A_133 = arith.constant 6 : i32
    %dma_start3A_134 = arith.constant 0 : i32
    %dma_start3A_135 = arith.constant 6 : i32
    %dma_start3A_136 = arith.constant 0 : i32
    %dma_start3A_137 = arith.constant 0 : i32
    %dma_start3A_138 = tpu.memref_slice %arg8[%dma_start3A_134, %dma_start3A_135, %dma_start3A_136, %dma_start3A_137] : memref<2x8x128x16xf32, #tpu.memory_space<vmem>> -> memref<1x1x128x16xf32, #tpu.memory_space<vmem>>
    %dma_start3A_139 = tpu.memref_squeeze %dma_start3A_138 : memref<1x1x128x16xf32, #tpu.memory_space<vmem>> -> memref<128x16xf32, #tpu.memory_space<vmem>>
    %dma_start3A_140 = arith.constant 0 : i32
    %dma_start3A_141 = tpu.memref_slice %arg6[%dma_start3A_133, %dma_start3A_140] : memref<80x128xi32, #tpu.memory_space<vmem>> -> memref<1x128xi32, #tpu.memory_space<vmem>>
    %dma_start3A_142 = tpu.memref_squeeze %dma_start3A_141 : memref<1x128xi32, #tpu.memory_space<vmem>> -> memref<128xi32, #tpu.memory_space<vmem>>
    %dma_start3A_143 = arith.constant 0 : i32
    %dma_start3A_144 = arith.constant 0 : i32
    %dma_start3A_145 = tpu.memref_slice %arg9[%dma_start3A_143, %dma_start3A_144] : memref<10240x16xf32, #tpu.memory_space<vmem_shared>> -> memref<10240x16xf32, #tpu.memory_space<vmem_shared>>
    tpu.enqueue_indirect_dma source(%dma_start3A_145 : memref<10240x16xf32, #tpu.memory_space<vmem_shared>>) target(%dma_start3A_139 : memref<128x16xf32, #tpu.memory_space<vmem>>) offsets(%dma_start3A_142 : memref<128xi32, #tpu.memory_space<vmem>>) semaphore(%arg12 : memref<!tpu.dma_semaphore, #tpu.memory_space<semaphore_mem>>)
    %dma_start3A_146 = arith.constant 7 : i32
    %dma_start3A_147 = arith.constant 0 : i32
    %dma_start3A_148 = arith.constant 7 : i32
    %dma_start3A_149 = arith.constant 0 : i32
    %dma_start3A_150 = arith.constant 0 : i32
    %dma_start3A_151 = tpu.memref_slice %arg8[%dma_start3A_147, %dma_start3A_148, %dma_start3A_149, %dma_start3A_150] : memref<2x8x128x16xf32, #tpu.memory_space<vmem>> -> memref<1x1x128x16xf32, #tpu.memory_space<vmem>>
    %dma_start3A_152 = tpu.memref_squeeze %dma_start3A_151 : memref<1x1x128x16xf32, #tpu.memory_space<vmem>> -> memref<128x16xf32, #tpu.memory_space<vmem>>
    %dma_start3A_153 = arith.constant 0 : i32
    %dma_start3A_154 = tpu.memref_slice %arg6[%dma_start3A_146, %dma_start3A_153] : memref<80x128xi32, #tpu.memory_space<vmem>> -> memref<1x128xi32, #tpu.memory_space<vmem>>
    %dma_start3A_155 = tpu.memref_squeeze %dma_start3A_154 : memref<1x128xi32, #tpu.memory_space<vmem>> -> memref<128xi32, #tpu.memory_space<vmem>>
    %dma_start3A_156 = arith.constant 0 : i32
    %dma_start3A_157 = arith.constant 0 : i32
    %dma_start3A_158 = tpu.memref_slice %arg9[%dma_start3A_156, %dma_start3A_157] : memref<10240x16xf32, #tpu.memory_space<vmem_shared>> -> memref<10240x16xf32, #tpu.memory_space<vmem_shared>>
    tpu.enqueue_indirect_dma source(%dma_start3A_158 : memref<10240x16xf32, #tpu.memory_space<vmem_shared>>) target(%dma_start3A_152 : memref<128x16xf32, #tpu.memory_space<vmem>>) offsets(%dma_start3A_155 : memref<128xi32, #tpu.memory_space<vmem>>) semaphore(%arg12 : memref<!tpu.dma_semaphore, #tpu.memory_space<semaphore_mem>>)
    %scan3A = arith.constant 0 : i32
    %scan3A_159 = arith.constant 0 : i32
    %scan3A_160 = arith.constant 10 : i32
    %scan3A_161 = arith.addi %scan3A_159, %scan3A_160 : i32
    %scan3A_162 = arith.constant 1 : i32
    scf.for %scan3A_169 = %scan3A_159 to %scan3A_161 step %scan3A_162  : i32 {
      %rem3A = arith.constant 2 : i32
      %rem3A_170 = arith.remsi %scan3A_169, %rem3A : i32
      %mul3A_171 = arith.constant 8 : i32
      %mul3A_172 = arith.muli %scan3A_169, %mul3A_171 : i32
      %add3A_173 = arith.constant 0 : i32
      %add3A_174 = arith.addi %mul3A_172, %add3A_173 : i32
      %dma_wait3A_175 = arith.constant 0 : i32
      %dma_wait3A_176 = arith.constant 0 : i32
      %dma_wait3A_177 = arith.constant 0 : i32
      %dma_wait3A_178 = tpu.memref_slice %arg8[%rem3A_170, %dma_wait3A_175, %dma_wait3A_176, %dma_wait3A_177] : memref<2x8x128x16xf32, #tpu.memory_space<vmem>> -> memref<1x1x128x16xf32, #tpu.memory_space<vmem>>
      %dma_wait3A_179 = tpu.memref_squeeze %dma_wait3A_178 : memref<1x1x128x16xf32, #tpu.memory_space<vmem>> -> memref<128x16xf32, #tpu.memory_space<vmem>>
      %dma_wait3A_180 = arith.constant 0 : i32
      %dma_wait3A_181 = tpu.memref_slice %arg6[%add3A_174, %dma_wait3A_180] : memref<80x128xi32, #tpu.memory_space<vmem>> -> memref<1x128xi32, #tpu.memory_space<vmem>>
      %dma_wait3A_182 = tpu.memref_squeeze %dma_wait3A_181 : memref<1x128xi32, #tpu.memory_space<vmem>> -> memref<128xi32, #tpu.memory_space<vmem>>
      %dma_wait3A_183 = arith.constant 0 : i32
      %dma_wait3A_184 = arith.constant 0 : i32
      %dma_wait3A_185 = tpu.memref_slice %arg9[%dma_wait3A_183, %dma_wait3A_184] : memref<10240x16xf32, #tpu.memory_space<vmem_shared>> -> memref<10240x16xf32, #tpu.memory_space<vmem_shared>>
      tpu.wait_indirect_dma semaphore(%arg12 : memref<!tpu.dma_semaphore, #tpu.memory_space<semaphore_mem>>) src(%dma_wait3A_185 : memref<10240x16xf32, #tpu.memory_space<vmem_shared>>) dst(%dma_wait3A_179 : memref<128x16xf32, #tpu.memory_space<vmem>>)
      %mul3A_186 = arith.constant 8 : i32
      %mul3A_187 = arith.muli %scan3A_169, %mul3A_186 : i32
      %add3A_188 = arith.constant 1 : i32
      %add3A_189 = arith.addi %mul3A_187, %add3A_188 : i32
      %dma_wait3A_190 = arith.constant 1 : i32
      %dma_wait3A_191 = arith.constant 0 : i32
      %dma_wait3A_192 = arith.constant 0 : i32
      %dma_wait3A_193 = tpu.memref_slice %arg8[%rem3A_170, %dma_wait3A_190, %dma_wait3A_191, %dma_wait3A_192] : memref<2x8x128x16xf32, #tpu.memory_space<vmem>> -> memref<1x1x128x16xf32, #tpu.memory_space<vmem>>
      %dma_wait3A_194 = tpu.memref_squeeze %dma_wait3A_193 : memref<1x1x128x16xf32, #tpu.memory_space<vmem>> -> memref<128x16xf32, #tpu.memory_space<vmem>>
      %dma_wait3A_195 = arith.constant 0 : i32
      %dma_wait3A_196 = tpu.memref_slice %arg6[%add3A_189, %dma_wait3A_195] : memref<80x128xi32, #tpu.memory_space<vmem>> -> memref<1x128xi32, #tpu.memory_space<vmem>>
      %dma_wait3A_197 = tpu.memref_squeeze %dma_wait3A_196 : memref<1x128xi32, #tpu.memory_space<vmem>> -> memref<128xi32, #tpu.memory_space<vmem>>
      %dma_wait3A_198 = arith.constant 0 : i32
      %dma_wait3A_199 = arith.constant 0 : i32
      %dma_wait3A_200 = tpu.memref_slice %arg9[%dma_wait3A_198, %dma_wait3A_199] : memref<10240x16xf32, #tpu.memory_space<vmem_shared>> -> memref<10240x16xf32, #tpu.memory_space<vmem_shared>>
      tpu.wait_indirect_dma semaphore(%arg12 : memref<!tpu.dma_semaphore, #tpu.memory_space<semaphore_mem>>) src(%dma_wait3A_200 : memref<10240x16xf32, #tpu.memory_space<vmem_shared>>) dst(%dma_wait3A_194 : memref<128x16xf32, #tpu.memory_space<vmem>>)
      %mul3A_201 = arith.constant 8 : i32
      %mul3A_202 = arith.muli %scan3A_169, %mul3A_201 : i32
      %add3A_203 = arith.constant 2 : i32
      %add3A_204 = arith.addi %mul3A_202, %add3A_203 : i32
      %dma_wait3A_205 = arith.constant 2 : i32
      %dma_wait3A_206 = arith.constant 0 : i32
      %dma_wait3A_207 = arith.constant 0 : i32
      %dma_wait3A_208 = tpu.memref_slice %arg8[%rem3A_170, %dma_wait3A_205, %dma_wait3A_206, %dma_wait3A_207] : memref<2x8x128x16xf32, #tpu.memory_space<vmem>> -> memref<1x1x128x16xf32, #tpu.memory_space<vmem>>
      %dma_wait3A_209 = tpu.memref_squeeze %dma_wait3A_208 : memref<1x1x128x16xf32, #tpu.memory_space<vmem>> -> memref<128x16xf32, #tpu.memory_space<vmem>>
      %dma_wait3A_210 = arith.constant 0 : i32
      %dma_wait3A_211 = tpu.memref_slice %arg6[%add3A_204, %dma_wait3A_210] : memref<80x128xi32, #tpu.memory_space<vmem>> -> memref<1x128xi32, #tpu.memory_space<vmem>>
      %dma_wait3A_212 = tpu.memref_squeeze %dma_wait3A_211 : memref<1x128xi32, #tpu.memory_space<vmem>> -> memref<128xi32, #tpu.memory_space<vmem>>
      %dma_wait3A_213 = arith.constant 0 : i32
      %dma_wait3A_214 = arith.constant 0 : i32
      %dma_wait3A_215 = tpu.memref_slice %arg9[%dma_wait3A_213, %dma_wait3A_214] : memref<10240x16xf32, #tpu.memory_space<vmem_shared>> -> memref<10240x16xf32, #tpu.memory_space<vmem_shared>>
      tpu.wait_indirect_dma semaphore(%arg12 : memref<!tpu.dma_semaphore, #tpu.memory_space<semaphore_mem>>) src(%dma_wait3A_215 : memref<10240x16xf32, #tpu.memory_space<vmem_shared>>) dst(%dma_wait3A_209 : memref<128x16xf32, #tpu.memory_space<vmem>>)
      %mul3A_216 = arith.constant 8 : i32
      %mul3A_217 = arith.muli %scan3A_169, %mul3A_216 : i32
      %add3A_218 = arith.constant 3 : i32
      %add3A_219 = arith.addi %mul3A_217, %add3A_218 : i32
      %dma_wait3A_220 = arith.constant 3 : i32
      %dma_wait3A_221 = arith.constant 0 : i32
      %dma_wait3A_222 = arith.constant 0 : i32
      %dma_wait3A_223 = tpu.memref_slice %arg8[%rem3A_170, %dma_wait3A_220, %dma_wait3A_221, %dma_wait3A_222] : memref<2x8x128x16xf32, #tpu.memory_space<vmem>> -> memref<1x1x128x16xf32, #tpu.memory_space<vmem>>
      %dma_wait3A_224 = tpu.memref_squeeze %dma_wait3A_223 : memref<1x1x128x16xf32, #tpu.memory_space<vmem>> -> memref<128x16xf32, #tpu.memory_space<vmem>>
      %dma_wait3A_225 = arith.constant 0 : i32
      %dma_wait3A_226 = tpu.memref_slice %arg6[%add3A_219, %dma_wait3A_225] : memref<80x128xi32, #tpu.memory_space<vmem>> -> memref<1x128xi32, #tpu.memory_space<vmem>>
      %dma_wait3A_227 = tpu.memref_squeeze %dma_wait3A_226 : memref<1x128xi32, #tpu.memory_space<vmem>> -> memref<128xi32, #tpu.memory_space<vmem>>
      %dma_wait3A_228 = arith.constant 0 : i32
      %dma_wait3A_229 = arith.constant 0 : i32
      %dma_wait3A_230 = tpu.memref_slice %arg9[%dma_wait3A_228, %dma_wait3A_229] : memref<10240x16xf32, #tpu.memory_space<vmem_shared>> -> memref<10240x16xf32, #tpu.memory_space<vmem_shared>>
      tpu.wait_indirect_dma semaphore(%arg12 : memref<!tpu.dma_semaphore, #tpu.memory_space<semaphore_mem>>) src(%dma_wait3A_230 : memref<10240x16xf32, #tpu.memory_space<vmem_shared>>) dst(%dma_wait3A_224 : memref<128x16xf32, #tpu.memory_space<vmem>>)
      %mul3A_231 = arith.constant 8 : i32
      %mul3A_232 = arith.muli %scan3A_169, %mul3A_231 : i32
      %add3A_233 = arith.constant 4 : i32
      %add3A_234 = arith.addi %mul3A_232, %add3A_233 : i32
      %dma_wait3A_235 = arith.constant 4 : i32
      %dma_wait3A_236 = arith.constant 0 : i32
      %dma_wait3A_237 = arith.constant 0 : i32
      %dma_wait3A_238 = tpu.memref_slice %arg8[%rem3A_170, %dma_wait3A_235, %dma_wait3A_236, %dma_wait3A_237] : memref<2x8x128x16xf32, #tpu.memory_space<vmem>> -> memref<1x1x128x16xf32, #tpu.memory_space<vmem>>
      %dma_wait3A_239 = tpu.memref_squeeze %dma_wait3A_238 : memref<1x1x128x16xf32, #tpu.memory_space<vmem>> -> memref<128x16xf32, #tpu.memory_space<vmem>>
      %dma_wait3A_240 = arith.constant 0 : i32
      %dma_wait3A_241 = tpu.memref_slice %arg6[%add3A_234, %dma_wait3A_240] : memref<80x128xi32, #tpu.memory_space<vmem>> -> memref<1x128xi32, #tpu.memory_space<vmem>>
      %dma_wait3A_242 = tpu.memref_squeeze %dma_wait3A_241 : memref<1x128xi32, #tpu.memory_space<vmem>> -> memref<128xi32, #tpu.memory_space<vmem>>
      %dma_wait3A_243 = arith.constant 0 : i32
      %dma_wait3A_244 = arith.constant 0 : i32
      %dma_wait3A_245 = tpu.memref_slice %arg9[%dma_wait3A_243, %dma_wait3A_244] : memref<10240x16xf32, #tpu.memory_space<vmem_shared>> -> memref<10240x16xf32, #tpu.memory_space<vmem_shared>>
      tpu.wait_indirect_dma semaphore(%arg12 : memref<!tpu.dma_semaphore, #tpu.memory_space<semaphore_mem>>) src(%dma_wait3A_245 : memref<10240x16xf32, #tpu.memory_space<vmem_shared>>) dst(%dma_wait3A_239 : memref<128x16xf32, #tpu.memory_space<vmem>>)
      %mul3A_246 = arith.constant 8 : i32
      %mul3A_247 = arith.muli %scan3A_169, %mul3A_246 : i32
      %add3A_248 = arith.constant 5 : i32
      %add3A_249 = arith.addi %mul3A_247, %add3A_248 : i32
      %dma_wait3A_250 = arith.constant 5 : i32
      %dma_wait3A_251 = arith.constant 0 : i32
      %dma_wait3A_252 = arith.constant 0 : i32
      %dma_wait3A_253 = tpu.memref_slice %arg8[%rem3A_170, %dma_wait3A_250, %dma_wait3A_251, %dma_wait3A_252] : memref<2x8x128x16xf32, #tpu.memory_space<vmem>> -> memref<1x1x128x16xf32, #tpu.memory_space<vmem>>
      %dma_wait3A_254 = tpu.memref_squeeze %dma_wait3A_253 : memref<1x1x128x16xf32, #tpu.memory_space<vmem>> -> memref<128x16xf32, #tpu.memory_space<vmem>>
      %dma_wait3A_255 = arith.constant 0 : i32
      %dma_wait3A_256 = tpu.memref_slice %arg6[%add3A_249, %dma_wait3A_255] : memref<80x128xi32, #tpu.memory_space<vmem>> -> memref<1x128xi32, #tpu.memory_space<vmem>>
      %dma_wait3A_257 = tpu.memref_squeeze %dma_wait3A_256 : memref<1x128xi32, #tpu.memory_space<vmem>> -> memref<128xi32, #tpu.memory_space<vmem>>
      %dma_wait3A_258 = arith.constant 0 : i32
      %dma_wait3A_259 = arith.constant 0 : i32
      %dma_wait3A_260 = tpu.memref_slice %arg9[%dma_wait3A_258, %dma_wait3A_259] : memref<10240x16xf32, #tpu.memory_space<vmem_shared>> -> memref<10240x16xf32, #tpu.memory_space<vmem_shared>>
      tpu.wait_indirect_dma semaphore(%arg12 : memref<!tpu.dma_semaphore, #tpu.memory_space<semaphore_mem>>) src(%dma_wait3A_260 : memref<10240x16xf32, #tpu.memory_space<vmem_shared>>) dst(%dma_wait3A_254 : memref<128x16xf32, #tpu.memory_space<vmem>>)
      %mul3A_261 = arith.constant 8 : i32
      %mul3A_262 = arith.muli %scan3A_169, %mul3A_261 : i32
      %add3A_263 = arith.constant 6 : i32
      %add3A_264 = arith.addi %mul3A_262, %add3A_263 : i32
      %dma_wait3A_265 = arith.constant 6 : i32
      %dma_wait3A_266 = arith.constant 0 : i32
      %dma_wait3A_267 = arith.constant 0 : i32
      %dma_wait3A_268 = tpu.memref_slice %arg8[%rem3A_170, %dma_wait3A_265, %dma_wait3A_266, %dma_wait3A_267] : memref<2x8x128x16xf32, #tpu.memory_space<vmem>> -> memref<1x1x128x16xf32, #tpu.memory_space<vmem>>
      %dma_wait3A_269 = tpu.memref_squeeze %dma_wait3A_268 : memref<1x1x128x16xf32, #tpu.memory_space<vmem>> -> memref<128x16xf32, #tpu.memory_space<vmem>>
      %dma_wait3A_270 = arith.constant 0 : i32
      %dma_wait3A_271 = tpu.memref_slice %arg6[%add3A_264, %dma_wait3A_270] : memref<80x128xi32, #tpu.memory_space<vmem>> -> memref<1x128xi32, #tpu.memory_space<vmem>>
      %dma_wait3A_272 = tpu.memref_squeeze %dma_wait3A_271 : memref<1x128xi32, #tpu.memory_space<vmem>> -> memref<128xi32, #tpu.memory_space<vmem>>
      %dma_wait3A_273 = arith.constant 0 : i32
      %dma_wait3A_274 = arith.constant 0 : i32
      %dma_wait3A_275 = tpu.memref_slice %arg9[%dma_wait3A_273, %dma_wait3A_274] : memref<10240x16xf32, #tpu.memory_space<vmem_shared>> -> memref<10240x16xf32, #tpu.memory_space<vmem_shared>>
      tpu.wait_indirect_dma semaphore(%arg12 : memref<!tpu.dma_semaphore, #tpu.memory_space<semaphore_mem>>) src(%dma_wait3A_275 : memref<10240x16xf32, #tpu.memory_space<vmem_shared>>) dst(%dma_wait3A_269 : memref<128x16xf32, #tpu.memory_space<vmem>>)
      %mul3A_276 = arith.constant 8 : i32
      %mul3A_277 = arith.muli %scan3A_169, %mul3A_276 : i32
      %add3A_278 = arith.constant 7 : i32
      %add3A_279 = arith.addi %mul3A_277, %add3A_278 : i32
      %dma_wait3A_280 = arith.constant 7 : i32
      %dma_wait3A_281 = arith.constant 0 : i32
      %dma_wait3A_282 = arith.constant 0 : i32
      %dma_wait3A_283 = tpu.memref_slice %arg8[%rem3A_170, %dma_wait3A_280, %dma_wait3A_281, %dma_wait3A_282] : memref<2x8x128x16xf32, #tpu.memory_space<vmem>> -> memref<1x1x128x16xf32, #tpu.memory_space<vmem>>
      %dma_wait3A_284 = tpu.memref_squeeze %dma_wait3A_283 : memref<1x1x128x16xf32, #tpu.memory_space<vmem>> -> memref<128x16xf32, #tpu.memory_space<vmem>>
      %dma_wait3A_285 = arith.constant 0 : i32
      %dma_wait3A_286 = tpu.memref_slice %arg6[%add3A_279, %dma_wait3A_285] : memref<80x128xi32, #tpu.memory_space<vmem>> -> memref<1x128xi32, #tpu.memory_space<vmem>>
      %dma_wait3A_287 = tpu.memref_squeeze %dma_wait3A_286 : memref<1x128xi32, #tpu.memory_space<vmem>> -> memref<128xi32, #tpu.memory_space<vmem>>
      %dma_wait3A_288 = arith.constant 0 : i32
      %dma_wait3A_289 = arith.constant 0 : i32
      %dma_wait3A_290 = tpu.memref_slice %arg9[%dma_wait3A_288, %dma_wait3A_289] : memref<10240x16xf32, #tpu.memory_space<vmem_shared>> -> memref<10240x16xf32, #tpu.memory_space<vmem_shared>>
      tpu.wait_indirect_dma semaphore(%arg12 : memref<!tpu.dma_semaphore, #tpu.memory_space<semaphore_mem>>) src(%dma_wait3A_290 : memref<10240x16xf32, #tpu.memory_space<vmem_shared>>) dst(%dma_wait3A_284 : memref<128x16xf32, #tpu.memory_space<vmem>>)
      %add3A_291 = arith.constant 1 : i32
      %add3A_292 = arith.addi %scan3A_169, %add3A_291 : i32
      %lt3A = arith.constant 10 : i32
      %lt3A_293 = arith.cmpi slt, %add3A_292, %lt3A : i32
      %convert_element_type3A = arith.extui %lt3A_293 : i1 to i32
      %cond3A = arith.constant 0 : i32
      %cond3A_294 = arith.cmpi ne, %convert_element_type3A, %cond3A : i32
      scf.if %cond3A_294 {
        %add3A_535 = arith.constant 1 : i32
        %add3A_536 = arith.addi %scan3A_169, %add3A_535 : i32
        %sub3A = arith.constant 1 : i32
        %sub3A_537 = arith.subi %sub3A, %rem3A_170 : i32
        %mul3A_538 = arith.constant 8 : i32
        %mul3A_539 = arith.muli %add3A_536, %mul3A_538 : i32
        %add3A_540 = arith.constant 0 : i32
        %add3A_541 = arith.addi %mul3A_539, %add3A_540 : i32
        %dma_start3A_542 = arith.constant 0 : i32
        %dma_start3A_543 = arith.constant 0 : i32
        %dma_start3A_544 = arith.constant 0 : i32
        %dma_start3A_545 = tpu.memref_slice %arg8[%sub3A_537, %dma_start3A_542, %dma_start3A_543, %dma_start3A_544] : memref<2x8x128x16xf32, #tpu.memory_space<vmem>> -> memref<1x1x128x16xf32, #tpu.memory_space<vmem>>
        %dma_start3A_546 = tpu.memref_squeeze %dma_start3A_545 : memref<1x1x128x16xf32, #tpu.memory_space<vmem>> -> memref<128x16xf32, #tpu.memory_space<vmem>>
        %dma_start3A_547 = arith.constant 0 : i32
        %dma_start3A_548 = tpu.memref_slice %arg6[%add3A_541, %dma_start3A_547] : memref<80x128xi32, #tpu.memory_space<vmem>> -> memref<1x128xi32, #tpu.memory_space<vmem>>
        %dma_start3A_549 = tpu.memref_squeeze %dma_start3A_548 : memref<1x128xi32, #tpu.memory_space<vmem>> -> memref<128xi32, #tpu.memory_space<vmem>>
        %dma_start3A_550 = arith.constant 0 : i32
        %dma_start3A_551 = arith.constant 0 : i32
        %dma_start3A_552 = tpu.memref_slice %arg9[%dma_start3A_550, %dma_start3A_551] : memref<10240x16xf32, #tpu.memory_space<vmem_shared>> -> memref<10240x16xf32, #tpu.memory_space<vmem_shared>>
        tpu.enqueue_indirect_dma source(%dma_start3A_552 : memref<10240x16xf32, #tpu.memory_space<vmem_shared>>) target(%dma_start3A_546 : memref<128x16xf32, #tpu.memory_space<vmem>>) offsets(%dma_start3A_549 : memref<128xi32, #tpu.memory_space<vmem>>) semaphore(%arg12 : memref<!tpu.dma_semaphore, #tpu.memory_space<semaphore_mem>>)
        %mul3A_553 = arith.constant 8 : i32
        %mul3A_554 = arith.muli %add3A_536, %mul3A_553 : i32
        %add3A_555 = arith.constant 1 : i32
        %add3A_556 = arith.addi %mul3A_554, %add3A_555 : i32
        %dma_start3A_557 = arith.constant 1 : i32
        %dma_start3A_558 = arith.constant 0 : i32
        %dma_start3A_559 = arith.constant 0 : i32
        %dma_start3A_560 = tpu.memref_slice %arg8[%sub3A_537, %dma_start3A_557, %dma_start3A_558, %dma_start3A_559] : memref<2x8x128x16xf32, #tpu.memory_space<vmem>> -> memref<1x1x128x16xf32, #tpu.memory_space<vmem>>
        %dma_start3A_561 = tpu.memref_squeeze %dma_start3A_560 : memref<1x1x128x16xf32, #tpu.memory_space<vmem>> -> memref<128x16xf32, #tpu.memory_space<vmem>>
        %dma_start3A_562 = arith.constant 0 : i32
        %dma_start3A_563 = tpu.memref_slice %arg6[%add3A_556, %dma_start3A_562] : memref<80x128xi32, #tpu.memory_space<vmem>> -> memref<1x128xi32, #tpu.memory_space<vmem>>
        %dma_start3A_564 = tpu.memref_squeeze %dma_start3A_563 : memref<1x128xi32, #tpu.memory_space<vmem>> -> memref<128xi32, #tpu.memory_space<vmem>>
        %dma_start3A_565 = arith.constant 0 : i32
        %dma_start3A_566 = arith.constant 0 : i32
        %dma_start3A_567 = tpu.memref_slice %arg9[%dma_start3A_565, %dma_start3A_566] : memref<10240x16xf32, #tpu.memory_space<vmem_shared>> -> memref<10240x16xf32, #tpu.memory_space<vmem_shared>>
        tpu.enqueue_indirect_dma source(%dma_start3A_567 : memref<10240x16xf32, #tpu.memory_space<vmem_shared>>) target(%dma_start3A_561 : memref<128x16xf32, #tpu.memory_space<vmem>>) offsets(%dma_start3A_564 : memref<128xi32, #tpu.memory_space<vmem>>) semaphore(%arg12 : memref<!tpu.dma_semaphore, #tpu.memory_space<semaphore_mem>>)
        %mul3A_568 = arith.constant 8 : i32
        %mul3A_569 = arith.muli %add3A_536, %mul3A_568 : i32
        %add3A_570 = arith.constant 2 : i32
        %add3A_571 = arith.addi %mul3A_569, %add3A_570 : i32
        %dma_start3A_572 = arith.constant 2 : i32
        %dma_start3A_573 = arith.constant 0 : i32
        %dma_start3A_574 = arith.constant 0 : i32
        %dma_start3A_575 = tpu.memref_slice %arg8[%sub3A_537, %dma_start3A_572, %dma_start3A_573, %dma_start3A_574] : memref<2x8x128x16xf32, #tpu.memory_space<vmem>> -> memref<1x1x128x16xf32, #tpu.memory_space<vmem>>
        %dma_start3A_576 = tpu.memref_squeeze %dma_start3A_575 : memref<1x1x128x16xf32, #tpu.memory_space<vmem>> -> memref<128x16xf32, #tpu.memory_space<vmem>>
        %dma_start3A_577 = arith.constant 0 : i32
        %dma_start3A_578 = tpu.memref_slice %arg6[%add3A_571, %dma_start3A_577] : memref<80x128xi32, #tpu.memory_space<vmem>> -> memref<1x128xi32, #tpu.memory_space<vmem>>
        %dma_start3A_579 = tpu.memref_squeeze %dma_start3A_578 : memref<1x128xi32, #tpu.memory_space<vmem>> -> memref<128xi32, #tpu.memory_space<vmem>>
        %dma_start3A_580 = arith.constant 0 : i32
        %dma_start3A_581 = arith.constant 0 : i32
        %dma_start3A_582 = tpu.memref_slice %arg9[%dma_start3A_580, %dma_start3A_581] : memref<10240x16xf32, #tpu.memory_space<vmem_shared>> -> memref<10240x16xf32, #tpu.memory_space<vmem_shared>>
        tpu.enqueue_indirect_dma source(%dma_start3A_582 : memref<10240x16xf32, #tpu.memory_space<vmem_shared>>) target(%dma_start3A_576 : memref<128x16xf32, #tpu.memory_space<vmem>>) offsets(%dma_start3A_579 : memref<128xi32, #tpu.memory_space<vmem>>) semaphore(%arg12 : memref<!tpu.dma_semaphore, #tpu.memory_space<semaphore_mem>>)
        %mul3A_583 = arith.constant 8 : i32
        %mul3A_584 = arith.muli %add3A_536, %mul3A_583 : i32
        %add3A_585 = arith.constant 3 : i32
        %add3A_586 = arith.addi %mul3A_584, %add3A_585 : i32
        %dma_start3A_587 = arith.constant 3 : i32
        %dma_start3A_588 = arith.constant 0 : i32
        %dma_start3A_589 = arith.constant 0 : i32
        %dma_start3A_590 = tpu.memref_slice %arg8[%sub3A_537, %dma_start3A_587, %dma_start3A_588, %dma_start3A_589] : memref<2x8x128x16xf32, #tpu.memory_space<vmem>> -> memref<1x1x128x16xf32, #tpu.memory_space<vmem>>
        %dma_start3A_591 = tpu.memref_squeeze %dma_start3A_590 : memref<1x1x128x16xf32, #tpu.memory_space<vmem>> -> memref<128x16xf32, #tpu.memory_space<vmem>>
        %dma_start3A_592 = arith.constant 0 : i32
        %dma_start3A_593 = tpu.memref_slice %arg6[%add3A_586, %dma_start3A_592] : memref<80x128xi32, #tpu.memory_space<vmem>> -> memref<1x128xi32, #tpu.memory_space<vmem>>
        %dma_start3A_594 = tpu.memref_squeeze %dma_start3A_593 : memref<1x128xi32, #tpu.memory_space<vmem>> -> memref<128xi32, #tpu.memory_space<vmem>>
        %dma_start3A_595 = arith.constant 0 : i32
        %dma_start3A_596 = arith.constant 0 : i32
        %dma_start3A_597 = tpu.memref_slice %arg9[%dma_start3A_595, %dma_start3A_596] : memref<10240x16xf32, #tpu.memory_space<vmem_shared>> -> memref<10240x16xf32, #tpu.memory_space<vmem_shared>>
        tpu.enqueue_indirect_dma source(%dma_start3A_597 : memref<10240x16xf32, #tpu.memory_space<vmem_shared>>) target(%dma_start3A_591 : memref<128x16xf32, #tpu.memory_space<vmem>>) offsets(%dma_start3A_594 : memref<128xi32, #tpu.memory_space<vmem>>) semaphore(%arg12 : memref<!tpu.dma_semaphore, #tpu.memory_space<semaphore_mem>>)
        %mul3A_598 = arith.constant 8 : i32
        %mul3A_599 = arith.muli %add3A_536, %mul3A_598 : i32
        %add3A_600 = arith.constant 4 : i32
        %add3A_601 = arith.addi %mul3A_599, %add3A_600 : i32
        %dma_start3A_602 = arith.constant 4 : i32
        %dma_start3A_603 = arith.constant 0 : i32
        %dma_start3A_604 = arith.constant 0 : i32
        %dma_start3A_605 = tpu.memref_slice %arg8[%sub3A_537, %dma_start3A_602, %dma_start3A_603, %dma_start3A_604] : memref<2x8x128x16xf32, #tpu.memory_space<vmem>> -> memref<1x1x128x16xf32, #tpu.memory_space<vmem>>
        %dma_start3A_606 = tpu.memref_squeeze %dma_start3A_605 : memref<1x1x128x16xf32, #tpu.memory_space<vmem>> -> memref<128x16xf32, #tpu.memory_space<vmem>>
        %dma_start3A_607 = arith.constant 0 : i32
        %dma_start3A_608 = tpu.memref_slice %arg6[%add3A_601, %dma_start3A_607] : memref<80x128xi32, #tpu.memory_space<vmem>> -> memref<1x128xi32, #tpu.memory_space<vmem>>
        %dma_start3A_609 = tpu.memref_squeeze %dma_start3A_608 : memref<1x128xi32, #tpu.memory_space<vmem>> -> memref<128xi32, #tpu.memory_space<vmem>>
        %dma_start3A_610 = arith.constant 0 : i32
        %dma_start3A_611 = arith.constant 0 : i32
        %dma_start3A_612 = tpu.memref_slice %arg9[%dma_start3A_610, %dma_start3A_611] : memref<10240x16xf32, #tpu.memory_space<vmem_shared>> -> memref<10240x16xf32, #tpu.memory_space<vmem_shared>>
        tpu.enqueue_indirect_dma source(%dma_start3A_612 : memref<10240x16xf32, #tpu.memory_space<vmem_shared>>) target(%dma_start3A_606 : memref<128x16xf32, #tpu.memory_space<vmem>>) offsets(%dma_start3A_609 : memref<128xi32, #tpu.memory_space<vmem>>) semaphore(%arg12 : memref<!tpu.dma_semaphore, #tpu.memory_space<semaphore_mem>>)
        %mul3A_613 = arith.constant 8 : i32
        %mul3A_614 = arith.muli %add3A_536, %mul3A_613 : i32
        %add3A_615 = arith.constant 5 : i32
        %add3A_616 = arith.addi %mul3A_614, %add3A_615 : i32
        %dma_start3A_617 = arith.constant 5 : i32
        %dma_start3A_618 = arith.constant 0 : i32
        %dma_start3A_619 = arith.constant 0 : i32
        %dma_start3A_620 = tpu.memref_slice %arg8[%sub3A_537, %dma_start3A_617, %dma_start3A_618, %dma_start3A_619] : memref<2x8x128x16xf32, #tpu.memory_space<vmem>> -> memref<1x1x128x16xf32, #tpu.memory_space<vmem>>
        %dma_start3A_621 = tpu.memref_squeeze %dma_start3A_620 : memref<1x1x128x16xf32, #tpu.memory_space<vmem>> -> memref<128x16xf32, #tpu.memory_space<vmem>>
        %dma_start3A_622 = arith.constant 0 : i32
        %dma_start3A_623 = tpu.memref_slice %arg6[%add3A_616, %dma_start3A_622] : memref<80x128xi32, #tpu.memory_space<vmem>> -> memref<1x128xi32, #tpu.memory_space<vmem>>
        %dma_start3A_624 = tpu.memref_squeeze %dma_start3A_623 : memref<1x128xi32, #tpu.memory_space<vmem>> -> memref<128xi32, #tpu.memory_space<vmem>>
        %dma_start3A_625 = arith.constant 0 : i32
        %dma_start3A_626 = arith.constant 0 : i32
        %dma_start3A_627 = tpu.memref_slice %arg9[%dma_start3A_625, %dma_start3A_626] : memref<10240x16xf32, #tpu.memory_space<vmem_shared>> -> memref<10240x16xf32, #tpu.memory_space<vmem_shared>>
        tpu.enqueue_indirect_dma source(%dma_start3A_627 : memref<10240x16xf32, #tpu.memory_space<vmem_shared>>) target(%dma_start3A_621 : memref<128x16xf32, #tpu.memory_space<vmem>>) offsets(%dma_start3A_624 : memref<128xi32, #tpu.memory_space<vmem>>) semaphore(%arg12 : memref<!tpu.dma_semaphore, #tpu.memory_space<semaphore_mem>>)
        %mul3A_628 = arith.constant 8 : i32
        %mul3A_629 = arith.muli %add3A_536, %mul3A_628 : i32
        %add3A_630 = arith.constant 6 : i32
        %add3A_631 = arith.addi %mul3A_629, %add3A_630 : i32
        %dma_start3A_632 = arith.constant 6 : i32
        %dma_start3A_633 = arith.constant 0 : i32
        %dma_start3A_634 = arith.constant 0 : i32
        %dma_start3A_635 = tpu.memref_slice %arg8[%sub3A_537, %dma_start3A_632, %dma_start3A_633, %dma_start3A_634] : memref<2x8x128x16xf32, #tpu.memory_space<vmem>> -> memref<1x1x128x16xf32, #tpu.memory_space<vmem>>
        %dma_start3A_636 = tpu.memref_squeeze %dma_start3A_635 : memref<1x1x128x16xf32, #tpu.memory_space<vmem>> -> memref<128x16xf32, #tpu.memory_space<vmem>>
        %dma_start3A_637 = arith.constant 0 : i32
        %dma_start3A_638 = tpu.memref_slice %arg6[%add3A_631, %dma_start3A_637] : memref<80x128xi32, #tpu.memory_space<vmem>> -> memref<1x128xi32, #tpu.memory_space<vmem>>
        %dma_start3A_639 = tpu.memref_squeeze %dma_start3A_638 : memref<1x128xi32, #tpu.memory_space<vmem>> -> memref<128xi32, #tpu.memory_space<vmem>>
        %dma_start3A_640 = arith.constant 0 : i32
        %dma_start3A_641 = arith.constant 0 : i32
        %dma_start3A_642 = tpu.memref_slice %arg9[%dma_start3A_640, %dma_start3A_641] : memref<10240x16xf32, #tpu.memory_space<vmem_shared>> -> memref<10240x16xf32, #tpu.memory_space<vmem_shared>>
        tpu.enqueue_indirect_dma source(%dma_start3A_642 : memref<10240x16xf32, #tpu.memory_space<vmem_shared>>) target(%dma_start3A_636 : memref<128x16xf32, #tpu.memory_space<vmem>>) offsets(%dma_start3A_639 : memref<128xi32, #tpu.memory_space<vmem>>) semaphore(%arg12 : memref<!tpu.dma_semaphore, #tpu.memory_space<semaphore_mem>>)
        %mul3A_643 = arith.constant 8 : i32
        %mul3A_644 = arith.muli %add3A_536, %mul3A_643 : i32
        %add3A_645 = arith.constant 7 : i32
        %add3A_646 = arith.addi %mul3A_644, %add3A_645 : i32
        %dma_start3A_647 = arith.constant 7 : i32
        %dma_start3A_648 = arith.constant 0 : i32
        %dma_start3A_649 = arith.constant 0 : i32
        %dma_start3A_650 = tpu.memref_slice %arg8[%sub3A_537, %dma_start3A_647, %dma_start3A_648, %dma_start3A_649] : memref<2x8x128x16xf32, #tpu.memory_space<vmem>> -> memref<1x1x128x16xf32, #tpu.memory_space<vmem>>
        %dma_start3A_651 = tpu.memref_squeeze %dma_start3A_650 : memref<1x1x128x16xf32, #tpu.memory_space<vmem>> -> memref<128x16xf32, #tpu.memory_space<vmem>>
        %dma_start3A_652 = arith.constant 0 : i32
        %dma_start3A_653 = tpu.memref_slice %arg6[%add3A_646, %dma_start3A_652] : memref<80x128xi32, #tpu.memory_space<vmem>> -> memref<1x128xi32, #tpu.memory_space<vmem>>
        %dma_start3A_654 = tpu.memref_squeeze %dma_start3A_653 : memref<1x128xi32, #tpu.memory_space<vmem>> -> memref<128xi32, #tpu.memory_space<vmem>>
        %dma_start3A_655 = arith.constant 0 : i32
        %dma_start3A_656 = arith.constant 0 : i32
        %dma_start3A_657 = tpu.memref_slice %arg9[%dma_start3A_655, %dma_start3A_656] : memref<10240x16xf32, #tpu.memory_space<vmem_shared>> -> memref<10240x16xf32, #tpu.memory_space<vmem_shared>>
        tpu.enqueue_indirect_dma source(%dma_start3A_657 : memref<10240x16xf32, #tpu.memory_space<vmem_shared>>) target(%dma_start3A_651 : memref<128x16xf32, #tpu.memory_space<vmem>>) offsets(%dma_start3A_654 : memref<128xi32, #tpu.memory_space<vmem>>) semaphore(%arg12 : memref<!tpu.dma_semaphore, #tpu.memory_space<semaphore_mem>>)
      } else {
      }
      %mul3A_295 = arith.constant 8 : i32
      %mul3A_296 = arith.muli %scan3A_169, %mul3A_295 : i32
      %add3A_297 = arith.constant 0 : i32
      %add3A_298 = arith.addi %mul3A_296, %add3A_297 : i32
      %dma_start3A_299 = arith.constant 0 : i32
      %dma_start3A_300 = arith.constant 0 : i32
      %dma_start3A_301 = arith.constant 0 : i32
      %dma_start3A_302 = tpu.memref_slice %arg8[%rem3A_170, %dma_start3A_299, %dma_start3A_300, %dma_start3A_301] : memref<2x8x128x16xf32, #tpu.memory_space<vmem>> -> memref<1x1x128x16xf32, #tpu.memory_space<vmem>>
      %dma_start3A_303 = tpu.memref_squeeze %dma_start3A_302 : memref<1x1x128x16xf32, #tpu.memory_space<vmem>> -> memref<128x16xf32, #tpu.memory_space<vmem>>
      %dma_start3A_304 = arith.constant 0 : i32
      %dma_start3A_305 = tpu.memref_slice %arg7[%add3A_298, %dma_start3A_304] : memref<80x128xi32, #tpu.memory_space<vmem>> -> memref<1x128xi32, #tpu.memory_space<vmem>>
      %dma_start3A_306 = tpu.memref_squeeze %dma_start3A_305 : memref<1x128xi32, #tpu.memory_space<vmem>> -> memref<128xi32, #tpu.memory_space<vmem>>
      %dma_start3A_307 = arith.constant 0 : i32
      %dma_start3A_308 = arith.constant 0 : i32
      %dma_start3A_309 = tpu.memref_slice %arg10[%dma_start3A_307, %dma_start3A_308] : memref<10240x16xf32, #tpu.memory_space<vmem_shared>> -> memref<10240x16xf32, #tpu.memory_space<vmem_shared>>
      tpu.enqueue_indirect_dma source(%dma_start3A_303 : memref<128x16xf32, #tpu.memory_space<vmem>>) target(%dma_start3A_309 : memref<10240x16xf32, #tpu.memory_space<vmem_shared>>) offsets(%dma_start3A_306 : memref<128xi32, #tpu.memory_space<vmem>>) semaphore(%arg13 : memref<!tpu.dma_semaphore, #tpu.memory_space<semaphore_mem>>) {add = true}
      %mul3A_310 = arith.constant 8 : i32
      %mul3A_311 = arith.muli %scan3A_169, %mul3A_310 : i32
      %add3A_312 = arith.constant 1 : i32
      %add3A_313 = arith.addi %mul3A_311, %add3A_312 : i32
      %dma_start3A_314 = arith.constant 1 : i32
      %dma_start3A_315 = arith.constant 0 : i32
      %dma_start3A_316 = arith.constant 0 : i32
      %dma_start3A_317 = tpu.memref_slice %arg8[%rem3A_170, %dma_start3A_314, %dma_start3A_315, %dma_start3A_316] : memref<2x8x128x16xf32, #tpu.memory_space<vmem>> -> memref<1x1x128x16xf32, #tpu.memory_space<vmem>>
      %dma_start3A_318 = tpu.memref_squeeze %dma_start3A_317 : memref<1x1x128x16xf32, #tpu.memory_space<vmem>> -> memref<128x16xf32, #tpu.memory_space<vmem>>
      %dma_start3A_319 = arith.constant 0 : i32
      %dma_start3A_320 = tpu.memref_slice %arg7[%add3A_313, %dma_start3A_319] : memref<80x128xi32, #tpu.memory_space<vmem>> -> memref<1x128xi32, #tpu.memory_space<vmem>>
      %dma_start3A_321 = tpu.memref_squeeze %dma_start3A_320 : memref<1x128xi32, #tpu.memory_space<vmem>> -> memref<128xi32, #tpu.memory_space<vmem>>
      %dma_start3A_322 = arith.constant 0 : i32
      %dma_start3A_323 = arith.constant 0 : i32
      %dma_start3A_324 = tpu.memref_slice %arg10[%dma_start3A_322, %dma_start3A_323] : memref<10240x16xf32, #tpu.memory_space<vmem_shared>> -> memref<10240x16xf32, #tpu.memory_space<vmem_shared>>
      tpu.enqueue_indirect_dma source(%dma_start3A_318 : memref<128x16xf32, #tpu.memory_space<vmem>>) target(%dma_start3A_324 : memref<10240x16xf32, #tpu.memory_space<vmem_shared>>) offsets(%dma_start3A_321 : memref<128xi32, #tpu.memory_space<vmem>>) semaphore(%arg13 : memref<!tpu.dma_semaphore, #tpu.memory_space<semaphore_mem>>) {add = true}
      %mul3A_325 = arith.constant 8 : i32
      %mul3A_326 = arith.muli %scan3A_169, %mul3A_325 : i32
      %add3A_327 = arith.constant 2 : i32
      %add3A_328 = arith.addi %mul3A_326, %add3A_327 : i32
      %dma_start3A_329 = arith.constant 2 : i32
      %dma_start3A_330 = arith.constant 0 : i32
      %dma_start3A_331 = arith.constant 0 : i32
      %dma_start3A_332 = tpu.memref_slice %arg8[%rem3A_170, %dma_start3A_329, %dma_start3A_330, %dma_start3A_331] : memref<2x8x128x16xf32, #tpu.memory_space<vmem>> -> memref<1x1x128x16xf32, #tpu.memory_space<vmem>>
      %dma_start3A_333 = tpu.memref_squeeze %dma_start3A_332 : memref<1x1x128x16xf32, #tpu.memory_space<vmem>> -> memref<128x16xf32, #tpu.memory_space<vmem>>
      %dma_start3A_334 = arith.constant 0 : i32
      %dma_start3A_335 = tpu.memref_slice %arg7[%add3A_328, %dma_start3A_334] : memref<80x128xi32, #tpu.memory_space<vmem>> -> memref<1x128xi32, #tpu.memory_space<vmem>>
      %dma_start3A_336 = tpu.memref_squeeze %dma_start3A_335 : memref<1x128xi32, #tpu.memory_space<vmem>> -> memref<128xi32, #tpu.memory_space<vmem>>
      %dma_start3A_337 = arith.constant 0 : i32
      %dma_start3A_338 = arith.constant 0 : i32
      %dma_start3A_339 = tpu.memref_slice %arg10[%dma_start3A_337, %dma_start3A_338] : memref<10240x16xf32, #tpu.memory_space<vmem_shared>> -> memref<10240x16xf32, #tpu.memory_space<vmem_shared>>
      tpu.enqueue_indirect_dma source(%dma_start3A_333 : memref<128x16xf32, #tpu.memory_space<vmem>>) target(%dma_start3A_339 : memref<10240x16xf32, #tpu.memory_space<vmem_shared>>) offsets(%dma_start3A_336 : memref<128xi32, #tpu.memory_space<vmem>>) semaphore(%arg13 : memref<!tpu.dma_semaphore, #tpu.memory_space<semaphore_mem>>) {add = true}
      %mul3A_340 = arith.constant 8 : i32
      %mul3A_341 = arith.muli %scan3A_169, %mul3A_340 : i32
      %add3A_342 = arith.constant 3 : i32
      %add3A_343 = arith.addi %mul3A_341, %add3A_342 : i32
      %dma_start3A_344 = arith.constant 3 : i32
      %dma_start3A_345 = arith.constant 0 : i32
      %dma_start3A_346 = arith.constant 0 : i32
      %dma_start3A_347 = tpu.memref_slice %arg8[%rem3A_170, %dma_start3A_344, %dma_start3A_345, %dma_start3A_346] : memref<2x8x128x16xf32, #tpu.memory_space<vmem>> -> memref<1x1x128x16xf32, #tpu.memory_space<vmem>>
      %dma_start3A_348 = tpu.memref_squeeze %dma_start3A_347 : memref<1x1x128x16xf32, #tpu.memory_space<vmem>> -> memref<128x16xf32, #tpu.memory_space<vmem>>
      %dma_start3A_349 = arith.constant 0 : i32
      %dma_start3A_350 = tpu.memref_slice %arg7[%add3A_343, %dma_start3A_349] : memref<80x128xi32, #tpu.memory_space<vmem>> -> memref<1x128xi32, #tpu.memory_space<vmem>>
      %dma_start3A_351 = tpu.memref_squeeze %dma_start3A_350 : memref<1x128xi32, #tpu.memory_space<vmem>> -> memref<128xi32, #tpu.memory_space<vmem>>
      %dma_start3A_352 = arith.constant 0 : i32
      %dma_start3A_353 = arith.constant 0 : i32
      %dma_start3A_354 = tpu.memref_slice %arg10[%dma_start3A_352, %dma_start3A_353] : memref<10240x16xf32, #tpu.memory_space<vmem_shared>> -> memref<10240x16xf32, #tpu.memory_space<vmem_shared>>
      tpu.enqueue_indirect_dma source(%dma_start3A_348 : memref<128x16xf32, #tpu.memory_space<vmem>>) target(%dma_start3A_354 : memref<10240x16xf32, #tpu.memory_space<vmem_shared>>) offsets(%dma_start3A_351 : memref<128xi32, #tpu.memory_space<vmem>>) semaphore(%arg13 : memref<!tpu.dma_semaphore, #tpu.memory_space<semaphore_mem>>) {add = true}
      %mul3A_355 = arith.constant 8 : i32
      %mul3A_356 = arith.muli %scan3A_169, %mul3A_355 : i32
      %add3A_357 = arith.constant 4 : i32
      %add3A_358 = arith.addi %mul3A_356, %add3A_357 : i32
      %dma_start3A_359 = arith.constant 4 : i32
      %dma_start3A_360 = arith.constant 0 : i32
      %dma_start3A_361 = arith.constant 0 : i32
      %dma_start3A_362 = tpu.memref_slice %arg8[%rem3A_170, %dma_start3A_359, %dma_start3A_360, %dma_start3A_361] : memref<2x8x128x16xf32, #tpu.memory_space<vmem>> -> memref<1x1x128x16xf32, #tpu.memory_space<vmem>>
      %dma_start3A_363 = tpu.memref_squeeze %dma_start3A_362 : memref<1x1x128x16xf32, #tpu.memory_space<vmem>> -> memref<128x16xf32, #tpu.memory_space<vmem>>
      %dma_start3A_364 = arith.constant 0 : i32
      %dma_start3A_365 = tpu.memref_slice %arg7[%add3A_358, %dma_start3A_364] : memref<80x128xi32, #tpu.memory_space<vmem>> -> memref<1x128xi32, #tpu.memory_space<vmem>>
      %dma_start3A_366 = tpu.memref_squeeze %dma_start3A_365 : memref<1x128xi32, #tpu.memory_space<vmem>> -> memref<128xi32, #tpu.memory_space<vmem>>
      %dma_start3A_367 = arith.constant 0 : i32
      %dma_start3A_368 = arith.constant 0 : i32
      %dma_start3A_369 = tpu.memref_slice %arg10[%dma_start3A_367, %dma_start3A_368] : memref<10240x16xf32, #tpu.memory_space<vmem_shared>> -> memref<10240x16xf32, #tpu.memory_space<vmem_shared>>
      tpu.enqueue_indirect_dma source(%dma_start3A_363 : memref<128x16xf32, #tpu.memory_space<vmem>>) target(%dma_start3A_369 : memref<10240x16xf32, #tpu.memory_space<vmem_shared>>) offsets(%dma_start3A_366 : memref<128xi32, #tpu.memory_space<vmem>>) semaphore(%arg13 : memref<!tpu.dma_semaphore, #tpu.memory_space<semaphore_mem>>) {add = true}
      %mul3A_370 = arith.constant 8 : i32
      %mul3A_371 = arith.muli %scan3A_169, %mul3A_370 : i32
      %add3A_372 = arith.constant 5 : i32
      %add3A_373 = arith.addi %mul3A_371, %add3A_372 : i32
      %dma_start3A_374 = arith.constant 5 : i32
      %dma_start3A_375 = arith.constant 0 : i32
      %dma_start3A_376 = arith.constant 0 : i32
      %dma_start3A_377 = tpu.memref_slice %arg8[%rem3A_170, %dma_start3A_374, %dma_start3A_375, %dma_start3A_376] : memref<2x8x128x16xf32, #tpu.memory_space<vmem>> -> memref<1x1x128x16xf32, #tpu.memory_space<vmem>>
      %dma_start3A_378 = tpu.memref_squeeze %dma_start3A_377 : memref<1x1x128x16xf32, #tpu.memory_space<vmem>> -> memref<128x16xf32, #tpu.memory_space<vmem>>
      %dma_start3A_379 = arith.constant 0 : i32
      %dma_start3A_380 = tpu.memref_slice %arg7[%add3A_373, %dma_start3A_379] : memref<80x128xi32, #tpu.memory_space<vmem>> -> memref<1x128xi32, #tpu.memory_space<vmem>>
      %dma_start3A_381 = tpu.memref_squeeze %dma_start3A_380 : memref<1x128xi32, #tpu.memory_space<vmem>> -> memref<128xi32, #tpu.memory_space<vmem>>
      %dma_start3A_382 = arith.constant 0 : i32
      %dma_start3A_383 = arith.constant 0 : i32
      %dma_start3A_384 = tpu.memref_slice %arg10[%dma_start3A_382, %dma_start3A_383] : memref<10240x16xf32, #tpu.memory_space<vmem_shared>> -> memref<10240x16xf32, #tpu.memory_space<vmem_shared>>
      tpu.enqueue_indirect_dma source(%dma_start3A_378 : memref<128x16xf32, #tpu.memory_space<vmem>>) target(%dma_start3A_384 : memref<10240x16xf32, #tpu.memory_space<vmem_shared>>) offsets(%dma_start3A_381 : memref<128xi32, #tpu.memory_space<vmem>>) semaphore(%arg13 : memref<!tpu.dma_semaphore, #tpu.memory_space<semaphore_mem>>) {add = true}
      %mul3A_385 = arith.constant 8 : i32
      %mul3A_386 = arith.muli %scan3A_169, %mul3A_385 : i32
      %add3A_387 = arith.constant 6 : i32
      %add3A_388 = arith.addi %mul3A_386, %add3A_387 : i32
      %dma_start3A_389 = arith.constant 6 : i32
      %dma_start3A_390 = arith.constant 0 : i32
      %dma_start3A_391 = arith.constant 0 : i32
      %dma_start3A_392 = tpu.memref_slice %arg8[%rem3A_170, %dma_start3A_389, %dma_start3A_390, %dma_start3A_391] : memref<2x8x128x16xf32, #tpu.memory_space<vmem>> -> memref<1x1x128x16xf32, #tpu.memory_space<vmem>>
      %dma_start3A_393 = tpu.memref_squeeze %dma_start3A_392 : memref<1x1x128x16xf32, #tpu.memory_space<vmem>> -> memref<128x16xf32, #tpu.memory_space<vmem>>
      %dma_start3A_394 = arith.constant 0 : i32
      %dma_start3A_395 = tpu.memref_slice %arg7[%add3A_388, %dma_start3A_394] : memref<80x128xi32, #tpu.memory_space<vmem>> -> memref<1x128xi32, #tpu.memory_space<vmem>>
      %dma_start3A_396 = tpu.memref_squeeze %dma_start3A_395 : memref<1x128xi32, #tpu.memory_space<vmem>> -> memref<128xi32, #tpu.memory_space<vmem>>
      %dma_start3A_397 = arith.constant 0 : i32
      %dma_start3A_398 = arith.constant 0 : i32
      %dma_start3A_399 = tpu.memref_slice %arg10[%dma_start3A_397, %dma_start3A_398] : memref<10240x16xf32, #tpu.memory_space<vmem_shared>> -> memref<10240x16xf32, #tpu.memory_space<vmem_shared>>
      tpu.enqueue_indirect_dma source(%dma_start3A_393 : memref<128x16xf32, #tpu.memory_space<vmem>>) target(%dma_start3A_399 : memref<10240x16xf32, #tpu.memory_space<vmem_shared>>) offsets(%dma_start3A_396 : memref<128xi32, #tpu.memory_space<vmem>>) semaphore(%arg13 : memref<!tpu.dma_semaphore, #tpu.memory_space<semaphore_mem>>) {add = true}
      %mul3A_400 = arith.constant 8 : i32
      %mul3A_401 = arith.muli %scan3A_169, %mul3A_400 : i32
      %add3A_402 = arith.constant 7 : i32
      %add3A_403 = arith.addi %mul3A_401, %add3A_402 : i32
      %dma_start3A_404 = arith.constant 7 : i32
      %dma_start3A_405 = arith.constant 0 : i32
      %dma_start3A_406 = arith.constant 0 : i32
      %dma_start3A_407 = tpu.memref_slice %arg8[%rem3A_170, %dma_start3A_404, %dma_start3A_405, %dma_start3A_406] : memref<2x8x128x16xf32, #tpu.memory_space<vmem>> -> memref<1x1x128x16xf32, #tpu.memory_space<vmem>>
      %dma_start3A_408 = tpu.memref_squeeze %dma_start3A_407 : memref<1x1x128x16xf32, #tpu.memory_space<vmem>> -> memref<128x16xf32, #tpu.memory_space<vmem>>
      %dma_start3A_409 = arith.constant 0 : i32
      %dma_start3A_410 = tpu.memref_slice %arg7[%add3A_403, %dma_start3A_409] : memref<80x128xi32, #tpu.memory_space<vmem>> -> memref<1x128xi32, #tpu.memory_space<vmem>>
      %dma_start3A_411 = tpu.memref_squeeze %dma_start3A_410 : memref<1x128xi32, #tpu.memory_space<vmem>> -> memref<128xi32, #tpu.memory_space<vmem>>
      %dma_start3A_412 = arith.constant 0 : i32
      %dma_start3A_413 = arith.constant 0 : i32
      %dma_start3A_414 = tpu.memref_slice %arg10[%dma_start3A_412, %dma_start3A_413] : memref<10240x16xf32, #tpu.memory_space<vmem_shared>> -> memref<10240x16xf32, #tpu.memory_space<vmem_shared>>
      tpu.enqueue_indirect_dma source(%dma_start3A_408 : memref<128x16xf32, #tpu.memory_space<vmem>>) target(%dma_start3A_414 : memref<10240x16xf32, #tpu.memory_space<vmem_shared>>) offsets(%dma_start3A_411 : memref<128xi32, #tpu.memory_space<vmem>>) semaphore(%arg13 : memref<!tpu.dma_semaphore, #tpu.memory_space<semaphore_mem>>) {add = true}
      %mul3A_415 = arith.constant 8 : i32
      %mul3A_416 = arith.muli %scan3A_169, %mul3A_415 : i32
      %add3A_417 = arith.constant 0 : i32
      %add3A_418 = arith.addi %mul3A_416, %add3A_417 : i32
      %dma_wait3A_419 = arith.constant 0 : i32
      %dma_wait3A_420 = arith.constant 0 : i32
      %dma_wait3A_421 = arith.constant 0 : i32
      %dma_wait3A_422 = tpu.memref_slice %arg8[%rem3A_170, %dma_wait3A_419, %dma_wait3A_420, %dma_wait3A_421] : memref<2x8x128x16xf32, #tpu.memory_space<vmem>> -> memref<1x1x128x16xf32, #tpu.memory_space<vmem>>
      %dma_wait3A_423 = tpu.memref_squeeze %dma_wait3A_422 : memref<1x1x128x16xf32, #tpu.memory_space<vmem>> -> memref<128x16xf32, #tpu.memory_space<vmem>>
      %dma_wait3A_424 = arith.constant 0 : i32
      %dma_wait3A_425 = tpu.memref_slice %arg7[%add3A_418, %dma_wait3A_424] : memref<80x128xi32, #tpu.memory_space<vmem>> -> memref<1x128xi32, #tpu.memory_space<vmem>>
      %dma_wait3A_426 = tpu.memref_squeeze %dma_wait3A_425 : memref<1x128xi32, #tpu.memory_space<vmem>> -> memref<128xi32, #tpu.memory_space<vmem>>
      %dma_wait3A_427 = arith.constant 0 : i32
      %dma_wait3A_428 = arith.constant 0 : i32
      %dma_wait3A_429 = tpu.memref_slice %arg10[%dma_wait3A_427, %dma_wait3A_428] : memref<10240x16xf32, #tpu.memory_space<vmem_shared>> -> memref<10240x16xf32, #tpu.memory_space<vmem_shared>>
      tpu.wait_indirect_dma semaphore(%arg13 : memref<!tpu.dma_semaphore, #tpu.memory_space<semaphore_mem>>) src(%dma_wait3A_423 : memref<128x16xf32, #tpu.memory_space<vmem>>) dst(%dma_wait3A_429 : memref<10240x16xf32, #tpu.memory_space<vmem_shared>>)
      %mul3A_430 = arith.constant 8 : i32
      %mul3A_431 = arith.muli %scan3A_169, %mul3A_430 : i32
      %add3A_432 = arith.constant 1 : i32
      %add3A_433 = arith.addi %mul3A_431, %add3A_432 : i32
      %dma_wait3A_434 = arith.constant 1 : i32
      %dma_wait3A_435 = arith.constant 0 : i32
      %dma_wait3A_436 = arith.constant 0 : i32
      %dma_wait3A_437 = tpu.memref_slice %arg8[%rem3A_170, %dma_wait3A_434, %dma_wait3A_435, %dma_wait3A_436] : memref<2x8x128x16xf32, #tpu.memory_space<vmem>> -> memref<1x1x128x16xf32, #tpu.memory_space<vmem>>
      %dma_wait3A_438 = tpu.memref_squeeze %dma_wait3A_437 : memref<1x1x128x16xf32, #tpu.memory_space<vmem>> -> memref<128x16xf32, #tpu.memory_space<vmem>>
      %dma_wait3A_439 = arith.constant 0 : i32
      %dma_wait3A_440 = tpu.memref_slice %arg7[%add3A_433, %dma_wait3A_439] : memref<80x128xi32, #tpu.memory_space<vmem>> -> memref<1x128xi32, #tpu.memory_space<vmem>>
      %dma_wait3A_441 = tpu.memref_squeeze %dma_wait3A_440 : memref<1x128xi32, #tpu.memory_space<vmem>> -> memref<128xi32, #tpu.memory_space<vmem>>
      %dma_wait3A_442 = arith.constant 0 : i32
      %dma_wait3A_443 = arith.constant 0 : i32
      %dma_wait3A_444 = tpu.memref_slice %arg10[%dma_wait3A_442, %dma_wait3A_443] : memref<10240x16xf32, #tpu.memory_space<vmem_shared>> -> memref<10240x16xf32, #tpu.memory_space<vmem_shared>>
      tpu.wait_indirect_dma semaphore(%arg13 : memref<!tpu.dma_semaphore, #tpu.memory_space<semaphore_mem>>) src(%dma_wait3A_438 : memref<128x16xf32, #tpu.memory_space<vmem>>) dst(%dma_wait3A_444 : memref<10240x16xf32, #tpu.memory_space<vmem_shared>>)
      %mul3A_445 = arith.constant 8 : i32
      %mul3A_446 = arith.muli %scan3A_169, %mul3A_445 : i32
      %add3A_447 = arith.constant 2 : i32
      %add3A_448 = arith.addi %mul3A_446, %add3A_447 : i32
      %dma_wait3A_449 = arith.constant 2 : i32
      %dma_wait3A_450 = arith.constant 0 : i32
      %dma_wait3A_451 = arith.constant 0 : i32
      %dma_wait3A_452 = tpu.memref_slice %arg8[%rem3A_170, %dma_wait3A_449, %dma_wait3A_450, %dma_wait3A_451] : memref<2x8x128x16xf32, #tpu.memory_space<vmem>> -> memref<1x1x128x16xf32, #tpu.memory_space<vmem>>
      %dma_wait3A_453 = tpu.memref_squeeze %dma_wait3A_452 : memref<1x1x128x16xf32, #tpu.memory_space<vmem>> -> memref<128x16xf32, #tpu.memory_space<vmem>>
      %dma_wait3A_454 = arith.constant 0 : i32
      %dma_wait3A_455 = tpu.memref_slice %arg7[%add3A_448, %dma_wait3A_454] : memref<80x128xi32, #tpu.memory_space<vmem>> -> memref<1x128xi32, #tpu.memory_space<vmem>>
      %dma_wait3A_456 = tpu.memref_squeeze %dma_wait3A_455 : memref<1x128xi32, #tpu.memory_space<vmem>> -> memref<128xi32, #tpu.memory_space<vmem>>
      %dma_wait3A_457 = arith.constant 0 : i32
      %dma_wait3A_458 = arith.constant 0 : i32
      %dma_wait3A_459 = tpu.memref_slice %arg10[%dma_wait3A_457, %dma_wait3A_458] : memref<10240x16xf32, #tpu.memory_space<vmem_shared>> -> memref<10240x16xf32, #tpu.memory_space<vmem_shared>>
      tpu.wait_indirect_dma semaphore(%arg13 : memref<!tpu.dma_semaphore, #tpu.memory_space<semaphore_mem>>) src(%dma_wait3A_453 : memref<128x16xf32, #tpu.memory_space<vmem>>) dst(%dma_wait3A_459 : memref<10240x16xf32, #tpu.memory_space<vmem_shared>>)
      %mul3A_460 = arith.constant 8 : i32
      %mul3A_461 = arith.muli %scan3A_169, %mul3A_460 : i32
      %add3A_462 = arith.constant 3 : i32
      %add3A_463 = arith.addi %mul3A_461, %add3A_462 : i32
      %dma_wait3A_464 = arith.constant 3 : i32
      %dma_wait3A_465 = arith.constant 0 : i32
      %dma_wait3A_466 = arith.constant 0 : i32
      %dma_wait3A_467 = tpu.memref_slice %arg8[%rem3A_170, %dma_wait3A_464, %dma_wait3A_465, %dma_wait3A_466] : memref<2x8x128x16xf32, #tpu.memory_space<vmem>> -> memref<1x1x128x16xf32, #tpu.memory_space<vmem>>
      %dma_wait3A_468 = tpu.memref_squeeze %dma_wait3A_467 : memref<1x1x128x16xf32, #tpu.memory_space<vmem>> -> memref<128x16xf32, #tpu.memory_space<vmem>>
      %dma_wait3A_469 = arith.constant 0 : i32
      %dma_wait3A_470 = tpu.memref_slice %arg7[%add3A_463, %dma_wait3A_469] : memref<80x128xi32, #tpu.memory_space<vmem>> -> memref<1x128xi32, #tpu.memory_space<vmem>>
      %dma_wait3A_471 = tpu.memref_squeeze %dma_wait3A_470 : memref<1x128xi32, #tpu.memory_space<vmem>> -> memref<128xi32, #tpu.memory_space<vmem>>
      %dma_wait3A_472 = arith.constant 0 : i32
      %dma_wait3A_473 = arith.constant 0 : i32
      %dma_wait3A_474 = tpu.memref_slice %arg10[%dma_wait3A_472, %dma_wait3A_473] : memref<10240x16xf32, #tpu.memory_space<vmem_shared>> -> memref<10240x16xf32, #tpu.memory_space<vmem_shared>>
      tpu.wait_indirect_dma semaphore(%arg13 : memref<!tpu.dma_semaphore, #tpu.memory_space<semaphore_mem>>) src(%dma_wait3A_468 : memref<128x16xf32, #tpu.memory_space<vmem>>) dst(%dma_wait3A_474 : memref<10240x16xf32, #tpu.memory_space<vmem_shared>>)
      %mul3A_475 = arith.constant 8 : i32
      %mul3A_476 = arith.muli %scan3A_169, %mul3A_475 : i32
      %add3A_477 = arith.constant 4 : i32
      %add3A_478 = arith.addi %mul3A_476, %add3A_477 : i32
      %dma_wait3A_479 = arith.constant 4 : i32
      %dma_wait3A_480 = arith.constant 0 : i32
      %dma_wait3A_481 = arith.constant 0 : i32
      %dma_wait3A_482 = tpu.memref_slice %arg8[%rem3A_170, %dma_wait3A_479, %dma_wait3A_480, %dma_wait3A_481] : memref<2x8x128x16xf32, #tpu.memory_space<vmem>> -> memref<1x1x128x16xf32, #tpu.memory_space<vmem>>
      %dma_wait3A_483 = tpu.memref_squeeze %dma_wait3A_482 : memref<1x1x128x16xf32, #tpu.memory_space<vmem>> -> memref<128x16xf32, #tpu.memory_space<vmem>>
      %dma_wait3A_484 = arith.constant 0 : i32
      %dma_wait3A_485 = tpu.memref_slice %arg7[%add3A_478, %dma_wait3A_484] : memref<80x128xi32, #tpu.memory_space<vmem>> -> memref<1x128xi32, #tpu.memory_space<vmem>>
      %dma_wait3A_486 = tpu.memref_squeeze %dma_wait3A_485 : memref<1x128xi32, #tpu.memory_space<vmem>> -> memref<128xi32, #tpu.memory_space<vmem>>
      %dma_wait3A_487 = arith.constant 0 : i32
      %dma_wait3A_488 = arith.constant 0 : i32
      %dma_wait3A_489 = tpu.memref_slice %arg10[%dma_wait3A_487, %dma_wait3A_488] : memref<10240x16xf32, #tpu.memory_space<vmem_shared>> -> memref<10240x16xf32, #tpu.memory_space<vmem_shared>>
      tpu.wait_indirect_dma semaphore(%arg13 : memref<!tpu.dma_semaphore, #tpu.memory_space<semaphore_mem>>) src(%dma_wait3A_483 : memref<128x16xf32, #tpu.memory_space<vmem>>) dst(%dma_wait3A_489 : memref<10240x16xf32, #tpu.memory_space<vmem_shared>>)
      %mul3A_490 = arith.constant 8 : i32
      %mul3A_491 = arith.muli %scan3A_169, %mul3A_490 : i32
      %add3A_492 = arith.constant 5 : i32
      %add3A_493 = arith.addi %mul3A_491, %add3A_492 : i32
      %dma_wait3A_494 = arith.constant 5 : i32
      %dma_wait3A_495 = arith.constant 0 : i32
      %dma_wait3A_496 = arith.constant 0 : i32
      %dma_wait3A_497 = tpu.memref_slice %arg8[%rem3A_170, %dma_wait3A_494, %dma_wait3A_495, %dma_wait3A_496] : memref<2x8x128x16xf32, #tpu.memory_space<vmem>> -> memref<1x1x128x16xf32, #tpu.memory_space<vmem>>
      %dma_wait3A_498 = tpu.memref_squeeze %dma_wait3A_497 : memref<1x1x128x16xf32, #tpu.memory_space<vmem>> -> memref<128x16xf32, #tpu.memory_space<vmem>>
      %dma_wait3A_499 = arith.constant 0 : i32
      %dma_wait3A_500 = tpu.memref_slice %arg7[%add3A_493, %dma_wait3A_499] : memref<80x128xi32, #tpu.memory_space<vmem>> -> memref<1x128xi32, #tpu.memory_space<vmem>>
      %dma_wait3A_501 = tpu.memref_squeeze %dma_wait3A_500 : memref<1x128xi32, #tpu.memory_space<vmem>> -> memref<128xi32, #tpu.memory_space<vmem>>
      %dma_wait3A_502 = arith.constant 0 : i32
      %dma_wait3A_503 = arith.constant 0 : i32
      %dma_wait3A_504 = tpu.memref_slice %arg10[%dma_wait3A_502, %dma_wait3A_503] : memref<10240x16xf32, #tpu.memory_space<vmem_shared>> -> memref<10240x16xf32, #tpu.memory_space<vmem_shared>>
      tpu.wait_indirect_dma semaphore(%arg13 : memref<!tpu.dma_semaphore, #tpu.memory_space<semaphore_mem>>) src(%dma_wait3A_498 : memref<128x16xf32, #tpu.memory_space<vmem>>) dst(%dma_wait3A_504 : memref<10240x16xf32, #tpu.memory_space<vmem_shared>>)
      %mul3A_505 = arith.constant 8 : i32
      %mul3A_506 = arith.muli %scan3A_169, %mul3A_505 : i32
      %add3A_507 = arith.constant 6 : i32
      %add3A_508 = arith.addi %mul3A_506, %add3A_507 : i32
      %dma_wait3A_509 = arith.constant 6 : i32
      %dma_wait3A_510 = arith.constant 0 : i32
      %dma_wait3A_511 = arith.constant 0 : i32
      %dma_wait3A_512 = tpu.memref_slice %arg8[%rem3A_170, %dma_wait3A_509, %dma_wait3A_510, %dma_wait3A_511] : memref<2x8x128x16xf32, #tpu.memory_space<vmem>> -> memref<1x1x128x16xf32, #tpu.memory_space<vmem>>
      %dma_wait3A_513 = tpu.memref_squeeze %dma_wait3A_512 : memref<1x1x128x16xf32, #tpu.memory_space<vmem>> -> memref<128x16xf32, #tpu.memory_space<vmem>>
      %dma_wait3A_514 = arith.constant 0 : i32
      %dma_wait3A_515 = tpu.memref_slice %arg7[%add3A_508, %dma_wait3A_514] : memref<80x128xi32, #tpu.memory_space<vmem>> -> memref<1x128xi32, #tpu.memory_space<vmem>>
      %dma_wait3A_516 = tpu.memref_squeeze %dma_wait3A_515 : memref<1x128xi32, #tpu.memory_space<vmem>> -> memref<128xi32, #tpu.memory_space<vmem>>
      %dma_wait3A_517 = arith.constant 0 : i32
      %dma_wait3A_518 = arith.constant 0 : i32
      %dma_wait3A_519 = tpu.memref_slice %arg10[%dma_wait3A_517, %dma_wait3A_518] : memref<10240x16xf32, #tpu.memory_space<vmem_shared>> -> memref<10240x16xf32, #tpu.memory_space<vmem_shared>>
      tpu.wait_indirect_dma semaphore(%arg13 : memref<!tpu.dma_semaphore, #tpu.memory_space<semaphore_mem>>) src(%dma_wait3A_513 : memref<128x16xf32, #tpu.memory_space<vmem>>) dst(%dma_wait3A_519 : memref<10240x16xf32, #tpu.memory_space<vmem_shared>>)
      %mul3A_520 = arith.constant 8 : i32
      %mul3A_521 = arith.muli %scan3A_169, %mul3A_520 : i32
      %add3A_522 = arith.constant 7 : i32
      %add3A_523 = arith.addi %mul3A_521, %add3A_522 : i32
      %dma_wait3A_524 = arith.constant 7 : i32
      %dma_wait3A_525 = arith.constant 0 : i32
      %dma_wait3A_526 = arith.constant 0 : i32
      %dma_wait3A_527 = tpu.memref_slice %arg8[%rem3A_170, %dma_wait3A_524, %dma_wait3A_525, %dma_wait3A_526] : memref<2x8x128x16xf32, #tpu.memory_space<vmem>> -> memref<1x1x128x16xf32, #tpu.memory_space<vmem>>
      %dma_wait3A_528 = tpu.memref_squeeze %dma_wait3A_527 : memref<1x1x128x16xf32, #tpu.memory_space<vmem>> -> memref<128x16xf32, #tpu.memory_space<vmem>>
      %dma_wait3A_529 = arith.constant 0 : i32
      %dma_wait3A_530 = tpu.memref_slice %arg7[%add3A_523, %dma_wait3A_529] : memref<80x128xi32, #tpu.memory_space<vmem>> -> memref<1x128xi32, #tpu.memory_space<vmem>>
      %dma_wait3A_531 = tpu.memref_squeeze %dma_wait3A_530 : memref<1x128xi32, #tpu.memory_space<vmem>> -> memref<128xi32, #tpu.memory_space<vmem>>
      %dma_wait3A_532 = arith.constant 0 : i32
      %dma_wait3A_533 = arith.constant 0 : i32
      %dma_wait3A_534 = tpu.memref_slice %arg10[%dma_wait3A_532, %dma_wait3A_533] : memref<10240x16xf32, #tpu.memory_space<vmem_shared>> -> memref<10240x16xf32, #tpu.memory_space<vmem_shared>>
      tpu.wait_indirect_dma semaphore(%arg13 : memref<!tpu.dma_semaphore, #tpu.memory_space<semaphore_mem>>) src(%dma_wait3A_528 : memref<128x16xf32, #tpu.memory_space<vmem>>) dst(%dma_wait3A_534 : memref<10240x16xf32, #tpu.memory_space<vmem_shared>>)
    }
    %scan3A_163 = arith.constant 10 : i32
    %barrier3A_164 = arith.constant 0 : index
    tpu.barrier barrier_id(%barrier3A_164)
    %mul3A_165 = arith.constant 640 : i32
    %mul3A_166 = arith.muli %arg1, %mul3A_165 : i32
    %mul3A_167 = arith.constant 640 : i32
    %mul3A_168 = arith.muli %arg1, %mul3A_167 : i32
    "tpu.region"() ({
      %run_scoped3A = tpu.sem_alloc : memref<!tpu.dma_semaphore, #tpu.memory_space<semaphore_mem>>
      %dma_start3A_169 = arith.constant 0 : i32
      %dma_start3A_170 = tpu.memref_slice %arg5[%arg0, %mul3A_168, %dma_start3A_169] : memref<2x10240x16xf32, #tpu.memory_space<hbm>> -> memref<1x640x16xf32, #tpu.memory_space<hbm>>
      %dma_start3A_171 = tpu.memref_squeeze %dma_start3A_170 : memref<1x640x16xf32, #tpu.memory_space<hbm>> -> memref<640x16xf32, #tpu.memory_space<hbm>>
      %dma_start3A_172 = arith.constant 0 : i32
      %dma_start3A_173 = tpu.memref_slice %arg10[%mul3A_166, %dma_start3A_172] : memref<10240x16xf32, #tpu.memory_space<vmem_shared>> -> memref<640x16xf32, #tpu.memory_space<vmem_shared>>
      tpu.enqueue_dma source(%dma_start3A_173 : memref<640x16xf32, #tpu.memory_space<vmem_shared>>) target(%dma_start3A_171 : memref<640x16xf32, #tpu.memory_space<hbm>>) target_semaphore(%run_scoped3A : memref<!tpu.dma_semaphore, #tpu.memory_space<semaphore_mem>>)
      %dma_wait3A_174 = arith.constant 0 : i32
      %dma_wait3A_175 = tpu.memref_slice %arg5[%arg0, %mul3A_168, %dma_wait3A_174] : memref<2x10240x16xf32, #tpu.memory_space<hbm>> -> memref<1x640x16xf32, #tpu.memory_space<hbm>>
      %dma_wait3A_176 = tpu.memref_squeeze %dma_wait3A_175 : memref<1x640x16xf32, #tpu.memory_space<hbm>> -> memref<640x16xf32, #tpu.memory_space<hbm>>
      %dma_wait3A_177 = arith.constant 0 : i32
      %dma_wait3A_178 = tpu.memref_slice %arg10[%mul3A_166, %dma_wait3A_177] : memref<10240x16xf32, #tpu.memory_space<vmem_shared>> -> memref<640x16xf32, #tpu.memory_space<vmem_shared>>
      tpu.wait_dma2 semaphore(%run_scoped3A : memref<!tpu.dma_semaphore, #tpu.memory_space<semaphore_mem>>) src(%dma_wait3A_178 : memref<640x16xf32, #tpu.memory_space<vmem_shared>>) dst(%dma_wait3A_176 : memref<640x16xf32, #tpu.memory_space<hbm>>)
      tpu.yield
    }) : () -> ()
    return
  }
}

#map = affine_map<(d0, d1) -> (0, 0)>
#map1 = affine_map<(d0, d1) -> (0, 0, 0)>
module attributes {stable_mosaic.version = 14 : i64} {
  func.func @seg(%arg0: i32, %arg1: i32, %arg2: memref<10240x16xf32, #tpu.memory_space<hbm>>, %arg3: memref<10240x16xf32, #tpu.memory_space<hbm>>, %arg4: memref<2x2560x128xi32, #tpu.memory_space<hbm>>, %arg5: memref<10240x16xf32, #tpu.memory_space<hbm>>, %arg6: memref<2x10240x16xf32, #tpu.memory_space<hbm>>, %arg7: memref<2x10240x16xf32, #tpu.memory_space<hbm>>, %arg8: memref<80x128xi32, #tpu.memory_space<vmem>>, %arg9: memref<80x128xi32, #tpu.memory_space<vmem>>, %arg10: memref<2x4x128x16xf32, #tpu.memory_space<vmem>>, %arg11: memref<2x4x128x16xf32, #tpu.memory_space<vmem>>, %arg12: memref<10240x16xf32, #tpu.memory_space<vmem_shared>>, %arg13: memref<10240x16xf32, #tpu.memory_space<vmem_shared>>, %arg14: memref<10240x16xf32, #tpu.memory_space<vmem_shared>>, %arg15: memref<10240x16xf32, #tpu.memory_space<vmem_shared>>, %arg16: memref<!tpu.dma_semaphore, #tpu.memory_space<semaphore_mem>>, %arg17: memref<!tpu.dma_semaphore, #tpu.memory_space<semaphore_mem>>, %arg18: memref<!tpu.dma_semaphore, #tpu.memory_space<semaphore_mem>>) attributes {dimension_semantics = [#tpu.dimension_semantics<core_parallel>, #tpu.dimension_semantics<subcore_parallel>], iteration_bounds = array<i64: 2, 16>, scalar_prefetch = 0 : i64, scratch_operands = 11 : i64, tpu.core_type = #tpu.core_type<sc_vector_subcore>, window_params = [{transform_indices = #map}, {transform_indices = #map}, {transform_indices = #map1}, {transform_indices = #map}, {transform_indices = #map1}, {transform_indices = #map1}]} {
    %mul3A = arith.constant 16 : i32
    %mul3A_0 = arith.muli %arg0, %mul3A : i32
    %add3A = arith.addi %mul3A_0, %arg1 : i32
    %mul3A_1 = arith.constant 640 : i32
    %mul3A_2 = arith.muli %arg1, %mul3A_1 : i32
    %mul3A_3 = arith.constant 80 : i32
    %mul3A_4 = arith.muli %add3A, %mul3A_3 : i32
    %dma_start3A = arith.constant 0 : i32
    %dma_start3A_5 = arith.constant 0 : i32
    %dma_start3A_6 = tpu.memref_slice %arg4[%dma_start3A, %mul3A_4, %dma_start3A_5] : memref<2x2560x128xi32, #tpu.memory_space<hbm>> -> memref<1x80x128xi32, #tpu.memory_space<hbm>>
    %dma_start3A_7 = tpu.memref_squeeze %dma_start3A_6 : memref<1x80x128xi32, #tpu.memory_space<hbm>> -> memref<80x128xi32, #tpu.memory_space<hbm>>
    %dma_start3A_8 = arith.constant 0 : i32
    %dma_start3A_9 = tpu.memref_slice %arg4[%dma_start3A, %mul3A_4, %dma_start3A_8] : memref<2x2560x128xi32, #tpu.memory_space<hbm>> -> memref<1x80x128xi32, #tpu.memory_space<hbm>>
    %dma_start3A_10 = tpu.memref_squeeze %dma_start3A_9 : memref<1x80x128xi32, #tpu.memory_space<hbm>> -> memref<80x128xi32, #tpu.memory_space<hbm>>
    tpu.enqueue_dma source(%dma_start3A_10 : memref<80x128xi32, #tpu.memory_space<hbm>>) target(%arg8 : memref<80x128xi32, #tpu.memory_space<vmem>>) target_semaphore(%arg16 : memref<!tpu.dma_semaphore, #tpu.memory_space<semaphore_mem>>)
    %mul3A_11 = arith.constant 80 : i32
    %mul3A_12 = arith.muli %add3A, %mul3A_11 : i32
    %dma_start3A_13 = arith.constant 1 : i32
    %dma_start3A_14 = arith.constant 0 : i32
    %dma_start3A_15 = tpu.memref_slice %arg4[%dma_start3A_13, %mul3A_12, %dma_start3A_14] : memref<2x2560x128xi32, #tpu.memory_space<hbm>> -> memref<1x80x128xi32, #tpu.memory_space<hbm>>
    %dma_start3A_16 = tpu.memref_squeeze %dma_start3A_15 : memref<1x80x128xi32, #tpu.memory_space<hbm>> -> memref<80x128xi32, #tpu.memory_space<hbm>>
    %dma_start3A_17 = arith.constant 0 : i32
    %dma_start3A_18 = tpu.memref_slice %arg4[%dma_start3A_13, %mul3A_12, %dma_start3A_17] : memref<2x2560x128xi32, #tpu.memory_space<hbm>> -> memref<1x80x128xi32, #tpu.memory_space<hbm>>
    %dma_start3A_19 = tpu.memref_squeeze %dma_start3A_18 : memref<1x80x128xi32, #tpu.memory_space<hbm>> -> memref<80x128xi32, #tpu.memory_space<hbm>>
    tpu.enqueue_dma source(%dma_start3A_19 : memref<80x128xi32, #tpu.memory_space<hbm>>) target(%arg9 : memref<80x128xi32, #tpu.memory_space<vmem>>) target_semaphore(%arg16 : memref<!tpu.dma_semaphore, #tpu.memory_space<semaphore_mem>>)
    %dma_start3A_20 = arith.constant 0 : i32
    %dma_start3A_21 = tpu.memref_slice %arg12[%mul3A_2, %dma_start3A_20] : memref<10240x16xf32, #tpu.memory_space<vmem_shared>> -> memref<640x16xf32, #tpu.memory_space<vmem_shared>>
    %dma_start3A_22 = arith.constant 0 : i32
    %dma_start3A_23 = tpu.memref_slice %arg2[%mul3A_2, %dma_start3A_22] : memref<10240x16xf32, #tpu.memory_space<hbm>> -> memref<640x16xf32, #tpu.memory_space<hbm>>
    tpu.enqueue_dma source(%dma_start3A_23 : memref<640x16xf32, #tpu.memory_space<hbm>>) target(%dma_start3A_21 : memref<640x16xf32, #tpu.memory_space<vmem_shared>>) target_semaphore(%arg16 : memref<!tpu.dma_semaphore, #tpu.memory_space<semaphore_mem>>)
    %dma_start3A_24 = arith.constant 0 : i32
    %dma_start3A_25 = tpu.memref_slice %arg13[%mul3A_2, %dma_start3A_24] : memref<10240x16xf32, #tpu.memory_space<vmem_shared>> -> memref<640x16xf32, #tpu.memory_space<vmem_shared>>
    %dma_start3A_26 = arith.constant 0 : i32
    %dma_start3A_27 = tpu.memref_slice %arg3[%mul3A_2, %dma_start3A_26] : memref<10240x16xf32, #tpu.memory_space<hbm>> -> memref<640x16xf32, #tpu.memory_space<hbm>>
    tpu.enqueue_dma source(%dma_start3A_27 : memref<640x16xf32, #tpu.memory_space<hbm>>) target(%dma_start3A_25 : memref<640x16xf32, #tpu.memory_space<vmem_shared>>) target_semaphore(%arg16 : memref<!tpu.dma_semaphore, #tpu.memory_space<semaphore_mem>>)
    %dma_start3A_28 = arith.constant 0 : i32
    %dma_start3A_29 = tpu.memref_slice %arg14[%mul3A_2, %dma_start3A_28] : memref<10240x16xf32, #tpu.memory_space<vmem_shared>> -> memref<640x16xf32, #tpu.memory_space<vmem_shared>>
    %dma_start3A_30 = arith.constant 0 : i32
    %dma_start3A_31 = tpu.memref_slice %arg5[%mul3A_2, %dma_start3A_30] : memref<10240x16xf32, #tpu.memory_space<hbm>> -> memref<640x16xf32, #tpu.memory_space<hbm>>
    tpu.enqueue_dma source(%dma_start3A_31 : memref<640x16xf32, #tpu.memory_space<hbm>>) target(%dma_start3A_29 : memref<640x16xf32, #tpu.memory_space<vmem_shared>>) target_semaphore(%arg16 : memref<!tpu.dma_semaphore, #tpu.memory_space<semaphore_mem>>)
    %dma_start3A_32 = arith.constant 0 : i32
    %dma_start3A_33 = tpu.memref_slice %arg15[%mul3A_2, %dma_start3A_32] : memref<10240x16xf32, #tpu.memory_space<vmem_shared>> -> memref<640x16xf32, #tpu.memory_space<vmem_shared>>
    %dma_start3A_34 = arith.constant 0 : i32
    %dma_start3A_35 = tpu.memref_slice %arg5[%mul3A_2, %dma_start3A_34] : memref<10240x16xf32, #tpu.memory_space<hbm>> -> memref<640x16xf32, #tpu.memory_space<hbm>>
    tpu.enqueue_dma source(%dma_start3A_35 : memref<640x16xf32, #tpu.memory_space<hbm>>) target(%dma_start3A_33 : memref<640x16xf32, #tpu.memory_space<vmem_shared>>) target_semaphore(%arg16 : memref<!tpu.dma_semaphore, #tpu.memory_space<semaphore_mem>>)
    %dma_wait3A = arith.constant 0 : i32
    %dma_wait3A_36 = arith.constant 0 : i32
    %dma_wait3A_37 = tpu.memref_slice %arg4[%dma_wait3A, %mul3A_4, %dma_wait3A_36] : memref<2x2560x128xi32, #tpu.memory_space<hbm>> -> memref<1x80x128xi32, #tpu.memory_space<hbm>>
    %dma_wait3A_38 = tpu.memref_squeeze %dma_wait3A_37 : memref<1x80x128xi32, #tpu.memory_space<hbm>> -> memref<80x128xi32, #tpu.memory_space<hbm>>
    %dma_wait3A_39 = arith.constant 0 : i32
    %dma_wait3A_40 = tpu.memref_slice %arg4[%dma_wait3A, %mul3A_4, %dma_wait3A_39] : memref<2x2560x128xi32, #tpu.memory_space<hbm>> -> memref<1x80x128xi32, #tpu.memory_space<hbm>>
    %dma_wait3A_41 = tpu.memref_squeeze %dma_wait3A_40 : memref<1x80x128xi32, #tpu.memory_space<hbm>> -> memref<80x128xi32, #tpu.memory_space<hbm>>
    tpu.wait_dma2 semaphore(%arg16 : memref<!tpu.dma_semaphore, #tpu.memory_space<semaphore_mem>>) src(%dma_wait3A_41 : memref<80x128xi32, #tpu.memory_space<hbm>>) dst(%arg8 : memref<80x128xi32, #tpu.memory_space<vmem>>)
    %dma_wait3A_42 = arith.constant 1 : i32
    %dma_wait3A_43 = arith.constant 0 : i32
    %dma_wait3A_44 = tpu.memref_slice %arg4[%dma_wait3A_42, %mul3A_12, %dma_wait3A_43] : memref<2x2560x128xi32, #tpu.memory_space<hbm>> -> memref<1x80x128xi32, #tpu.memory_space<hbm>>
    %dma_wait3A_45 = tpu.memref_squeeze %dma_wait3A_44 : memref<1x80x128xi32, #tpu.memory_space<hbm>> -> memref<80x128xi32, #tpu.memory_space<hbm>>
    %dma_wait3A_46 = arith.constant 0 : i32
    %dma_wait3A_47 = tpu.memref_slice %arg4[%dma_wait3A_42, %mul3A_12, %dma_wait3A_46] : memref<2x2560x128xi32, #tpu.memory_space<hbm>> -> memref<1x80x128xi32, #tpu.memory_space<hbm>>
    %dma_wait3A_48 = tpu.memref_squeeze %dma_wait3A_47 : memref<1x80x128xi32, #tpu.memory_space<hbm>> -> memref<80x128xi32, #tpu.memory_space<hbm>>
    tpu.wait_dma2 semaphore(%arg16 : memref<!tpu.dma_semaphore, #tpu.memory_space<semaphore_mem>>) src(%dma_wait3A_48 : memref<80x128xi32, #tpu.memory_space<hbm>>) dst(%arg9 : memref<80x128xi32, #tpu.memory_space<vmem>>)
    %dma_wait3A_49 = arith.constant 0 : i32
    %dma_wait3A_50 = tpu.memref_slice %arg12[%mul3A_2, %dma_wait3A_49] : memref<10240x16xf32, #tpu.memory_space<vmem_shared>> -> memref<640x16xf32, #tpu.memory_space<vmem_shared>>
    %dma_wait3A_51 = arith.constant 0 : i32
    %dma_wait3A_52 = tpu.memref_slice %arg2[%mul3A_2, %dma_wait3A_51] : memref<10240x16xf32, #tpu.memory_space<hbm>> -> memref<640x16xf32, #tpu.memory_space<hbm>>
    tpu.wait_dma2 semaphore(%arg16 : memref<!tpu.dma_semaphore, #tpu.memory_space<semaphore_mem>>) src(%dma_wait3A_52 : memref<640x16xf32, #tpu.memory_space<hbm>>) dst(%dma_wait3A_50 : memref<640x16xf32, #tpu.memory_space<vmem_shared>>)
    %dma_wait3A_53 = arith.constant 0 : i32
    %dma_wait3A_54 = tpu.memref_slice %arg13[%mul3A_2, %dma_wait3A_53] : memref<10240x16xf32, #tpu.memory_space<vmem_shared>> -> memref<640x16xf32, #tpu.memory_space<vmem_shared>>
    %dma_wait3A_55 = arith.constant 0 : i32
    %dma_wait3A_56 = tpu.memref_slice %arg3[%mul3A_2, %dma_wait3A_55] : memref<10240x16xf32, #tpu.memory_space<hbm>> -> memref<640x16xf32, #tpu.memory_space<hbm>>
    tpu.wait_dma2 semaphore(%arg16 : memref<!tpu.dma_semaphore, #tpu.memory_space<semaphore_mem>>) src(%dma_wait3A_56 : memref<640x16xf32, #tpu.memory_space<hbm>>) dst(%dma_wait3A_54 : memref<640x16xf32, #tpu.memory_space<vmem_shared>>)
    %dma_wait3A_57 = arith.constant 0 : i32
    %dma_wait3A_58 = tpu.memref_slice %arg14[%mul3A_2, %dma_wait3A_57] : memref<10240x16xf32, #tpu.memory_space<vmem_shared>> -> memref<640x16xf32, #tpu.memory_space<vmem_shared>>
    %dma_wait3A_59 = arith.constant 0 : i32
    %dma_wait3A_60 = tpu.memref_slice %arg5[%mul3A_2, %dma_wait3A_59] : memref<10240x16xf32, #tpu.memory_space<hbm>> -> memref<640x16xf32, #tpu.memory_space<hbm>>
    tpu.wait_dma2 semaphore(%arg16 : memref<!tpu.dma_semaphore, #tpu.memory_space<semaphore_mem>>) src(%dma_wait3A_60 : memref<640x16xf32, #tpu.memory_space<hbm>>) dst(%dma_wait3A_58 : memref<640x16xf32, #tpu.memory_space<vmem_shared>>)
    %dma_wait3A_61 = arith.constant 0 : i32
    %dma_wait3A_62 = tpu.memref_slice %arg15[%mul3A_2, %dma_wait3A_61] : memref<10240x16xf32, #tpu.memory_space<vmem_shared>> -> memref<640x16xf32, #tpu.memory_space<vmem_shared>>
    %dma_wait3A_63 = arith.constant 0 : i32
    %dma_wait3A_64 = tpu.memref_slice %arg5[%mul3A_2, %dma_wait3A_63] : memref<10240x16xf32, #tpu.memory_space<hbm>> -> memref<640x16xf32, #tpu.memory_space<hbm>>
    tpu.wait_dma2 semaphore(%arg16 : memref<!tpu.dma_semaphore, #tpu.memory_space<semaphore_mem>>) src(%dma_wait3A_64 : memref<640x16xf32, #tpu.memory_space<hbm>>) dst(%dma_wait3A_62 : memref<640x16xf32, #tpu.memory_space<vmem_shared>>)
    %barrier3A = arith.constant 0 : index
    tpu.barrier barrier_id(%barrier3A)
    %dma_start3A_65 = arith.constant 0 : i32
    %dma_start3A_66 = arith.constant 0 : i32
    %dma_start3A_67 = arith.constant 0 : i32
    %dma_start3A_68 = arith.constant 0 : i32
    %dma_start3A_69 = arith.constant 0 : i32
    %dma_start3A_70 = tpu.memref_slice %arg10[%dma_start3A_66, %dma_start3A_67, %dma_start3A_68, %dma_start3A_69] : memref<2x4x128x16xf32, #tpu.memory_space<vmem>> -> memref<1x1x128x16xf32, #tpu.memory_space<vmem>>
    %dma_start3A_71 = tpu.memref_squeeze %dma_start3A_70 : memref<1x1x128x16xf32, #tpu.memory_space<vmem>> -> memref<128x16xf32, #tpu.memory_space<vmem>>
    %dma_start3A_72 = arith.constant 0 : i32
    %dma_start3A_73 = tpu.memref_slice %arg8[%dma_start3A_65, %dma_start3A_72] : memref<80x128xi32, #tpu.memory_space<vmem>> -> memref<1x128xi32, #tpu.memory_space<vmem>>
    %dma_start3A_74 = tpu.memref_squeeze %dma_start3A_73 : memref<1x128xi32, #tpu.memory_space<vmem>> -> memref<128xi32, #tpu.memory_space<vmem>>
    %dma_start3A_75 = arith.constant 0 : i32
    %dma_start3A_76 = arith.constant 0 : i32
    %dma_start3A_77 = tpu.memref_slice %arg12[%dma_start3A_75, %dma_start3A_76] : memref<10240x16xf32, #tpu.memory_space<vmem_shared>> -> memref<10240x16xf32, #tpu.memory_space<vmem_shared>>
    tpu.enqueue_indirect_dma source(%dma_start3A_77 : memref<10240x16xf32, #tpu.memory_space<vmem_shared>>) target(%dma_start3A_71 : memref<128x16xf32, #tpu.memory_space<vmem>>) offsets(%dma_start3A_74 : memref<128xi32, #tpu.memory_space<vmem>>) semaphore(%arg17 : memref<!tpu.dma_semaphore, #tpu.memory_space<semaphore_mem>>)
    %dma_start3A_78 = arith.constant 0 : i32
    %dma_start3A_79 = arith.constant 0 : i32
    %dma_start3A_80 = arith.constant 0 : i32
    %dma_start3A_81 = arith.constant 0 : i32
    %dma_start3A_82 = arith.constant 0 : i32
    %dma_start3A_83 = tpu.memref_slice %arg11[%dma_start3A_79, %dma_start3A_80, %dma_start3A_81, %dma_start3A_82] : memref<2x4x128x16xf32, #tpu.memory_space<vmem>> -> memref<1x1x128x16xf32, #tpu.memory_space<vmem>>
    %dma_start3A_84 = tpu.memref_squeeze %dma_start3A_83 : memref<1x1x128x16xf32, #tpu.memory_space<vmem>> -> memref<128x16xf32, #tpu.memory_space<vmem>>
    %dma_start3A_85 = arith.constant 0 : i32
    %dma_start3A_86 = tpu.memref_slice %arg8[%dma_start3A_78, %dma_start3A_85] : memref<80x128xi32, #tpu.memory_space<vmem>> -> memref<1x128xi32, #tpu.memory_space<vmem>>
    %dma_start3A_87 = tpu.memref_squeeze %dma_start3A_86 : memref<1x128xi32, #tpu.memory_space<vmem>> -> memref<128xi32, #tpu.memory_space<vmem>>
    %dma_start3A_88 = arith.constant 0 : i32
    %dma_start3A_89 = arith.constant 0 : i32
    %dma_start3A_90 = tpu.memref_slice %arg13[%dma_start3A_88, %dma_start3A_89] : memref<10240x16xf32, #tpu.memory_space<vmem_shared>> -> memref<10240x16xf32, #tpu.memory_space<vmem_shared>>
    tpu.enqueue_indirect_dma source(%dma_start3A_90 : memref<10240x16xf32, #tpu.memory_space<vmem_shared>>) target(%dma_start3A_84 : memref<128x16xf32, #tpu.memory_space<vmem>>) offsets(%dma_start3A_87 : memref<128xi32, #tpu.memory_space<vmem>>) semaphore(%arg17 : memref<!tpu.dma_semaphore, #tpu.memory_space<semaphore_mem>>)
    %dma_start3A_91 = arith.constant 1 : i32
    %dma_start3A_92 = arith.constant 0 : i32
    %dma_start3A_93 = arith.constant 1 : i32
    %dma_start3A_94 = arith.constant 0 : i32
    %dma_start3A_95 = arith.constant 0 : i32
    %dma_start3A_96 = tpu.memref_slice %arg10[%dma_start3A_92, %dma_start3A_93, %dma_start3A_94, %dma_start3A_95] : memref<2x4x128x16xf32, #tpu.memory_space<vmem>> -> memref<1x1x128x16xf32, #tpu.memory_space<vmem>>
    %dma_start3A_97 = tpu.memref_squeeze %dma_start3A_96 : memref<1x1x128x16xf32, #tpu.memory_space<vmem>> -> memref<128x16xf32, #tpu.memory_space<vmem>>
    %dma_start3A_98 = arith.constant 0 : i32
    %dma_start3A_99 = tpu.memref_slice %arg8[%dma_start3A_91, %dma_start3A_98] : memref<80x128xi32, #tpu.memory_space<vmem>> -> memref<1x128xi32, #tpu.memory_space<vmem>>
    %dma_start3A_100 = tpu.memref_squeeze %dma_start3A_99 : memref<1x128xi32, #tpu.memory_space<vmem>> -> memref<128xi32, #tpu.memory_space<vmem>>
    %dma_start3A_101 = arith.constant 0 : i32
    %dma_start3A_102 = arith.constant 0 : i32
    %dma_start3A_103 = tpu.memref_slice %arg12[%dma_start3A_101, %dma_start3A_102] : memref<10240x16xf32, #tpu.memory_space<vmem_shared>> -> memref<10240x16xf32, #tpu.memory_space<vmem_shared>>
    tpu.enqueue_indirect_dma source(%dma_start3A_103 : memref<10240x16xf32, #tpu.memory_space<vmem_shared>>) target(%dma_start3A_97 : memref<128x16xf32, #tpu.memory_space<vmem>>) offsets(%dma_start3A_100 : memref<128xi32, #tpu.memory_space<vmem>>) semaphore(%arg17 : memref<!tpu.dma_semaphore, #tpu.memory_space<semaphore_mem>>)
    %dma_start3A_104 = arith.constant 1 : i32
    %dma_start3A_105 = arith.constant 0 : i32
    %dma_start3A_106 = arith.constant 1 : i32
    %dma_start3A_107 = arith.constant 0 : i32
    %dma_start3A_108 = arith.constant 0 : i32
    %dma_start3A_109 = tpu.memref_slice %arg11[%dma_start3A_105, %dma_start3A_106, %dma_start3A_107, %dma_start3A_108] : memref<2x4x128x16xf32, #tpu.memory_space<vmem>> -> memref<1x1x128x16xf32, #tpu.memory_space<vmem>>
    %dma_start3A_110 = tpu.memref_squeeze %dma_start3A_109 : memref<1x1x128x16xf32, #tpu.memory_space<vmem>> -> memref<128x16xf32, #tpu.memory_space<vmem>>
    %dma_start3A_111 = arith.constant 0 : i32
    %dma_start3A_112 = tpu.memref_slice %arg8[%dma_start3A_104, %dma_start3A_111] : memref<80x128xi32, #tpu.memory_space<vmem>> -> memref<1x128xi32, #tpu.memory_space<vmem>>
    %dma_start3A_113 = tpu.memref_squeeze %dma_start3A_112 : memref<1x128xi32, #tpu.memory_space<vmem>> -> memref<128xi32, #tpu.memory_space<vmem>>
    %dma_start3A_114 = arith.constant 0 : i32
    %dma_start3A_115 = arith.constant 0 : i32
    %dma_start3A_116 = tpu.memref_slice %arg13[%dma_start3A_114, %dma_start3A_115] : memref<10240x16xf32, #tpu.memory_space<vmem_shared>> -> memref<10240x16xf32, #tpu.memory_space<vmem_shared>>
    tpu.enqueue_indirect_dma source(%dma_start3A_116 : memref<10240x16xf32, #tpu.memory_space<vmem_shared>>) target(%dma_start3A_110 : memref<128x16xf32, #tpu.memory_space<vmem>>) offsets(%dma_start3A_113 : memref<128xi32, #tpu.memory_space<vmem>>) semaphore(%arg17 : memref<!tpu.dma_semaphore, #tpu.memory_space<semaphore_mem>>)
    %dma_start3A_117 = arith.constant 2 : i32
    %dma_start3A_118 = arith.constant 0 : i32
    %dma_start3A_119 = arith.constant 2 : i32
    %dma_start3A_120 = arith.constant 0 : i32
    %dma_start3A_121 = arith.constant 0 : i32
    %dma_start3A_122 = tpu.memref_slice %arg10[%dma_start3A_118, %dma_start3A_119, %dma_start3A_120, %dma_start3A_121] : memref<2x4x128x16xf32, #tpu.memory_space<vmem>> -> memref<1x1x128x16xf32, #tpu.memory_space<vmem>>
    %dma_start3A_123 = tpu.memref_squeeze %dma_start3A_122 : memref<1x1x128x16xf32, #tpu.memory_space<vmem>> -> memref<128x16xf32, #tpu.memory_space<vmem>>
    %dma_start3A_124 = arith.constant 0 : i32
    %dma_start3A_125 = tpu.memref_slice %arg8[%dma_start3A_117, %dma_start3A_124] : memref<80x128xi32, #tpu.memory_space<vmem>> -> memref<1x128xi32, #tpu.memory_space<vmem>>
    %dma_start3A_126 = tpu.memref_squeeze %dma_start3A_125 : memref<1x128xi32, #tpu.memory_space<vmem>> -> memref<128xi32, #tpu.memory_space<vmem>>
    %dma_start3A_127 = arith.constant 0 : i32
    %dma_start3A_128 = arith.constant 0 : i32
    %dma_start3A_129 = tpu.memref_slice %arg12[%dma_start3A_127, %dma_start3A_128] : memref<10240x16xf32, #tpu.memory_space<vmem_shared>> -> memref<10240x16xf32, #tpu.memory_space<vmem_shared>>
    tpu.enqueue_indirect_dma source(%dma_start3A_129 : memref<10240x16xf32, #tpu.memory_space<vmem_shared>>) target(%dma_start3A_123 : memref<128x16xf32, #tpu.memory_space<vmem>>) offsets(%dma_start3A_126 : memref<128xi32, #tpu.memory_space<vmem>>) semaphore(%arg17 : memref<!tpu.dma_semaphore, #tpu.memory_space<semaphore_mem>>)
    %dma_start3A_130 = arith.constant 2 : i32
    %dma_start3A_131 = arith.constant 0 : i32
    %dma_start3A_132 = arith.constant 2 : i32
    %dma_start3A_133 = arith.constant 0 : i32
    %dma_start3A_134 = arith.constant 0 : i32
    %dma_start3A_135 = tpu.memref_slice %arg11[%dma_start3A_131, %dma_start3A_132, %dma_start3A_133, %dma_start3A_134] : memref<2x4x128x16xf32, #tpu.memory_space<vmem>> -> memref<1x1x128x16xf32, #tpu.memory_space<vmem>>
    %dma_start3A_136 = tpu.memref_squeeze %dma_start3A_135 : memref<1x1x128x16xf32, #tpu.memory_space<vmem>> -> memref<128x16xf32, #tpu.memory_space<vmem>>
    %dma_start3A_137 = arith.constant 0 : i32
    %dma_start3A_138 = tpu.memref_slice %arg8[%dma_start3A_130, %dma_start3A_137] : memref<80x128xi32, #tpu.memory_space<vmem>> -> memref<1x128xi32, #tpu.memory_space<vmem>>
    %dma_start3A_139 = tpu.memref_squeeze %dma_start3A_138 : memref<1x128xi32, #tpu.memory_space<vmem>> -> memref<128xi32, #tpu.memory_space<vmem>>
    %dma_start3A_140 = arith.constant 0 : i32
    %dma_start3A_141 = arith.constant 0 : i32
    %dma_start3A_142 = tpu.memref_slice %arg13[%dma_start3A_140, %dma_start3A_141] : memref<10240x16xf32, #tpu.memory_space<vmem_shared>> -> memref<10240x16xf32, #tpu.memory_space<vmem_shared>>
    tpu.enqueue_indirect_dma source(%dma_start3A_142 : memref<10240x16xf32, #tpu.memory_space<vmem_shared>>) target(%dma_start3A_136 : memref<128x16xf32, #tpu.memory_space<vmem>>) offsets(%dma_start3A_139 : memref<128xi32, #tpu.memory_space<vmem>>) semaphore(%arg17 : memref<!tpu.dma_semaphore, #tpu.memory_space<semaphore_mem>>)
    %dma_start3A_143 = arith.constant 3 : i32
    %dma_start3A_144 = arith.constant 0 : i32
    %dma_start3A_145 = arith.constant 3 : i32
    %dma_start3A_146 = arith.constant 0 : i32
    %dma_start3A_147 = arith.constant 0 : i32
    %dma_start3A_148 = tpu.memref_slice %arg10[%dma_start3A_144, %dma_start3A_145, %dma_start3A_146, %dma_start3A_147] : memref<2x4x128x16xf32, #tpu.memory_space<vmem>> -> memref<1x1x128x16xf32, #tpu.memory_space<vmem>>
    %dma_start3A_149 = tpu.memref_squeeze %dma_start3A_148 : memref<1x1x128x16xf32, #tpu.memory_space<vmem>> -> memref<128x16xf32, #tpu.memory_space<vmem>>
    %dma_start3A_150 = arith.constant 0 : i32
    %dma_start3A_151 = tpu.memref_slice %arg8[%dma_start3A_143, %dma_start3A_150] : memref<80x128xi32, #tpu.memory_space<vmem>> -> memref<1x128xi32, #tpu.memory_space<vmem>>
    %dma_start3A_152 = tpu.memref_squeeze %dma_start3A_151 : memref<1x128xi32, #tpu.memory_space<vmem>> -> memref<128xi32, #tpu.memory_space<vmem>>
    %dma_start3A_153 = arith.constant 0 : i32
    %dma_start3A_154 = arith.constant 0 : i32
    %dma_start3A_155 = tpu.memref_slice %arg12[%dma_start3A_153, %dma_start3A_154] : memref<10240x16xf32, #tpu.memory_space<vmem_shared>> -> memref<10240x16xf32, #tpu.memory_space<vmem_shared>>
    tpu.enqueue_indirect_dma source(%dma_start3A_155 : memref<10240x16xf32, #tpu.memory_space<vmem_shared>>) target(%dma_start3A_149 : memref<128x16xf32, #tpu.memory_space<vmem>>) offsets(%dma_start3A_152 : memref<128xi32, #tpu.memory_space<vmem>>) semaphore(%arg17 : memref<!tpu.dma_semaphore, #tpu.memory_space<semaphore_mem>>)
    %dma_start3A_156 = arith.constant 3 : i32
    %dma_start3A_157 = arith.constant 0 : i32
    %dma_start3A_158 = arith.constant 3 : i32
    %dma_start3A_159 = arith.constant 0 : i32
    %dma_start3A_160 = arith.constant 0 : i32
    %dma_start3A_161 = tpu.memref_slice %arg11[%dma_start3A_157, %dma_start3A_158, %dma_start3A_159, %dma_start3A_160] : memref<2x4x128x16xf32, #tpu.memory_space<vmem>> -> memref<1x1x128x16xf32, #tpu.memory_space<vmem>>
    %dma_start3A_162 = tpu.memref_squeeze %dma_start3A_161 : memref<1x1x128x16xf32, #tpu.memory_space<vmem>> -> memref<128x16xf32, #tpu.memory_space<vmem>>
    %dma_start3A_163 = arith.constant 0 : i32
    %dma_start3A_164 = tpu.memref_slice %arg8[%dma_start3A_156, %dma_start3A_163] : memref<80x128xi32, #tpu.memory_space<vmem>> -> memref<1x128xi32, #tpu.memory_space<vmem>>
    %dma_start3A_165 = tpu.memref_squeeze %dma_start3A_164 : memref<1x128xi32, #tpu.memory_space<vmem>> -> memref<128xi32, #tpu.memory_space<vmem>>
    %dma_start3A_166 = arith.constant 0 : i32
    %dma_start3A_167 = arith.constant 0 : i32
    %dma_start3A_168 = tpu.memref_slice %arg13[%dma_start3A_166, %dma_start3A_167] : memref<10240x16xf32, #tpu.memory_space<vmem_shared>> -> memref<10240x16xf32, #tpu.memory_space<vmem_shared>>
    tpu.enqueue_indirect_dma source(%dma_start3A_168 : memref<10240x16xf32, #tpu.memory_space<vmem_shared>>) target(%dma_start3A_162 : memref<128x16xf32, #tpu.memory_space<vmem>>) offsets(%dma_start3A_165 : memref<128xi32, #tpu.memory_space<vmem>>) semaphore(%arg17 : memref<!tpu.dma_semaphore, #tpu.memory_space<semaphore_mem>>)
    %scan3A = arith.constant 0 : i32
    %scan3A_169 = arith.constant 0 : i32
    %scan3A_170 = arith.constant 20 : i32
    %scan3A_171 = arith.addi %scan3A_169, %scan3A_170 : i32
    %scan3A_172 = arith.constant 1 : i32
    scf.for %scan3A_175 = %scan3A_169 to %scan3A_171 step %scan3A_172  : i32 {
      %rem3A = arith.constant 2 : i32
      %rem3A_176 = arith.remsi %scan3A_175, %rem3A : i32
      %mul3A_177 = arith.constant 4 : i32
      %mul3A_178 = arith.muli %scan3A_175, %mul3A_177 : i32
      %add3A_179 = arith.constant 0 : i32
      %add3A_180 = arith.addi %mul3A_178, %add3A_179 : i32
      %dma_wait3A_181 = arith.constant 0 : i32
      %dma_wait3A_182 = arith.constant 0 : i32
      %dma_wait3A_183 = arith.constant 0 : i32
      %dma_wait3A_184 = tpu.memref_slice %arg10[%rem3A_176, %dma_wait3A_181, %dma_wait3A_182, %dma_wait3A_183] : memref<2x4x128x16xf32, #tpu.memory_space<vmem>> -> memref<1x1x128x16xf32, #tpu.memory_space<vmem>>
      %dma_wait3A_185 = tpu.memref_squeeze %dma_wait3A_184 : memref<1x1x128x16xf32, #tpu.memory_space<vmem>> -> memref<128x16xf32, #tpu.memory_space<vmem>>
      %dma_wait3A_186 = arith.constant 0 : i32
      %dma_wait3A_187 = tpu.memref_slice %arg8[%add3A_180, %dma_wait3A_186] : memref<80x128xi32, #tpu.memory_space<vmem>> -> memref<1x128xi32, #tpu.memory_space<vmem>>
      %dma_wait3A_188 = tpu.memref_squeeze %dma_wait3A_187 : memref<1x128xi32, #tpu.memory_space<vmem>> -> memref<128xi32, #tpu.memory_space<vmem>>
      %dma_wait3A_189 = arith.constant 0 : i32
      %dma_wait3A_190 = arith.constant 0 : i32
      %dma_wait3A_191 = tpu.memref_slice %arg12[%dma_wait3A_189, %dma_wait3A_190] : memref<10240x16xf32, #tpu.memory_space<vmem_shared>> -> memref<10240x16xf32, #tpu.memory_space<vmem_shared>>
      tpu.wait_indirect_dma semaphore(%arg17 : memref<!tpu.dma_semaphore, #tpu.memory_space<semaphore_mem>>) src(%dma_wait3A_191 : memref<10240x16xf32, #tpu.memory_space<vmem_shared>>) dst(%dma_wait3A_185 : memref<128x16xf32, #tpu.memory_space<vmem>>)
      %mul3A_192 = arith.constant 4 : i32
      %mul3A_193 = arith.muli %scan3A_175, %mul3A_192 : i32
      %add3A_194 = arith.constant 0 : i32
      %add3A_195 = arith.addi %mul3A_193, %add3A_194 : i32
      %dma_wait3A_196 = arith.constant 0 : i32
      %dma_wait3A_197 = arith.constant 0 : i32
      %dma_wait3A_198 = arith.constant 0 : i32
      %dma_wait3A_199 = tpu.memref_slice %arg11[%rem3A_176, %dma_wait3A_196, %dma_wait3A_197, %dma_wait3A_198] : memref<2x4x128x16xf32, #tpu.memory_space<vmem>> -> memref<1x1x128x16xf32, #tpu.memory_space<vmem>>
      %dma_wait3A_200 = tpu.memref_squeeze %dma_wait3A_199 : memref<1x1x128x16xf32, #tpu.memory_space<vmem>> -> memref<128x16xf32, #tpu.memory_space<vmem>>
      %dma_wait3A_201 = arith.constant 0 : i32
      %dma_wait3A_202 = tpu.memref_slice %arg8[%add3A_195, %dma_wait3A_201] : memref<80x128xi32, #tpu.memory_space<vmem>> -> memref<1x128xi32, #tpu.memory_space<vmem>>
      %dma_wait3A_203 = tpu.memref_squeeze %dma_wait3A_202 : memref<1x128xi32, #tpu.memory_space<vmem>> -> memref<128xi32, #tpu.memory_space<vmem>>
      %dma_wait3A_204 = arith.constant 0 : i32
      %dma_wait3A_205 = arith.constant 0 : i32
      %dma_wait3A_206 = tpu.memref_slice %arg13[%dma_wait3A_204, %dma_wait3A_205] : memref<10240x16xf32, #tpu.memory_space<vmem_shared>> -> memref<10240x16xf32, #tpu.memory_space<vmem_shared>>
      tpu.wait_indirect_dma semaphore(%arg17 : memref<!tpu.dma_semaphore, #tpu.memory_space<semaphore_mem>>) src(%dma_wait3A_206 : memref<10240x16xf32, #tpu.memory_space<vmem_shared>>) dst(%dma_wait3A_200 : memref<128x16xf32, #tpu.memory_space<vmem>>)
      %mul3A_207 = arith.constant 4 : i32
      %mul3A_208 = arith.muli %scan3A_175, %mul3A_207 : i32
      %add3A_209 = arith.constant 1 : i32
      %add3A_210 = arith.addi %mul3A_208, %add3A_209 : i32
      %dma_wait3A_211 = arith.constant 1 : i32
      %dma_wait3A_212 = arith.constant 0 : i32
      %dma_wait3A_213 = arith.constant 0 : i32
      %dma_wait3A_214 = tpu.memref_slice %arg10[%rem3A_176, %dma_wait3A_211, %dma_wait3A_212, %dma_wait3A_213] : memref<2x4x128x16xf32, #tpu.memory_space<vmem>> -> memref<1x1x128x16xf32, #tpu.memory_space<vmem>>
      %dma_wait3A_215 = tpu.memref_squeeze %dma_wait3A_214 : memref<1x1x128x16xf32, #tpu.memory_space<vmem>> -> memref<128x16xf32, #tpu.memory_space<vmem>>
      %dma_wait3A_216 = arith.constant 0 : i32
      %dma_wait3A_217 = tpu.memref_slice %arg8[%add3A_210, %dma_wait3A_216] : memref<80x128xi32, #tpu.memory_space<vmem>> -> memref<1x128xi32, #tpu.memory_space<vmem>>
      %dma_wait3A_218 = tpu.memref_squeeze %dma_wait3A_217 : memref<1x128xi32, #tpu.memory_space<vmem>> -> memref<128xi32, #tpu.memory_space<vmem>>
      %dma_wait3A_219 = arith.constant 0 : i32
      %dma_wait3A_220 = arith.constant 0 : i32
      %dma_wait3A_221 = tpu.memref_slice %arg12[%dma_wait3A_219, %dma_wait3A_220] : memref<10240x16xf32, #tpu.memory_space<vmem_shared>> -> memref<10240x16xf32, #tpu.memory_space<vmem_shared>>
      tpu.wait_indirect_dma semaphore(%arg17 : memref<!tpu.dma_semaphore, #tpu.memory_space<semaphore_mem>>) src(%dma_wait3A_221 : memref<10240x16xf32, #tpu.memory_space<vmem_shared>>) dst(%dma_wait3A_215 : memref<128x16xf32, #tpu.memory_space<vmem>>)
      %mul3A_222 = arith.constant 4 : i32
      %mul3A_223 = arith.muli %scan3A_175, %mul3A_222 : i32
      %add3A_224 = arith.constant 1 : i32
      %add3A_225 = arith.addi %mul3A_223, %add3A_224 : i32
      %dma_wait3A_226 = arith.constant 1 : i32
      %dma_wait3A_227 = arith.constant 0 : i32
      %dma_wait3A_228 = arith.constant 0 : i32
      %dma_wait3A_229 = tpu.memref_slice %arg11[%rem3A_176, %dma_wait3A_226, %dma_wait3A_227, %dma_wait3A_228] : memref<2x4x128x16xf32, #tpu.memory_space<vmem>> -> memref<1x1x128x16xf32, #tpu.memory_space<vmem>>
      %dma_wait3A_230 = tpu.memref_squeeze %dma_wait3A_229 : memref<1x1x128x16xf32, #tpu.memory_space<vmem>> -> memref<128x16xf32, #tpu.memory_space<vmem>>
      %dma_wait3A_231 = arith.constant 0 : i32
      %dma_wait3A_232 = tpu.memref_slice %arg8[%add3A_225, %dma_wait3A_231] : memref<80x128xi32, #tpu.memory_space<vmem>> -> memref<1x128xi32, #tpu.memory_space<vmem>>
      %dma_wait3A_233 = tpu.memref_squeeze %dma_wait3A_232 : memref<1x128xi32, #tpu.memory_space<vmem>> -> memref<128xi32, #tpu.memory_space<vmem>>
      %dma_wait3A_234 = arith.constant 0 : i32
      %dma_wait3A_235 = arith.constant 0 : i32
      %dma_wait3A_236 = tpu.memref_slice %arg13[%dma_wait3A_234, %dma_wait3A_235] : memref<10240x16xf32, #tpu.memory_space<vmem_shared>> -> memref<10240x16xf32, #tpu.memory_space<vmem_shared>>
      tpu.wait_indirect_dma semaphore(%arg17 : memref<!tpu.dma_semaphore, #tpu.memory_space<semaphore_mem>>) src(%dma_wait3A_236 : memref<10240x16xf32, #tpu.memory_space<vmem_shared>>) dst(%dma_wait3A_230 : memref<128x16xf32, #tpu.memory_space<vmem>>)
      %mul3A_237 = arith.constant 4 : i32
      %mul3A_238 = arith.muli %scan3A_175, %mul3A_237 : i32
      %add3A_239 = arith.constant 2 : i32
      %add3A_240 = arith.addi %mul3A_238, %add3A_239 : i32
      %dma_wait3A_241 = arith.constant 2 : i32
      %dma_wait3A_242 = arith.constant 0 : i32
      %dma_wait3A_243 = arith.constant 0 : i32
      %dma_wait3A_244 = tpu.memref_slice %arg10[%rem3A_176, %dma_wait3A_241, %dma_wait3A_242, %dma_wait3A_243] : memref<2x4x128x16xf32, #tpu.memory_space<vmem>> -> memref<1x1x128x16xf32, #tpu.memory_space<vmem>>
      %dma_wait3A_245 = tpu.memref_squeeze %dma_wait3A_244 : memref<1x1x128x16xf32, #tpu.memory_space<vmem>> -> memref<128x16xf32, #tpu.memory_space<vmem>>
      %dma_wait3A_246 = arith.constant 0 : i32
      %dma_wait3A_247 = tpu.memref_slice %arg8[%add3A_240, %dma_wait3A_246] : memref<80x128xi32, #tpu.memory_space<vmem>> -> memref<1x128xi32, #tpu.memory_space<vmem>>
      %dma_wait3A_248 = tpu.memref_squeeze %dma_wait3A_247 : memref<1x128xi32, #tpu.memory_space<vmem>> -> memref<128xi32, #tpu.memory_space<vmem>>
      %dma_wait3A_249 = arith.constant 0 : i32
      %dma_wait3A_250 = arith.constant 0 : i32
      %dma_wait3A_251 = tpu.memref_slice %arg12[%dma_wait3A_249, %dma_wait3A_250] : memref<10240x16xf32, #tpu.memory_space<vmem_shared>> -> memref<10240x16xf32, #tpu.memory_space<vmem_shared>>
      tpu.wait_indirect_dma semaphore(%arg17 : memref<!tpu.dma_semaphore, #tpu.memory_space<semaphore_mem>>) src(%dma_wait3A_251 : memref<10240x16xf32, #tpu.memory_space<vmem_shared>>) dst(%dma_wait3A_245 : memref<128x16xf32, #tpu.memory_space<vmem>>)
      %mul3A_252 = arith.constant 4 : i32
      %mul3A_253 = arith.muli %scan3A_175, %mul3A_252 : i32
      %add3A_254 = arith.constant 2 : i32
      %add3A_255 = arith.addi %mul3A_253, %add3A_254 : i32
      %dma_wait3A_256 = arith.constant 2 : i32
      %dma_wait3A_257 = arith.constant 0 : i32
      %dma_wait3A_258 = arith.constant 0 : i32
      %dma_wait3A_259 = tpu.memref_slice %arg11[%rem3A_176, %dma_wait3A_256, %dma_wait3A_257, %dma_wait3A_258] : memref<2x4x128x16xf32, #tpu.memory_space<vmem>> -> memref<1x1x128x16xf32, #tpu.memory_space<vmem>>
      %dma_wait3A_260 = tpu.memref_squeeze %dma_wait3A_259 : memref<1x1x128x16xf32, #tpu.memory_space<vmem>> -> memref<128x16xf32, #tpu.memory_space<vmem>>
      %dma_wait3A_261 = arith.constant 0 : i32
      %dma_wait3A_262 = tpu.memref_slice %arg8[%add3A_255, %dma_wait3A_261] : memref<80x128xi32, #tpu.memory_space<vmem>> -> memref<1x128xi32, #tpu.memory_space<vmem>>
      %dma_wait3A_263 = tpu.memref_squeeze %dma_wait3A_262 : memref<1x128xi32, #tpu.memory_space<vmem>> -> memref<128xi32, #tpu.memory_space<vmem>>
      %dma_wait3A_264 = arith.constant 0 : i32
      %dma_wait3A_265 = arith.constant 0 : i32
      %dma_wait3A_266 = tpu.memref_slice %arg13[%dma_wait3A_264, %dma_wait3A_265] : memref<10240x16xf32, #tpu.memory_space<vmem_shared>> -> memref<10240x16xf32, #tpu.memory_space<vmem_shared>>
      tpu.wait_indirect_dma semaphore(%arg17 : memref<!tpu.dma_semaphore, #tpu.memory_space<semaphore_mem>>) src(%dma_wait3A_266 : memref<10240x16xf32, #tpu.memory_space<vmem_shared>>) dst(%dma_wait3A_260 : memref<128x16xf32, #tpu.memory_space<vmem>>)
      %mul3A_267 = arith.constant 4 : i32
      %mul3A_268 = arith.muli %scan3A_175, %mul3A_267 : i32
      %add3A_269 = arith.constant 3 : i32
      %add3A_270 = arith.addi %mul3A_268, %add3A_269 : i32
      %dma_wait3A_271 = arith.constant 3 : i32
      %dma_wait3A_272 = arith.constant 0 : i32
      %dma_wait3A_273 = arith.constant 0 : i32
      %dma_wait3A_274 = tpu.memref_slice %arg10[%rem3A_176, %dma_wait3A_271, %dma_wait3A_272, %dma_wait3A_273] : memref<2x4x128x16xf32, #tpu.memory_space<vmem>> -> memref<1x1x128x16xf32, #tpu.memory_space<vmem>>
      %dma_wait3A_275 = tpu.memref_squeeze %dma_wait3A_274 : memref<1x1x128x16xf32, #tpu.memory_space<vmem>> -> memref<128x16xf32, #tpu.memory_space<vmem>>
      %dma_wait3A_276 = arith.constant 0 : i32
      %dma_wait3A_277 = tpu.memref_slice %arg8[%add3A_270, %dma_wait3A_276] : memref<80x128xi32, #tpu.memory_space<vmem>> -> memref<1x128xi32, #tpu.memory_space<vmem>>
      %dma_wait3A_278 = tpu.memref_squeeze %dma_wait3A_277 : memref<1x128xi32, #tpu.memory_space<vmem>> -> memref<128xi32, #tpu.memory_space<vmem>>
      %dma_wait3A_279 = arith.constant 0 : i32
      %dma_wait3A_280 = arith.constant 0 : i32
      %dma_wait3A_281 = tpu.memref_slice %arg12[%dma_wait3A_279, %dma_wait3A_280] : memref<10240x16xf32, #tpu.memory_space<vmem_shared>> -> memref<10240x16xf32, #tpu.memory_space<vmem_shared>>
      tpu.wait_indirect_dma semaphore(%arg17 : memref<!tpu.dma_semaphore, #tpu.memory_space<semaphore_mem>>) src(%dma_wait3A_281 : memref<10240x16xf32, #tpu.memory_space<vmem_shared>>) dst(%dma_wait3A_275 : memref<128x16xf32, #tpu.memory_space<vmem>>)
      %mul3A_282 = arith.constant 4 : i32
      %mul3A_283 = arith.muli %scan3A_175, %mul3A_282 : i32
      %add3A_284 = arith.constant 3 : i32
      %add3A_285 = arith.addi %mul3A_283, %add3A_284 : i32
      %dma_wait3A_286 = arith.constant 3 : i32
      %dma_wait3A_287 = arith.constant 0 : i32
      %dma_wait3A_288 = arith.constant 0 : i32
      %dma_wait3A_289 = tpu.memref_slice %arg11[%rem3A_176, %dma_wait3A_286, %dma_wait3A_287, %dma_wait3A_288] : memref<2x4x128x16xf32, #tpu.memory_space<vmem>> -> memref<1x1x128x16xf32, #tpu.memory_space<vmem>>
      %dma_wait3A_290 = tpu.memref_squeeze %dma_wait3A_289 : memref<1x1x128x16xf32, #tpu.memory_space<vmem>> -> memref<128x16xf32, #tpu.memory_space<vmem>>
      %dma_wait3A_291 = arith.constant 0 : i32
      %dma_wait3A_292 = tpu.memref_slice %arg8[%add3A_285, %dma_wait3A_291] : memref<80x128xi32, #tpu.memory_space<vmem>> -> memref<1x128xi32, #tpu.memory_space<vmem>>
      %dma_wait3A_293 = tpu.memref_squeeze %dma_wait3A_292 : memref<1x128xi32, #tpu.memory_space<vmem>> -> memref<128xi32, #tpu.memory_space<vmem>>
      %dma_wait3A_294 = arith.constant 0 : i32
      %dma_wait3A_295 = arith.constant 0 : i32
      %dma_wait3A_296 = tpu.memref_slice %arg13[%dma_wait3A_294, %dma_wait3A_295] : memref<10240x16xf32, #tpu.memory_space<vmem_shared>> -> memref<10240x16xf32, #tpu.memory_space<vmem_shared>>
      tpu.wait_indirect_dma semaphore(%arg17 : memref<!tpu.dma_semaphore, #tpu.memory_space<semaphore_mem>>) src(%dma_wait3A_296 : memref<10240x16xf32, #tpu.memory_space<vmem_shared>>) dst(%dma_wait3A_290 : memref<128x16xf32, #tpu.memory_space<vmem>>)
      %add3A_297 = arith.constant 1 : i32
      %add3A_298 = arith.addi %scan3A_175, %add3A_297 : i32
      %lt3A = arith.constant 20 : i32
      %lt3A_299 = arith.cmpi slt, %add3A_298, %lt3A : i32
      %convert_element_type3A = arith.extui %lt3A_299 : i1 to i32
      %cond3A = arith.constant 0 : i32
      %cond3A_300 = arith.cmpi ne, %convert_element_type3A, %cond3A : i32
      scf.if %cond3A_300 {
        %add3A_541 = arith.constant 1 : i32
        %add3A_542 = arith.addi %scan3A_175, %add3A_541 : i32
        %sub3A = arith.constant 1 : i32
        %sub3A_543 = arith.subi %sub3A, %rem3A_176 : i32
        %mul3A_544 = arith.constant 4 : i32
        %mul3A_545 = arith.muli %add3A_542, %mul3A_544 : i32
        %add3A_546 = arith.constant 0 : i32
        %add3A_547 = arith.addi %mul3A_545, %add3A_546 : i32
        %dma_start3A_548 = arith.constant 0 : i32
        %dma_start3A_549 = arith.constant 0 : i32
        %dma_start3A_550 = arith.constant 0 : i32
        %dma_start3A_551 = tpu.memref_slice %arg10[%sub3A_543, %dma_start3A_548, %dma_start3A_549, %dma_start3A_550] : memref<2x4x128x16xf32, #tpu.memory_space<vmem>> -> memref<1x1x128x16xf32, #tpu.memory_space<vmem>>
        %dma_start3A_552 = tpu.memref_squeeze %dma_start3A_551 : memref<1x1x128x16xf32, #tpu.memory_space<vmem>> -> memref<128x16xf32, #tpu.memory_space<vmem>>
        %dma_start3A_553 = arith.constant 0 : i32
        %dma_start3A_554 = tpu.memref_slice %arg8[%add3A_547, %dma_start3A_553] : memref<80x128xi32, #tpu.memory_space<vmem>> -> memref<1x128xi32, #tpu.memory_space<vmem>>
        %dma_start3A_555 = tpu.memref_squeeze %dma_start3A_554 : memref<1x128xi32, #tpu.memory_space<vmem>> -> memref<128xi32, #tpu.memory_space<vmem>>
        %dma_start3A_556 = arith.constant 0 : i32
        %dma_start3A_557 = arith.constant 0 : i32
        %dma_start3A_558 = tpu.memref_slice %arg12[%dma_start3A_556, %dma_start3A_557] : memref<10240x16xf32, #tpu.memory_space<vmem_shared>> -> memref<10240x16xf32, #tpu.memory_space<vmem_shared>>
        tpu.enqueue_indirect_dma source(%dma_start3A_558 : memref<10240x16xf32, #tpu.memory_space<vmem_shared>>) target(%dma_start3A_552 : memref<128x16xf32, #tpu.memory_space<vmem>>) offsets(%dma_start3A_555 : memref<128xi32, #tpu.memory_space<vmem>>) semaphore(%arg17 : memref<!tpu.dma_semaphore, #tpu.memory_space<semaphore_mem>>)
        %mul3A_559 = arith.constant 4 : i32
        %mul3A_560 = arith.muli %add3A_542, %mul3A_559 : i32
        %add3A_561 = arith.constant 0 : i32
        %add3A_562 = arith.addi %mul3A_560, %add3A_561 : i32
        %dma_start3A_563 = arith.constant 0 : i32
        %dma_start3A_564 = arith.constant 0 : i32
        %dma_start3A_565 = arith.constant 0 : i32
        %dma_start3A_566 = tpu.memref_slice %arg11[%sub3A_543, %dma_start3A_563, %dma_start3A_564, %dma_start3A_565] : memref<2x4x128x16xf32, #tpu.memory_space<vmem>> -> memref<1x1x128x16xf32, #tpu.memory_space<vmem>>
        %dma_start3A_567 = tpu.memref_squeeze %dma_start3A_566 : memref<1x1x128x16xf32, #tpu.memory_space<vmem>> -> memref<128x16xf32, #tpu.memory_space<vmem>>
        %dma_start3A_568 = arith.constant 0 : i32
        %dma_start3A_569 = tpu.memref_slice %arg8[%add3A_562, %dma_start3A_568] : memref<80x128xi32, #tpu.memory_space<vmem>> -> memref<1x128xi32, #tpu.memory_space<vmem>>
        %dma_start3A_570 = tpu.memref_squeeze %dma_start3A_569 : memref<1x128xi32, #tpu.memory_space<vmem>> -> memref<128xi32, #tpu.memory_space<vmem>>
        %dma_start3A_571 = arith.constant 0 : i32
        %dma_start3A_572 = arith.constant 0 : i32
        %dma_start3A_573 = tpu.memref_slice %arg13[%dma_start3A_571, %dma_start3A_572] : memref<10240x16xf32, #tpu.memory_space<vmem_shared>> -> memref<10240x16xf32, #tpu.memory_space<vmem_shared>>
        tpu.enqueue_indirect_dma source(%dma_start3A_573 : memref<10240x16xf32, #tpu.memory_space<vmem_shared>>) target(%dma_start3A_567 : memref<128x16xf32, #tpu.memory_space<vmem>>) offsets(%dma_start3A_570 : memref<128xi32, #tpu.memory_space<vmem>>) semaphore(%arg17 : memref<!tpu.dma_semaphore, #tpu.memory_space<semaphore_mem>>)
        %mul3A_574 = arith.constant 4 : i32
        %mul3A_575 = arith.muli %add3A_542, %mul3A_574 : i32
        %add3A_576 = arith.constant 1 : i32
        %add3A_577 = arith.addi %mul3A_575, %add3A_576 : i32
        %dma_start3A_578 = arith.constant 1 : i32
        %dma_start3A_579 = arith.constant 0 : i32
        %dma_start3A_580 = arith.constant 0 : i32
        %dma_start3A_581 = tpu.memref_slice %arg10[%sub3A_543, %dma_start3A_578, %dma_start3A_579, %dma_start3A_580] : memref<2x4x128x16xf32, #tpu.memory_space<vmem>> -> memref<1x1x128x16xf32, #tpu.memory_space<vmem>>
        %dma_start3A_582 = tpu.memref_squeeze %dma_start3A_581 : memref<1x1x128x16xf32, #tpu.memory_space<vmem>> -> memref<128x16xf32, #tpu.memory_space<vmem>>
        %dma_start3A_583 = arith.constant 0 : i32
        %dma_start3A_584 = tpu.memref_slice %arg8[%add3A_577, %dma_start3A_583] : memref<80x128xi32, #tpu.memory_space<vmem>> -> memref<1x128xi32, #tpu.memory_space<vmem>>
        %dma_start3A_585 = tpu.memref_squeeze %dma_start3A_584 : memref<1x128xi32, #tpu.memory_space<vmem>> -> memref<128xi32, #tpu.memory_space<vmem>>
        %dma_start3A_586 = arith.constant 0 : i32
        %dma_start3A_587 = arith.constant 0 : i32
        %dma_start3A_588 = tpu.memref_slice %arg12[%dma_start3A_586, %dma_start3A_587] : memref<10240x16xf32, #tpu.memory_space<vmem_shared>> -> memref<10240x16xf32, #tpu.memory_space<vmem_shared>>
        tpu.enqueue_indirect_dma source(%dma_start3A_588 : memref<10240x16xf32, #tpu.memory_space<vmem_shared>>) target(%dma_start3A_582 : memref<128x16xf32, #tpu.memory_space<vmem>>) offsets(%dma_start3A_585 : memref<128xi32, #tpu.memory_space<vmem>>) semaphore(%arg17 : memref<!tpu.dma_semaphore, #tpu.memory_space<semaphore_mem>>)
        %mul3A_589 = arith.constant 4 : i32
        %mul3A_590 = arith.muli %add3A_542, %mul3A_589 : i32
        %add3A_591 = arith.constant 1 : i32
        %add3A_592 = arith.addi %mul3A_590, %add3A_591 : i32
        %dma_start3A_593 = arith.constant 1 : i32
        %dma_start3A_594 = arith.constant 0 : i32
        %dma_start3A_595 = arith.constant 0 : i32
        %dma_start3A_596 = tpu.memref_slice %arg11[%sub3A_543, %dma_start3A_593, %dma_start3A_594, %dma_start3A_595] : memref<2x4x128x16xf32, #tpu.memory_space<vmem>> -> memref<1x1x128x16xf32, #tpu.memory_space<vmem>>
        %dma_start3A_597 = tpu.memref_squeeze %dma_start3A_596 : memref<1x1x128x16xf32, #tpu.memory_space<vmem>> -> memref<128x16xf32, #tpu.memory_space<vmem>>
        %dma_start3A_598 = arith.constant 0 : i32
        %dma_start3A_599 = tpu.memref_slice %arg8[%add3A_592, %dma_start3A_598] : memref<80x128xi32, #tpu.memory_space<vmem>> -> memref<1x128xi32, #tpu.memory_space<vmem>>
        %dma_start3A_600 = tpu.memref_squeeze %dma_start3A_599 : memref<1x128xi32, #tpu.memory_space<vmem>> -> memref<128xi32, #tpu.memory_space<vmem>>
        %dma_start3A_601 = arith.constant 0 : i32
        %dma_start3A_602 = arith.constant 0 : i32
        %dma_start3A_603 = tpu.memref_slice %arg13[%dma_start3A_601, %dma_start3A_602] : memref<10240x16xf32, #tpu.memory_space<vmem_shared>> -> memref<10240x16xf32, #tpu.memory_space<vmem_shared>>
        tpu.enqueue_indirect_dma source(%dma_start3A_603 : memref<10240x16xf32, #tpu.memory_space<vmem_shared>>) target(%dma_start3A_597 : memref<128x16xf32, #tpu.memory_space<vmem>>) offsets(%dma_start3A_600 : memref<128xi32, #tpu.memory_space<vmem>>) semaphore(%arg17 : memref<!tpu.dma_semaphore, #tpu.memory_space<semaphore_mem>>)
        %mul3A_604 = arith.constant 4 : i32
        %mul3A_605 = arith.muli %add3A_542, %mul3A_604 : i32
        %add3A_606 = arith.constant 2 : i32
        %add3A_607 = arith.addi %mul3A_605, %add3A_606 : i32
        %dma_start3A_608 = arith.constant 2 : i32
        %dma_start3A_609 = arith.constant 0 : i32
        %dma_start3A_610 = arith.constant 0 : i32
        %dma_start3A_611 = tpu.memref_slice %arg10[%sub3A_543, %dma_start3A_608, %dma_start3A_609, %dma_start3A_610] : memref<2x4x128x16xf32, #tpu.memory_space<vmem>> -> memref<1x1x128x16xf32, #tpu.memory_space<vmem>>
        %dma_start3A_612 = tpu.memref_squeeze %dma_start3A_611 : memref<1x1x128x16xf32, #tpu.memory_space<vmem>> -> memref<128x16xf32, #tpu.memory_space<vmem>>
        %dma_start3A_613 = arith.constant 0 : i32
        %dma_start3A_614 = tpu.memref_slice %arg8[%add3A_607, %dma_start3A_613] : memref<80x128xi32, #tpu.memory_space<vmem>> -> memref<1x128xi32, #tpu.memory_space<vmem>>
        %dma_start3A_615 = tpu.memref_squeeze %dma_start3A_614 : memref<1x128xi32, #tpu.memory_space<vmem>> -> memref<128xi32, #tpu.memory_space<vmem>>
        %dma_start3A_616 = arith.constant 0 : i32
        %dma_start3A_617 = arith.constant 0 : i32
        %dma_start3A_618 = tpu.memref_slice %arg12[%dma_start3A_616, %dma_start3A_617] : memref<10240x16xf32, #tpu.memory_space<vmem_shared>> -> memref<10240x16xf32, #tpu.memory_space<vmem_shared>>
        tpu.enqueue_indirect_dma source(%dma_start3A_618 : memref<10240x16xf32, #tpu.memory_space<vmem_shared>>) target(%dma_start3A_612 : memref<128x16xf32, #tpu.memory_space<vmem>>) offsets(%dma_start3A_615 : memref<128xi32, #tpu.memory_space<vmem>>) semaphore(%arg17 : memref<!tpu.dma_semaphore, #tpu.memory_space<semaphore_mem>>)
        %mul3A_619 = arith.constant 4 : i32
        %mul3A_620 = arith.muli %add3A_542, %mul3A_619 : i32
        %add3A_621 = arith.constant 2 : i32
        %add3A_622 = arith.addi %mul3A_620, %add3A_621 : i32
        %dma_start3A_623 = arith.constant 2 : i32
        %dma_start3A_624 = arith.constant 0 : i32
        %dma_start3A_625 = arith.constant 0 : i32
        %dma_start3A_626 = tpu.memref_slice %arg11[%sub3A_543, %dma_start3A_623, %dma_start3A_624, %dma_start3A_625] : memref<2x4x128x16xf32, #tpu.memory_space<vmem>> -> memref<1x1x128x16xf32, #tpu.memory_space<vmem>>
        %dma_start3A_627 = tpu.memref_squeeze %dma_start3A_626 : memref<1x1x128x16xf32, #tpu.memory_space<vmem>> -> memref<128x16xf32, #tpu.memory_space<vmem>>
        %dma_start3A_628 = arith.constant 0 : i32
        %dma_start3A_629 = tpu.memref_slice %arg8[%add3A_622, %dma_start3A_628] : memref<80x128xi32, #tpu.memory_space<vmem>> -> memref<1x128xi32, #tpu.memory_space<vmem>>
        %dma_start3A_630 = tpu.memref_squeeze %dma_start3A_629 : memref<1x128xi32, #tpu.memory_space<vmem>> -> memref<128xi32, #tpu.memory_space<vmem>>
        %dma_start3A_631 = arith.constant 0 : i32
        %dma_start3A_632 = arith.constant 0 : i32
        %dma_start3A_633 = tpu.memref_slice %arg13[%dma_start3A_631, %dma_start3A_632] : memref<10240x16xf32, #tpu.memory_space<vmem_shared>> -> memref<10240x16xf32, #tpu.memory_space<vmem_shared>>
        tpu.enqueue_indirect_dma source(%dma_start3A_633 : memref<10240x16xf32, #tpu.memory_space<vmem_shared>>) target(%dma_start3A_627 : memref<128x16xf32, #tpu.memory_space<vmem>>) offsets(%dma_start3A_630 : memref<128xi32, #tpu.memory_space<vmem>>) semaphore(%arg17 : memref<!tpu.dma_semaphore, #tpu.memory_space<semaphore_mem>>)
        %mul3A_634 = arith.constant 4 : i32
        %mul3A_635 = arith.muli %add3A_542, %mul3A_634 : i32
        %add3A_636 = arith.constant 3 : i32
        %add3A_637 = arith.addi %mul3A_635, %add3A_636 : i32
        %dma_start3A_638 = arith.constant 3 : i32
        %dma_start3A_639 = arith.constant 0 : i32
        %dma_start3A_640 = arith.constant 0 : i32
        %dma_start3A_641 = tpu.memref_slice %arg10[%sub3A_543, %dma_start3A_638, %dma_start3A_639, %dma_start3A_640] : memref<2x4x128x16xf32, #tpu.memory_space<vmem>> -> memref<1x1x128x16xf32, #tpu.memory_space<vmem>>
        %dma_start3A_642 = tpu.memref_squeeze %dma_start3A_641 : memref<1x1x128x16xf32, #tpu.memory_space<vmem>> -> memref<128x16xf32, #tpu.memory_space<vmem>>
        %dma_start3A_643 = arith.constant 0 : i32
        %dma_start3A_644 = tpu.memref_slice %arg8[%add3A_637, %dma_start3A_643] : memref<80x128xi32, #tpu.memory_space<vmem>> -> memref<1x128xi32, #tpu.memory_space<vmem>>
        %dma_start3A_645 = tpu.memref_squeeze %dma_start3A_644 : memref<1x128xi32, #tpu.memory_space<vmem>> -> memref<128xi32, #tpu.memory_space<vmem>>
        %dma_start3A_646 = arith.constant 0 : i32
        %dma_start3A_647 = arith.constant 0 : i32
        %dma_start3A_648 = tpu.memref_slice %arg12[%dma_start3A_646, %dma_start3A_647] : memref<10240x16xf32, #tpu.memory_space<vmem_shared>> -> memref<10240x16xf32, #tpu.memory_space<vmem_shared>>
        tpu.enqueue_indirect_dma source(%dma_start3A_648 : memref<10240x16xf32, #tpu.memory_space<vmem_shared>>) target(%dma_start3A_642 : memref<128x16xf32, #tpu.memory_space<vmem>>) offsets(%dma_start3A_645 : memref<128xi32, #tpu.memory_space<vmem>>) semaphore(%arg17 : memref<!tpu.dma_semaphore, #tpu.memory_space<semaphore_mem>>)
        %mul3A_649 = arith.constant 4 : i32
        %mul3A_650 = arith.muli %add3A_542, %mul3A_649 : i32
        %add3A_651 = arith.constant 3 : i32
        %add3A_652 = arith.addi %mul3A_650, %add3A_651 : i32
        %dma_start3A_653 = arith.constant 3 : i32
        %dma_start3A_654 = arith.constant 0 : i32
        %dma_start3A_655 = arith.constant 0 : i32
        %dma_start3A_656 = tpu.memref_slice %arg11[%sub3A_543, %dma_start3A_653, %dma_start3A_654, %dma_start3A_655] : memref<2x4x128x16xf32, #tpu.memory_space<vmem>> -> memref<1x1x128x16xf32, #tpu.memory_space<vmem>>
        %dma_start3A_657 = tpu.memref_squeeze %dma_start3A_656 : memref<1x1x128x16xf32, #tpu.memory_space<vmem>> -> memref<128x16xf32, #tpu.memory_space<vmem>>
        %dma_start3A_658 = arith.constant 0 : i32
        %dma_start3A_659 = tpu.memref_slice %arg8[%add3A_652, %dma_start3A_658] : memref<80x128xi32, #tpu.memory_space<vmem>> -> memref<1x128xi32, #tpu.memory_space<vmem>>
        %dma_start3A_660 = tpu.memref_squeeze %dma_start3A_659 : memref<1x128xi32, #tpu.memory_space<vmem>> -> memref<128xi32, #tpu.memory_space<vmem>>
        %dma_start3A_661 = arith.constant 0 : i32
        %dma_start3A_662 = arith.constant 0 : i32
        %dma_start3A_663 = tpu.memref_slice %arg13[%dma_start3A_661, %dma_start3A_662] : memref<10240x16xf32, #tpu.memory_space<vmem_shared>> -> memref<10240x16xf32, #tpu.memory_space<vmem_shared>>
        tpu.enqueue_indirect_dma source(%dma_start3A_663 : memref<10240x16xf32, #tpu.memory_space<vmem_shared>>) target(%dma_start3A_657 : memref<128x16xf32, #tpu.memory_space<vmem>>) offsets(%dma_start3A_660 : memref<128xi32, #tpu.memory_space<vmem>>) semaphore(%arg17 : memref<!tpu.dma_semaphore, #tpu.memory_space<semaphore_mem>>)
      } else {
      }
      %mul3A_301 = arith.constant 4 : i32
      %mul3A_302 = arith.muli %scan3A_175, %mul3A_301 : i32
      %add3A_303 = arith.constant 0 : i32
      %add3A_304 = arith.addi %mul3A_302, %add3A_303 : i32
      %dma_start3A_305 = arith.constant 0 : i32
      %dma_start3A_306 = arith.constant 0 : i32
      %dma_start3A_307 = arith.constant 0 : i32
      %dma_start3A_308 = tpu.memref_slice %arg10[%rem3A_176, %dma_start3A_305, %dma_start3A_306, %dma_start3A_307] : memref<2x4x128x16xf32, #tpu.memory_space<vmem>> -> memref<1x1x128x16xf32, #tpu.memory_space<vmem>>
      %dma_start3A_309 = tpu.memref_squeeze %dma_start3A_308 : memref<1x1x128x16xf32, #tpu.memory_space<vmem>> -> memref<128x16xf32, #tpu.memory_space<vmem>>
      %dma_start3A_310 = arith.constant 0 : i32
      %dma_start3A_311 = tpu.memref_slice %arg9[%add3A_304, %dma_start3A_310] : memref<80x128xi32, #tpu.memory_space<vmem>> -> memref<1x128xi32, #tpu.memory_space<vmem>>
      %dma_start3A_312 = tpu.memref_squeeze %dma_start3A_311 : memref<1x128xi32, #tpu.memory_space<vmem>> -> memref<128xi32, #tpu.memory_space<vmem>>
      %dma_start3A_313 = arith.constant 0 : i32
      %dma_start3A_314 = arith.constant 0 : i32
      %dma_start3A_315 = tpu.memref_slice %arg14[%dma_start3A_313, %dma_start3A_314] : memref<10240x16xf32, #tpu.memory_space<vmem_shared>> -> memref<10240x16xf32, #tpu.memory_space<vmem_shared>>
      tpu.enqueue_indirect_dma source(%dma_start3A_309 : memref<128x16xf32, #tpu.memory_space<vmem>>) target(%dma_start3A_315 : memref<10240x16xf32, #tpu.memory_space<vmem_shared>>) offsets(%dma_start3A_312 : memref<128xi32, #tpu.memory_space<vmem>>) semaphore(%arg18 : memref<!tpu.dma_semaphore, #tpu.memory_space<semaphore_mem>>) {add = true}
      %mul3A_316 = arith.constant 4 : i32
      %mul3A_317 = arith.muli %scan3A_175, %mul3A_316 : i32
      %add3A_318 = arith.constant 0 : i32
      %add3A_319 = arith.addi %mul3A_317, %add3A_318 : i32
      %dma_start3A_320 = arith.constant 0 : i32
      %dma_start3A_321 = arith.constant 0 : i32
      %dma_start3A_322 = arith.constant 0 : i32
      %dma_start3A_323 = tpu.memref_slice %arg11[%rem3A_176, %dma_start3A_320, %dma_start3A_321, %dma_start3A_322] : memref<2x4x128x16xf32, #tpu.memory_space<vmem>> -> memref<1x1x128x16xf32, #tpu.memory_space<vmem>>
      %dma_start3A_324 = tpu.memref_squeeze %dma_start3A_323 : memref<1x1x128x16xf32, #tpu.memory_space<vmem>> -> memref<128x16xf32, #tpu.memory_space<vmem>>
      %dma_start3A_325 = arith.constant 0 : i32
      %dma_start3A_326 = tpu.memref_slice %arg9[%add3A_319, %dma_start3A_325] : memref<80x128xi32, #tpu.memory_space<vmem>> -> memref<1x128xi32, #tpu.memory_space<vmem>>
      %dma_start3A_327 = tpu.memref_squeeze %dma_start3A_326 : memref<1x128xi32, #tpu.memory_space<vmem>> -> memref<128xi32, #tpu.memory_space<vmem>>
      %dma_start3A_328 = arith.constant 0 : i32
      %dma_start3A_329 = arith.constant 0 : i32
      %dma_start3A_330 = tpu.memref_slice %arg15[%dma_start3A_328, %dma_start3A_329] : memref<10240x16xf32, #tpu.memory_space<vmem_shared>> -> memref<10240x16xf32, #tpu.memory_space<vmem_shared>>
      tpu.enqueue_indirect_dma source(%dma_start3A_324 : memref<128x16xf32, #tpu.memory_space<vmem>>) target(%dma_start3A_330 : memref<10240x16xf32, #tpu.memory_space<vmem_shared>>) offsets(%dma_start3A_327 : memref<128xi32, #tpu.memory_space<vmem>>) semaphore(%arg18 : memref<!tpu.dma_semaphore, #tpu.memory_space<semaphore_mem>>) {add = true}
      %mul3A_331 = arith.constant 4 : i32
      %mul3A_332 = arith.muli %scan3A_175, %mul3A_331 : i32
      %add3A_333 = arith.constant 1 : i32
      %add3A_334 = arith.addi %mul3A_332, %add3A_333 : i32
      %dma_start3A_335 = arith.constant 1 : i32
      %dma_start3A_336 = arith.constant 0 : i32
      %dma_start3A_337 = arith.constant 0 : i32
      %dma_start3A_338 = tpu.memref_slice %arg10[%rem3A_176, %dma_start3A_335, %dma_start3A_336, %dma_start3A_337] : memref<2x4x128x16xf32, #tpu.memory_space<vmem>> -> memref<1x1x128x16xf32, #tpu.memory_space<vmem>>
      %dma_start3A_339 = tpu.memref_squeeze %dma_start3A_338 : memref<1x1x128x16xf32, #tpu.memory_space<vmem>> -> memref<128x16xf32, #tpu.memory_space<vmem>>
      %dma_start3A_340 = arith.constant 0 : i32
      %dma_start3A_341 = tpu.memref_slice %arg9[%add3A_334, %dma_start3A_340] : memref<80x128xi32, #tpu.memory_space<vmem>> -> memref<1x128xi32, #tpu.memory_space<vmem>>
      %dma_start3A_342 = tpu.memref_squeeze %dma_start3A_341 : memref<1x128xi32, #tpu.memory_space<vmem>> -> memref<128xi32, #tpu.memory_space<vmem>>
      %dma_start3A_343 = arith.constant 0 : i32
      %dma_start3A_344 = arith.constant 0 : i32
      %dma_start3A_345 = tpu.memref_slice %arg14[%dma_start3A_343, %dma_start3A_344] : memref<10240x16xf32, #tpu.memory_space<vmem_shared>> -> memref<10240x16xf32, #tpu.memory_space<vmem_shared>>
      tpu.enqueue_indirect_dma source(%dma_start3A_339 : memref<128x16xf32, #tpu.memory_space<vmem>>) target(%dma_start3A_345 : memref<10240x16xf32, #tpu.memory_space<vmem_shared>>) offsets(%dma_start3A_342 : memref<128xi32, #tpu.memory_space<vmem>>) semaphore(%arg18 : memref<!tpu.dma_semaphore, #tpu.memory_space<semaphore_mem>>) {add = true}
      %mul3A_346 = arith.constant 4 : i32
      %mul3A_347 = arith.muli %scan3A_175, %mul3A_346 : i32
      %add3A_348 = arith.constant 1 : i32
      %add3A_349 = arith.addi %mul3A_347, %add3A_348 : i32
      %dma_start3A_350 = arith.constant 1 : i32
      %dma_start3A_351 = arith.constant 0 : i32
      %dma_start3A_352 = arith.constant 0 : i32
      %dma_start3A_353 = tpu.memref_slice %arg11[%rem3A_176, %dma_start3A_350, %dma_start3A_351, %dma_start3A_352] : memref<2x4x128x16xf32, #tpu.memory_space<vmem>> -> memref<1x1x128x16xf32, #tpu.memory_space<vmem>>
      %dma_start3A_354 = tpu.memref_squeeze %dma_start3A_353 : memref<1x1x128x16xf32, #tpu.memory_space<vmem>> -> memref<128x16xf32, #tpu.memory_space<vmem>>
      %dma_start3A_355 = arith.constant 0 : i32
      %dma_start3A_356 = tpu.memref_slice %arg9[%add3A_349, %dma_start3A_355] : memref<80x128xi32, #tpu.memory_space<vmem>> -> memref<1x128xi32, #tpu.memory_space<vmem>>
      %dma_start3A_357 = tpu.memref_squeeze %dma_start3A_356 : memref<1x128xi32, #tpu.memory_space<vmem>> -> memref<128xi32, #tpu.memory_space<vmem>>
      %dma_start3A_358 = arith.constant 0 : i32
      %dma_start3A_359 = arith.constant 0 : i32
      %dma_start3A_360 = tpu.memref_slice %arg15[%dma_start3A_358, %dma_start3A_359] : memref<10240x16xf32, #tpu.memory_space<vmem_shared>> -> memref<10240x16xf32, #tpu.memory_space<vmem_shared>>
      tpu.enqueue_indirect_dma source(%dma_start3A_354 : memref<128x16xf32, #tpu.memory_space<vmem>>) target(%dma_start3A_360 : memref<10240x16xf32, #tpu.memory_space<vmem_shared>>) offsets(%dma_start3A_357 : memref<128xi32, #tpu.memory_space<vmem>>) semaphore(%arg18 : memref<!tpu.dma_semaphore, #tpu.memory_space<semaphore_mem>>) {add = true}
      %mul3A_361 = arith.constant 4 : i32
      %mul3A_362 = arith.muli %scan3A_175, %mul3A_361 : i32
      %add3A_363 = arith.constant 2 : i32
      %add3A_364 = arith.addi %mul3A_362, %add3A_363 : i32
      %dma_start3A_365 = arith.constant 2 : i32
      %dma_start3A_366 = arith.constant 0 : i32
      %dma_start3A_367 = arith.constant 0 : i32
      %dma_start3A_368 = tpu.memref_slice %arg10[%rem3A_176, %dma_start3A_365, %dma_start3A_366, %dma_start3A_367] : memref<2x4x128x16xf32, #tpu.memory_space<vmem>> -> memref<1x1x128x16xf32, #tpu.memory_space<vmem>>
      %dma_start3A_369 = tpu.memref_squeeze %dma_start3A_368 : memref<1x1x128x16xf32, #tpu.memory_space<vmem>> -> memref<128x16xf32, #tpu.memory_space<vmem>>
      %dma_start3A_370 = arith.constant 0 : i32
      %dma_start3A_371 = tpu.memref_slice %arg9[%add3A_364, %dma_start3A_370] : memref<80x128xi32, #tpu.memory_space<vmem>> -> memref<1x128xi32, #tpu.memory_space<vmem>>
      %dma_start3A_372 = tpu.memref_squeeze %dma_start3A_371 : memref<1x128xi32, #tpu.memory_space<vmem>> -> memref<128xi32, #tpu.memory_space<vmem>>
      %dma_start3A_373 = arith.constant 0 : i32
      %dma_start3A_374 = arith.constant 0 : i32
      %dma_start3A_375 = tpu.memref_slice %arg14[%dma_start3A_373, %dma_start3A_374] : memref<10240x16xf32, #tpu.memory_space<vmem_shared>> -> memref<10240x16xf32, #tpu.memory_space<vmem_shared>>
      tpu.enqueue_indirect_dma source(%dma_start3A_369 : memref<128x16xf32, #tpu.memory_space<vmem>>) target(%dma_start3A_375 : memref<10240x16xf32, #tpu.memory_space<vmem_shared>>) offsets(%dma_start3A_372 : memref<128xi32, #tpu.memory_space<vmem>>) semaphore(%arg18 : memref<!tpu.dma_semaphore, #tpu.memory_space<semaphore_mem>>) {add = true}
      %mul3A_376 = arith.constant 4 : i32
      %mul3A_377 = arith.muli %scan3A_175, %mul3A_376 : i32
      %add3A_378 = arith.constant 2 : i32
      %add3A_379 = arith.addi %mul3A_377, %add3A_378 : i32
      %dma_start3A_380 = arith.constant 2 : i32
      %dma_start3A_381 = arith.constant 0 : i32
      %dma_start3A_382 = arith.constant 0 : i32
      %dma_start3A_383 = tpu.memref_slice %arg11[%rem3A_176, %dma_start3A_380, %dma_start3A_381, %dma_start3A_382] : memref<2x4x128x16xf32, #tpu.memory_space<vmem>> -> memref<1x1x128x16xf32, #tpu.memory_space<vmem>>
      %dma_start3A_384 = tpu.memref_squeeze %dma_start3A_383 : memref<1x1x128x16xf32, #tpu.memory_space<vmem>> -> memref<128x16xf32, #tpu.memory_space<vmem>>
      %dma_start3A_385 = arith.constant 0 : i32
      %dma_start3A_386 = tpu.memref_slice %arg9[%add3A_379, %dma_start3A_385] : memref<80x128xi32, #tpu.memory_space<vmem>> -> memref<1x128xi32, #tpu.memory_space<vmem>>
      %dma_start3A_387 = tpu.memref_squeeze %dma_start3A_386 : memref<1x128xi32, #tpu.memory_space<vmem>> -> memref<128xi32, #tpu.memory_space<vmem>>
      %dma_start3A_388 = arith.constant 0 : i32
      %dma_start3A_389 = arith.constant 0 : i32
      %dma_start3A_390 = tpu.memref_slice %arg15[%dma_start3A_388, %dma_start3A_389] : memref<10240x16xf32, #tpu.memory_space<vmem_shared>> -> memref<10240x16xf32, #tpu.memory_space<vmem_shared>>
      tpu.enqueue_indirect_dma source(%dma_start3A_384 : memref<128x16xf32, #tpu.memory_space<vmem>>) target(%dma_start3A_390 : memref<10240x16xf32, #tpu.memory_space<vmem_shared>>) offsets(%dma_start3A_387 : memref<128xi32, #tpu.memory_space<vmem>>) semaphore(%arg18 : memref<!tpu.dma_semaphore, #tpu.memory_space<semaphore_mem>>) {add = true}
      %mul3A_391 = arith.constant 4 : i32
      %mul3A_392 = arith.muli %scan3A_175, %mul3A_391 : i32
      %add3A_393 = arith.constant 3 : i32
      %add3A_394 = arith.addi %mul3A_392, %add3A_393 : i32
      %dma_start3A_395 = arith.constant 3 : i32
      %dma_start3A_396 = arith.constant 0 : i32
      %dma_start3A_397 = arith.constant 0 : i32
      %dma_start3A_398 = tpu.memref_slice %arg10[%rem3A_176, %dma_start3A_395, %dma_start3A_396, %dma_start3A_397] : memref<2x4x128x16xf32, #tpu.memory_space<vmem>> -> memref<1x1x128x16xf32, #tpu.memory_space<vmem>>
      %dma_start3A_399 = tpu.memref_squeeze %dma_start3A_398 : memref<1x1x128x16xf32, #tpu.memory_space<vmem>> -> memref<128x16xf32, #tpu.memory_space<vmem>>
      %dma_start3A_400 = arith.constant 0 : i32
      %dma_start3A_401 = tpu.memref_slice %arg9[%add3A_394, %dma_start3A_400] : memref<80x128xi32, #tpu.memory_space<vmem>> -> memref<1x128xi32, #tpu.memory_space<vmem>>
      %dma_start3A_402 = tpu.memref_squeeze %dma_start3A_401 : memref<1x128xi32, #tpu.memory_space<vmem>> -> memref<128xi32, #tpu.memory_space<vmem>>
      %dma_start3A_403 = arith.constant 0 : i32
      %dma_start3A_404 = arith.constant 0 : i32
      %dma_start3A_405 = tpu.memref_slice %arg14[%dma_start3A_403, %dma_start3A_404] : memref<10240x16xf32, #tpu.memory_space<vmem_shared>> -> memref<10240x16xf32, #tpu.memory_space<vmem_shared>>
      tpu.enqueue_indirect_dma source(%dma_start3A_399 : memref<128x16xf32, #tpu.memory_space<vmem>>) target(%dma_start3A_405 : memref<10240x16xf32, #tpu.memory_space<vmem_shared>>) offsets(%dma_start3A_402 : memref<128xi32, #tpu.memory_space<vmem>>) semaphore(%arg18 : memref<!tpu.dma_semaphore, #tpu.memory_space<semaphore_mem>>) {add = true}
      %mul3A_406 = arith.constant 4 : i32
      %mul3A_407 = arith.muli %scan3A_175, %mul3A_406 : i32
      %add3A_408 = arith.constant 3 : i32
      %add3A_409 = arith.addi %mul3A_407, %add3A_408 : i32
      %dma_start3A_410 = arith.constant 3 : i32
      %dma_start3A_411 = arith.constant 0 : i32
      %dma_start3A_412 = arith.constant 0 : i32
      %dma_start3A_413 = tpu.memref_slice %arg11[%rem3A_176, %dma_start3A_410, %dma_start3A_411, %dma_start3A_412] : memref<2x4x128x16xf32, #tpu.memory_space<vmem>> -> memref<1x1x128x16xf32, #tpu.memory_space<vmem>>
      %dma_start3A_414 = tpu.memref_squeeze %dma_start3A_413 : memref<1x1x128x16xf32, #tpu.memory_space<vmem>> -> memref<128x16xf32, #tpu.memory_space<vmem>>
      %dma_start3A_415 = arith.constant 0 : i32
      %dma_start3A_416 = tpu.memref_slice %arg9[%add3A_409, %dma_start3A_415] : memref<80x128xi32, #tpu.memory_space<vmem>> -> memref<1x128xi32, #tpu.memory_space<vmem>>
      %dma_start3A_417 = tpu.memref_squeeze %dma_start3A_416 : memref<1x128xi32, #tpu.memory_space<vmem>> -> memref<128xi32, #tpu.memory_space<vmem>>
      %dma_start3A_418 = arith.constant 0 : i32
      %dma_start3A_419 = arith.constant 0 : i32
      %dma_start3A_420 = tpu.memref_slice %arg15[%dma_start3A_418, %dma_start3A_419] : memref<10240x16xf32, #tpu.memory_space<vmem_shared>> -> memref<10240x16xf32, #tpu.memory_space<vmem_shared>>
      tpu.enqueue_indirect_dma source(%dma_start3A_414 : memref<128x16xf32, #tpu.memory_space<vmem>>) target(%dma_start3A_420 : memref<10240x16xf32, #tpu.memory_space<vmem_shared>>) offsets(%dma_start3A_417 : memref<128xi32, #tpu.memory_space<vmem>>) semaphore(%arg18 : memref<!tpu.dma_semaphore, #tpu.memory_space<semaphore_mem>>) {add = true}
      %mul3A_421 = arith.constant 4 : i32
      %mul3A_422 = arith.muli %scan3A_175, %mul3A_421 : i32
      %add3A_423 = arith.constant 0 : i32
      %add3A_424 = arith.addi %mul3A_422, %add3A_423 : i32
      %dma_wait3A_425 = arith.constant 0 : i32
      %dma_wait3A_426 = arith.constant 0 : i32
      %dma_wait3A_427 = arith.constant 0 : i32
      %dma_wait3A_428 = tpu.memref_slice %arg10[%rem3A_176, %dma_wait3A_425, %dma_wait3A_426, %dma_wait3A_427] : memref<2x4x128x16xf32, #tpu.memory_space<vmem>> -> memref<1x1x128x16xf32, #tpu.memory_space<vmem>>
      %dma_wait3A_429 = tpu.memref_squeeze %dma_wait3A_428 : memref<1x1x128x16xf32, #tpu.memory_space<vmem>> -> memref<128x16xf32, #tpu.memory_space<vmem>>
      %dma_wait3A_430 = arith.constant 0 : i32
      %dma_wait3A_431 = tpu.memref_slice %arg9[%add3A_424, %dma_wait3A_430] : memref<80x128xi32, #tpu.memory_space<vmem>> -> memref<1x128xi32, #tpu.memory_space<vmem>>
      %dma_wait3A_432 = tpu.memref_squeeze %dma_wait3A_431 : memref<1x128xi32, #tpu.memory_space<vmem>> -> memref<128xi32, #tpu.memory_space<vmem>>
      %dma_wait3A_433 = arith.constant 0 : i32
      %dma_wait3A_434 = arith.constant 0 : i32
      %dma_wait3A_435 = tpu.memref_slice %arg14[%dma_wait3A_433, %dma_wait3A_434] : memref<10240x16xf32, #tpu.memory_space<vmem_shared>> -> memref<10240x16xf32, #tpu.memory_space<vmem_shared>>
      tpu.wait_indirect_dma semaphore(%arg18 : memref<!tpu.dma_semaphore, #tpu.memory_space<semaphore_mem>>) src(%dma_wait3A_429 : memref<128x16xf32, #tpu.memory_space<vmem>>) dst(%dma_wait3A_435 : memref<10240x16xf32, #tpu.memory_space<vmem_shared>>)
      %mul3A_436 = arith.constant 4 : i32
      %mul3A_437 = arith.muli %scan3A_175, %mul3A_436 : i32
      %add3A_438 = arith.constant 0 : i32
      %add3A_439 = arith.addi %mul3A_437, %add3A_438 : i32
      %dma_wait3A_440 = arith.constant 0 : i32
      %dma_wait3A_441 = arith.constant 0 : i32
      %dma_wait3A_442 = arith.constant 0 : i32
      %dma_wait3A_443 = tpu.memref_slice %arg11[%rem3A_176, %dma_wait3A_440, %dma_wait3A_441, %dma_wait3A_442] : memref<2x4x128x16xf32, #tpu.memory_space<vmem>> -> memref<1x1x128x16xf32, #tpu.memory_space<vmem>>
      %dma_wait3A_444 = tpu.memref_squeeze %dma_wait3A_443 : memref<1x1x128x16xf32, #tpu.memory_space<vmem>> -> memref<128x16xf32, #tpu.memory_space<vmem>>
      %dma_wait3A_445 = arith.constant 0 : i32
      %dma_wait3A_446 = tpu.memref_slice %arg9[%add3A_439, %dma_wait3A_445] : memref<80x128xi32, #tpu.memory_space<vmem>> -> memref<1x128xi32, #tpu.memory_space<vmem>>
      %dma_wait3A_447 = tpu.memref_squeeze %dma_wait3A_446 : memref<1x128xi32, #tpu.memory_space<vmem>> -> memref<128xi32, #tpu.memory_space<vmem>>
      %dma_wait3A_448 = arith.constant 0 : i32
      %dma_wait3A_449 = arith.constant 0 : i32
      %dma_wait3A_450 = tpu.memref_slice %arg15[%dma_wait3A_448, %dma_wait3A_449] : memref<10240x16xf32, #tpu.memory_space<vmem_shared>> -> memref<10240x16xf32, #tpu.memory_space<vmem_shared>>
      tpu.wait_indirect_dma semaphore(%arg18 : memref<!tpu.dma_semaphore, #tpu.memory_space<semaphore_mem>>) src(%dma_wait3A_444 : memref<128x16xf32, #tpu.memory_space<vmem>>) dst(%dma_wait3A_450 : memref<10240x16xf32, #tpu.memory_space<vmem_shared>>)
      %mul3A_451 = arith.constant 4 : i32
      %mul3A_452 = arith.muli %scan3A_175, %mul3A_451 : i32
      %add3A_453 = arith.constant 1 : i32
      %add3A_454 = arith.addi %mul3A_452, %add3A_453 : i32
      %dma_wait3A_455 = arith.constant 1 : i32
      %dma_wait3A_456 = arith.constant 0 : i32
      %dma_wait3A_457 = arith.constant 0 : i32
      %dma_wait3A_458 = tpu.memref_slice %arg10[%rem3A_176, %dma_wait3A_455, %dma_wait3A_456, %dma_wait3A_457] : memref<2x4x128x16xf32, #tpu.memory_space<vmem>> -> memref<1x1x128x16xf32, #tpu.memory_space<vmem>>
      %dma_wait3A_459 = tpu.memref_squeeze %dma_wait3A_458 : memref<1x1x128x16xf32, #tpu.memory_space<vmem>> -> memref<128x16xf32, #tpu.memory_space<vmem>>
      %dma_wait3A_460 = arith.constant 0 : i32
      %dma_wait3A_461 = tpu.memref_slice %arg9[%add3A_454, %dma_wait3A_460] : memref<80x128xi32, #tpu.memory_space<vmem>> -> memref<1x128xi32, #tpu.memory_space<vmem>>
      %dma_wait3A_462 = tpu.memref_squeeze %dma_wait3A_461 : memref<1x128xi32, #tpu.memory_space<vmem>> -> memref<128xi32, #tpu.memory_space<vmem>>
      %dma_wait3A_463 = arith.constant 0 : i32
      %dma_wait3A_464 = arith.constant 0 : i32
      %dma_wait3A_465 = tpu.memref_slice %arg14[%dma_wait3A_463, %dma_wait3A_464] : memref<10240x16xf32, #tpu.memory_space<vmem_shared>> -> memref<10240x16xf32, #tpu.memory_space<vmem_shared>>
      tpu.wait_indirect_dma semaphore(%arg18 : memref<!tpu.dma_semaphore, #tpu.memory_space<semaphore_mem>>) src(%dma_wait3A_459 : memref<128x16xf32, #tpu.memory_space<vmem>>) dst(%dma_wait3A_465 : memref<10240x16xf32, #tpu.memory_space<vmem_shared>>)
      %mul3A_466 = arith.constant 4 : i32
      %mul3A_467 = arith.muli %scan3A_175, %mul3A_466 : i32
      %add3A_468 = arith.constant 1 : i32
      %add3A_469 = arith.addi %mul3A_467, %add3A_468 : i32
      %dma_wait3A_470 = arith.constant 1 : i32
      %dma_wait3A_471 = arith.constant 0 : i32
      %dma_wait3A_472 = arith.constant 0 : i32
      %dma_wait3A_473 = tpu.memref_slice %arg11[%rem3A_176, %dma_wait3A_470, %dma_wait3A_471, %dma_wait3A_472] : memref<2x4x128x16xf32, #tpu.memory_space<vmem>> -> memref<1x1x128x16xf32, #tpu.memory_space<vmem>>
      %dma_wait3A_474 = tpu.memref_squeeze %dma_wait3A_473 : memref<1x1x128x16xf32, #tpu.memory_space<vmem>> -> memref<128x16xf32, #tpu.memory_space<vmem>>
      %dma_wait3A_475 = arith.constant 0 : i32
      %dma_wait3A_476 = tpu.memref_slice %arg9[%add3A_469, %dma_wait3A_475] : memref<80x128xi32, #tpu.memory_space<vmem>> -> memref<1x128xi32, #tpu.memory_space<vmem>>
      %dma_wait3A_477 = tpu.memref_squeeze %dma_wait3A_476 : memref<1x128xi32, #tpu.memory_space<vmem>> -> memref<128xi32, #tpu.memory_space<vmem>>
      %dma_wait3A_478 = arith.constant 0 : i32
      %dma_wait3A_479 = arith.constant 0 : i32
      %dma_wait3A_480 = tpu.memref_slice %arg15[%dma_wait3A_478, %dma_wait3A_479] : memref<10240x16xf32, #tpu.memory_space<vmem_shared>> -> memref<10240x16xf32, #tpu.memory_space<vmem_shared>>
      tpu.wait_indirect_dma semaphore(%arg18 : memref<!tpu.dma_semaphore, #tpu.memory_space<semaphore_mem>>) src(%dma_wait3A_474 : memref<128x16xf32, #tpu.memory_space<vmem>>) dst(%dma_wait3A_480 : memref<10240x16xf32, #tpu.memory_space<vmem_shared>>)
      %mul3A_481 = arith.constant 4 : i32
      %mul3A_482 = arith.muli %scan3A_175, %mul3A_481 : i32
      %add3A_483 = arith.constant 2 : i32
      %add3A_484 = arith.addi %mul3A_482, %add3A_483 : i32
      %dma_wait3A_485 = arith.constant 2 : i32
      %dma_wait3A_486 = arith.constant 0 : i32
      %dma_wait3A_487 = arith.constant 0 : i32
      %dma_wait3A_488 = tpu.memref_slice %arg10[%rem3A_176, %dma_wait3A_485, %dma_wait3A_486, %dma_wait3A_487] : memref<2x4x128x16xf32, #tpu.memory_space<vmem>> -> memref<1x1x128x16xf32, #tpu.memory_space<vmem>>
      %dma_wait3A_489 = tpu.memref_squeeze %dma_wait3A_488 : memref<1x1x128x16xf32, #tpu.memory_space<vmem>> -> memref<128x16xf32, #tpu.memory_space<vmem>>
      %dma_wait3A_490 = arith.constant 0 : i32
      %dma_wait3A_491 = tpu.memref_slice %arg9[%add3A_484, %dma_wait3A_490] : memref<80x128xi32, #tpu.memory_space<vmem>> -> memref<1x128xi32, #tpu.memory_space<vmem>>
      %dma_wait3A_492 = tpu.memref_squeeze %dma_wait3A_491 : memref<1x128xi32, #tpu.memory_space<vmem>> -> memref<128xi32, #tpu.memory_space<vmem>>
      %dma_wait3A_493 = arith.constant 0 : i32
      %dma_wait3A_494 = arith.constant 0 : i32
      %dma_wait3A_495 = tpu.memref_slice %arg14[%dma_wait3A_493, %dma_wait3A_494] : memref<10240x16xf32, #tpu.memory_space<vmem_shared>> -> memref<10240x16xf32, #tpu.memory_space<vmem_shared>>
      tpu.wait_indirect_dma semaphore(%arg18 : memref<!tpu.dma_semaphore, #tpu.memory_space<semaphore_mem>>) src(%dma_wait3A_489 : memref<128x16xf32, #tpu.memory_space<vmem>>) dst(%dma_wait3A_495 : memref<10240x16xf32, #tpu.memory_space<vmem_shared>>)
      %mul3A_496 = arith.constant 4 : i32
      %mul3A_497 = arith.muli %scan3A_175, %mul3A_496 : i32
      %add3A_498 = arith.constant 2 : i32
      %add3A_499 = arith.addi %mul3A_497, %add3A_498 : i32
      %dma_wait3A_500 = arith.constant 2 : i32
      %dma_wait3A_501 = arith.constant 0 : i32
      %dma_wait3A_502 = arith.constant 0 : i32
      %dma_wait3A_503 = tpu.memref_slice %arg11[%rem3A_176, %dma_wait3A_500, %dma_wait3A_501, %dma_wait3A_502] : memref<2x4x128x16xf32, #tpu.memory_space<vmem>> -> memref<1x1x128x16xf32, #tpu.memory_space<vmem>>
      %dma_wait3A_504 = tpu.memref_squeeze %dma_wait3A_503 : memref<1x1x128x16xf32, #tpu.memory_space<vmem>> -> memref<128x16xf32, #tpu.memory_space<vmem>>
      %dma_wait3A_505 = arith.constant 0 : i32
      %dma_wait3A_506 = tpu.memref_slice %arg9[%add3A_499, %dma_wait3A_505] : memref<80x128xi32, #tpu.memory_space<vmem>> -> memref<1x128xi32, #tpu.memory_space<vmem>>
      %dma_wait3A_507 = tpu.memref_squeeze %dma_wait3A_506 : memref<1x128xi32, #tpu.memory_space<vmem>> -> memref<128xi32, #tpu.memory_space<vmem>>
      %dma_wait3A_508 = arith.constant 0 : i32
      %dma_wait3A_509 = arith.constant 0 : i32
      %dma_wait3A_510 = tpu.memref_slice %arg15[%dma_wait3A_508, %dma_wait3A_509] : memref<10240x16xf32, #tpu.memory_space<vmem_shared>> -> memref<10240x16xf32, #tpu.memory_space<vmem_shared>>
      tpu.wait_indirect_dma semaphore(%arg18 : memref<!tpu.dma_semaphore, #tpu.memory_space<semaphore_mem>>) src(%dma_wait3A_504 : memref<128x16xf32, #tpu.memory_space<vmem>>) dst(%dma_wait3A_510 : memref<10240x16xf32, #tpu.memory_space<vmem_shared>>)
      %mul3A_511 = arith.constant 4 : i32
      %mul3A_512 = arith.muli %scan3A_175, %mul3A_511 : i32
      %add3A_513 = arith.constant 3 : i32
      %add3A_514 = arith.addi %mul3A_512, %add3A_513 : i32
      %dma_wait3A_515 = arith.constant 3 : i32
      %dma_wait3A_516 = arith.constant 0 : i32
      %dma_wait3A_517 = arith.constant 0 : i32
      %dma_wait3A_518 = tpu.memref_slice %arg10[%rem3A_176, %dma_wait3A_515, %dma_wait3A_516, %dma_wait3A_517] : memref<2x4x128x16xf32, #tpu.memory_space<vmem>> -> memref<1x1x128x16xf32, #tpu.memory_space<vmem>>
      %dma_wait3A_519 = tpu.memref_squeeze %dma_wait3A_518 : memref<1x1x128x16xf32, #tpu.memory_space<vmem>> -> memref<128x16xf32, #tpu.memory_space<vmem>>
      %dma_wait3A_520 = arith.constant 0 : i32
      %dma_wait3A_521 = tpu.memref_slice %arg9[%add3A_514, %dma_wait3A_520] : memref<80x128xi32, #tpu.memory_space<vmem>> -> memref<1x128xi32, #tpu.memory_space<vmem>>
      %dma_wait3A_522 = tpu.memref_squeeze %dma_wait3A_521 : memref<1x128xi32, #tpu.memory_space<vmem>> -> memref<128xi32, #tpu.memory_space<vmem>>
      %dma_wait3A_523 = arith.constant 0 : i32
      %dma_wait3A_524 = arith.constant 0 : i32
      %dma_wait3A_525 = tpu.memref_slice %arg14[%dma_wait3A_523, %dma_wait3A_524] : memref<10240x16xf32, #tpu.memory_space<vmem_shared>> -> memref<10240x16xf32, #tpu.memory_space<vmem_shared>>
      tpu.wait_indirect_dma semaphore(%arg18 : memref<!tpu.dma_semaphore, #tpu.memory_space<semaphore_mem>>) src(%dma_wait3A_519 : memref<128x16xf32, #tpu.memory_space<vmem>>) dst(%dma_wait3A_525 : memref<10240x16xf32, #tpu.memory_space<vmem_shared>>)
      %mul3A_526 = arith.constant 4 : i32
      %mul3A_527 = arith.muli %scan3A_175, %mul3A_526 : i32
      %add3A_528 = arith.constant 3 : i32
      %add3A_529 = arith.addi %mul3A_527, %add3A_528 : i32
      %dma_wait3A_530 = arith.constant 3 : i32
      %dma_wait3A_531 = arith.constant 0 : i32
      %dma_wait3A_532 = arith.constant 0 : i32
      %dma_wait3A_533 = tpu.memref_slice %arg11[%rem3A_176, %dma_wait3A_530, %dma_wait3A_531, %dma_wait3A_532] : memref<2x4x128x16xf32, #tpu.memory_space<vmem>> -> memref<1x1x128x16xf32, #tpu.memory_space<vmem>>
      %dma_wait3A_534 = tpu.memref_squeeze %dma_wait3A_533 : memref<1x1x128x16xf32, #tpu.memory_space<vmem>> -> memref<128x16xf32, #tpu.memory_space<vmem>>
      %dma_wait3A_535 = arith.constant 0 : i32
      %dma_wait3A_536 = tpu.memref_slice %arg9[%add3A_529, %dma_wait3A_535] : memref<80x128xi32, #tpu.memory_space<vmem>> -> memref<1x128xi32, #tpu.memory_space<vmem>>
      %dma_wait3A_537 = tpu.memref_squeeze %dma_wait3A_536 : memref<1x128xi32, #tpu.memory_space<vmem>> -> memref<128xi32, #tpu.memory_space<vmem>>
      %dma_wait3A_538 = arith.constant 0 : i32
      %dma_wait3A_539 = arith.constant 0 : i32
      %dma_wait3A_540 = tpu.memref_slice %arg15[%dma_wait3A_538, %dma_wait3A_539] : memref<10240x16xf32, #tpu.memory_space<vmem_shared>> -> memref<10240x16xf32, #tpu.memory_space<vmem_shared>>
      tpu.wait_indirect_dma semaphore(%arg18 : memref<!tpu.dma_semaphore, #tpu.memory_space<semaphore_mem>>) src(%dma_wait3A_534 : memref<128x16xf32, #tpu.memory_space<vmem>>) dst(%dma_wait3A_540 : memref<10240x16xf32, #tpu.memory_space<vmem_shared>>)
    }
    %scan3A_173 = arith.constant 20 : i32
    %barrier3A_174 = arith.constant 0 : index
    tpu.barrier barrier_id(%barrier3A_174)
    "tpu.region"() ({
      %run_scoped3A = tpu.sem_alloc : memref<!tpu.dma_semaphore, #tpu.memory_space<semaphore_mem>>
      %dma_start3A_175 = arith.constant 0 : i32
      %dma_start3A_176 = tpu.memref_slice %arg6[%arg0, %mul3A_2, %dma_start3A_175] : memref<2x10240x16xf32, #tpu.memory_space<hbm>> -> memref<1x640x16xf32, #tpu.memory_space<hbm>>
      %dma_start3A_177 = tpu.memref_squeeze %dma_start3A_176 : memref<1x640x16xf32, #tpu.memory_space<hbm>> -> memref<640x16xf32, #tpu.memory_space<hbm>>
      %dma_start3A_178 = arith.constant 0 : i32
      %dma_start3A_179 = tpu.memref_slice %arg14[%mul3A_2, %dma_start3A_178] : memref<10240x16xf32, #tpu.memory_space<vmem_shared>> -> memref<640x16xf32, #tpu.memory_space<vmem_shared>>
      tpu.enqueue_dma source(%dma_start3A_179 : memref<640x16xf32, #tpu.memory_space<vmem_shared>>) target(%dma_start3A_177 : memref<640x16xf32, #tpu.memory_space<hbm>>) target_semaphore(%run_scoped3A : memref<!tpu.dma_semaphore, #tpu.memory_space<semaphore_mem>>)
      %dma_wait3A_180 = arith.constant 0 : i32
      %dma_wait3A_181 = tpu.memref_slice %arg6[%arg0, %mul3A_2, %dma_wait3A_180] : memref<2x10240x16xf32, #tpu.memory_space<hbm>> -> memref<1x640x16xf32, #tpu.memory_space<hbm>>
      %dma_wait3A_182 = tpu.memref_squeeze %dma_wait3A_181 : memref<1x640x16xf32, #tpu.memory_space<hbm>> -> memref<640x16xf32, #tpu.memory_space<hbm>>
      %dma_wait3A_183 = arith.constant 0 : i32
      %dma_wait3A_184 = tpu.memref_slice %arg14[%mul3A_2, %dma_wait3A_183] : memref<10240x16xf32, #tpu.memory_space<vmem_shared>> -> memref<640x16xf32, #tpu.memory_space<vmem_shared>>
      tpu.wait_dma2 semaphore(%run_scoped3A : memref<!tpu.dma_semaphore, #tpu.memory_space<semaphore_mem>>) src(%dma_wait3A_184 : memref<640x16xf32, #tpu.memory_space<vmem_shared>>) dst(%dma_wait3A_182 : memref<640x16xf32, #tpu.memory_space<hbm>>)
      tpu.yield
    }) : () -> ()
    "tpu.region"() ({
      %run_scoped3A = tpu.sem_alloc : memref<!tpu.dma_semaphore, #tpu.memory_space<semaphore_mem>>
      %dma_start3A_175 = arith.constant 0 : i32
      %dma_start3A_176 = tpu.memref_slice %arg7[%arg0, %mul3A_2, %dma_start3A_175] : memref<2x10240x16xf32, #tpu.memory_space<hbm>> -> memref<1x640x16xf32, #tpu.memory_space<hbm>>
      %dma_start3A_177 = tpu.memref_squeeze %dma_start3A_176 : memref<1x640x16xf32, #tpu.memory_space<hbm>> -> memref<640x16xf32, #tpu.memory_space<hbm>>
      %dma_start3A_178 = arith.constant 0 : i32
      %dma_start3A_179 = tpu.memref_slice %arg15[%mul3A_2, %dma_start3A_178] : memref<10240x16xf32, #tpu.memory_space<vmem_shared>> -> memref<640x16xf32, #tpu.memory_space<vmem_shared>>
      tpu.enqueue_dma source(%dma_start3A_179 : memref<640x16xf32, #tpu.memory_space<vmem_shared>>) target(%dma_start3A_177 : memref<640x16xf32, #tpu.memory_space<hbm>>) target_semaphore(%run_scoped3A : memref<!tpu.dma_semaphore, #tpu.memory_space<semaphore_mem>>)
      %dma_wait3A_180 = arith.constant 0 : i32
      %dma_wait3A_181 = tpu.memref_slice %arg7[%arg0, %mul3A_2, %dma_wait3A_180] : memref<2x10240x16xf32, #tpu.memory_space<hbm>> -> memref<1x640x16xf32, #tpu.memory_space<hbm>>
      %dma_wait3A_182 = tpu.memref_squeeze %dma_wait3A_181 : memref<1x640x16xf32, #tpu.memory_space<hbm>> -> memref<640x16xf32, #tpu.memory_space<hbm>>
      %dma_wait3A_183 = arith.constant 0 : i32
      %dma_wait3A_184 = tpu.memref_slice %arg15[%mul3A_2, %dma_wait3A_183] : memref<10240x16xf32, #tpu.memory_space<vmem_shared>> -> memref<640x16xf32, #tpu.memory_space<vmem_shared>>
      tpu.wait_dma2 semaphore(%run_scoped3A : memref<!tpu.dma_semaphore, #tpu.memory_space<semaphore_mem>>) src(%dma_wait3A_184 : memref<640x16xf32, #tpu.memory_space<vmem_shared>>) dst(%dma_wait3A_182 : memref<640x16xf32, #tpu.memory_space<hbm>>)
      tpu.yield
    }) : () -> ()
    return
  }
}

#map = affine_map<(d0, d1) -> (0, 0, 0)>
#map1 = affine_map<(d0, d1) -> (0, 0)>
#map2 = affine_map<(d0, d1) -> (0)>
module attributes {stable_mosaic.version = 14 : i64} {
  func.func @seg(%arg0: i32, %arg1: i32, %arg2: memref<2x10240x16xf32, #tpu.memory_space<hbm>>, %arg3: memref<10240x16xf32, #tpu.memory_space<hbm>>, %arg4: memref<16xf32, #tpu.memory_space<hbm>>, %arg5: memref<2x2560x128xi32, #tpu.memory_space<hbm>>, %arg6: memref<10240x16xf32, #tpu.memory_space<hbm>>, %arg7: memref<2x10240x16xf32, #tpu.memory_space<hbm>>, %arg8: memref<10240x16xf32, #tpu.memory_space<hbm>>, %arg9: memref<80x128xi32, #tpu.memory_space<vmem>>, %arg10: memref<80x128xi32, #tpu.memory_space<vmem>>, %arg11: memref<2x8x128x16xf32, #tpu.memory_space<vmem>>, %arg12: memref<640x16xf32, #tpu.memory_space<vmem>>, %arg13: memref<640x16xf32, #tpu.memory_space<vmem>>, %arg14: memref<640x16xf32, #tpu.memory_space<vmem>>, %arg15: memref<16xf32, #tpu.memory_space<vmem>>, %arg16: memref<10240x16xf32, #tpu.memory_space<vmem_shared>>, %arg17: memref<10240x16xf32, #tpu.memory_space<vmem_shared>>, %arg18: memref<!tpu.dma_semaphore, #tpu.memory_space<semaphore_mem>>, %arg19: memref<!tpu.dma_semaphore, #tpu.memory_space<semaphore_mem>>, %arg20: memref<!tpu.dma_semaphore, #tpu.memory_space<semaphore_mem>>) attributes {dimension_semantics = [#tpu.dimension_semantics<core_parallel>, #tpu.dimension_semantics<subcore_parallel>], iteration_bounds = array<i64: 2, 16>, scalar_prefetch = 0 : i64, scratch_operands = 12 : i64, tpu.core_type = #tpu.core_type<sc_vector_subcore>, window_params = [{transform_indices = #map}, {transform_indices = #map1}, {transform_indices = #map2}, {transform_indices = #map}, {transform_indices = #map1}, {transform_indices = #map}, {transform_indices = #map1}]} {
    %mul3A = arith.constant 16 : i32
    %mul3A_0 = arith.muli %arg0, %mul3A : i32
    %add3A = arith.addi %mul3A_0, %arg1 : i32
    %mul3A_1 = arith.constant 640 : i32
    %mul3A_2 = arith.muli %arg1, %mul3A_1 : i32
    %mul3A_3 = arith.constant 80 : i32
    %mul3A_4 = arith.muli %add3A, %mul3A_3 : i32
    %dma_start3A = arith.constant 0 : i32
    %dma_start3A_5 = arith.constant 0 : i32
    %dma_start3A_6 = tpu.memref_slice %arg5[%dma_start3A, %mul3A_4, %dma_start3A_5] : memref<2x2560x128xi32, #tpu.memory_space<hbm>> -> memref<1x80x128xi32, #tpu.memory_space<hbm>>
    %dma_start3A_7 = tpu.memref_squeeze %dma_start3A_6 : memref<1x80x128xi32, #tpu.memory_space<hbm>> -> memref<80x128xi32, #tpu.memory_space<hbm>>
    %dma_start3A_8 = arith.constant 0 : i32
    %dma_start3A_9 = tpu.memref_slice %arg5[%dma_start3A, %mul3A_4, %dma_start3A_8] : memref<2x2560x128xi32, #tpu.memory_space<hbm>> -> memref<1x80x128xi32, #tpu.memory_space<hbm>>
    %dma_start3A_10 = tpu.memref_squeeze %dma_start3A_9 : memref<1x80x128xi32, #tpu.memory_space<hbm>> -> memref<80x128xi32, #tpu.memory_space<hbm>>
    tpu.enqueue_dma source(%dma_start3A_10 : memref<80x128xi32, #tpu.memory_space<hbm>>) target(%arg9 : memref<80x128xi32, #tpu.memory_space<vmem>>) target_semaphore(%arg18 : memref<!tpu.dma_semaphore, #tpu.memory_space<semaphore_mem>>)
    %mul3A_11 = arith.constant 80 : i32
    %mul3A_12 = arith.muli %add3A, %mul3A_11 : i32
    %dma_start3A_13 = arith.constant 1 : i32
    %dma_start3A_14 = arith.constant 0 : i32
    %dma_start3A_15 = tpu.memref_slice %arg5[%dma_start3A_13, %mul3A_12, %dma_start3A_14] : memref<2x2560x128xi32, #tpu.memory_space<hbm>> -> memref<1x80x128xi32, #tpu.memory_space<hbm>>
    %dma_start3A_16 = tpu.memref_squeeze %dma_start3A_15 : memref<1x80x128xi32, #tpu.memory_space<hbm>> -> memref<80x128xi32, #tpu.memory_space<hbm>>
    %dma_start3A_17 = arith.constant 0 : i32
    %dma_start3A_18 = tpu.memref_slice %arg5[%dma_start3A_13, %mul3A_12, %dma_start3A_17] : memref<2x2560x128xi32, #tpu.memory_space<hbm>> -> memref<1x80x128xi32, #tpu.memory_space<hbm>>
    %dma_start3A_19 = tpu.memref_squeeze %dma_start3A_18 : memref<1x80x128xi32, #tpu.memory_space<hbm>> -> memref<80x128xi32, #tpu.memory_space<hbm>>
    tpu.enqueue_dma source(%dma_start3A_19 : memref<80x128xi32, #tpu.memory_space<hbm>>) target(%arg10 : memref<80x128xi32, #tpu.memory_space<vmem>>) target_semaphore(%arg18 : memref<!tpu.dma_semaphore, #tpu.memory_space<semaphore_mem>>)
    %dma_start3A_20 = arith.constant 0 : i32
    %dma_start3A_21 = arith.constant 0 : i32
    %dma_start3A_22 = tpu.memref_slice %arg2[%dma_start3A_20, %mul3A_2, %dma_start3A_21] : memref<2x10240x16xf32, #tpu.memory_space<hbm>> -> memref<1x640x16xf32, #tpu.memory_space<hbm>>
    %dma_start3A_23 = tpu.memref_squeeze %dma_start3A_22 : memref<1x640x16xf32, #tpu.memory_space<hbm>> -> memref<640x16xf32, #tpu.memory_space<hbm>>
    %dma_start3A_24 = arith.constant 0 : i32
    %dma_start3A_25 = tpu.memref_slice %arg2[%dma_start3A_20, %mul3A_2, %dma_start3A_24] : memref<2x10240x16xf32, #tpu.memory_space<hbm>> -> memref<1x640x16xf32, #tpu.memory_space<hbm>>
    %dma_start3A_26 = tpu.memref_squeeze %dma_start3A_25 : memref<1x640x16xf32, #tpu.memory_space<hbm>> -> memref<640x16xf32, #tpu.memory_space<hbm>>
    tpu.enqueue_dma source(%dma_start3A_26 : memref<640x16xf32, #tpu.memory_space<hbm>>) target(%arg12 : memref<640x16xf32, #tpu.memory_space<vmem>>) target_semaphore(%arg18 : memref<!tpu.dma_semaphore, #tpu.memory_space<semaphore_mem>>)
    %dma_start3A_27 = arith.constant 1 : i32
    %dma_start3A_28 = arith.constant 0 : i32
    %dma_start3A_29 = tpu.memref_slice %arg2[%dma_start3A_27, %mul3A_2, %dma_start3A_28] : memref<2x10240x16xf32, #tpu.memory_space<hbm>> -> memref<1x640x16xf32, #tpu.memory_space<hbm>>
    %dma_start3A_30 = tpu.memref_squeeze %dma_start3A_29 : memref<1x640x16xf32, #tpu.memory_space<hbm>> -> memref<640x16xf32, #tpu.memory_space<hbm>>
    %dma_start3A_31 = arith.constant 0 : i32
    %dma_start3A_32 = tpu.memref_slice %arg2[%dma_start3A_27, %mul3A_2, %dma_start3A_31] : memref<2x10240x16xf32, #tpu.memory_space<hbm>> -> memref<1x640x16xf32, #tpu.memory_space<hbm>>
    %dma_start3A_33 = tpu.memref_squeeze %dma_start3A_32 : memref<1x640x16xf32, #tpu.memory_space<hbm>> -> memref<640x16xf32, #tpu.memory_space<hbm>>
    tpu.enqueue_dma source(%dma_start3A_33 : memref<640x16xf32, #tpu.memory_space<hbm>>) target(%arg13 : memref<640x16xf32, #tpu.memory_space<vmem>>) target_semaphore(%arg18 : memref<!tpu.dma_semaphore, #tpu.memory_space<semaphore_mem>>)
    %dma_start3A_34 = arith.constant 0 : i32
    %dma_start3A_35 = tpu.memref_slice %arg3[%mul3A_2, %dma_start3A_34] : memref<10240x16xf32, #tpu.memory_space<hbm>> -> memref<640x16xf32, #tpu.memory_space<hbm>>
    %dma_start3A_36 = arith.constant 0 : i32
    %dma_start3A_37 = tpu.memref_slice %arg3[%mul3A_2, %dma_start3A_36] : memref<10240x16xf32, #tpu.memory_space<hbm>> -> memref<640x16xf32, #tpu.memory_space<hbm>>
    tpu.enqueue_dma source(%dma_start3A_37 : memref<640x16xf32, #tpu.memory_space<hbm>>) target(%arg14 : memref<640x16xf32, #tpu.memory_space<vmem>>) target_semaphore(%arg18 : memref<!tpu.dma_semaphore, #tpu.memory_space<semaphore_mem>>)
    tpu.enqueue_dma source(%arg4 : memref<16xf32, #tpu.memory_space<hbm>>) target(%arg15 : memref<16xf32, #tpu.memory_space<vmem>>) target_semaphore(%arg18 : memref<!tpu.dma_semaphore, #tpu.memory_space<semaphore_mem>>)
    %dma_start3A_38 = arith.constant 0 : i32
    %dma_start3A_39 = tpu.memref_slice %arg17[%mul3A_2, %dma_start3A_38] : memref<10240x16xf32, #tpu.memory_space<vmem_shared>> -> memref<640x16xf32, #tpu.memory_space<vmem_shared>>
    %dma_start3A_40 = arith.constant 0 : i32
    %dma_start3A_41 = tpu.memref_slice %arg6[%mul3A_2, %dma_start3A_40] : memref<10240x16xf32, #tpu.memory_space<hbm>> -> memref<640x16xf32, #tpu.memory_space<hbm>>
    tpu.enqueue_dma source(%dma_start3A_41 : memref<640x16xf32, #tpu.memory_space<hbm>>) target(%dma_start3A_39 : memref<640x16xf32, #tpu.memory_space<vmem_shared>>) target_semaphore(%arg18 : memref<!tpu.dma_semaphore, #tpu.memory_space<semaphore_mem>>)
    %dma_wait3A = arith.constant 0 : i32
    %dma_wait3A_42 = arith.constant 0 : i32
    %dma_wait3A_43 = tpu.memref_slice %arg5[%dma_wait3A, %mul3A_4, %dma_wait3A_42] : memref<2x2560x128xi32, #tpu.memory_space<hbm>> -> memref<1x80x128xi32, #tpu.memory_space<hbm>>
    %dma_wait3A_44 = tpu.memref_squeeze %dma_wait3A_43 : memref<1x80x128xi32, #tpu.memory_space<hbm>> -> memref<80x128xi32, #tpu.memory_space<hbm>>
    %dma_wait3A_45 = arith.constant 0 : i32
    %dma_wait3A_46 = tpu.memref_slice %arg5[%dma_wait3A, %mul3A_4, %dma_wait3A_45] : memref<2x2560x128xi32, #tpu.memory_space<hbm>> -> memref<1x80x128xi32, #tpu.memory_space<hbm>>
    %dma_wait3A_47 = tpu.memref_squeeze %dma_wait3A_46 : memref<1x80x128xi32, #tpu.memory_space<hbm>> -> memref<80x128xi32, #tpu.memory_space<hbm>>
    tpu.wait_dma2 semaphore(%arg18 : memref<!tpu.dma_semaphore, #tpu.memory_space<semaphore_mem>>) src(%dma_wait3A_47 : memref<80x128xi32, #tpu.memory_space<hbm>>) dst(%arg9 : memref<80x128xi32, #tpu.memory_space<vmem>>)
    %dma_wait3A_48 = arith.constant 1 : i32
    %dma_wait3A_49 = arith.constant 0 : i32
    %dma_wait3A_50 = tpu.memref_slice %arg5[%dma_wait3A_48, %mul3A_12, %dma_wait3A_49] : memref<2x2560x128xi32, #tpu.memory_space<hbm>> -> memref<1x80x128xi32, #tpu.memory_space<hbm>>
    %dma_wait3A_51 = tpu.memref_squeeze %dma_wait3A_50 : memref<1x80x128xi32, #tpu.memory_space<hbm>> -> memref<80x128xi32, #tpu.memory_space<hbm>>
    %dma_wait3A_52 = arith.constant 0 : i32
    %dma_wait3A_53 = tpu.memref_slice %arg5[%dma_wait3A_48, %mul3A_12, %dma_wait3A_52] : memref<2x2560x128xi32, #tpu.memory_space<hbm>> -> memref<1x80x128xi32, #tpu.memory_space<hbm>>
    %dma_wait3A_54 = tpu.memref_squeeze %dma_wait3A_53 : memref<1x80x128xi32, #tpu.memory_space<hbm>> -> memref<80x128xi32, #tpu.memory_space<hbm>>
    tpu.wait_dma2 semaphore(%arg18 : memref<!tpu.dma_semaphore, #tpu.memory_space<semaphore_mem>>) src(%dma_wait3A_54 : memref<80x128xi32, #tpu.memory_space<hbm>>) dst(%arg10 : memref<80x128xi32, #tpu.memory_space<vmem>>)
    %dma_wait3A_55 = arith.constant 0 : i32
    %dma_wait3A_56 = arith.constant 0 : i32
    %dma_wait3A_57 = tpu.memref_slice %arg2[%dma_wait3A_55, %mul3A_2, %dma_wait3A_56] : memref<2x10240x16xf32, #tpu.memory_space<hbm>> -> memref<1x640x16xf32, #tpu.memory_space<hbm>>
    %dma_wait3A_58 = tpu.memref_squeeze %dma_wait3A_57 : memref<1x640x16xf32, #tpu.memory_space<hbm>> -> memref<640x16xf32, #tpu.memory_space<hbm>>
    %dma_wait3A_59 = arith.constant 0 : i32
    %dma_wait3A_60 = tpu.memref_slice %arg2[%dma_wait3A_55, %mul3A_2, %dma_wait3A_59] : memref<2x10240x16xf32, #tpu.memory_space<hbm>> -> memref<1x640x16xf32, #tpu.memory_space<hbm>>
    %dma_wait3A_61 = tpu.memref_squeeze %dma_wait3A_60 : memref<1x640x16xf32, #tpu.memory_space<hbm>> -> memref<640x16xf32, #tpu.memory_space<hbm>>
    tpu.wait_dma2 semaphore(%arg18 : memref<!tpu.dma_semaphore, #tpu.memory_space<semaphore_mem>>) src(%dma_wait3A_61 : memref<640x16xf32, #tpu.memory_space<hbm>>) dst(%arg12 : memref<640x16xf32, #tpu.memory_space<vmem>>)
    %dma_wait3A_62 = arith.constant 1 : i32
    %dma_wait3A_63 = arith.constant 0 : i32
    %dma_wait3A_64 = tpu.memref_slice %arg2[%dma_wait3A_62, %mul3A_2, %dma_wait3A_63] : memref<2x10240x16xf32, #tpu.memory_space<hbm>> -> memref<1x640x16xf32, #tpu.memory_space<hbm>>
    %dma_wait3A_65 = tpu.memref_squeeze %dma_wait3A_64 : memref<1x640x16xf32, #tpu.memory_space<hbm>> -> memref<640x16xf32, #tpu.memory_space<hbm>>
    %dma_wait3A_66 = arith.constant 0 : i32
    %dma_wait3A_67 = tpu.memref_slice %arg2[%dma_wait3A_62, %mul3A_2, %dma_wait3A_66] : memref<2x10240x16xf32, #tpu.memory_space<hbm>> -> memref<1x640x16xf32, #tpu.memory_space<hbm>>
    %dma_wait3A_68 = tpu.memref_squeeze %dma_wait3A_67 : memref<1x640x16xf32, #tpu.memory_space<hbm>> -> memref<640x16xf32, #tpu.memory_space<hbm>>
    tpu.wait_dma2 semaphore(%arg18 : memref<!tpu.dma_semaphore, #tpu.memory_space<semaphore_mem>>) src(%dma_wait3A_68 : memref<640x16xf32, #tpu.memory_space<hbm>>) dst(%arg13 : memref<640x16xf32, #tpu.memory_space<vmem>>)
    %dma_wait3A_69 = arith.constant 0 : i32
    %dma_wait3A_70 = tpu.memref_slice %arg3[%mul3A_2, %dma_wait3A_69] : memref<10240x16xf32, #tpu.memory_space<hbm>> -> memref<640x16xf32, #tpu.memory_space<hbm>>
    %dma_wait3A_71 = arith.constant 0 : i32
    %dma_wait3A_72 = tpu.memref_slice %arg3[%mul3A_2, %dma_wait3A_71] : memref<10240x16xf32, #tpu.memory_space<hbm>> -> memref<640x16xf32, #tpu.memory_space<hbm>>
    tpu.wait_dma2 semaphore(%arg18 : memref<!tpu.dma_semaphore, #tpu.memory_space<semaphore_mem>>) src(%dma_wait3A_72 : memref<640x16xf32, #tpu.memory_space<hbm>>) dst(%arg14 : memref<640x16xf32, #tpu.memory_space<vmem>>)
    tpu.wait_dma2 semaphore(%arg18 : memref<!tpu.dma_semaphore, #tpu.memory_space<semaphore_mem>>) src(%arg4 : memref<16xf32, #tpu.memory_space<hbm>>) dst(%arg15 : memref<16xf32, #tpu.memory_space<vmem>>)
    %dma_wait3A_73 = arith.constant 0 : i32
    %dma_wait3A_74 = tpu.memref_slice %arg17[%mul3A_2, %dma_wait3A_73] : memref<10240x16xf32, #tpu.memory_space<vmem_shared>> -> memref<640x16xf32, #tpu.memory_space<vmem_shared>>
    %dma_wait3A_75 = arith.constant 0 : i32
    %dma_wait3A_76 = tpu.memref_slice %arg6[%mul3A_2, %dma_wait3A_75] : memref<10240x16xf32, #tpu.memory_space<hbm>> -> memref<640x16xf32, #tpu.memory_space<hbm>>
    tpu.wait_dma2 semaphore(%arg18 : memref<!tpu.dma_semaphore, #tpu.memory_space<semaphore_mem>>) src(%dma_wait3A_76 : memref<640x16xf32, #tpu.memory_space<hbm>>) dst(%dma_wait3A_74 : memref<640x16xf32, #tpu.memory_space<vmem_shared>>)
    %get3A = arith.constant 0 : index
    %get3A_77 = tpu.vector_load %arg15[%get3A] {strides = array<i32>} : memref<16xf32, #tpu.memory_space<vmem>>, vector<16xf32>,
    %get3A_78 = vector.shape_cast %get3A_77 : vector<16xf32> to vector<16xf32>
    %scan3A = arith.constant 0 : i32
    %scan3A_79 = arith.constant 0 : i32
    %scan3A_80 = arith.constant 640 : i32
    %scan3A_81 = arith.addi %scan3A_79, %scan3A_80 : i32
    %scan3A_82 = arith.constant 1 : i32
    scf.for %scan3A_197 = %scan3A_79 to %scan3A_81 step %scan3A_82  : i32 {
      %get3A_198 = arith.index_cast %scan3A_197 : i32 to index
      %get3A_199 = arith.constant 0 : index
      %get3A_200 = tpu.vector_load %arg12[%get3A_198, %get3A_199] {strides = array<i32>} : memref<640x16xf32, #tpu.memory_space<vmem>>, vector<1x16xf32>,
      %get3A_201 = vector.shape_cast %get3A_200 : vector<1x16xf32> to vector<16xf32>
      %get3A_202 = arith.index_cast %scan3A_197 : i32 to index
      %get3A_203 = arith.constant 0 : index
      %get3A_204 = tpu.vector_load %arg13[%get3A_202, %get3A_203] {strides = array<i32>} : memref<640x16xf32, #tpu.memory_space<vmem>>, vector<1x16xf32>,
      %get3A_205 = vector.shape_cast %get3A_204 : vector<1x16xf32> to vector<16xf32>
      %add3A_206 = arith.addf %get3A_201, %get3A_205 : vector<16xf32>
      %get3A_207 = arith.index_cast %scan3A_197 : i32 to index
      %get3A_208 = arith.constant 0 : index
      %get3A_209 = tpu.vector_load %arg14[%get3A_207, %get3A_208] {strides = array<i32>} : memref<640x16xf32, #tpu.memory_space<vmem>>, vector<1x16xf32>,
      %get3A_210 = vector.shape_cast %get3A_209 : vector<1x16xf32> to vector<16xf32>
      %add3A_211 = arith.addf %add3A_206, %get3A_210 : vector<16xf32>
      %add3A_212 = arith.addf %add3A_211, %get3A_78 : vector<16xf32>
      %max3A = arith.constant 0.000000e+00 : f32
      %max3A_213 = vector.broadcast %max3A : f32 to vector<16xf32>
      %max3A_214 = arith.maximumf %add3A_212, %max3A_213 : vector<16xf32>
      %swap3A = arith.index_cast %scan3A_197 : i32 to index
      %swap3A_215 = arith.constant 0 : index
      %swap3A_216 = tpu.vector_load %arg14[%swap3A, %swap3A_215] {strides = array<i32>} : memref<640x16xf32, #tpu.memory_space<vmem>>, vector<1x16xf32>,
      %swap3A_217 = vector.shape_cast %swap3A_216 : vector<1x16xf32> to vector<16xf32>
      %swap3A_218 = vector.shape_cast %max3A_214 : vector<16xf32> to vector<1x16xf32>
      tpu.vector_store %arg14[%swap3A, %swap3A_215], %swap3A_218 {strides = array<i32>} : memref<640x16xf32, #tpu.memory_space<vmem>>, vector<1x16xf32>,
    }
    %scan3A_83 = arith.constant 640 : i32
    "tpu.region"() ({
      %run_scoped3A = tpu.sem_alloc : memref<!tpu.dma_semaphore, #tpu.memory_space<semaphore_mem>>
      %dma_start3A_197 = arith.constant 0 : i32
      %dma_start3A_198 = tpu.memref_slice %arg16[%mul3A_2, %dma_start3A_197] : memref<10240x16xf32, #tpu.memory_space<vmem_shared>> -> memref<640x16xf32, #tpu.memory_space<vmem_shared>>
      %dma_start3A_199 = arith.constant 0 : i32
      %dma_start3A_200 = tpu.memref_slice %arg16[%mul3A_2, %dma_start3A_199] : memref<10240x16xf32, #tpu.memory_space<vmem_shared>> -> memref<640x16xf32, #tpu.memory_space<vmem_shared>>
      tpu.enqueue_dma source(%arg14 : memref<640x16xf32, #tpu.memory_space<vmem>>) target(%dma_start3A_200 : memref<640x16xf32, #tpu.memory_space<vmem_shared>>) target_semaphore(%run_scoped3A : memref<!tpu.dma_semaphore, #tpu.memory_space<semaphore_mem>>)
      %dma_wait3A_201 = arith.constant 0 : i32
      %dma_wait3A_202 = tpu.memref_slice %arg16[%mul3A_2, %dma_wait3A_201] : memref<10240x16xf32, #tpu.memory_space<vmem_shared>> -> memref<640x16xf32, #tpu.memory_space<vmem_shared>>
      %dma_wait3A_203 = arith.constant 0 : i32
      %dma_wait3A_204 = tpu.memref_slice %arg16[%mul3A_2, %dma_wait3A_203] : memref<10240x16xf32, #tpu.memory_space<vmem_shared>> -> memref<640x16xf32, #tpu.memory_space<vmem_shared>>
      tpu.wait_dma2 semaphore(%run_scoped3A : memref<!tpu.dma_semaphore, #tpu.memory_space<semaphore_mem>>) src(%arg14 : memref<640x16xf32, #tpu.memory_space<vmem>>) dst(%dma_wait3A_204 : memref<640x16xf32, #tpu.memory_space<vmem_shared>>)
      tpu.yield
    }) : () -> ()
    %eq3A = arith.constant 0 : i32
    %eq3A_84 = arith.cmpi eq, %arg0, %eq3A : i32
    %convert_element_type3A = arith.extui %eq3A_84 : i1 to i32
    %cond3A = arith.constant 0 : i32
    %cond3A_85 = arith.cmpi ne, %convert_element_type3A, %cond3A : i32
    scf.if %cond3A_85 {
      "tpu.region"() ({
        %run_scoped3A = tpu.sem_alloc : memref<!tpu.dma_semaphore, #tpu.memory_space<semaphore_mem>>
        %dma_start3A_197 = arith.constant 0 : i32
        %dma_start3A_198 = tpu.memref_slice %arg8[%mul3A_2, %dma_start3A_197] : memref<10240x16xf32, #tpu.memory_space<hbm>> -> memref<640x16xf32, #tpu.memory_space<hbm>>
        %dma_start3A_199 = arith.constant 0 : i32
        %dma_start3A_200 = tpu.memref_slice %arg8[%mul3A_2, %dma_start3A_199] : memref<10240x16xf32, #tpu.memory_space<hbm>> -> memref<640x16xf32, #tpu.memory_space<hbm>>
        tpu.enqueue_dma source(%arg14 : memref<640x16xf32, #tpu.memory_space<vmem>>) target(%dma_start3A_200 : memref<640x16xf32, #tpu.memory_space<hbm>>) target_semaphore(%run_scoped3A : memref<!tpu.dma_semaphore, #tpu.memory_space<semaphore_mem>>)
        %dma_wait3A_201 = arith.constant 0 : i32
        %dma_wait3A_202 = tpu.memref_slice %arg8[%mul3A_2, %dma_wait3A_201] : memref<10240x16xf32, #tpu.memory_space<hbm>> -> memref<640x16xf32, #tpu.memory_space<hbm>>
        %dma_wait3A_203 = arith.constant 0 : i32
        %dma_wait3A_204 = tpu.memref_slice %arg8[%mul3A_2, %dma_wait3A_203] : memref<10240x16xf32, #tpu.memory_space<hbm>> -> memref<640x16xf32, #tpu.memory_space<hbm>>
        tpu.wait_dma2 semaphore(%run_scoped3A : memref<!tpu.dma_semaphore, #tpu.memory_space<semaphore_mem>>) src(%arg14 : memref<640x16xf32, #tpu.memory_space<vmem>>) dst(%dma_wait3A_204 : memref<640x16xf32, #tpu.memory_space<hbm>>)
        tpu.yield
      }) : () -> ()
    } else {
    }
    %barrier3A = arith.constant 0 : index
    tpu.barrier barrier_id(%barrier3A)
    %dma_start3A_86 = arith.constant 0 : i32
    %dma_start3A_87 = arith.constant 0 : i32
    %dma_start3A_88 = arith.constant 0 : i32
    %dma_start3A_89 = arith.constant 0 : i32
    %dma_start3A_90 = arith.constant 0 : i32
    %dma_start3A_91 = tpu.memref_slice %arg11[%dma_start3A_87, %dma_start3A_88, %dma_start3A_89, %dma_start3A_90] : memref<2x8x128x16xf32, #tpu.memory_space<vmem>> -> memref<1x1x128x16xf32, #tpu.memory_space<vmem>>
    %dma_start3A_92 = tpu.memref_squeeze %dma_start3A_91 : memref<1x1x128x16xf32, #tpu.memory_space<vmem>> -> memref<128x16xf32, #tpu.memory_space<vmem>>
    %dma_start3A_93 = arith.constant 0 : i32
    %dma_start3A_94 = tpu.memref_slice %arg9[%dma_start3A_86, %dma_start3A_93] : memref<80x128xi32, #tpu.memory_space<vmem>> -> memref<1x128xi32, #tpu.memory_space<vmem>>
    %dma_start3A_95 = tpu.memref_squeeze %dma_start3A_94 : memref<1x128xi32, #tpu.memory_space<vmem>> -> memref<128xi32, #tpu.memory_space<vmem>>
    %dma_start3A_96 = arith.constant 0 : i32
    %dma_start3A_97 = arith.constant 0 : i32
    %dma_start3A_98 = tpu.memref_slice %arg16[%dma_start3A_96, %dma_start3A_97] : memref<10240x16xf32, #tpu.memory_space<vmem_shared>> -> memref<10240x16xf32, #tpu.memory_space<vmem_shared>>
    tpu.enqueue_indirect_dma source(%dma_start3A_98 : memref<10240x16xf32, #tpu.memory_space<vmem_shared>>) target(%dma_start3A_92 : memref<128x16xf32, #tpu.memory_space<vmem>>) offsets(%dma_start3A_95 : memref<128xi32, #tpu.memory_space<vmem>>) semaphore(%arg19 : memref<!tpu.dma_semaphore, #tpu.memory_space<semaphore_mem>>)
    %dma_start3A_99 = arith.constant 1 : i32
    %dma_start3A_100 = arith.constant 0 : i32
    %dma_start3A_101 = arith.constant 1 : i32
    %dma_start3A_102 = arith.constant 0 : i32
    %dma_start3A_103 = arith.constant 0 : i32
    %dma_start3A_104 = tpu.memref_slice %arg11[%dma_start3A_100, %dma_start3A_101, %dma_start3A_102, %dma_start3A_103] : memref<2x8x128x16xf32, #tpu.memory_space<vmem>> -> memref<1x1x128x16xf32, #tpu.memory_space<vmem>>
    %dma_start3A_105 = tpu.memref_squeeze %dma_start3A_104 : memref<1x1x128x16xf32, #tpu.memory_space<vmem>> -> memref<128x16xf32, #tpu.memory_space<vmem>>
    %dma_start3A_106 = arith.constant 0 : i32
    %dma_start3A_107 = tpu.memref_slice %arg9[%dma_start3A_99, %dma_start3A_106] : memref<80x128xi32, #tpu.memory_space<vmem>> -> memref<1x128xi32, #tpu.memory_space<vmem>>
    %dma_start3A_108 = tpu.memref_squeeze %dma_start3A_107 : memref<1x128xi32, #tpu.memory_space<vmem>> -> memref<128xi32, #tpu.memory_space<vmem>>
    %dma_start3A_109 = arith.constant 0 : i32
    %dma_start3A_110 = arith.constant 0 : i32
    %dma_start3A_111 = tpu.memref_slice %arg16[%dma_start3A_109, %dma_start3A_110] : memref<10240x16xf32, #tpu.memory_space<vmem_shared>> -> memref<10240x16xf32, #tpu.memory_space<vmem_shared>>
    tpu.enqueue_indirect_dma source(%dma_start3A_111 : memref<10240x16xf32, #tpu.memory_space<vmem_shared>>) target(%dma_start3A_105 : memref<128x16xf32, #tpu.memory_space<vmem>>) offsets(%dma_start3A_108 : memref<128xi32, #tpu.memory_space<vmem>>) semaphore(%arg19 : memref<!tpu.dma_semaphore, #tpu.memory_space<semaphore_mem>>)
    %dma_start3A_112 = arith.constant 2 : i32
    %dma_start3A_113 = arith.constant 0 : i32
    %dma_start3A_114 = arith.constant 2 : i32
    %dma_start3A_115 = arith.constant 0 : i32
    %dma_start3A_116 = arith.constant 0 : i32
    %dma_start3A_117 = tpu.memref_slice %arg11[%dma_start3A_113, %dma_start3A_114, %dma_start3A_115, %dma_start3A_116] : memref<2x8x128x16xf32, #tpu.memory_space<vmem>> -> memref<1x1x128x16xf32, #tpu.memory_space<vmem>>
    %dma_start3A_118 = tpu.memref_squeeze %dma_start3A_117 : memref<1x1x128x16xf32, #tpu.memory_space<vmem>> -> memref<128x16xf32, #tpu.memory_space<vmem>>
    %dma_start3A_119 = arith.constant 0 : i32
    %dma_start3A_120 = tpu.memref_slice %arg9[%dma_start3A_112, %dma_start3A_119] : memref<80x128xi32, #tpu.memory_space<vmem>> -> memref<1x128xi32, #tpu.memory_space<vmem>>
    %dma_start3A_121 = tpu.memref_squeeze %dma_start3A_120 : memref<1x128xi32, #tpu.memory_space<vmem>> -> memref<128xi32, #tpu.memory_space<vmem>>
    %dma_start3A_122 = arith.constant 0 : i32
    %dma_start3A_123 = arith.constant 0 : i32
    %dma_start3A_124 = tpu.memref_slice %arg16[%dma_start3A_122, %dma_start3A_123] : memref<10240x16xf32, #tpu.memory_space<vmem_shared>> -> memref<10240x16xf32, #tpu.memory_space<vmem_shared>>
    tpu.enqueue_indirect_dma source(%dma_start3A_124 : memref<10240x16xf32, #tpu.memory_space<vmem_shared>>) target(%dma_start3A_118 : memref<128x16xf32, #tpu.memory_space<vmem>>) offsets(%dma_start3A_121 : memref<128xi32, #tpu.memory_space<vmem>>) semaphore(%arg19 : memref<!tpu.dma_semaphore, #tpu.memory_space<semaphore_mem>>)
    %dma_start3A_125 = arith.constant 3 : i32
    %dma_start3A_126 = arith.constant 0 : i32
    %dma_start3A_127 = arith.constant 3 : i32
    %dma_start3A_128 = arith.constant 0 : i32
    %dma_start3A_129 = arith.constant 0 : i32
    %dma_start3A_130 = tpu.memref_slice %arg11[%dma_start3A_126, %dma_start3A_127, %dma_start3A_128, %dma_start3A_129] : memref<2x8x128x16xf32, #tpu.memory_space<vmem>> -> memref<1x1x128x16xf32, #tpu.memory_space<vmem>>
    %dma_start3A_131 = tpu.memref_squeeze %dma_start3A_130 : memref<1x1x128x16xf32, #tpu.memory_space<vmem>> -> memref<128x16xf32, #tpu.memory_space<vmem>>
    %dma_start3A_132 = arith.constant 0 : i32
    %dma_start3A_133 = tpu.memref_slice %arg9[%dma_start3A_125, %dma_start3A_132] : memref<80x128xi32, #tpu.memory_space<vmem>> -> memref<1x128xi32, #tpu.memory_space<vmem>>
    %dma_start3A_134 = tpu.memref_squeeze %dma_start3A_133 : memref<1x128xi32, #tpu.memory_space<vmem>> -> memref<128xi32, #tpu.memory_space<vmem>>
    %dma_start3A_135 = arith.constant 0 : i32
    %dma_start3A_136 = arith.constant 0 : i32
    %dma_start3A_137 = tpu.memref_slice %arg16[%dma_start3A_135, %dma_start3A_136] : memref<10240x16xf32, #tpu.memory_space<vmem_shared>> -> memref<10240x16xf32, #tpu.memory_space<vmem_shared>>
    tpu.enqueue_indirect_dma source(%dma_start3A_137 : memref<10240x16xf32, #tpu.memory_space<vmem_shared>>) target(%dma_start3A_131 : memref<128x16xf32, #tpu.memory_space<vmem>>) offsets(%dma_start3A_134 : memref<128xi32, #tpu.memory_space<vmem>>) semaphore(%arg19 : memref<!tpu.dma_semaphore, #tpu.memory_space<semaphore_mem>>)
    %dma_start3A_138 = arith.constant 4 : i32
    %dma_start3A_139 = arith.constant 0 : i32
    %dma_start3A_140 = arith.constant 4 : i32
    %dma_start3A_141 = arith.constant 0 : i32
    %dma_start3A_142 = arith.constant 0 : i32
    %dma_start3A_143 = tpu.memref_slice %arg11[%dma_start3A_139, %dma_start3A_140, %dma_start3A_141, %dma_start3A_142] : memref<2x8x128x16xf32, #tpu.memory_space<vmem>> -> memref<1x1x128x16xf32, #tpu.memory_space<vmem>>
    %dma_start3A_144 = tpu.memref_squeeze %dma_start3A_143 : memref<1x1x128x16xf32, #tpu.memory_space<vmem>> -> memref<128x16xf32, #tpu.memory_space<vmem>>
    %dma_start3A_145 = arith.constant 0 : i32
    %dma_start3A_146 = tpu.memref_slice %arg9[%dma_start3A_138, %dma_start3A_145] : memref<80x128xi32, #tpu.memory_space<vmem>> -> memref<1x128xi32, #tpu.memory_space<vmem>>
    %dma_start3A_147 = tpu.memref_squeeze %dma_start3A_146 : memref<1x128xi32, #tpu.memory_space<vmem>> -> memref<128xi32, #tpu.memory_space<vmem>>
    %dma_start3A_148 = arith.constant 0 : i32
    %dma_start3A_149 = arith.constant 0 : i32
    %dma_start3A_150 = tpu.memref_slice %arg16[%dma_start3A_148, %dma_start3A_149] : memref<10240x16xf32, #tpu.memory_space<vmem_shared>> -> memref<10240x16xf32, #tpu.memory_space<vmem_shared>>
    tpu.enqueue_indirect_dma source(%dma_start3A_150 : memref<10240x16xf32, #tpu.memory_space<vmem_shared>>) target(%dma_start3A_144 : memref<128x16xf32, #tpu.memory_space<vmem>>) offsets(%dma_start3A_147 : memref<128xi32, #tpu.memory_space<vmem>>) semaphore(%arg19 : memref<!tpu.dma_semaphore, #tpu.memory_space<semaphore_mem>>)
    %dma_start3A_151 = arith.constant 5 : i32
    %dma_start3A_152 = arith.constant 0 : i32
    %dma_start3A_153 = arith.constant 5 : i32
    %dma_start3A_154 = arith.constant 0 : i32
    %dma_start3A_155 = arith.constant 0 : i32
    %dma_start3A_156 = tpu.memref_slice %arg11[%dma_start3A_152, %dma_start3A_153, %dma_start3A_154, %dma_start3A_155] : memref<2x8x128x16xf32, #tpu.memory_space<vmem>> -> memref<1x1x128x16xf32, #tpu.memory_space<vmem>>
    %dma_start3A_157 = tpu.memref_squeeze %dma_start3A_156 : memref<1x1x128x16xf32, #tpu.memory_space<vmem>> -> memref<128x16xf32, #tpu.memory_space<vmem>>
    %dma_start3A_158 = arith.constant 0 : i32
    %dma_start3A_159 = tpu.memref_slice %arg9[%dma_start3A_151, %dma_start3A_158] : memref<80x128xi32, #tpu.memory_space<vmem>> -> memref<1x128xi32, #tpu.memory_space<vmem>>
    %dma_start3A_160 = tpu.memref_squeeze %dma_start3A_159 : memref<1x128xi32, #tpu.memory_space<vmem>> -> memref<128xi32, #tpu.memory_space<vmem>>
    %dma_start3A_161 = arith.constant 0 : i32
    %dma_start3A_162 = arith.constant 0 : i32
    %dma_start3A_163 = tpu.memref_slice %arg16[%dma_start3A_161, %dma_start3A_162] : memref<10240x16xf32, #tpu.memory_space<vmem_shared>> -> memref<10240x16xf32, #tpu.memory_space<vmem_shared>>
    tpu.enqueue_indirect_dma source(%dma_start3A_163 : memref<10240x16xf32, #tpu.memory_space<vmem_shared>>) target(%dma_start3A_157 : memref<128x16xf32, #tpu.memory_space<vmem>>) offsets(%dma_start3A_160 : memref<128xi32, #tpu.memory_space<vmem>>) semaphore(%arg19 : memref<!tpu.dma_semaphore, #tpu.memory_space<semaphore_mem>>)
    %dma_start3A_164 = arith.constant 6 : i32
    %dma_start3A_165 = arith.constant 0 : i32
    %dma_start3A_166 = arith.constant 6 : i32
    %dma_start3A_167 = arith.constant 0 : i32
    %dma_start3A_168 = arith.constant 0 : i32
    %dma_start3A_169 = tpu.memref_slice %arg11[%dma_start3A_165, %dma_start3A_166, %dma_start3A_167, %dma_start3A_168] : memref<2x8x128x16xf32, #tpu.memory_space<vmem>> -> memref<1x1x128x16xf32, #tpu.memory_space<vmem>>
    %dma_start3A_170 = tpu.memref_squeeze %dma_start3A_169 : memref<1x1x128x16xf32, #tpu.memory_space<vmem>> -> memref<128x16xf32, #tpu.memory_space<vmem>>
    %dma_start3A_171 = arith.constant 0 : i32
    %dma_start3A_172 = tpu.memref_slice %arg9[%dma_start3A_164, %dma_start3A_171] : memref<80x128xi32, #tpu.memory_space<vmem>> -> memref<1x128xi32, #tpu.memory_space<vmem>>
    %dma_start3A_173 = tpu.memref_squeeze %dma_start3A_172 : memref<1x128xi32, #tpu.memory_space<vmem>> -> memref<128xi32, #tpu.memory_space<vmem>>
    %dma_start3A_174 = arith.constant 0 : i32
    %dma_start3A_175 = arith.constant 0 : i32
    %dma_start3A_176 = tpu.memref_slice %arg16[%dma_start3A_174, %dma_start3A_175] : memref<10240x16xf32, #tpu.memory_space<vmem_shared>> -> memref<10240x16xf32, #tpu.memory_space<vmem_shared>>
    tpu.enqueue_indirect_dma source(%dma_start3A_176 : memref<10240x16xf32, #tpu.memory_space<vmem_shared>>) target(%dma_start3A_170 : memref<128x16xf32, #tpu.memory_space<vmem>>) offsets(%dma_start3A_173 : memref<128xi32, #tpu.memory_space<vmem>>) semaphore(%arg19 : memref<!tpu.dma_semaphore, #tpu.memory_space<semaphore_mem>>)
    %dma_start3A_177 = arith.constant 7 : i32
    %dma_start3A_178 = arith.constant 0 : i32
    %dma_start3A_179 = arith.constant 7 : i32
    %dma_start3A_180 = arith.constant 0 : i32
    %dma_start3A_181 = arith.constant 0 : i32
    %dma_start3A_182 = tpu.memref_slice %arg11[%dma_start3A_178, %dma_start3A_179, %dma_start3A_180, %dma_start3A_181] : memref<2x8x128x16xf32, #tpu.memory_space<vmem>> -> memref<1x1x128x16xf32, #tpu.memory_space<vmem>>
    %dma_start3A_183 = tpu.memref_squeeze %dma_start3A_182 : memref<1x1x128x16xf32, #tpu.memory_space<vmem>> -> memref<128x16xf32, #tpu.memory_space<vmem>>
    %dma_start3A_184 = arith.constant 0 : i32
    %dma_start3A_185 = tpu.memref_slice %arg9[%dma_start3A_177, %dma_start3A_184] : memref<80x128xi32, #tpu.memory_space<vmem>> -> memref<1x128xi32, #tpu.memory_space<vmem>>
    %dma_start3A_186 = tpu.memref_squeeze %dma_start3A_185 : memref<1x128xi32, #tpu.memory_space<vmem>> -> memref<128xi32, #tpu.memory_space<vmem>>
    %dma_start3A_187 = arith.constant 0 : i32
    %dma_start3A_188 = arith.constant 0 : i32
    %dma_start3A_189 = tpu.memref_slice %arg16[%dma_start3A_187, %dma_start3A_188] : memref<10240x16xf32, #tpu.memory_space<vmem_shared>> -> memref<10240x16xf32, #tpu.memory_space<vmem_shared>>
    tpu.enqueue_indirect_dma source(%dma_start3A_189 : memref<10240x16xf32, #tpu.memory_space<vmem_shared>>) target(%dma_start3A_183 : memref<128x16xf32, #tpu.memory_space<vmem>>) offsets(%dma_start3A_186 : memref<128xi32, #tpu.memory_space<vmem>>) semaphore(%arg19 : memref<!tpu.dma_semaphore, #tpu.memory_space<semaphore_mem>>)
    %scan3A_190 = arith.constant 0 : i32
    %scan3A_191 = arith.constant 0 : i32
    %scan3A_192 = arith.constant 10 : i32
    %scan3A_193 = arith.addi %scan3A_191, %scan3A_192 : i32
    %scan3A_194 = arith.constant 1 : i32
    scf.for %scan3A_197 = %scan3A_191 to %scan3A_193 step %scan3A_194  : i32 {
      %rem3A = arith.constant 2 : i32
      %rem3A_198 = arith.remsi %scan3A_197, %rem3A : i32
      %mul3A_199 = arith.constant 8 : i32
      %mul3A_200 = arith.muli %scan3A_197, %mul3A_199 : i32
      %add3A_201 = arith.constant 0 : i32
      %add3A_202 = arith.addi %mul3A_200, %add3A_201 : i32
      %dma_wait3A_203 = arith.constant 0 : i32
      %dma_wait3A_204 = arith.constant 0 : i32
      %dma_wait3A_205 = arith.constant 0 : i32
      %dma_wait3A_206 = tpu.memref_slice %arg11[%rem3A_198, %dma_wait3A_203, %dma_wait3A_204, %dma_wait3A_205] : memref<2x8x128x16xf32, #tpu.memory_space<vmem>> -> memref<1x1x128x16xf32, #tpu.memory_space<vmem>>
      %dma_wait3A_207 = tpu.memref_squeeze %dma_wait3A_206 : memref<1x1x128x16xf32, #tpu.memory_space<vmem>> -> memref<128x16xf32, #tpu.memory_space<vmem>>
      %dma_wait3A_208 = arith.constant 0 : i32
      %dma_wait3A_209 = tpu.memref_slice %arg9[%add3A_202, %dma_wait3A_208] : memref<80x128xi32, #tpu.memory_space<vmem>> -> memref<1x128xi32, #tpu.memory_space<vmem>>
      %dma_wait3A_210 = tpu.memref_squeeze %dma_wait3A_209 : memref<1x128xi32, #tpu.memory_space<vmem>> -> memref<128xi32, #tpu.memory_space<vmem>>
      %dma_wait3A_211 = arith.constant 0 : i32
      %dma_wait3A_212 = arith.constant 0 : i32
      %dma_wait3A_213 = tpu.memref_slice %arg16[%dma_wait3A_211, %dma_wait3A_212] : memref<10240x16xf32, #tpu.memory_space<vmem_shared>> -> memref<10240x16xf32, #tpu.memory_space<vmem_shared>>
      tpu.wait_indirect_dma semaphore(%arg19 : memref<!tpu.dma_semaphore, #tpu.memory_space<semaphore_mem>>) src(%dma_wait3A_213 : memref<10240x16xf32, #tpu.memory_space<vmem_shared>>) dst(%dma_wait3A_207 : memref<128x16xf32, #tpu.memory_space<vmem>>)
      %mul3A_214 = arith.constant 8 : i32
      %mul3A_215 = arith.muli %scan3A_197, %mul3A_214 : i32
      %add3A_216 = arith.constant 1 : i32
      %add3A_217 = arith.addi %mul3A_215, %add3A_216 : i32
      %dma_wait3A_218 = arith.constant 1 : i32
      %dma_wait3A_219 = arith.constant 0 : i32
      %dma_wait3A_220 = arith.constant 0 : i32
      %dma_wait3A_221 = tpu.memref_slice %arg11[%rem3A_198, %dma_wait3A_218, %dma_wait3A_219, %dma_wait3A_220] : memref<2x8x128x16xf32, #tpu.memory_space<vmem>> -> memref<1x1x128x16xf32, #tpu.memory_space<vmem>>
      %dma_wait3A_222 = tpu.memref_squeeze %dma_wait3A_221 : memref<1x1x128x16xf32, #tpu.memory_space<vmem>> -> memref<128x16xf32, #tpu.memory_space<vmem>>
      %dma_wait3A_223 = arith.constant 0 : i32
      %dma_wait3A_224 = tpu.memref_slice %arg9[%add3A_217, %dma_wait3A_223] : memref<80x128xi32, #tpu.memory_space<vmem>> -> memref<1x128xi32, #tpu.memory_space<vmem>>
      %dma_wait3A_225 = tpu.memref_squeeze %dma_wait3A_224 : memref<1x128xi32, #tpu.memory_space<vmem>> -> memref<128xi32, #tpu.memory_space<vmem>>
      %dma_wait3A_226 = arith.constant 0 : i32
      %dma_wait3A_227 = arith.constant 0 : i32
      %dma_wait3A_228 = tpu.memref_slice %arg16[%dma_wait3A_226, %dma_wait3A_227] : memref<10240x16xf32, #tpu.memory_space<vmem_shared>> -> memref<10240x16xf32, #tpu.memory_space<vmem_shared>>
      tpu.wait_indirect_dma semaphore(%arg19 : memref<!tpu.dma_semaphore, #tpu.memory_space<semaphore_mem>>) src(%dma_wait3A_228 : memref<10240x16xf32, #tpu.memory_space<vmem_shared>>) dst(%dma_wait3A_222 : memref<128x16xf32, #tpu.memory_space<vmem>>)
      %mul3A_229 = arith.constant 8 : i32
      %mul3A_230 = arith.muli %scan3A_197, %mul3A_229 : i32
      %add3A_231 = arith.constant 2 : i32
      %add3A_232 = arith.addi %mul3A_230, %add3A_231 : i32
      %dma_wait3A_233 = arith.constant 2 : i32
      %dma_wait3A_234 = arith.constant 0 : i32
      %dma_wait3A_235 = arith.constant 0 : i32
      %dma_wait3A_236 = tpu.memref_slice %arg11[%rem3A_198, %dma_wait3A_233, %dma_wait3A_234, %dma_wait3A_235] : memref<2x8x128x16xf32, #tpu.memory_space<vmem>> -> memref<1x1x128x16xf32, #tpu.memory_space<vmem>>
      %dma_wait3A_237 = tpu.memref_squeeze %dma_wait3A_236 : memref<1x1x128x16xf32, #tpu.memory_space<vmem>> -> memref<128x16xf32, #tpu.memory_space<vmem>>
      %dma_wait3A_238 = arith.constant 0 : i32
      %dma_wait3A_239 = tpu.memref_slice %arg9[%add3A_232, %dma_wait3A_238] : memref<80x128xi32, #tpu.memory_space<vmem>> -> memref<1x128xi32, #tpu.memory_space<vmem>>
      %dma_wait3A_240 = tpu.memref_squeeze %dma_wait3A_239 : memref<1x128xi32, #tpu.memory_space<vmem>> -> memref<128xi32, #tpu.memory_space<vmem>>
      %dma_wait3A_241 = arith.constant 0 : i32
      %dma_wait3A_242 = arith.constant 0 : i32
      %dma_wait3A_243 = tpu.memref_slice %arg16[%dma_wait3A_241, %dma_wait3A_242] : memref<10240x16xf32, #tpu.memory_space<vmem_shared>> -> memref<10240x16xf32, #tpu.memory_space<vmem_shared>>
      tpu.wait_indirect_dma semaphore(%arg19 : memref<!tpu.dma_semaphore, #tpu.memory_space<semaphore_mem>>) src(%dma_wait3A_243 : memref<10240x16xf32, #tpu.memory_space<vmem_shared>>) dst(%dma_wait3A_237 : memref<128x16xf32, #tpu.memory_space<vmem>>)
      %mul3A_244 = arith.constant 8 : i32
      %mul3A_245 = arith.muli %scan3A_197, %mul3A_244 : i32
      %add3A_246 = arith.constant 3 : i32
      %add3A_247 = arith.addi %mul3A_245, %add3A_246 : i32
      %dma_wait3A_248 = arith.constant 3 : i32
      %dma_wait3A_249 = arith.constant 0 : i32
      %dma_wait3A_250 = arith.constant 0 : i32
      %dma_wait3A_251 = tpu.memref_slice %arg11[%rem3A_198, %dma_wait3A_248, %dma_wait3A_249, %dma_wait3A_250] : memref<2x8x128x16xf32, #tpu.memory_space<vmem>> -> memref<1x1x128x16xf32, #tpu.memory_space<vmem>>
      %dma_wait3A_252 = tpu.memref_squeeze %dma_wait3A_251 : memref<1x1x128x16xf32, #tpu.memory_space<vmem>> -> memref<128x16xf32, #tpu.memory_space<vmem>>
      %dma_wait3A_253 = arith.constant 0 : i32
      %dma_wait3A_254 = tpu.memref_slice %arg9[%add3A_247, %dma_wait3A_253] : memref<80x128xi32, #tpu.memory_space<vmem>> -> memref<1x128xi32, #tpu.memory_space<vmem>>
      %dma_wait3A_255 = tpu.memref_squeeze %dma_wait3A_254 : memref<1x128xi32, #tpu.memory_space<vmem>> -> memref<128xi32, #tpu.memory_space<vmem>>
      %dma_wait3A_256 = arith.constant 0 : i32
      %dma_wait3A_257 = arith.constant 0 : i32
      %dma_wait3A_258 = tpu.memref_slice %arg16[%dma_wait3A_256, %dma_wait3A_257] : memref<10240x16xf32, #tpu.memory_space<vmem_shared>> -> memref<10240x16xf32, #tpu.memory_space<vmem_shared>>
      tpu.wait_indirect_dma semaphore(%arg19 : memref<!tpu.dma_semaphore, #tpu.memory_space<semaphore_mem>>) src(%dma_wait3A_258 : memref<10240x16xf32, #tpu.memory_space<vmem_shared>>) dst(%dma_wait3A_252 : memref<128x16xf32, #tpu.memory_space<vmem>>)
      %mul3A_259 = arith.constant 8 : i32
      %mul3A_260 = arith.muli %scan3A_197, %mul3A_259 : i32
      %add3A_261 = arith.constant 4 : i32
      %add3A_262 = arith.addi %mul3A_260, %add3A_261 : i32
      %dma_wait3A_263 = arith.constant 4 : i32
      %dma_wait3A_264 = arith.constant 0 : i32
      %dma_wait3A_265 = arith.constant 0 : i32
      %dma_wait3A_266 = tpu.memref_slice %arg11[%rem3A_198, %dma_wait3A_263, %dma_wait3A_264, %dma_wait3A_265] : memref<2x8x128x16xf32, #tpu.memory_space<vmem>> -> memref<1x1x128x16xf32, #tpu.memory_space<vmem>>
      %dma_wait3A_267 = tpu.memref_squeeze %dma_wait3A_266 : memref<1x1x128x16xf32, #tpu.memory_space<vmem>> -> memref<128x16xf32, #tpu.memory_space<vmem>>
      %dma_wait3A_268 = arith.constant 0 : i32
      %dma_wait3A_269 = tpu.memref_slice %arg9[%add3A_262, %dma_wait3A_268] : memref<80x128xi32, #tpu.memory_space<vmem>> -> memref<1x128xi32, #tpu.memory_space<vmem>>
      %dma_wait3A_270 = tpu.memref_squeeze %dma_wait3A_269 : memref<1x128xi32, #tpu.memory_space<vmem>> -> memref<128xi32, #tpu.memory_space<vmem>>
      %dma_wait3A_271 = arith.constant 0 : i32
      %dma_wait3A_272 = arith.constant 0 : i32
      %dma_wait3A_273 = tpu.memref_slice %arg16[%dma_wait3A_271, %dma_wait3A_272] : memref<10240x16xf32, #tpu.memory_space<vmem_shared>> -> memref<10240x16xf32, #tpu.memory_space<vmem_shared>>
      tpu.wait_indirect_dma semaphore(%arg19 : memref<!tpu.dma_semaphore, #tpu.memory_space<semaphore_mem>>) src(%dma_wait3A_273 : memref<10240x16xf32, #tpu.memory_space<vmem_shared>>) dst(%dma_wait3A_267 : memref<128x16xf32, #tpu.memory_space<vmem>>)
      %mul3A_274 = arith.constant 8 : i32
      %mul3A_275 = arith.muli %scan3A_197, %mul3A_274 : i32
      %add3A_276 = arith.constant 5 : i32
      %add3A_277 = arith.addi %mul3A_275, %add3A_276 : i32
      %dma_wait3A_278 = arith.constant 5 : i32
      %dma_wait3A_279 = arith.constant 0 : i32
      %dma_wait3A_280 = arith.constant 0 : i32
      %dma_wait3A_281 = tpu.memref_slice %arg11[%rem3A_198, %dma_wait3A_278, %dma_wait3A_279, %dma_wait3A_280] : memref<2x8x128x16xf32, #tpu.memory_space<vmem>> -> memref<1x1x128x16xf32, #tpu.memory_space<vmem>>
      %dma_wait3A_282 = tpu.memref_squeeze %dma_wait3A_281 : memref<1x1x128x16xf32, #tpu.memory_space<vmem>> -> memref<128x16xf32, #tpu.memory_space<vmem>>
      %dma_wait3A_283 = arith.constant 0 : i32
      %dma_wait3A_284 = tpu.memref_slice %arg9[%add3A_277, %dma_wait3A_283] : memref<80x128xi32, #tpu.memory_space<vmem>> -> memref<1x128xi32, #tpu.memory_space<vmem>>
      %dma_wait3A_285 = tpu.memref_squeeze %dma_wait3A_284 : memref<1x128xi32, #tpu.memory_space<vmem>> -> memref<128xi32, #tpu.memory_space<vmem>>
      %dma_wait3A_286 = arith.constant 0 : i32
      %dma_wait3A_287 = arith.constant 0 : i32
      %dma_wait3A_288 = tpu.memref_slice %arg16[%dma_wait3A_286, %dma_wait3A_287] : memref<10240x16xf32, #tpu.memory_space<vmem_shared>> -> memref<10240x16xf32, #tpu.memory_space<vmem_shared>>
      tpu.wait_indirect_dma semaphore(%arg19 : memref<!tpu.dma_semaphore, #tpu.memory_space<semaphore_mem>>) src(%dma_wait3A_288 : memref<10240x16xf32, #tpu.memory_space<vmem_shared>>) dst(%dma_wait3A_282 : memref<128x16xf32, #tpu.memory_space<vmem>>)
      %mul3A_289 = arith.constant 8 : i32
      %mul3A_290 = arith.muli %scan3A_197, %mul3A_289 : i32
      %add3A_291 = arith.constant 6 : i32
      %add3A_292 = arith.addi %mul3A_290, %add3A_291 : i32
      %dma_wait3A_293 = arith.constant 6 : i32
      %dma_wait3A_294 = arith.constant 0 : i32
      %dma_wait3A_295 = arith.constant 0 : i32
      %dma_wait3A_296 = tpu.memref_slice %arg11[%rem3A_198, %dma_wait3A_293, %dma_wait3A_294, %dma_wait3A_295] : memref<2x8x128x16xf32, #tpu.memory_space<vmem>> -> memref<1x1x128x16xf32, #tpu.memory_space<vmem>>
      %dma_wait3A_297 = tpu.memref_squeeze %dma_wait3A_296 : memref<1x1x128x16xf32, #tpu.memory_space<vmem>> -> memref<128x16xf32, #tpu.memory_space<vmem>>
      %dma_wait3A_298 = arith.constant 0 : i32
      %dma_wait3A_299 = tpu.memref_slice %arg9[%add3A_292, %dma_wait3A_298] : memref<80x128xi32, #tpu.memory_space<vmem>> -> memref<1x128xi32, #tpu.memory_space<vmem>>
      %dma_wait3A_300 = tpu.memref_squeeze %dma_wait3A_299 : memref<1x128xi32, #tpu.memory_space<vmem>> -> memref<128xi32, #tpu.memory_space<vmem>>
      %dma_wait3A_301 = arith.constant 0 : i32
      %dma_wait3A_302 = arith.constant 0 : i32
      %dma_wait3A_303 = tpu.memref_slice %arg16[%dma_wait3A_301, %dma_wait3A_302] : memref<10240x16xf32, #tpu.memory_space<vmem_shared>> -> memref<10240x16xf32, #tpu.memory_space<vmem_shared>>
      tpu.wait_indirect_dma semaphore(%arg19 : memref<!tpu.dma_semaphore, #tpu.memory_space<semaphore_mem>>) src(%dma_wait3A_303 : memref<10240x16xf32, #tpu.memory_space<vmem_shared>>) dst(%dma_wait3A_297 : memref<128x16xf32, #tpu.memory_space<vmem>>)
      %mul3A_304 = arith.constant 8 : i32
      %mul3A_305 = arith.muli %scan3A_197, %mul3A_304 : i32
      %add3A_306 = arith.constant 7 : i32
      %add3A_307 = arith.addi %mul3A_305, %add3A_306 : i32
      %dma_wait3A_308 = arith.constant 7 : i32
      %dma_wait3A_309 = arith.constant 0 : i32
      %dma_wait3A_310 = arith.constant 0 : i32
      %dma_wait3A_311 = tpu.memref_slice %arg11[%rem3A_198, %dma_wait3A_308, %dma_wait3A_309, %dma_wait3A_310] : memref<2x8x128x16xf32, #tpu.memory_space<vmem>> -> memref<1x1x128x16xf32, #tpu.memory_space<vmem>>
      %dma_wait3A_312 = tpu.memref_squeeze %dma_wait3A_311 : memref<1x1x128x16xf32, #tpu.memory_space<vmem>> -> memref<128x16xf32, #tpu.memory_space<vmem>>
      %dma_wait3A_313 = arith.constant 0 : i32
      %dma_wait3A_314 = tpu.memref_slice %arg9[%add3A_307, %dma_wait3A_313] : memref<80x128xi32, #tpu.memory_space<vmem>> -> memref<1x128xi32, #tpu.memory_space<vmem>>
      %dma_wait3A_315 = tpu.memref_squeeze %dma_wait3A_314 : memref<1x128xi32, #tpu.memory_space<vmem>> -> memref<128xi32, #tpu.memory_space<vmem>>
      %dma_wait3A_316 = arith.constant 0 : i32
      %dma_wait3A_317 = arith.constant 0 : i32
      %dma_wait3A_318 = tpu.memref_slice %arg16[%dma_wait3A_316, %dma_wait3A_317] : memref<10240x16xf32, #tpu.memory_space<vmem_shared>> -> memref<10240x16xf32, #tpu.memory_space<vmem_shared>>
      tpu.wait_indirect_dma semaphore(%arg19 : memref<!tpu.dma_semaphore, #tpu.memory_space<semaphore_mem>>) src(%dma_wait3A_318 : memref<10240x16xf32, #tpu.memory_space<vmem_shared>>) dst(%dma_wait3A_312 : memref<128x16xf32, #tpu.memory_space<vmem>>)
      %add3A_319 = arith.constant 1 : i32
      %add3A_320 = arith.addi %scan3A_197, %add3A_319 : i32
      %lt3A = arith.constant 10 : i32
      %lt3A_321 = arith.cmpi slt, %add3A_320, %lt3A : i32
      %convert_element_type3A_322 = arith.extui %lt3A_321 : i1 to i32
      %cond3A_323 = arith.constant 0 : i32
      %cond3A_324 = arith.cmpi ne, %convert_element_type3A_322, %cond3A_323 : i32
      scf.if %cond3A_324 {
        %add3A_565 = arith.constant 1 : i32
        %add3A_566 = arith.addi %scan3A_197, %add3A_565 : i32
        %sub3A = arith.constant 1 : i32
        %sub3A_567 = arith.subi %sub3A, %rem3A_198 : i32
        %mul3A_568 = arith.constant 8 : i32
        %mul3A_569 = arith.muli %add3A_566, %mul3A_568 : i32
        %add3A_570 = arith.constant 0 : i32
        %add3A_571 = arith.addi %mul3A_569, %add3A_570 : i32
        %dma_start3A_572 = arith.constant 0 : i32
        %dma_start3A_573 = arith.constant 0 : i32
        %dma_start3A_574 = arith.constant 0 : i32
        %dma_start3A_575 = tpu.memref_slice %arg11[%sub3A_567, %dma_start3A_572, %dma_start3A_573, %dma_start3A_574] : memref<2x8x128x16xf32, #tpu.memory_space<vmem>> -> memref<1x1x128x16xf32, #tpu.memory_space<vmem>>
        %dma_start3A_576 = tpu.memref_squeeze %dma_start3A_575 : memref<1x1x128x16xf32, #tpu.memory_space<vmem>> -> memref<128x16xf32, #tpu.memory_space<vmem>>
        %dma_start3A_577 = arith.constant 0 : i32
        %dma_start3A_578 = tpu.memref_slice %arg9[%add3A_571, %dma_start3A_577] : memref<80x128xi32, #tpu.memory_space<vmem>> -> memref<1x128xi32, #tpu.memory_space<vmem>>
        %dma_start3A_579 = tpu.memref_squeeze %dma_start3A_578 : memref<1x128xi32, #tpu.memory_space<vmem>> -> memref<128xi32, #tpu.memory_space<vmem>>
        %dma_start3A_580 = arith.constant 0 : i32
        %dma_start3A_581 = arith.constant 0 : i32
        %dma_start3A_582 = tpu.memref_slice %arg16[%dma_start3A_580, %dma_start3A_581] : memref<10240x16xf32, #tpu.memory_space<vmem_shared>> -> memref<10240x16xf32, #tpu.memory_space<vmem_shared>>
        tpu.enqueue_indirect_dma source(%dma_start3A_582 : memref<10240x16xf32, #tpu.memory_space<vmem_shared>>) target(%dma_start3A_576 : memref<128x16xf32, #tpu.memory_space<vmem>>) offsets(%dma_start3A_579 : memref<128xi32, #tpu.memory_space<vmem>>) semaphore(%arg19 : memref<!tpu.dma_semaphore, #tpu.memory_space<semaphore_mem>>)
        %mul3A_583 = arith.constant 8 : i32
        %mul3A_584 = arith.muli %add3A_566, %mul3A_583 : i32
        %add3A_585 = arith.constant 1 : i32
        %add3A_586 = arith.addi %mul3A_584, %add3A_585 : i32
        %dma_start3A_587 = arith.constant 1 : i32
        %dma_start3A_588 = arith.constant 0 : i32
        %dma_start3A_589 = arith.constant 0 : i32
        %dma_start3A_590 = tpu.memref_slice %arg11[%sub3A_567, %dma_start3A_587, %dma_start3A_588, %dma_start3A_589] : memref<2x8x128x16xf32, #tpu.memory_space<vmem>> -> memref<1x1x128x16xf32, #tpu.memory_space<vmem>>
        %dma_start3A_591 = tpu.memref_squeeze %dma_start3A_590 : memref<1x1x128x16xf32, #tpu.memory_space<vmem>> -> memref<128x16xf32, #tpu.memory_space<vmem>>
        %dma_start3A_592 = arith.constant 0 : i32
        %dma_start3A_593 = tpu.memref_slice %arg9[%add3A_586, %dma_start3A_592] : memref<80x128xi32, #tpu.memory_space<vmem>> -> memref<1x128xi32, #tpu.memory_space<vmem>>
        %dma_start3A_594 = tpu.memref_squeeze %dma_start3A_593 : memref<1x128xi32, #tpu.memory_space<vmem>> -> memref<128xi32, #tpu.memory_space<vmem>>
        %dma_start3A_595 = arith.constant 0 : i32
        %dma_start3A_596 = arith.constant 0 : i32
        %dma_start3A_597 = tpu.memref_slice %arg16[%dma_start3A_595, %dma_start3A_596] : memref<10240x16xf32, #tpu.memory_space<vmem_shared>> -> memref<10240x16xf32, #tpu.memory_space<vmem_shared>>
        tpu.enqueue_indirect_dma source(%dma_start3A_597 : memref<10240x16xf32, #tpu.memory_space<vmem_shared>>) target(%dma_start3A_591 : memref<128x16xf32, #tpu.memory_space<vmem>>) offsets(%dma_start3A_594 : memref<128xi32, #tpu.memory_space<vmem>>) semaphore(%arg19 : memref<!tpu.dma_semaphore, #tpu.memory_space<semaphore_mem>>)
        %mul3A_598 = arith.constant 8 : i32
        %mul3A_599 = arith.muli %add3A_566, %mul3A_598 : i32
        %add3A_600 = arith.constant 2 : i32
        %add3A_601 = arith.addi %mul3A_599, %add3A_600 : i32
        %dma_start3A_602 = arith.constant 2 : i32
        %dma_start3A_603 = arith.constant 0 : i32
        %dma_start3A_604 = arith.constant 0 : i32
        %dma_start3A_605 = tpu.memref_slice %arg11[%sub3A_567, %dma_start3A_602, %dma_start3A_603, %dma_start3A_604] : memref<2x8x128x16xf32, #tpu.memory_space<vmem>> -> memref<1x1x128x16xf32, #tpu.memory_space<vmem>>
        %dma_start3A_606 = tpu.memref_squeeze %dma_start3A_605 : memref<1x1x128x16xf32, #tpu.memory_space<vmem>> -> memref<128x16xf32, #tpu.memory_space<vmem>>
        %dma_start3A_607 = arith.constant 0 : i32
        %dma_start3A_608 = tpu.memref_slice %arg9[%add3A_601, %dma_start3A_607] : memref<80x128xi32, #tpu.memory_space<vmem>> -> memref<1x128xi32, #tpu.memory_space<vmem>>
        %dma_start3A_609 = tpu.memref_squeeze %dma_start3A_608 : memref<1x128xi32, #tpu.memory_space<vmem>> -> memref<128xi32, #tpu.memory_space<vmem>>
        %dma_start3A_610 = arith.constant 0 : i32
        %dma_start3A_611 = arith.constant 0 : i32
        %dma_start3A_612 = tpu.memref_slice %arg16[%dma_start3A_610, %dma_start3A_611] : memref<10240x16xf32, #tpu.memory_space<vmem_shared>> -> memref<10240x16xf32, #tpu.memory_space<vmem_shared>>
        tpu.enqueue_indirect_dma source(%dma_start3A_612 : memref<10240x16xf32, #tpu.memory_space<vmem_shared>>) target(%dma_start3A_606 : memref<128x16xf32, #tpu.memory_space<vmem>>) offsets(%dma_start3A_609 : memref<128xi32, #tpu.memory_space<vmem>>) semaphore(%arg19 : memref<!tpu.dma_semaphore, #tpu.memory_space<semaphore_mem>>)
        %mul3A_613 = arith.constant 8 : i32
        %mul3A_614 = arith.muli %add3A_566, %mul3A_613 : i32
        %add3A_615 = arith.constant 3 : i32
        %add3A_616 = arith.addi %mul3A_614, %add3A_615 : i32
        %dma_start3A_617 = arith.constant 3 : i32
        %dma_start3A_618 = arith.constant 0 : i32
        %dma_start3A_619 = arith.constant 0 : i32
        %dma_start3A_620 = tpu.memref_slice %arg11[%sub3A_567, %dma_start3A_617, %dma_start3A_618, %dma_start3A_619] : memref<2x8x128x16xf32, #tpu.memory_space<vmem>> -> memref<1x1x128x16xf32, #tpu.memory_space<vmem>>
        %dma_start3A_621 = tpu.memref_squeeze %dma_start3A_620 : memref<1x1x128x16xf32, #tpu.memory_space<vmem>> -> memref<128x16xf32, #tpu.memory_space<vmem>>
        %dma_start3A_622 = arith.constant 0 : i32
        %dma_start3A_623 = tpu.memref_slice %arg9[%add3A_616, %dma_start3A_622] : memref<80x128xi32, #tpu.memory_space<vmem>> -> memref<1x128xi32, #tpu.memory_space<vmem>>
        %dma_start3A_624 = tpu.memref_squeeze %dma_start3A_623 : memref<1x128xi32, #tpu.memory_space<vmem>> -> memref<128xi32, #tpu.memory_space<vmem>>
        %dma_start3A_625 = arith.constant 0 : i32
        %dma_start3A_626 = arith.constant 0 : i32
        %dma_start3A_627 = tpu.memref_slice %arg16[%dma_start3A_625, %dma_start3A_626] : memref<10240x16xf32, #tpu.memory_space<vmem_shared>> -> memref<10240x16xf32, #tpu.memory_space<vmem_shared>>
        tpu.enqueue_indirect_dma source(%dma_start3A_627 : memref<10240x16xf32, #tpu.memory_space<vmem_shared>>) target(%dma_start3A_621 : memref<128x16xf32, #tpu.memory_space<vmem>>) offsets(%dma_start3A_624 : memref<128xi32, #tpu.memory_space<vmem>>) semaphore(%arg19 : memref<!tpu.dma_semaphore, #tpu.memory_space<semaphore_mem>>)
        %mul3A_628 = arith.constant 8 : i32
        %mul3A_629 = arith.muli %add3A_566, %mul3A_628 : i32
        %add3A_630 = arith.constant 4 : i32
        %add3A_631 = arith.addi %mul3A_629, %add3A_630 : i32
        %dma_start3A_632 = arith.constant 4 : i32
        %dma_start3A_633 = arith.constant 0 : i32
        %dma_start3A_634 = arith.constant 0 : i32
        %dma_start3A_635 = tpu.memref_slice %arg11[%sub3A_567, %dma_start3A_632, %dma_start3A_633, %dma_start3A_634] : memref<2x8x128x16xf32, #tpu.memory_space<vmem>> -> memref<1x1x128x16xf32, #tpu.memory_space<vmem>>
        %dma_start3A_636 = tpu.memref_squeeze %dma_start3A_635 : memref<1x1x128x16xf32, #tpu.memory_space<vmem>> -> memref<128x16xf32, #tpu.memory_space<vmem>>
        %dma_start3A_637 = arith.constant 0 : i32
        %dma_start3A_638 = tpu.memref_slice %arg9[%add3A_631, %dma_start3A_637] : memref<80x128xi32, #tpu.memory_space<vmem>> -> memref<1x128xi32, #tpu.memory_space<vmem>>
        %dma_start3A_639 = tpu.memref_squeeze %dma_start3A_638 : memref<1x128xi32, #tpu.memory_space<vmem>> -> memref<128xi32, #tpu.memory_space<vmem>>
        %dma_start3A_640 = arith.constant 0 : i32
        %dma_start3A_641 = arith.constant 0 : i32
        %dma_start3A_642 = tpu.memref_slice %arg16[%dma_start3A_640, %dma_start3A_641] : memref<10240x16xf32, #tpu.memory_space<vmem_shared>> -> memref<10240x16xf32, #tpu.memory_space<vmem_shared>>
        tpu.enqueue_indirect_dma source(%dma_start3A_642 : memref<10240x16xf32, #tpu.memory_space<vmem_shared>>) target(%dma_start3A_636 : memref<128x16xf32, #tpu.memory_space<vmem>>) offsets(%dma_start3A_639 : memref<128xi32, #tpu.memory_space<vmem>>) semaphore(%arg19 : memref<!tpu.dma_semaphore, #tpu.memory_space<semaphore_mem>>)
        %mul3A_643 = arith.constant 8 : i32
        %mul3A_644 = arith.muli %add3A_566, %mul3A_643 : i32
        %add3A_645 = arith.constant 5 : i32
        %add3A_646 = arith.addi %mul3A_644, %add3A_645 : i32
        %dma_start3A_647 = arith.constant 5 : i32
        %dma_start3A_648 = arith.constant 0 : i32
        %dma_start3A_649 = arith.constant 0 : i32
        %dma_start3A_650 = tpu.memref_slice %arg11[%sub3A_567, %dma_start3A_647, %dma_start3A_648, %dma_start3A_649] : memref<2x8x128x16xf32, #tpu.memory_space<vmem>> -> memref<1x1x128x16xf32, #tpu.memory_space<vmem>>
        %dma_start3A_651 = tpu.memref_squeeze %dma_start3A_650 : memref<1x1x128x16xf32, #tpu.memory_space<vmem>> -> memref<128x16xf32, #tpu.memory_space<vmem>>
        %dma_start3A_652 = arith.constant 0 : i32
        %dma_start3A_653 = tpu.memref_slice %arg9[%add3A_646, %dma_start3A_652] : memref<80x128xi32, #tpu.memory_space<vmem>> -> memref<1x128xi32, #tpu.memory_space<vmem>>
        %dma_start3A_654 = tpu.memref_squeeze %dma_start3A_653 : memref<1x128xi32, #tpu.memory_space<vmem>> -> memref<128xi32, #tpu.memory_space<vmem>>
        %dma_start3A_655 = arith.constant 0 : i32
        %dma_start3A_656 = arith.constant 0 : i32
        %dma_start3A_657 = tpu.memref_slice %arg16[%dma_start3A_655, %dma_start3A_656] : memref<10240x16xf32, #tpu.memory_space<vmem_shared>> -> memref<10240x16xf32, #tpu.memory_space<vmem_shared>>
        tpu.enqueue_indirect_dma source(%dma_start3A_657 : memref<10240x16xf32, #tpu.memory_space<vmem_shared>>) target(%dma_start3A_651 : memref<128x16xf32, #tpu.memory_space<vmem>>) offsets(%dma_start3A_654 : memref<128xi32, #tpu.memory_space<vmem>>) semaphore(%arg19 : memref<!tpu.dma_semaphore, #tpu.memory_space<semaphore_mem>>)
        %mul3A_658 = arith.constant 8 : i32
        %mul3A_659 = arith.muli %add3A_566, %mul3A_658 : i32
        %add3A_660 = arith.constant 6 : i32
        %add3A_661 = arith.addi %mul3A_659, %add3A_660 : i32
        %dma_start3A_662 = arith.constant 6 : i32
        %dma_start3A_663 = arith.constant 0 : i32
        %dma_start3A_664 = arith.constant 0 : i32
        %dma_start3A_665 = tpu.memref_slice %arg11[%sub3A_567, %dma_start3A_662, %dma_start3A_663, %dma_start3A_664] : memref<2x8x128x16xf32, #tpu.memory_space<vmem>> -> memref<1x1x128x16xf32, #tpu.memory_space<vmem>>
        %dma_start3A_666 = tpu.memref_squeeze %dma_start3A_665 : memref<1x1x128x16xf32, #tpu.memory_space<vmem>> -> memref<128x16xf32, #tpu.memory_space<vmem>>
        %dma_start3A_667 = arith.constant 0 : i32
        %dma_start3A_668 = tpu.memref_slice %arg9[%add3A_661, %dma_start3A_667] : memref<80x128xi32, #tpu.memory_space<vmem>> -> memref<1x128xi32, #tpu.memory_space<vmem>>
        %dma_start3A_669 = tpu.memref_squeeze %dma_start3A_668 : memref<1x128xi32, #tpu.memory_space<vmem>> -> memref<128xi32, #tpu.memory_space<vmem>>
        %dma_start3A_670 = arith.constant 0 : i32
        %dma_start3A_671 = arith.constant 0 : i32
        %dma_start3A_672 = tpu.memref_slice %arg16[%dma_start3A_670, %dma_start3A_671] : memref<10240x16xf32, #tpu.memory_space<vmem_shared>> -> memref<10240x16xf32, #tpu.memory_space<vmem_shared>>
        tpu.enqueue_indirect_dma source(%dma_start3A_672 : memref<10240x16xf32, #tpu.memory_space<vmem_shared>>) target(%dma_start3A_666 : memref<128x16xf32, #tpu.memory_space<vmem>>) offsets(%dma_start3A_669 : memref<128xi32, #tpu.memory_space<vmem>>) semaphore(%arg19 : memref<!tpu.dma_semaphore, #tpu.memory_space<semaphore_mem>>)
        %mul3A_673 = arith.constant 8 : i32
        %mul3A_674 = arith.muli %add3A_566, %mul3A_673 : i32
        %add3A_675 = arith.constant 7 : i32
        %add3A_676 = arith.addi %mul3A_674, %add3A_675 : i32
        %dma_start3A_677 = arith.constant 7 : i32
        %dma_start3A_678 = arith.constant 0 : i32
        %dma_start3A_679 = arith.constant 0 : i32
        %dma_start3A_680 = tpu.memref_slice %arg11[%sub3A_567, %dma_start3A_677, %dma_start3A_678, %dma_start3A_679] : memref<2x8x128x16xf32, #tpu.memory_space<vmem>> -> memref<1x1x128x16xf32, #tpu.memory_space<vmem>>
        %dma_start3A_681 = tpu.memref_squeeze %dma_start3A_680 : memref<1x1x128x16xf32, #tpu.memory_space<vmem>> -> memref<128x16xf32, #tpu.memory_space<vmem>>
        %dma_start3A_682 = arith.constant 0 : i32
        %dma_start3A_683 = tpu.memref_slice %arg9[%add3A_676, %dma_start3A_682] : memref<80x128xi32, #tpu.memory_space<vmem>> -> memref<1x128xi32, #tpu.memory_space<vmem>>
        %dma_start3A_684 = tpu.memref_squeeze %dma_start3A_683 : memref<1x128xi32, #tpu.memory_space<vmem>> -> memref<128xi32, #tpu.memory_space<vmem>>
        %dma_start3A_685 = arith.constant 0 : i32
        %dma_start3A_686 = arith.constant 0 : i32
        %dma_start3A_687 = tpu.memref_slice %arg16[%dma_start3A_685, %dma_start3A_686] : memref<10240x16xf32, #tpu.memory_space<vmem_shared>> -> memref<10240x16xf32, #tpu.memory_space<vmem_shared>>
        tpu.enqueue_indirect_dma source(%dma_start3A_687 : memref<10240x16xf32, #tpu.memory_space<vmem_shared>>) target(%dma_start3A_681 : memref<128x16xf32, #tpu.memory_space<vmem>>) offsets(%dma_start3A_684 : memref<128xi32, #tpu.memory_space<vmem>>) semaphore(%arg19 : memref<!tpu.dma_semaphore, #tpu.memory_space<semaphore_mem>>)
      } else {
      }
      %mul3A_325 = arith.constant 8 : i32
      %mul3A_326 = arith.muli %scan3A_197, %mul3A_325 : i32
      %add3A_327 = arith.constant 0 : i32
      %add3A_328 = arith.addi %mul3A_326, %add3A_327 : i32
      %dma_start3A_329 = arith.constant 0 : i32
      %dma_start3A_330 = arith.constant 0 : i32
      %dma_start3A_331 = arith.constant 0 : i32
      %dma_start3A_332 = tpu.memref_slice %arg11[%rem3A_198, %dma_start3A_329, %dma_start3A_330, %dma_start3A_331] : memref<2x8x128x16xf32, #tpu.memory_space<vmem>> -> memref<1x1x128x16xf32, #tpu.memory_space<vmem>>
      %dma_start3A_333 = tpu.memref_squeeze %dma_start3A_332 : memref<1x1x128x16xf32, #tpu.memory_space<vmem>> -> memref<128x16xf32, #tpu.memory_space<vmem>>
      %dma_start3A_334 = arith.constant 0 : i32
      %dma_start3A_335 = tpu.memref_slice %arg10[%add3A_328, %dma_start3A_334] : memref<80x128xi32, #tpu.memory_space<vmem>> -> memref<1x128xi32, #tpu.memory_space<vmem>>
      %dma_start3A_336 = tpu.memref_squeeze %dma_start3A_335 : memref<1x128xi32, #tpu.memory_space<vmem>> -> memref<128xi32, #tpu.memory_space<vmem>>
      %dma_start3A_337 = arith.constant 0 : i32
      %dma_start3A_338 = arith.constant 0 : i32
      %dma_start3A_339 = tpu.memref_slice %arg17[%dma_start3A_337, %dma_start3A_338] : memref<10240x16xf32, #tpu.memory_space<vmem_shared>> -> memref<10240x16xf32, #tpu.memory_space<vmem_shared>>
      tpu.enqueue_indirect_dma source(%dma_start3A_333 : memref<128x16xf32, #tpu.memory_space<vmem>>) target(%dma_start3A_339 : memref<10240x16xf32, #tpu.memory_space<vmem_shared>>) offsets(%dma_start3A_336 : memref<128xi32, #tpu.memory_space<vmem>>) semaphore(%arg20 : memref<!tpu.dma_semaphore, #tpu.memory_space<semaphore_mem>>) {add = true}
      %mul3A_340 = arith.constant 8 : i32
      %mul3A_341 = arith.muli %scan3A_197, %mul3A_340 : i32
      %add3A_342 = arith.constant 1 : i32
      %add3A_343 = arith.addi %mul3A_341, %add3A_342 : i32
      %dma_start3A_344 = arith.constant 1 : i32
      %dma_start3A_345 = arith.constant 0 : i32
      %dma_start3A_346 = arith.constant 0 : i32
      %dma_start3A_347 = tpu.memref_slice %arg11[%rem3A_198, %dma_start3A_344, %dma_start3A_345, %dma_start3A_346] : memref<2x8x128x16xf32, #tpu.memory_space<vmem>> -> memref<1x1x128x16xf32, #tpu.memory_space<vmem>>
      %dma_start3A_348 = tpu.memref_squeeze %dma_start3A_347 : memref<1x1x128x16xf32, #tpu.memory_space<vmem>> -> memref<128x16xf32, #tpu.memory_space<vmem>>
      %dma_start3A_349 = arith.constant 0 : i32
      %dma_start3A_350 = tpu.memref_slice %arg10[%add3A_343, %dma_start3A_349] : memref<80x128xi32, #tpu.memory_space<vmem>> -> memref<1x128xi32, #tpu.memory_space<vmem>>
      %dma_start3A_351 = tpu.memref_squeeze %dma_start3A_350 : memref<1x128xi32, #tpu.memory_space<vmem>> -> memref<128xi32, #tpu.memory_space<vmem>>
      %dma_start3A_352 = arith.constant 0 : i32
      %dma_start3A_353 = arith.constant 0 : i32
      %dma_start3A_354 = tpu.memref_slice %arg17[%dma_start3A_352, %dma_start3A_353] : memref<10240x16xf32, #tpu.memory_space<vmem_shared>> -> memref<10240x16xf32, #tpu.memory_space<vmem_shared>>
      tpu.enqueue_indirect_dma source(%dma_start3A_348 : memref<128x16xf32, #tpu.memory_space<vmem>>) target(%dma_start3A_354 : memref<10240x16xf32, #tpu.memory_space<vmem_shared>>) offsets(%dma_start3A_351 : memref<128xi32, #tpu.memory_space<vmem>>) semaphore(%arg20 : memref<!tpu.dma_semaphore, #tpu.memory_space<semaphore_mem>>) {add = true}
      %mul3A_355 = arith.constant 8 : i32
      %mul3A_356 = arith.muli %scan3A_197, %mul3A_355 : i32
      %add3A_357 = arith.constant 2 : i32
      %add3A_358 = arith.addi %mul3A_356, %add3A_357 : i32
      %dma_start3A_359 = arith.constant 2 : i32
      %dma_start3A_360 = arith.constant 0 : i32
      %dma_start3A_361 = arith.constant 0 : i32
      %dma_start3A_362 = tpu.memref_slice %arg11[%rem3A_198, %dma_start3A_359, %dma_start3A_360, %dma_start3A_361] : memref<2x8x128x16xf32, #tpu.memory_space<vmem>> -> memref<1x1x128x16xf32, #tpu.memory_space<vmem>>
      %dma_start3A_363 = tpu.memref_squeeze %dma_start3A_362 : memref<1x1x128x16xf32, #tpu.memory_space<vmem>> -> memref<128x16xf32, #tpu.memory_space<vmem>>
      %dma_start3A_364 = arith.constant 0 : i32
      %dma_start3A_365 = tpu.memref_slice %arg10[%add3A_358, %dma_start3A_364] : memref<80x128xi32, #tpu.memory_space<vmem>> -> memref<1x128xi32, #tpu.memory_space<vmem>>
      %dma_start3A_366 = tpu.memref_squeeze %dma_start3A_365 : memref<1x128xi32, #tpu.memory_space<vmem>> -> memref<128xi32, #tpu.memory_space<vmem>>
      %dma_start3A_367 = arith.constant 0 : i32
      %dma_start3A_368 = arith.constant 0 : i32
      %dma_start3A_369 = tpu.memref_slice %arg17[%dma_start3A_367, %dma_start3A_368] : memref<10240x16xf32, #tpu.memory_space<vmem_shared>> -> memref<10240x16xf32, #tpu.memory_space<vmem_shared>>
      tpu.enqueue_indirect_dma source(%dma_start3A_363 : memref<128x16xf32, #tpu.memory_space<vmem>>) target(%dma_start3A_369 : memref<10240x16xf32, #tpu.memory_space<vmem_shared>>) offsets(%dma_start3A_366 : memref<128xi32, #tpu.memory_space<vmem>>) semaphore(%arg20 : memref<!tpu.dma_semaphore, #tpu.memory_space<semaphore_mem>>) {add = true}
      %mul3A_370 = arith.constant 8 : i32
      %mul3A_371 = arith.muli %scan3A_197, %mul3A_370 : i32
      %add3A_372 = arith.constant 3 : i32
      %add3A_373 = arith.addi %mul3A_371, %add3A_372 : i32
      %dma_start3A_374 = arith.constant 3 : i32
      %dma_start3A_375 = arith.constant 0 : i32
      %dma_start3A_376 = arith.constant 0 : i32
      %dma_start3A_377 = tpu.memref_slice %arg11[%rem3A_198, %dma_start3A_374, %dma_start3A_375, %dma_start3A_376] : memref<2x8x128x16xf32, #tpu.memory_space<vmem>> -> memref<1x1x128x16xf32, #tpu.memory_space<vmem>>
      %dma_start3A_378 = tpu.memref_squeeze %dma_start3A_377 : memref<1x1x128x16xf32, #tpu.memory_space<vmem>> -> memref<128x16xf32, #tpu.memory_space<vmem>>
      %dma_start3A_379 = arith.constant 0 : i32
      %dma_start3A_380 = tpu.memref_slice %arg10[%add3A_373, %dma_start3A_379] : memref<80x128xi32, #tpu.memory_space<vmem>> -> memref<1x128xi32, #tpu.memory_space<vmem>>
      %dma_start3A_381 = tpu.memref_squeeze %dma_start3A_380 : memref<1x128xi32, #tpu.memory_space<vmem>> -> memref<128xi32, #tpu.memory_space<vmem>>
      %dma_start3A_382 = arith.constant 0 : i32
      %dma_start3A_383 = arith.constant 0 : i32
      %dma_start3A_384 = tpu.memref_slice %arg17[%dma_start3A_382, %dma_start3A_383] : memref<10240x16xf32, #tpu.memory_space<vmem_shared>> -> memref<10240x16xf32, #tpu.memory_space<vmem_shared>>
      tpu.enqueue_indirect_dma source(%dma_start3A_378 : memref<128x16xf32, #tpu.memory_space<vmem>>) target(%dma_start3A_384 : memref<10240x16xf32, #tpu.memory_space<vmem_shared>>) offsets(%dma_start3A_381 : memref<128xi32, #tpu.memory_space<vmem>>) semaphore(%arg20 : memref<!tpu.dma_semaphore, #tpu.memory_space<semaphore_mem>>) {add = true}
      %mul3A_385 = arith.constant 8 : i32
      %mul3A_386 = arith.muli %scan3A_197, %mul3A_385 : i32
      %add3A_387 = arith.constant 4 : i32
      %add3A_388 = arith.addi %mul3A_386, %add3A_387 : i32
      %dma_start3A_389 = arith.constant 4 : i32
      %dma_start3A_390 = arith.constant 0 : i32
      %dma_start3A_391 = arith.constant 0 : i32
      %dma_start3A_392 = tpu.memref_slice %arg11[%rem3A_198, %dma_start3A_389, %dma_start3A_390, %dma_start3A_391] : memref<2x8x128x16xf32, #tpu.memory_space<vmem>> -> memref<1x1x128x16xf32, #tpu.memory_space<vmem>>
      %dma_start3A_393 = tpu.memref_squeeze %dma_start3A_392 : memref<1x1x128x16xf32, #tpu.memory_space<vmem>> -> memref<128x16xf32, #tpu.memory_space<vmem>>
      %dma_start3A_394 = arith.constant 0 : i32
      %dma_start3A_395 = tpu.memref_slice %arg10[%add3A_388, %dma_start3A_394] : memref<80x128xi32, #tpu.memory_space<vmem>> -> memref<1x128xi32, #tpu.memory_space<vmem>>
      %dma_start3A_396 = tpu.memref_squeeze %dma_start3A_395 : memref<1x128xi32, #tpu.memory_space<vmem>> -> memref<128xi32, #tpu.memory_space<vmem>>
      %dma_start3A_397 = arith.constant 0 : i32
      %dma_start3A_398 = arith.constant 0 : i32
      %dma_start3A_399 = tpu.memref_slice %arg17[%dma_start3A_397, %dma_start3A_398] : memref<10240x16xf32, #tpu.memory_space<vmem_shared>> -> memref<10240x16xf32, #tpu.memory_space<vmem_shared>>
      tpu.enqueue_indirect_dma source(%dma_start3A_393 : memref<128x16xf32, #tpu.memory_space<vmem>>) target(%dma_start3A_399 : memref<10240x16xf32, #tpu.memory_space<vmem_shared>>) offsets(%dma_start3A_396 : memref<128xi32, #tpu.memory_space<vmem>>) semaphore(%arg20 : memref<!tpu.dma_semaphore, #tpu.memory_space<semaphore_mem>>) {add = true}
      %mul3A_400 = arith.constant 8 : i32
      %mul3A_401 = arith.muli %scan3A_197, %mul3A_400 : i32
      %add3A_402 = arith.constant 5 : i32
      %add3A_403 = arith.addi %mul3A_401, %add3A_402 : i32
      %dma_start3A_404 = arith.constant 5 : i32
      %dma_start3A_405 = arith.constant 0 : i32
      %dma_start3A_406 = arith.constant 0 : i32
      %dma_start3A_407 = tpu.memref_slice %arg11[%rem3A_198, %dma_start3A_404, %dma_start3A_405, %dma_start3A_406] : memref<2x8x128x16xf32, #tpu.memory_space<vmem>> -> memref<1x1x128x16xf32, #tpu.memory_space<vmem>>
      %dma_start3A_408 = tpu.memref_squeeze %dma_start3A_407 : memref<1x1x128x16xf32, #tpu.memory_space<vmem>> -> memref<128x16xf32, #tpu.memory_space<vmem>>
      %dma_start3A_409 = arith.constant 0 : i32
      %dma_start3A_410 = tpu.memref_slice %arg10[%add3A_403, %dma_start3A_409] : memref<80x128xi32, #tpu.memory_space<vmem>> -> memref<1x128xi32, #tpu.memory_space<vmem>>
      %dma_start3A_411 = tpu.memref_squeeze %dma_start3A_410 : memref<1x128xi32, #tpu.memory_space<vmem>> -> memref<128xi32, #tpu.memory_space<vmem>>
      %dma_start3A_412 = arith.constant 0 : i32
      %dma_start3A_413 = arith.constant 0 : i32
      %dma_start3A_414 = tpu.memref_slice %arg17[%dma_start3A_412, %dma_start3A_413] : memref<10240x16xf32, #tpu.memory_space<vmem_shared>> -> memref<10240x16xf32, #tpu.memory_space<vmem_shared>>
      tpu.enqueue_indirect_dma source(%dma_start3A_408 : memref<128x16xf32, #tpu.memory_space<vmem>>) target(%dma_start3A_414 : memref<10240x16xf32, #tpu.memory_space<vmem_shared>>) offsets(%dma_start3A_411 : memref<128xi32, #tpu.memory_space<vmem>>) semaphore(%arg20 : memref<!tpu.dma_semaphore, #tpu.memory_space<semaphore_mem>>) {add = true}
      %mul3A_415 = arith.constant 8 : i32
      %mul3A_416 = arith.muli %scan3A_197, %mul3A_415 : i32
      %add3A_417 = arith.constant 6 : i32
      %add3A_418 = arith.addi %mul3A_416, %add3A_417 : i32
      %dma_start3A_419 = arith.constant 6 : i32
      %dma_start3A_420 = arith.constant 0 : i32
      %dma_start3A_421 = arith.constant 0 : i32
      %dma_start3A_422 = tpu.memref_slice %arg11[%rem3A_198, %dma_start3A_419, %dma_start3A_420, %dma_start3A_421] : memref<2x8x128x16xf32, #tpu.memory_space<vmem>> -> memref<1x1x128x16xf32, #tpu.memory_space<vmem>>
      %dma_start3A_423 = tpu.memref_squeeze %dma_start3A_422 : memref<1x1x128x16xf32, #tpu.memory_space<vmem>> -> memref<128x16xf32, #tpu.memory_space<vmem>>
      %dma_start3A_424 = arith.constant 0 : i32
      %dma_start3A_425 = tpu.memref_slice %arg10[%add3A_418, %dma_start3A_424] : memref<80x128xi32, #tpu.memory_space<vmem>> -> memref<1x128xi32, #tpu.memory_space<vmem>>
      %dma_start3A_426 = tpu.memref_squeeze %dma_start3A_425 : memref<1x128xi32, #tpu.memory_space<vmem>> -> memref<128xi32, #tpu.memory_space<vmem>>
      %dma_start3A_427 = arith.constant 0 : i32
      %dma_start3A_428 = arith.constant 0 : i32
      %dma_start3A_429 = tpu.memref_slice %arg17[%dma_start3A_427, %dma_start3A_428] : memref<10240x16xf32, #tpu.memory_space<vmem_shared>> -> memref<10240x16xf32, #tpu.memory_space<vmem_shared>>
      tpu.enqueue_indirect_dma source(%dma_start3A_423 : memref<128x16xf32, #tpu.memory_space<vmem>>) target(%dma_start3A_429 : memref<10240x16xf32, #tpu.memory_space<vmem_shared>>) offsets(%dma_start3A_426 : memref<128xi32, #tpu.memory_space<vmem>>) semaphore(%arg20 : memref<!tpu.dma_semaphore, #tpu.memory_space<semaphore_mem>>) {add = true}
      %mul3A_430 = arith.constant 8 : i32
      %mul3A_431 = arith.muli %scan3A_197, %mul3A_430 : i32
      %add3A_432 = arith.constant 7 : i32
      %add3A_433 = arith.addi %mul3A_431, %add3A_432 : i32
      %dma_start3A_434 = arith.constant 7 : i32
      %dma_start3A_435 = arith.constant 0 : i32
      %dma_start3A_436 = arith.constant 0 : i32
      %dma_start3A_437 = tpu.memref_slice %arg11[%rem3A_198, %dma_start3A_434, %dma_start3A_435, %dma_start3A_436] : memref<2x8x128x16xf32, #tpu.memory_space<vmem>> -> memref<1x1x128x16xf32, #tpu.memory_space<vmem>>
      %dma_start3A_438 = tpu.memref_squeeze %dma_start3A_437 : memref<1x1x128x16xf32, #tpu.memory_space<vmem>> -> memref<128x16xf32, #tpu.memory_space<vmem>>
      %dma_start3A_439 = arith.constant 0 : i32
      %dma_start3A_440 = tpu.memref_slice %arg10[%add3A_433, %dma_start3A_439] : memref<80x128xi32, #tpu.memory_space<vmem>> -> memref<1x128xi32, #tpu.memory_space<vmem>>
      %dma_start3A_441 = tpu.memref_squeeze %dma_start3A_440 : memref<1x128xi32, #tpu.memory_space<vmem>> -> memref<128xi32, #tpu.memory_space<vmem>>
      %dma_start3A_442 = arith.constant 0 : i32
      %dma_start3A_443 = arith.constant 0 : i32
      %dma_start3A_444 = tpu.memref_slice %arg17[%dma_start3A_442, %dma_start3A_443] : memref<10240x16xf32, #tpu.memory_space<vmem_shared>> -> memref<10240x16xf32, #tpu.memory_space<vmem_shared>>
      tpu.enqueue_indirect_dma source(%dma_start3A_438 : memref<128x16xf32, #tpu.memory_space<vmem>>) target(%dma_start3A_444 : memref<10240x16xf32, #tpu.memory_space<vmem_shared>>) offsets(%dma_start3A_441 : memref<128xi32, #tpu.memory_space<vmem>>) semaphore(%arg20 : memref<!tpu.dma_semaphore, #tpu.memory_space<semaphore_mem>>) {add = true}
      %mul3A_445 = arith.constant 8 : i32
      %mul3A_446 = arith.muli %scan3A_197, %mul3A_445 : i32
      %add3A_447 = arith.constant 0 : i32
      %add3A_448 = arith.addi %mul3A_446, %add3A_447 : i32
      %dma_wait3A_449 = arith.constant 0 : i32
      %dma_wait3A_450 = arith.constant 0 : i32
      %dma_wait3A_451 = arith.constant 0 : i32
      %dma_wait3A_452 = tpu.memref_slice %arg11[%rem3A_198, %dma_wait3A_449, %dma_wait3A_450, %dma_wait3A_451] : memref<2x8x128x16xf32, #tpu.memory_space<vmem>> -> memref<1x1x128x16xf32, #tpu.memory_space<vmem>>
      %dma_wait3A_453 = tpu.memref_squeeze %dma_wait3A_452 : memref<1x1x128x16xf32, #tpu.memory_space<vmem>> -> memref<128x16xf32, #tpu.memory_space<vmem>>
      %dma_wait3A_454 = arith.constant 0 : i32
      %dma_wait3A_455 = tpu.memref_slice %arg10[%add3A_448, %dma_wait3A_454] : memref<80x128xi32, #tpu.memory_space<vmem>> -> memref<1x128xi32, #tpu.memory_space<vmem>>
      %dma_wait3A_456 = tpu.memref_squeeze %dma_wait3A_455 : memref<1x128xi32, #tpu.memory_space<vmem>> -> memref<128xi32, #tpu.memory_space<vmem>>
      %dma_wait3A_457 = arith.constant 0 : i32
      %dma_wait3A_458 = arith.constant 0 : i32
      %dma_wait3A_459 = tpu.memref_slice %arg17[%dma_wait3A_457, %dma_wait3A_458] : memref<10240x16xf32, #tpu.memory_space<vmem_shared>> -> memref<10240x16xf32, #tpu.memory_space<vmem_shared>>
      tpu.wait_indirect_dma semaphore(%arg20 : memref<!tpu.dma_semaphore, #tpu.memory_space<semaphore_mem>>) src(%dma_wait3A_453 : memref<128x16xf32, #tpu.memory_space<vmem>>) dst(%dma_wait3A_459 : memref<10240x16xf32, #tpu.memory_space<vmem_shared>>)
      %mul3A_460 = arith.constant 8 : i32
      %mul3A_461 = arith.muli %scan3A_197, %mul3A_460 : i32
      %add3A_462 = arith.constant 1 : i32
      %add3A_463 = arith.addi %mul3A_461, %add3A_462 : i32
      %dma_wait3A_464 = arith.constant 1 : i32
      %dma_wait3A_465 = arith.constant 0 : i32
      %dma_wait3A_466 = arith.constant 0 : i32
      %dma_wait3A_467 = tpu.memref_slice %arg11[%rem3A_198, %dma_wait3A_464, %dma_wait3A_465, %dma_wait3A_466] : memref<2x8x128x16xf32, #tpu.memory_space<vmem>> -> memref<1x1x128x16xf32, #tpu.memory_space<vmem>>
      %dma_wait3A_468 = tpu.memref_squeeze %dma_wait3A_467 : memref<1x1x128x16xf32, #tpu.memory_space<vmem>> -> memref<128x16xf32, #tpu.memory_space<vmem>>
      %dma_wait3A_469 = arith.constant 0 : i32
      %dma_wait3A_470 = tpu.memref_slice %arg10[%add3A_463, %dma_wait3A_469] : memref<80x128xi32, #tpu.memory_space<vmem>> -> memref<1x128xi32, #tpu.memory_space<vmem>>
      %dma_wait3A_471 = tpu.memref_squeeze %dma_wait3A_470 : memref<1x128xi32, #tpu.memory_space<vmem>> -> memref<128xi32, #tpu.memory_space<vmem>>
      %dma_wait3A_472 = arith.constant 0 : i32
      %dma_wait3A_473 = arith.constant 0 : i32
      %dma_wait3A_474 = tpu.memref_slice %arg17[%dma_wait3A_472, %dma_wait3A_473] : memref<10240x16xf32, #tpu.memory_space<vmem_shared>> -> memref<10240x16xf32, #tpu.memory_space<vmem_shared>>
      tpu.wait_indirect_dma semaphore(%arg20 : memref<!tpu.dma_semaphore, #tpu.memory_space<semaphore_mem>>) src(%dma_wait3A_468 : memref<128x16xf32, #tpu.memory_space<vmem>>) dst(%dma_wait3A_474 : memref<10240x16xf32, #tpu.memory_space<vmem_shared>>)
      %mul3A_475 = arith.constant 8 : i32
      %mul3A_476 = arith.muli %scan3A_197, %mul3A_475 : i32
      %add3A_477 = arith.constant 2 : i32
      %add3A_478 = arith.addi %mul3A_476, %add3A_477 : i32
      %dma_wait3A_479 = arith.constant 2 : i32
      %dma_wait3A_480 = arith.constant 0 : i32
      %dma_wait3A_481 = arith.constant 0 : i32
      %dma_wait3A_482 = tpu.memref_slice %arg11[%rem3A_198, %dma_wait3A_479, %dma_wait3A_480, %dma_wait3A_481] : memref<2x8x128x16xf32, #tpu.memory_space<vmem>> -> memref<1x1x128x16xf32, #tpu.memory_space<vmem>>
      %dma_wait3A_483 = tpu.memref_squeeze %dma_wait3A_482 : memref<1x1x128x16xf32, #tpu.memory_space<vmem>> -> memref<128x16xf32, #tpu.memory_space<vmem>>
      %dma_wait3A_484 = arith.constant 0 : i32
      %dma_wait3A_485 = tpu.memref_slice %arg10[%add3A_478, %dma_wait3A_484] : memref<80x128xi32, #tpu.memory_space<vmem>> -> memref<1x128xi32, #tpu.memory_space<vmem>>
      %dma_wait3A_486 = tpu.memref_squeeze %dma_wait3A_485 : memref<1x128xi32, #tpu.memory_space<vmem>> -> memref<128xi32, #tpu.memory_space<vmem>>
      %dma_wait3A_487 = arith.constant 0 : i32
      %dma_wait3A_488 = arith.constant 0 : i32
      %dma_wait3A_489 = tpu.memref_slice %arg17[%dma_wait3A_487, %dma_wait3A_488] : memref<10240x16xf32, #tpu.memory_space<vmem_shared>> -> memref<10240x16xf32, #tpu.memory_space<vmem_shared>>
      tpu.wait_indirect_dma semaphore(%arg20 : memref<!tpu.dma_semaphore, #tpu.memory_space<semaphore_mem>>) src(%dma_wait3A_483 : memref<128x16xf32, #tpu.memory_space<vmem>>) dst(%dma_wait3A_489 : memref<10240x16xf32, #tpu.memory_space<vmem_shared>>)
      %mul3A_490 = arith.constant 8 : i32
      %mul3A_491 = arith.muli %scan3A_197, %mul3A_490 : i32
      %add3A_492 = arith.constant 3 : i32
      %add3A_493 = arith.addi %mul3A_491, %add3A_492 : i32
      %dma_wait3A_494 = arith.constant 3 : i32
      %dma_wait3A_495 = arith.constant 0 : i32
      %dma_wait3A_496 = arith.constant 0 : i32
      %dma_wait3A_497 = tpu.memref_slice %arg11[%rem3A_198, %dma_wait3A_494, %dma_wait3A_495, %dma_wait3A_496] : memref<2x8x128x16xf32, #tpu.memory_space<vmem>> -> memref<1x1x128x16xf32, #tpu.memory_space<vmem>>
      %dma_wait3A_498 = tpu.memref_squeeze %dma_wait3A_497 : memref<1x1x128x16xf32, #tpu.memory_space<vmem>> -> memref<128x16xf32, #tpu.memory_space<vmem>>
      %dma_wait3A_499 = arith.constant 0 : i32
      %dma_wait3A_500 = tpu.memref_slice %arg10[%add3A_493, %dma_wait3A_499] : memref<80x128xi32, #tpu.memory_space<vmem>> -> memref<1x128xi32, #tpu.memory_space<vmem>>
      %dma_wait3A_501 = tpu.memref_squeeze %dma_wait3A_500 : memref<1x128xi32, #tpu.memory_space<vmem>> -> memref<128xi32, #tpu.memory_space<vmem>>
      %dma_wait3A_502 = arith.constant 0 : i32
      %dma_wait3A_503 = arith.constant 0 : i32
      %dma_wait3A_504 = tpu.memref_slice %arg17[%dma_wait3A_502, %dma_wait3A_503] : memref<10240x16xf32, #tpu.memory_space<vmem_shared>> -> memref<10240x16xf32, #tpu.memory_space<vmem_shared>>
      tpu.wait_indirect_dma semaphore(%arg20 : memref<!tpu.dma_semaphore, #tpu.memory_space<semaphore_mem>>) src(%dma_wait3A_498 : memref<128x16xf32, #tpu.memory_space<vmem>>) dst(%dma_wait3A_504 : memref<10240x16xf32, #tpu.memory_space<vmem_shared>>)
      %mul3A_505 = arith.constant 8 : i32
      %mul3A_506 = arith.muli %scan3A_197, %mul3A_505 : i32
      %add3A_507 = arith.constant 4 : i32
      %add3A_508 = arith.addi %mul3A_506, %add3A_507 : i32
      %dma_wait3A_509 = arith.constant 4 : i32
      %dma_wait3A_510 = arith.constant 0 : i32
      %dma_wait3A_511 = arith.constant 0 : i32
      %dma_wait3A_512 = tpu.memref_slice %arg11[%rem3A_198, %dma_wait3A_509, %dma_wait3A_510, %dma_wait3A_511] : memref<2x8x128x16xf32, #tpu.memory_space<vmem>> -> memref<1x1x128x16xf32, #tpu.memory_space<vmem>>
      %dma_wait3A_513 = tpu.memref_squeeze %dma_wait3A_512 : memref<1x1x128x16xf32, #tpu.memory_space<vmem>> -> memref<128x16xf32, #tpu.memory_space<vmem>>
      %dma_wait3A_514 = arith.constant 0 : i32
      %dma_wait3A_515 = tpu.memref_slice %arg10[%add3A_508, %dma_wait3A_514] : memref<80x128xi32, #tpu.memory_space<vmem>> -> memref<1x128xi32, #tpu.memory_space<vmem>>
      %dma_wait3A_516 = tpu.memref_squeeze %dma_wait3A_515 : memref<1x128xi32, #tpu.memory_space<vmem>> -> memref<128xi32, #tpu.memory_space<vmem>>
      %dma_wait3A_517 = arith.constant 0 : i32
      %dma_wait3A_518 = arith.constant 0 : i32
      %dma_wait3A_519 = tpu.memref_slice %arg17[%dma_wait3A_517, %dma_wait3A_518] : memref<10240x16xf32, #tpu.memory_space<vmem_shared>> -> memref<10240x16xf32, #tpu.memory_space<vmem_shared>>
      tpu.wait_indirect_dma semaphore(%arg20 : memref<!tpu.dma_semaphore, #tpu.memory_space<semaphore_mem>>) src(%dma_wait3A_513 : memref<128x16xf32, #tpu.memory_space<vmem>>) dst(%dma_wait3A_519 : memref<10240x16xf32, #tpu.memory_space<vmem_shared>>)
      %mul3A_520 = arith.constant 8 : i32
      %mul3A_521 = arith.muli %scan3A_197, %mul3A_520 : i32
      %add3A_522 = arith.constant 5 : i32
      %add3A_523 = arith.addi %mul3A_521, %add3A_522 : i32
      %dma_wait3A_524 = arith.constant 5 : i32
      %dma_wait3A_525 = arith.constant 0 : i32
      %dma_wait3A_526 = arith.constant 0 : i32
      %dma_wait3A_527 = tpu.memref_slice %arg11[%rem3A_198, %dma_wait3A_524, %dma_wait3A_525, %dma_wait3A_526] : memref<2x8x128x16xf32, #tpu.memory_space<vmem>> -> memref<1x1x128x16xf32, #tpu.memory_space<vmem>>
      %dma_wait3A_528 = tpu.memref_squeeze %dma_wait3A_527 : memref<1x1x128x16xf32, #tpu.memory_space<vmem>> -> memref<128x16xf32, #tpu.memory_space<vmem>>
      %dma_wait3A_529 = arith.constant 0 : i32
      %dma_wait3A_530 = tpu.memref_slice %arg10[%add3A_523, %dma_wait3A_529] : memref<80x128xi32, #tpu.memory_space<vmem>> -> memref<1x128xi32, #tpu.memory_space<vmem>>
      %dma_wait3A_531 = tpu.memref_squeeze %dma_wait3A_530 : memref<1x128xi32, #tpu.memory_space<vmem>> -> memref<128xi32, #tpu.memory_space<vmem>>
      %dma_wait3A_532 = arith.constant 0 : i32
      %dma_wait3A_533 = arith.constant 0 : i32
      %dma_wait3A_534 = tpu.memref_slice %arg17[%dma_wait3A_532, %dma_wait3A_533] : memref<10240x16xf32, #tpu.memory_space<vmem_shared>> -> memref<10240x16xf32, #tpu.memory_space<vmem_shared>>
      tpu.wait_indirect_dma semaphore(%arg20 : memref<!tpu.dma_semaphore, #tpu.memory_space<semaphore_mem>>) src(%dma_wait3A_528 : memref<128x16xf32, #tpu.memory_space<vmem>>) dst(%dma_wait3A_534 : memref<10240x16xf32, #tpu.memory_space<vmem_shared>>)
      %mul3A_535 = arith.constant 8 : i32
      %mul3A_536 = arith.muli %scan3A_197, %mul3A_535 : i32
      %add3A_537 = arith.constant 6 : i32
      %add3A_538 = arith.addi %mul3A_536, %add3A_537 : i32
      %dma_wait3A_539 = arith.constant 6 : i32
      %dma_wait3A_540 = arith.constant 0 : i32
      %dma_wait3A_541 = arith.constant 0 : i32
      %dma_wait3A_542 = tpu.memref_slice %arg11[%rem3A_198, %dma_wait3A_539, %dma_wait3A_540, %dma_wait3A_541] : memref<2x8x128x16xf32, #tpu.memory_space<vmem>> -> memref<1x1x128x16xf32, #tpu.memory_space<vmem>>
      %dma_wait3A_543 = tpu.memref_squeeze %dma_wait3A_542 : memref<1x1x128x16xf32, #tpu.memory_space<vmem>> -> memref<128x16xf32, #tpu.memory_space<vmem>>
      %dma_wait3A_544 = arith.constant 0 : i32
      %dma_wait3A_545 = tpu.memref_slice %arg10[%add3A_538, %dma_wait3A_544] : memref<80x128xi32, #tpu.memory_space<vmem>> -> memref<1x128xi32, #tpu.memory_space<vmem>>
      %dma_wait3A_546 = tpu.memref_squeeze %dma_wait3A_545 : memref<1x128xi32, #tpu.memory_space<vmem>> -> memref<128xi32, #tpu.memory_space<vmem>>
      %dma_wait3A_547 = arith.constant 0 : i32
      %dma_wait3A_548 = arith.constant 0 : i32
      %dma_wait3A_549 = tpu.memref_slice %arg17[%dma_wait3A_547, %dma_wait3A_548] : memref<10240x16xf32, #tpu.memory_space<vmem_shared>> -> memref<10240x16xf32, #tpu.memory_space<vmem_shared>>
      tpu.wait_indirect_dma semaphore(%arg20 : memref<!tpu.dma_semaphore, #tpu.memory_space<semaphore_mem>>) src(%dma_wait3A_543 : memref<128x16xf32, #tpu.memory_space<vmem>>) dst(%dma_wait3A_549 : memref<10240x16xf32, #tpu.memory_space<vmem_shared>>)
      %mul3A_550 = arith.constant 8 : i32
      %mul3A_551 = arith.muli %scan3A_197, %mul3A_550 : i32
      %add3A_552 = arith.constant 7 : i32
      %add3A_553 = arith.addi %mul3A_551, %add3A_552 : i32
      %dma_wait3A_554 = arith.constant 7 : i32
      %dma_wait3A_555 = arith.constant 0 : i32
      %dma_wait3A_556 = arith.constant 0 : i32
      %dma_wait3A_557 = tpu.memref_slice %arg11[%rem3A_198, %dma_wait3A_554, %dma_wait3A_555, %dma_wait3A_556] : memref<2x8x128x16xf32, #tpu.memory_space<vmem>> -> memref<1x1x128x16xf32, #tpu.memory_space<vmem>>
      %dma_wait3A_558 = tpu.memref_squeeze %dma_wait3A_557 : memref<1x1x128x16xf32, #tpu.memory_space<vmem>> -> memref<128x16xf32, #tpu.memory_space<vmem>>
      %dma_wait3A_559 = arith.constant 0 : i32
      %dma_wait3A_560 = tpu.memref_slice %arg10[%add3A_553, %dma_wait3A_559] : memref<80x128xi32, #tpu.memory_space<vmem>> -> memref<1x128xi32, #tpu.memory_space<vmem>>
      %dma_wait3A_561 = tpu.memref_squeeze %dma_wait3A_560 : memref<1x128xi32, #tpu.memory_space<vmem>> -> memref<128xi32, #tpu.memory_space<vmem>>
      %dma_wait3A_562 = arith.constant 0 : i32
      %dma_wait3A_563 = arith.constant 0 : i32
      %dma_wait3A_564 = tpu.memref_slice %arg17[%dma_wait3A_562, %dma_wait3A_563] : memref<10240x16xf32, #tpu.memory_space<vmem_shared>> -> memref<10240x16xf32, #tpu.memory_space<vmem_shared>>
      tpu.wait_indirect_dma semaphore(%arg20 : memref<!tpu.dma_semaphore, #tpu.memory_space<semaphore_mem>>) src(%dma_wait3A_558 : memref<128x16xf32, #tpu.memory_space<vmem>>) dst(%dma_wait3A_564 : memref<10240x16xf32, #tpu.memory_space<vmem_shared>>)
    }
    %scan3A_195 = arith.constant 10 : i32
    %barrier3A_196 = arith.constant 0 : index
    tpu.barrier barrier_id(%barrier3A_196)
    "tpu.region"() ({
      %run_scoped3A = tpu.sem_alloc : memref<!tpu.dma_semaphore, #tpu.memory_space<semaphore_mem>>
      %dma_start3A_197 = arith.constant 0 : i32
      %dma_start3A_198 = tpu.memref_slice %arg7[%arg0, %mul3A_2, %dma_start3A_197] : memref<2x10240x16xf32, #tpu.memory_space<hbm>> -> memref<1x640x16xf32, #tpu.memory_space<hbm>>
      %dma_start3A_199 = tpu.memref_squeeze %dma_start3A_198 : memref<1x640x16xf32, #tpu.memory_space<hbm>> -> memref<640x16xf32, #tpu.memory_space<hbm>>
      %dma_start3A_200 = arith.constant 0 : i32
      %dma_start3A_201 = tpu.memref_slice %arg17[%mul3A_2, %dma_start3A_200] : memref<10240x16xf32, #tpu.memory_space<vmem_shared>> -> memref<640x16xf32, #tpu.memory_space<vmem_shared>>
      tpu.enqueue_dma source(%dma_start3A_201 : memref<640x16xf32, #tpu.memory_space<vmem_shared>>) target(%dma_start3A_199 : memref<640x16xf32, #tpu.memory_space<hbm>>) target_semaphore(%run_scoped3A : memref<!tpu.dma_semaphore, #tpu.memory_space<semaphore_mem>>)
      %dma_wait3A_202 = arith.constant 0 : i32
      %dma_wait3A_203 = tpu.memref_slice %arg7[%arg0, %mul3A_2, %dma_wait3A_202] : memref<2x10240x16xf32, #tpu.memory_space<hbm>> -> memref<1x640x16xf32, #tpu.memory_space<hbm>>
      %dma_wait3A_204 = tpu.memref_squeeze %dma_wait3A_203 : memref<1x640x16xf32, #tpu.memory_space<hbm>> -> memref<640x16xf32, #tpu.memory_space<hbm>>
      %dma_wait3A_205 = arith.constant 0 : i32
      %dma_wait3A_206 = tpu.memref_slice %arg17[%mul3A_2, %dma_wait3A_205] : memref<10240x16xf32, #tpu.memory_space<vmem_shared>> -> memref<640x16xf32, #tpu.memory_space<vmem_shared>>
      tpu.wait_dma2 semaphore(%run_scoped3A : memref<!tpu.dma_semaphore, #tpu.memory_space<semaphore_mem>>) src(%dma_wait3A_206 : memref<640x16xf32, #tpu.memory_space<vmem_shared>>) dst(%dma_wait3A_204 : memref<640x16xf32, #tpu.memory_space<hbm>>)
      tpu.yield
    }) : () -> ()
    return
  }
}

module attributes {stable_mosaic.version = 14 : i64} {
  func.func @_proj1_body(%arg0: memref<10000x128xf32, #tpu.memory_space<vmem>>, %arg1: memref<16x128xf32, #tpu.memory_space<vmem>>, %arg2: memref<16x128xf32, #tpu.memory_space<vmem>>, %arg3: memref<10240x16xf32, #tpu.memory_space<vmem>>, %arg4: memref<10240x16xf32, #tpu.memory_space<vmem>>) attributes {dimension_semantics = [], scalar_prefetch = 0 : i64, scratch_operands = 0 : i64, tpu.core_type = #tpu.core_type<tc>} {
    %get3A = arith.constant 0 : index
    %get3A_0 = arith.constant 0 : index
    %get3A_1 = vector.load %arg0[%get3A, %get3A_0] : memref<10000x128xf32, #tpu.memory_space<vmem>>, vector<10000x128xf32>
    %get3A_2 = arith.constant 0 : index
    %get3A_3 = arith.constant 0 : index
    %get3A_4 = vector.load %arg1[%get3A_2, %get3A_3] : memref<16x128xf32, #tpu.memory_space<vmem>>, vector<16x128xf32>
    %dot_general3A = arith.constant dense<0.000000e+00> : vector<10000x16xf32>
    %dot_general3A_5 = tpu.matmul %get3A_1, %get3A_4, %dot_general3A {dimension_numbers = #tpu.dot_dimension_numbers<[1], [1], [0], [0], [0, 0, 1, 0], [], []>, transpose_lhs_hint = false} : vector<10000x128xf32>, vector<16x128xf32>, vector<10000x16xf32> -> vector<10000x16xf32>
    %swap3A = arith.constant 0 : index
    %swap3A_6 = arith.constant 0 : index
    %swap3A_7 = vector.load %arg3[%swap3A, %swap3A_6] : memref<10240x16xf32, #tpu.memory_space<vmem>>, vector<10000x16xf32>
    tpu.vector_store %arg3[%swap3A, %swap3A_6], %dot_general3A_5 {strides = array<i32>} : memref<10240x16xf32, #tpu.memory_space<vmem>>, vector<10000x16xf32>,
    %get3A_8 = arith.constant 0 : index
    %get3A_9 = arith.constant 0 : index
    %get3A_10 = vector.load %arg2[%get3A_8, %get3A_9] : memref<16x128xf32, #tpu.memory_space<vmem>>, vector<16x128xf32>
    %dot_general3A_11 = arith.constant dense<0.000000e+00> : vector<10000x16xf32>
    %dot_general3A_12 = tpu.matmul %get3A_1, %get3A_10, %dot_general3A_11 {dimension_numbers = #tpu.dot_dimension_numbers<[1], [1], [0], [0], [0, 0, 1, 0], [], []>, transpose_lhs_hint = false} : vector<10000x128xf32>, vector<16x128xf32>, vector<10000x16xf32> -> vector<10000x16xf32>
    %swap3A_13 = arith.constant 0 : index
    %swap3A_14 = arith.constant 0 : index
    %swap3A_15 = vector.load %arg4[%swap3A_13, %swap3A_14] : memref<10240x16xf32, #tpu.memory_space<vmem>>, vector<10000x16xf32>
    tpu.vector_store %arg4[%swap3A_13, %swap3A_14], %dot_general3A_12 {strides = array<i32>} : memref<10240x16xf32, #tpu.memory_space<vmem>>, vector<10000x16xf32>,
    %broadcast_in_dim3A = arith.constant 0.000000e+00 : f32
    %broadcast_in_dim3A_16 = vector.broadcast %broadcast_in_dim3A : f32 to vector<240x16xf32>
    %swap3A_17 = arith.constant 10000 : index
    %swap3A_18 = arith.constant 0 : index
    %swap3A_19 = vector.load %arg3[%swap3A_17, %swap3A_18] : memref<10240x16xf32, #tpu.memory_space<vmem>>, vector<240x16xf32>
    tpu.vector_store %arg3[%swap3A_17, %swap3A_18], %broadcast_in_dim3A_16 {strides = array<i32>} : memref<10240x16xf32, #tpu.memory_space<vmem>>, vector<240x16xf32>,
    %broadcast_in_dim3A_20 = arith.constant 0.000000e+00 : f32
    %broadcast_in_dim3A_21 = vector.broadcast %broadcast_in_dim3A_20 : f32 to vector<240x16xf32>
    %swap3A_22 = arith.constant 10000 : index
    %swap3A_23 = arith.constant 0 : index
    %swap3A_24 = vector.load %arg4[%swap3A_22, %swap3A_23] : memref<10240x16xf32, #tpu.memory_space<vmem>>, vector<240x16xf32>
    tpu.vector_store %arg4[%swap3A_22, %swap3A_23], %broadcast_in_dim3A_21 {strides = array<i32>} : memref<10240x16xf32, #tpu.memory_space<vmem>>, vector<240x16xf32>,
    return
  }
}

module attributes {stable_mosaic.version = 14 : i64} {
  func.func @_combine_mm_body(%arg0: memref<2x1280x128xf32, #tpu.memory_space<vmem>>, %arg1: memref<1280x128xf32, #tpu.memory_space<vmem>>, %arg2: memref<128x128xf32, #tpu.memory_space<vmem>>, %arg3: memref<128x128xf32, #tpu.memory_space<vmem>>, %arg4: memref<128x128xf32, #tpu.memory_space<vmem>>, %arg5: memref<128x128xf32, #tpu.memory_space<vmem>>, %arg6: memref<1x128xf32, #tpu.memory_space<vmem>>, %arg7: memref<1x128xf32, #tpu.memory_space<vmem>>, %arg8: memref<1280x128xf32, #tpu.memory_space<vmem>>, %arg9: memref<1280x128xf32, #tpu.memory_space<vmem>>) attributes {dimension_semantics = [], scalar_prefetch = 0 : i64, scratch_operands = 0 : i64, tpu.core_type = #tpu.core_type<tc>} {
    %get3A = arith.constant 0 : index
    %get3A_0 = arith.constant 0 : index
    %get3A_1 = arith.constant 0 : index
    %get3A_2 = vector.load %arg0[%get3A, %get3A_0, %get3A_1] : memref<2x1280x128xf32, #tpu.memory_space<vmem>>, vector<1x1280x128xf32>
    %get3A_3 = vector.shape_cast %get3A_2 : vector<1x1280x128xf32> to vector<1280x128xf32>
    %get3A_4 = arith.constant 1 : index
    %get3A_5 = arith.constant 0 : index
    %get3A_6 = arith.constant 0 : index
    %get3A_7 = vector.load %arg0[%get3A_4, %get3A_5, %get3A_6] : memref<2x1280x128xf32, #tpu.memory_space<vmem>>, vector<1x1280x128xf32>
    %get3A_8 = vector.shape_cast %get3A_7 : vector<1x1280x128xf32> to vector<1280x128xf32>
    %add3A = arith.addf %get3A_3, %get3A_8 : vector<1280x128xf32>
    %get3A_9 = arith.constant 0 : index
    %get3A_10 = arith.constant 0 : index
    %get3A_11 = vector.load %arg1[%get3A_9, %get3A_10] : memref<1280x128xf32, #tpu.memory_space<vmem>>, vector<1280x128xf32>
    %broadcast_in_dim3A = arith.constant 0.000000e+00 : f32
    %broadcast_in_dim3A_12 = vector.broadcast %broadcast_in_dim3A : f32 to vector<30x128xf32>
    %get3A_13 = arith.constant 0 : index
    %get3A_14 = arith.constant 0 : index
    %get3A_15 = vector.load %arg2[%get3A_13, %get3A_14] : memref<128x128xf32, #tpu.memory_space<vmem>>, vector<128x128xf32>
    %dot_general3A = arith.constant dense<0.000000e+00> : vector<1280x128xf32>
    %dot_general3A_16 = tpu.matmul %add3A, %get3A_15, %dot_general3A {dimension_numbers = #tpu.dot_dimension_numbers<[1], [0], [0], [1], [0, 0, 1, 1], [], []>, transpose_lhs_hint = false} : vector<1280x128xf32>, vector<128x128xf32>, vector<1280x128xf32> -> vector<1280x128xf32>
    %get3A_17 = arith.constant 0 : index
    %get3A_18 = arith.constant 0 : index
    %get3A_19 = vector.load %arg3[%get3A_17, %get3A_18] : memref<128x128xf32, #tpu.memory_space<vmem>>, vector<128x128xf32>
    %dot_general3A_20 = arith.constant dense<0.000000e+00> : vector<1280x128xf32>
    %dot_general3A_21 = tpu.matmul %get3A_11, %get3A_19, %dot_general3A_20 {dimension_numbers = #tpu.dot_dimension_numbers<[1], [0], [0], [1], [0, 0, 1, 1], [], []>, transpose_lhs_hint = false} : vector<1280x128xf32>, vector<128x128xf32>, vector<1280x128xf32> -> vector<1280x128xf32>
    %add3A_22 = arith.addf %dot_general3A_16, %dot_general3A_21 : vector<1280x128xf32>
    %get3A_23 = arith.constant 0 : index
    %get3A_24 = arith.constant 0 : index
    %get3A_25 = vector.load %arg6[%get3A_23, %get3A_24] : memref<1x128xf32, #tpu.memory_space<vmem>>, vector<1x128xf32>
    %add3A_26 = vector.broadcast %get3A_25 : vector<1x128xf32> to vector<1280x128xf32>
    %add3A_27 = arith.addf %add3A_22, %add3A_26 : vector<1280x128xf32>
    %max3A = arith.constant 0.000000e+00 : f32
    %max3A_28 = vector.broadcast %max3A : f32 to vector<1280x128xf32>
    %max3A_29 = arith.maximumf %add3A_27, %max3A_28 : vector<1280x128xf32>
    %slice3A = vector.extract_strided_slice %max3A_29 {offsets = [0, 0], sizes = [1250, 128], strides = [1, 1]} : vector<1280x128xf32> to vector<1250x128xf32>
    %swap3A = arith.constant 0 : index
    %swap3A_30 = arith.constant 0 : index
    %swap3A_31 = vector.load %arg8[%swap3A, %swap3A_30] : memref<1280x128xf32, #tpu.memory_space<vmem>>, vector<1250x128xf32>
    tpu.vector_store %arg8[%swap3A, %swap3A_30], %slice3A {strides = array<i32>} : memref<1280x128xf32, #tpu.memory_space<vmem>>, vector<1250x128xf32>,
    %swap3A_32 = arith.constant 1250 : index
    %swap3A_33 = arith.constant 0 : index
    %swap3A_34 = vector.load %arg8[%swap3A_32, %swap3A_33] : memref<1280x128xf32, #tpu.memory_space<vmem>>, vector<30x128xf32>
    tpu.vector_store %arg8[%swap3A_32, %swap3A_33], %broadcast_in_dim3A_12 {strides = array<i32>} : memref<1280x128xf32, #tpu.memory_space<vmem>>, vector<30x128xf32>,
    %get3A_35 = arith.constant 0 : index
    %get3A_36 = arith.constant 0 : index
    %get3A_37 = vector.load %arg4[%get3A_35, %get3A_36] : memref<128x128xf32, #tpu.memory_space<vmem>>, vector<128x128xf32>
    %dot_general3A_38 = arith.constant dense<0.000000e+00> : vector<1280x128xf32>
    %dot_general3A_39 = tpu.matmul %add3A, %get3A_37, %dot_general3A_38 {dimension_numbers = #tpu.dot_dimension_numbers<[1], [0], [0], [1], [0, 0, 1, 1], [], []>, transpose_lhs_hint = false} : vector<1280x128xf32>, vector<128x128xf32>, vector<1280x128xf32> -> vector<1280x128xf32>
    %get3A_40 = arith.constant 0 : index
    %get3A_41 = arith.constant 0 : index
    %get3A_42 = vector.load %arg5[%get3A_40, %get3A_41] : memref<128x128xf32, #tpu.memory_space<vmem>>, vector<128x128xf32>
    %dot_general3A_43 = arith.constant dense<0.000000e+00> : vector<1280x128xf32>
    %dot_general3A_44 = tpu.matmul %get3A_11, %get3A_42, %dot_general3A_43 {dimension_numbers = #tpu.dot_dimension_numbers<[1], [0], [0], [1], [0, 0, 1, 1], [], []>, transpose_lhs_hint = false} : vector<1280x128xf32>, vector<128x128xf32>, vector<1280x128xf32> -> vector<1280x128xf32>
    %add3A_45 = arith.addf %dot_general3A_39, %dot_general3A_44 : vector<1280x128xf32>
    %get3A_46 = arith.constant 0 : index
    %get3A_47 = arith.constant 0 : index
    %get3A_48 = vector.load %arg7[%get3A_46, %get3A_47] : memref<1x128xf32, #tpu.memory_space<vmem>>, vector<1x128xf32>
    %add3A_49 = vector.broadcast %get3A_48 : vector<1x128xf32> to vector<1280x128xf32>
    %add3A_50 = arith.addf %add3A_45, %add3A_49 : vector<1280x128xf32>
    %max3A_51 = arith.constant 0.000000e+00 : f32
    %max3A_52 = vector.broadcast %max3A_51 : f32 to vector<1280x128xf32>
    %max3A_53 = arith.maximumf %add3A_50, %max3A_52 : vector<1280x128xf32>
    %slice3A_54 = vector.extract_strided_slice %max3A_53 {offsets = [0, 0], sizes = [1250, 128], strides = [1, 1]} : vector<1280x128xf32> to vector<1250x128xf32>
    %swap3A_55 = arith.constant 0 : index
    %swap3A_56 = arith.constant 0 : index
    %swap3A_57 = vector.load %arg9[%swap3A_55, %swap3A_56] : memref<1280x128xf32, #tpu.memory_space<vmem>>, vector<1250x128xf32>
    tpu.vector_store %arg9[%swap3A_55, %swap3A_56], %slice3A_54 {strides = array<i32>} : memref<1280x128xf32, #tpu.memory_space<vmem>>, vector<1250x128xf32>,
    %swap3A_58 = arith.constant 1250 : index
    %swap3A_59 = arith.constant 0 : index
    %swap3A_60 = vector.load %arg9[%swap3A_58, %swap3A_59] : memref<1280x128xf32, #tpu.memory_space<vmem>>, vector<30x128xf32>
    tpu.vector_store %arg9[%swap3A_58, %swap3A_59], %broadcast_in_dim3A_12 {strides = array<i32>} : memref<1280x128xf32, #tpu.memory_space<vmem>>, vector<30x128xf32>,
    return
  }
}

module attributes {stable_mosaic.version = 14 : i64} {
  func.func @_final_body(%arg0: memref<2x1280x128xf32, #tpu.memory_space<vmem>>, %arg1: memref<2x1280x128xf32, #tpu.memory_space<vmem>>, %arg2: memref<1280x128xf32, #tpu.memory_space<vmem>>, %arg3: memref<1280x128xf32, #tpu.memory_space<vmem>>, %arg4: memref<8x128x128xf32, #tpu.memory_space<vmem>>, %arg5: memref<1x128xf32, #tpu.memory_space<vmem>>, %arg6: memref<1x128xf32, #tpu.memory_space<vmem>>, %arg7: memref<8x1280xi32, #tpu.memory_space<vmem>>, %arg8: memref<128x32xf32, #tpu.memory_space<vmem>>, %arg9: memref<1x128xf32, #tpu.memory_space<vmem>>, %arg10: memref<64x128xf32, #tpu.memory_space<vmem>>) attributes {dimension_semantics = [], scalar_prefetch = 0 : i64, scratch_operands = 0 : i64, tpu.core_type = #tpu.core_type<tc>} {
    %get3A = arith.constant 0 : index
    %get3A_0 = arith.constant 0 : index
    %get3A_1 = arith.constant 0 : index
    %get3A_2 = vector.load %arg0[%get3A, %get3A_0, %get3A_1] : memref<2x1280x128xf32, #tpu.memory_space<vmem>>, vector<1x1280x128xf32>
    %get3A_3 = vector.shape_cast %get3A_2 : vector<1x1280x128xf32> to vector<1280x128xf32>
    %get3A_4 = arith.constant 1 : index
    %get3A_5 = arith.constant 0 : index
    %get3A_6 = arith.constant 0 : index
    %get3A_7 = vector.load %arg0[%get3A_4, %get3A_5, %get3A_6] : memref<2x1280x128xf32, #tpu.memory_space<vmem>>, vector<1x1280x128xf32>
    %get3A_8 = vector.shape_cast %get3A_7 : vector<1x1280x128xf32> to vector<1280x128xf32>
    %add3A = arith.addf %get3A_3, %get3A_8 : vector<1280x128xf32>
    %get3A_9 = arith.constant 0 : index
    %get3A_10 = arith.constant 0 : index
    %get3A_11 = arith.constant 0 : index
    %get3A_12 = vector.load %arg1[%get3A_9, %get3A_10, %get3A_11] : memref<2x1280x128xf32, #tpu.memory_space<vmem>>, vector<1x1280x128xf32>
    %get3A_13 = vector.shape_cast %get3A_12 : vector<1x1280x128xf32> to vector<1280x128xf32>
    %get3A_14 = arith.constant 1 : index
    %get3A_15 = arith.constant 0 : index
    %get3A_16 = arith.constant 0 : index
    %get3A_17 = vector.load %arg1[%get3A_14, %get3A_15, %get3A_16] : memref<2x1280x128xf32, #tpu.memory_space<vmem>>, vector<1x1280x128xf32>
    %get3A_18 = vector.shape_cast %get3A_17 : vector<1x1280x128xf32> to vector<1280x128xf32>
    %add3A_19 = arith.addf %get3A_13, %get3A_18 : vector<1280x128xf32>
    %get3A_20 = arith.constant 0 : index
    %get3A_21 = arith.constant 0 : index
    %get3A_22 = vector.load %arg2[%get3A_20, %get3A_21] : memref<1280x128xf32, #tpu.memory_space<vmem>>, vector<1280x128xf32>
    %get3A_23 = arith.constant 0 : index
    %get3A_24 = arith.constant 0 : index
    %get3A_25 = vector.load %arg3[%get3A_23, %get3A_24] : memref<1280x128xf32, #tpu.memory_space<vmem>>, vector<1280x128xf32>
    %get3A_26 = arith.constant 0 : index
    %get3A_27 = arith.constant 0 : index
    %get3A_28 = arith.constant 0 : index
    %get3A_29 = vector.load %arg4[%get3A_26, %get3A_27, %get3A_28] : memref<8x128x128xf32, #tpu.memory_space<vmem>>, vector<1x128x128xf32>
    %get3A_30 = vector.shape_cast %get3A_29 : vector<1x128x128xf32> to vector<128x128xf32>
    %dot_general3A = arith.constant dense<0.000000e+00> : vector<1280x128xf32>
    %dot_general3A_31 = tpu.matmul %add3A, %get3A_30, %dot_general3A {dimension_numbers = #tpu.dot_dimension_numbers<[1], [0], [0], [1], [0, 0, 1, 1], [], []>, transpose_lhs_hint = false} : vector<1280x128xf32>, vector<128x128xf32>, vector<1280x128xf32> -> vector<1280x128xf32>
    %get3A_32 = arith.constant 1 : index
    %get3A_33 = arith.constant 0 : index
    %get3A_34 = arith.constant 0 : index
    %get3A_35 = vector.load %arg4[%get3A_32, %get3A_33, %get3A_34] : memref<8x128x128xf32, #tpu.memory_space<vmem>>, vector<1x128x128xf32>
    %get3A_36 = vector.shape_cast %get3A_35 : vector<1x128x128xf32> to vector<128x128xf32>
    %dot_general3A_37 = arith.constant dense<0.000000e+00> : vector<1280x128xf32>
    %dot_general3A_38 = tpu.matmul %add3A_19, %get3A_36, %dot_general3A_37 {dimension_numbers = #tpu.dot_dimension_numbers<[1], [0], [0], [1], [0, 0, 1, 1], [], []>, transpose_lhs_hint = false} : vector<1280x128xf32>, vector<128x128xf32>, vector<1280x128xf32> -> vector<1280x128xf32>
    %add3A_39 = arith.addf %dot_general3A_31, %dot_general3A_38 : vector<1280x128xf32>
    %get3A_40 = arith.constant 2 : index
    %get3A_41 = arith.constant 0 : index
    %get3A_42 = arith.constant 0 : index
    %get3A_43 = vector.load %arg4[%get3A_40, %get3A_41, %get3A_42] : memref<8x128x128xf32, #tpu.memory_space<vmem>>, vector<1x128x128xf32>
    %get3A_44 = vector.shape_cast %get3A_43 : vector<1x128x128xf32> to vector<128x128xf32>
    %dot_general3A_45 = arith.constant dense<0.000000e+00> : vector<1280x128xf32>
    %dot_general3A_46 = tpu.matmul %get3A_22, %get3A_44, %dot_general3A_45 {dimension_numbers = #tpu.dot_dimension_numbers<[1], [0], [0], [1], [0, 0, 1, 1], [], []>, transpose_lhs_hint = false} : vector<1280x128xf32>, vector<128x128xf32>, vector<1280x128xf32> -> vector<1280x128xf32>
    %add3A_47 = arith.addf %add3A_39, %dot_general3A_46 : vector<1280x128xf32>
    %get3A_48 = arith.constant 3 : index
    %get3A_49 = arith.constant 0 : index
    %get3A_50 = arith.constant 0 : index
    %get3A_51 = vector.load %arg4[%get3A_48, %get3A_49, %get3A_50] : memref<8x128x128xf32, #tpu.memory_space<vmem>>, vector<1x128x128xf32>
    %get3A_52 = vector.shape_cast %get3A_51 : vector<1x128x128xf32> to vector<128x128xf32>
    %dot_general3A_53 = arith.constant dense<0.000000e+00> : vector<1280x128xf32>
    %dot_general3A_54 = tpu.matmul %get3A_25, %get3A_52, %dot_general3A_53 {dimension_numbers = #tpu.dot_dimension_numbers<[1], [0], [0], [1], [0, 0, 1, 1], [], []>, transpose_lhs_hint = false} : vector<1280x128xf32>, vector<128x128xf32>, vector<1280x128xf32> -> vector<1280x128xf32>
    %add3A_55 = arith.addf %add3A_47, %dot_general3A_54 : vector<1280x128xf32>
    %get3A_56 = arith.constant 0 : index
    %get3A_57 = arith.constant 0 : index
    %get3A_58 = vector.load %arg5[%get3A_56, %get3A_57] : memref<1x128xf32, #tpu.memory_space<vmem>>, vector<1x128xf32>
    %add3A_59 = vector.broadcast %get3A_58 : vector<1x128xf32> to vector<1280x128xf32>
    %add3A_60 = arith.addf %add3A_55, %add3A_59 : vector<1280x128xf32>
    %max3A = arith.constant 0.000000e+00 : f32
    %max3A_61 = vector.broadcast %max3A : f32 to vector<1280x128xf32>
    %max3A_62 = arith.maximumf %add3A_60, %max3A_61 : vector<1280x128xf32>
    %get3A_63 = arith.constant 4 : index
    %get3A_64 = arith.constant 0 : index
    %get3A_65 = arith.constant 0 : index
    %get3A_66 = vector.load %arg4[%get3A_63, %get3A_64, %get3A_65] : memref<8x128x128xf32, #tpu.memory_space<vmem>>, vector<1x128x128xf32>
    %get3A_67 = vector.shape_cast %get3A_66 : vector<1x128x128xf32> to vector<128x128xf32>
    %dot_general3A_68 = arith.constant dense<0.000000e+00> : vector<1280x128xf32>
    %dot_general3A_69 = tpu.matmul %add3A, %get3A_67, %dot_general3A_68 {dimension_numbers = #tpu.dot_dimension_numbers<[1], [0], [0], [1], [0, 0, 1, 1], [], []>, transpose_lhs_hint = false} : vector<1280x128xf32>, vector<128x128xf32>, vector<1280x128xf32> -> vector<1280x128xf32>
    %get3A_70 = arith.constant 5 : index
    %get3A_71 = arith.constant 0 : index
    %get3A_72 = arith.constant 0 : index
    %get3A_73 = vector.load %arg4[%get3A_70, %get3A_71, %get3A_72] : memref<8x128x128xf32, #tpu.memory_space<vmem>>, vector<1x128x128xf32>
    %get3A_74 = vector.shape_cast %get3A_73 : vector<1x128x128xf32> to vector<128x128xf32>
    %dot_general3A_75 = arith.constant dense<0.000000e+00> : vector<1280x128xf32>
    %dot_general3A_76 = tpu.matmul %add3A_19, %get3A_74, %dot_general3A_75 {dimension_numbers = #tpu.dot_dimension_numbers<[1], [0], [0], [1], [0, 0, 1, 1], [], []>, transpose_lhs_hint = false} : vector<1280x128xf32>, vector<128x128xf32>, vector<1280x128xf32> -> vector<1280x128xf32>
    %add3A_77 = arith.addf %dot_general3A_69, %dot_general3A_76 : vector<1280x128xf32>
    %get3A_78 = arith.constant 6 : index
    %get3A_79 = arith.constant 0 : index
    %get3A_80 = arith.constant 0 : index
    %get3A_81 = vector.load %arg4[%get3A_78, %get3A_79, %get3A_80] : memref<8x128x128xf32, #tpu.memory_space<vmem>>, vector<1x128x128xf32>
    %get3A_82 = vector.shape_cast %get3A_81 : vector<1x128x128xf32> to vector<128x128xf32>
    %dot_general3A_83 = arith.constant dense<0.000000e+00> : vector<1280x128xf32>
    %dot_general3A_84 = tpu.matmul %get3A_22, %get3A_82, %dot_general3A_83 {dimension_numbers = #tpu.dot_dimension_numbers<[1], [0], [0], [1], [0, 0, 1, 1], [], []>, transpose_lhs_hint = false} : vector<1280x128xf32>, vector<128x128xf32>, vector<1280x128xf32> -> vector<1280x128xf32>
    %add3A_85 = arith.addf %add3A_77, %dot_general3A_84 : vector<1280x128xf32>
    %get3A_86 = arith.constant 7 : index
    %get3A_87 = arith.constant 0 : index
    %get3A_88 = arith.constant 0 : index
    %get3A_89 = vector.load %arg4[%get3A_86, %get3A_87, %get3A_88] : memref<8x128x128xf32, #tpu.memory_space<vmem>>, vector<1x128x128xf32>
    %get3A_90 = vector.shape_cast %get3A_89 : vector<1x128x128xf32> to vector<128x128xf32>
    %dot_general3A_91 = arith.constant dense<0.000000e+00> : vector<1280x128xf32>
    %dot_general3A_92 = tpu.matmul %get3A_25, %get3A_90, %dot_general3A_91 {dimension_numbers = #tpu.dot_dimension_numbers<[1], [0], [0], [1], [0, 0, 1, 1], [], []>, transpose_lhs_hint = false} : vector<1280x128xf32>, vector<128x128xf32>, vector<1280x128xf32> -> vector<1280x128xf32>
    %add3A_93 = arith.addf %add3A_85, %dot_general3A_92 : vector<1280x128xf32>
    %get3A_94 = arith.constant 0 : index
    %get3A_95 = arith.constant 0 : index
    %get3A_96 = vector.load %arg6[%get3A_94, %get3A_95] : memref<1x128xf32, #tpu.memory_space<vmem>>, vector<1x128xf32>
    %add3A_97 = vector.broadcast %get3A_96 : vector<1x128xf32> to vector<1280x128xf32>
    %add3A_98 = arith.addf %add3A_93, %add3A_97 : vector<1280x128xf32>
    %max3A_99 = arith.constant 0.000000e+00 : f32
    %max3A_100 = vector.broadcast %max3A_99 : f32 to vector<1280x128xf32>
    %max3A_101 = arith.maximumf %add3A_98, %max3A_100 : vector<1280x128xf32>
    %broadcast_in_dim3A = arith.constant 0.000000e+00 : f32
    %broadcast_in_dim3A_102 = vector.broadcast %broadcast_in_dim3A : f32 to vector<64x16xf32>
    %broadcast_in_dim3A_103 = arith.constant 0.000000e+00 : f32
    %broadcast_in_dim3A_104 = vector.broadcast %broadcast_in_dim3A_103 : f32 to vector<64x16xf32>
    %get3A_105 = arith.constant 0 : index
    %get3A_106 = arith.constant 0 : index
    %get3A_107 = vector.load %arg7[%get3A_105, %get3A_106] : memref<8x1280xi32, #tpu.memory_space<vmem>>, vector<1x1280xi32>
    %iota3A = tpu.iota {dimensions = array<i32: 0>} : vector<64x1280xi32>
    %eq3A = vector.broadcast %get3A_107 : vector<1x1280xi32> to vector<64x1280xi32>
    %eq3A_108 = arith.cmpi eq, %iota3A, %eq3A : vector<64x1280xi32>
    %convert_element_type3A = arith.extui %eq3A_108 : vector<64x1280xi1> to vector<64x1280xi32>
    %convert_element_type3A_109 = arith.sitofp %convert_element_type3A : vector<64x1280xi32> to vector<64x1280xf32>
    %dot_general3A_110 = arith.constant dense<0.000000e+00> : vector<64x128xf32>
    %dot_general3A_111 = tpu.matmul %convert_element_type3A_109, %max3A_62, %dot_general3A_110 {dimension_numbers = #tpu.dot_dimension_numbers<[1], [0], [0], [1], [0, 0, 1, 1], [], []>, transpose_lhs_hint = false} : vector<64x1280xf32>, vector<1280x128xf32>, vector<64x128xf32> -> vector<64x128xf32>
    %dot_general3A_112 = arith.constant dense<0.000000e+00> : vector<64x128xf32>
    %dot_general3A_113 = tpu.matmul %convert_element_type3A_109, %max3A_101, %dot_general3A_112 {dimension_numbers = #tpu.dot_dimension_numbers<[1], [0], [0], [1], [0, 0, 1, 1], [], []>, transpose_lhs_hint = false} : vector<64x1280xf32>, vector<1280x128xf32>, vector<64x128xf32> -> vector<64x128xf32>
    %slice3A = vector.extract_strided_slice %dot_general3A_111 {offsets = [0, 0], sizes = [64, 16], strides = [1, 1]} : vector<64x128xf32> to vector<64x16xf32>
    %add3A_114 = arith.addf %broadcast_in_dim3A_102, %slice3A : vector<64x16xf32>
    %slice3A_115 = vector.extract_strided_slice %dot_general3A_113 {offsets = [0, 0], sizes = [64, 16], strides = [1, 1]} : vector<64x128xf32> to vector<64x16xf32>
    %add3A_116 = arith.addf %broadcast_in_dim3A_104, %slice3A_115 : vector<64x16xf32>
    %get3A_117 = arith.constant 1 : index
    %get3A_118 = arith.constant 0 : index
    %get3A_119 = vector.load %arg7[%get3A_117, %get3A_118] : memref<8x1280xi32, #tpu.memory_space<vmem>>, vector<1x1280xi32>
    %iota3A_120 = tpu.iota {dimensions = array<i32: 0>} : vector<64x1280xi32>
    %eq3A_121 = vector.broadcast %get3A_119 : vector<1x1280xi32> to vector<64x1280xi32>
    %eq3A_122 = arith.cmpi eq, %iota3A_120, %eq3A_121 : vector<64x1280xi32>
    %convert_element_type3A_123 = arith.extui %eq3A_122 : vector<64x1280xi1> to vector<64x1280xi32>
    %convert_element_type3A_124 = arith.sitofp %convert_element_type3A_123 : vector<64x1280xi32> to vector<64x1280xf32>
    %dot_general3A_125 = arith.constant dense<0.000000e+00> : vector<64x128xf32>
    %dot_general3A_126 = tpu.matmul %convert_element_type3A_124, %max3A_62, %dot_general3A_125 {dimension_numbers = #tpu.dot_dimension_numbers<[1], [0], [0], [1], [0, 0, 1, 1], [], []>, transpose_lhs_hint = false} : vector<64x1280xf32>, vector<1280x128xf32>, vector<64x128xf32> -> vector<64x128xf32>
    %dot_general3A_127 = arith.constant dense<0.000000e+00> : vector<64x128xf32>
    %dot_general3A_128 = tpu.matmul %convert_element_type3A_124, %max3A_101, %dot_general3A_127 {dimension_numbers = #tpu.dot_dimension_numbers<[1], [0], [0], [1], [0, 0, 1, 1], [], []>, transpose_lhs_hint = false} : vector<64x1280xf32>, vector<1280x128xf32>, vector<64x128xf32> -> vector<64x128xf32>
    %slice3A_129 = vector.extract_strided_slice %dot_general3A_126 {offsets = [0, 16], sizes = [64, 16], strides = [1, 1]} : vector<64x128xf32> to vector<64x16xf32>
    %add3A_130 = arith.addf %add3A_114, %slice3A_129 : vector<64x16xf32>
    %slice3A_131 = vector.extract_strided_slice %dot_general3A_128 {offsets = [0, 16], sizes = [64, 16], strides = [1, 1]} : vector<64x128xf32> to vector<64x16xf32>
    %add3A_132 = arith.addf %add3A_116, %slice3A_131 : vector<64x16xf32>
    %get3A_133 = arith.constant 2 : index
    %get3A_134 = arith.constant 0 : index
    %get3A_135 = vector.load %arg7[%get3A_133, %get3A_134] : memref<8x1280xi32, #tpu.memory_space<vmem>>, vector<1x1280xi32>
    %iota3A_136 = tpu.iota {dimensions = array<i32: 0>} : vector<64x1280xi32>
    %eq3A_137 = vector.broadcast %get3A_135 : vector<1x1280xi32> to vector<64x1280xi32>
    %eq3A_138 = arith.cmpi eq, %iota3A_136, %eq3A_137 : vector<64x1280xi32>
    %convert_element_type3A_139 = arith.extui %eq3A_138 : vector<64x1280xi1> to vector<64x1280xi32>
    %convert_element_type3A_140 = arith.sitofp %convert_element_type3A_139 : vector<64x1280xi32> to vector<64x1280xf32>
    %dot_general3A_141 = arith.constant dense<0.000000e+00> : vector<64x128xf32>
    %dot_general3A_142 = tpu.matmul %convert_element_type3A_140, %max3A_62, %dot_general3A_141 {dimension_numbers = #tpu.dot_dimension_numbers<[1], [0], [0], [1], [0, 0, 1, 1], [], []>, transpose_lhs_hint = false} : vector<64x1280xf32>, vector<1280x128xf32>, vector<64x128xf32> -> vector<64x128xf32>
    %dot_general3A_143 = arith.constant dense<0.000000e+00> : vector<64x128xf32>
    %dot_general3A_144 = tpu.matmul %convert_element_type3A_140, %max3A_101, %dot_general3A_143 {dimension_numbers = #tpu.dot_dimension_numbers<[1], [0], [0], [1], [0, 0, 1, 1], [], []>, transpose_lhs_hint = false} : vector<64x1280xf32>, vector<1280x128xf32>, vector<64x128xf32> -> vector<64x128xf32>
    %slice3A_145 = vector.extract_strided_slice %dot_general3A_142 {offsets = [0, 32], sizes = [64, 16], strides = [1, 1]} : vector<64x128xf32> to vector<64x16xf32>
    %add3A_146 = arith.addf %add3A_130, %slice3A_145 : vector<64x16xf32>
    %slice3A_147 = vector.extract_strided_slice %dot_general3A_144 {offsets = [0, 32], sizes = [64, 16], strides = [1, 1]} : vector<64x128xf32> to vector<64x16xf32>
    %add3A_148 = arith.addf %add3A_132, %slice3A_147 : vector<64x16xf32>
    %get3A_149 = arith.constant 3 : index
    %get3A_150 = arith.constant 0 : index
    %get3A_151 = vector.load %arg7[%get3A_149, %get3A_150] : memref<8x1280xi32, #tpu.memory_space<vmem>>, vector<1x1280xi32>
    %iota3A_152 = tpu.iota {dimensions = array<i32: 0>} : vector<64x1280xi32>
    %eq3A_153 = vector.broadcast %get3A_151 : vector<1x1280xi32> to vector<64x1280xi32>
    %eq3A_154 = arith.cmpi eq, %iota3A_152, %eq3A_153 : vector<64x1280xi32>
    %convert_element_type3A_155 = arith.extui %eq3A_154 : vector<64x1280xi1> to vector<64x1280xi32>
    %convert_element_type3A_156 = arith.sitofp %convert_element_type3A_155 : vector<64x1280xi32> to vector<64x1280xf32>
    %dot_general3A_157 = arith.constant dense<0.000000e+00> : vector<64x128xf32>
    %dot_general3A_158 = tpu.matmul %convert_element_type3A_156, %max3A_62, %dot_general3A_157 {dimension_numbers = #tpu.dot_dimension_numbers<[1], [0], [0], [1], [0, 0, 1, 1], [], []>, transpose_lhs_hint = false} : vector<64x1280xf32>, vector<1280x128xf32>, vector<64x128xf32> -> vector<64x128xf32>
    %dot_general3A_159 = arith.constant dense<0.000000e+00> : vector<64x128xf32>
    %dot_general3A_160 = tpu.matmul %convert_element_type3A_156, %max3A_101, %dot_general3A_159 {dimension_numbers = #tpu.dot_dimension_numbers<[1], [0], [0], [1], [0, 0, 1, 1], [], []>, transpose_lhs_hint = false} : vector<64x1280xf32>, vector<1280x128xf32>, vector<64x128xf32> -> vector<64x128xf32>
    %slice3A_161 = vector.extract_strided_slice %dot_general3A_158 {offsets = [0, 48], sizes = [64, 16], strides = [1, 1]} : vector<64x128xf32> to vector<64x16xf32>
    %add3A_162 = arith.addf %add3A_146, %slice3A_161 : vector<64x16xf32>
    %slice3A_163 = vector.extract_strided_slice %dot_general3A_160 {offsets = [0, 48], sizes = [64, 16], strides = [1, 1]} : vector<64x128xf32> to vector<64x16xf32>
    %add3A_164 = arith.addf %add3A_148, %slice3A_163 : vector<64x16xf32>
    %get3A_165 = arith.constant 4 : index
    %get3A_166 = arith.constant 0 : index
    %get3A_167 = vector.load %arg7[%get3A_165, %get3A_166] : memref<8x1280xi32, #tpu.memory_space<vmem>>, vector<1x1280xi32>
    %iota3A_168 = tpu.iota {dimensions = array<i32: 0>} : vector<64x1280xi32>
    %eq3A_169 = vector.broadcast %get3A_167 : vector<1x1280xi32> to vector<64x1280xi32>
    %eq3A_170 = arith.cmpi eq, %iota3A_168, %eq3A_169 : vector<64x1280xi32>
    %convert_element_type3A_171 = arith.extui %eq3A_170 : vector<64x1280xi1> to vector<64x1280xi32>
    %convert_element_type3A_172 = arith.sitofp %convert_element_type3A_171 : vector<64x1280xi32> to vector<64x1280xf32>
    %dot_general3A_173 = arith.constant dense<0.000000e+00> : vector<64x128xf32>
    %dot_general3A_174 = tpu.matmul %convert_element_type3A_172, %max3A_62, %dot_general3A_173 {dimension_numbers = #tpu.dot_dimension_numbers<[1], [0], [0], [1], [0, 0, 1, 1], [], []>, transpose_lhs_hint = false} : vector<64x1280xf32>, vector<1280x128xf32>, vector<64x128xf32> -> vector<64x128xf32>
    %dot_general3A_175 = arith.constant dense<0.000000e+00> : vector<64x128xf32>
    %dot_general3A_176 = tpu.matmul %convert_element_type3A_172, %max3A_101, %dot_general3A_175 {dimension_numbers = #tpu.dot_dimension_numbers<[1], [0], [0], [1], [0, 0, 1, 1], [], []>, transpose_lhs_hint = false} : vector<64x1280xf32>, vector<1280x128xf32>, vector<64x128xf32> -> vector<64x128xf32>
    %slice3A_177 = vector.extract_strided_slice %dot_general3A_174 {offsets = [0, 64], sizes = [64, 16], strides = [1, 1]} : vector<64x128xf32> to vector<64x16xf32>
    %add3A_178 = arith.addf %add3A_162, %slice3A_177 : vector<64x16xf32>
    %slice3A_179 = vector.extract_strided_slice %dot_general3A_176 {offsets = [0, 64], sizes = [64, 16], strides = [1, 1]} : vector<64x128xf32> to vector<64x16xf32>
    %add3A_180 = arith.addf %add3A_164, %slice3A_179 : vector<64x16xf32>
    %get3A_181 = arith.constant 5 : index
    %get3A_182 = arith.constant 0 : index
    %get3A_183 = vector.load %arg7[%get3A_181, %get3A_182] : memref<8x1280xi32, #tpu.memory_space<vmem>>, vector<1x1280xi32>
    %iota3A_184 = tpu.iota {dimensions = array<i32: 0>} : vector<64x1280xi32>
    %eq3A_185 = vector.broadcast %get3A_183 : vector<1x1280xi32> to vector<64x1280xi32>
    %eq3A_186 = arith.cmpi eq, %iota3A_184, %eq3A_185 : vector<64x1280xi32>
    %convert_element_type3A_187 = arith.extui %eq3A_186 : vector<64x1280xi1> to vector<64x1280xi32>
    %convert_element_type3A_188 = arith.sitofp %convert_element_type3A_187 : vector<64x1280xi32> to vector<64x1280xf32>
    %dot_general3A_189 = arith.constant dense<0.000000e+00> : vector<64x128xf32>
    %dot_general3A_190 = tpu.matmul %convert_element_type3A_188, %max3A_62, %dot_general3A_189 {dimension_numbers = #tpu.dot_dimension_numbers<[1], [0], [0], [1], [0, 0, 1, 1], [], []>, transpose_lhs_hint = false} : vector<64x1280xf32>, vector<1280x128xf32>, vector<64x128xf32> -> vector<64x128xf32>
    %dot_general3A_191 = arith.constant dense<0.000000e+00> : vector<64x128xf32>
    %dot_general3A_192 = tpu.matmul %convert_element_type3A_188, %max3A_101, %dot_general3A_191 {dimension_numbers = #tpu.dot_dimension_numbers<[1], [0], [0], [1], [0, 0, 1, 1], [], []>, transpose_lhs_hint = false} : vector<64x1280xf32>, vector<1280x128xf32>, vector<64x128xf32> -> vector<64x128xf32>
    %slice3A_193 = vector.extract_strided_slice %dot_general3A_190 {offsets = [0, 80], sizes = [64, 16], strides = [1, 1]} : vector<64x128xf32> to vector<64x16xf32>
    %add3A_194 = arith.addf %add3A_178, %slice3A_193 : vector<64x16xf32>
    %slice3A_195 = vector.extract_strided_slice %dot_general3A_192 {offsets = [0, 80], sizes = [64, 16], strides = [1, 1]} : vector<64x128xf32> to vector<64x16xf32>
    %add3A_196 = arith.addf %add3A_180, %slice3A_195 : vector<64x16xf32>
    %get3A_197 = arith.constant 6 : index
    %get3A_198 = arith.constant 0 : index
    %get3A_199 = vector.load %arg7[%get3A_197, %get3A_198] : memref<8x1280xi32, #tpu.memory_space<vmem>>, vector<1x1280xi32>
    %iota3A_200 = tpu.iota {dimensions = array<i32: 0>} : vector<64x1280xi32>
    %eq3A_201 = vector.broadcast %get3A_199 : vector<1x1280xi32> to vector<64x1280xi32>
    %eq3A_202 = arith.cmpi eq, %iota3A_200, %eq3A_201 : vector<64x1280xi32>
    %convert_element_type3A_203 = arith.extui %eq3A_202 : vector<64x1280xi1> to vector<64x1280xi32>
    %convert_element_type3A_204 = arith.sitofp %convert_element_type3A_203 : vector<64x1280xi32> to vector<64x1280xf32>
    %dot_general3A_205 = arith.constant dense<0.000000e+00> : vector<64x128xf32>
    %dot_general3A_206 = tpu.matmul %convert_element_type3A_204, %max3A_62, %dot_general3A_205 {dimension_numbers = #tpu.dot_dimension_numbers<[1], [0], [0], [1], [0, 0, 1, 1], [], []>, transpose_lhs_hint = false} : vector<64x1280xf32>, vector<1280x128xf32>, vector<64x128xf32> -> vector<64x128xf32>
    %dot_general3A_207 = arith.constant dense<0.000000e+00> : vector<64x128xf32>
    %dot_general3A_208 = tpu.matmul %convert_element_type3A_204, %max3A_101, %dot_general3A_207 {dimension_numbers = #tpu.dot_dimension_numbers<[1], [0], [0], [1], [0, 0, 1, 1], [], []>, transpose_lhs_hint = false} : vector<64x1280xf32>, vector<1280x128xf32>, vector<64x128xf32> -> vector<64x128xf32>
    %slice3A_209 = vector.extract_strided_slice %dot_general3A_206 {offsets = [0, 96], sizes = [64, 16], strides = [1, 1]} : vector<64x128xf32> to vector<64x16xf32>
    %add3A_210 = arith.addf %add3A_194, %slice3A_209 : vector<64x16xf32>
    %slice3A_211 = vector.extract_strided_slice %dot_general3A_208 {offsets = [0, 96], sizes = [64, 16], strides = [1, 1]} : vector<64x128xf32> to vector<64x16xf32>
    %add3A_212 = arith.addf %add3A_196, %slice3A_211 : vector<64x16xf32>
    %get3A_213 = arith.constant 7 : index
    %get3A_214 = arith.constant 0 : index
    %get3A_215 = vector.load %arg7[%get3A_213, %get3A_214] : memref<8x1280xi32, #tpu.memory_space<vmem>>, vector<1x1280xi32>
    %iota3A_216 = tpu.iota {dimensions = array<i32: 0>} : vector<64x1280xi32>
    %eq3A_217 = vector.broadcast %get3A_215 : vector<1x1280xi32> to vector<64x1280xi32>
    %eq3A_218 = arith.cmpi eq, %iota3A_216, %eq3A_217 : vector<64x1280xi32>
    %convert_element_type3A_219 = arith.extui %eq3A_218 : vector<64x1280xi1> to vector<64x1280xi32>
    %convert_element_type3A_220 = arith.sitofp %convert_element_type3A_219 : vector<64x1280xi32> to vector<64x1280xf32>
    %dot_general3A_221 = arith.constant dense<0.000000e+00> : vector<64x128xf32>
    %dot_general3A_222 = tpu.matmul %convert_element_type3A_220, %max3A_62, %dot_general3A_221 {dimension_numbers = #tpu.dot_dimension_numbers<[1], [0], [0], [1], [0, 0, 1, 1], [], []>, transpose_lhs_hint = false} : vector<64x1280xf32>, vector<1280x128xf32>, vector<64x128xf32> -> vector<64x128xf32>
    %dot_general3A_223 = arith.constant dense<0.000000e+00> : vector<64x128xf32>
    %dot_general3A_224 = tpu.matmul %convert_element_type3A_220, %max3A_101, %dot_general3A_223 {dimension_numbers = #tpu.dot_dimension_numbers<[1], [0], [0], [1], [0, 0, 1, 1], [], []>, transpose_lhs_hint = false} : vector<64x1280xf32>, vector<1280x128xf32>, vector<64x128xf32> -> vector<64x128xf32>
    %slice3A_225 = vector.extract_strided_slice %dot_general3A_222 {offsets = [0, 112], sizes = [64, 16], strides = [1, 1]} : vector<64x128xf32> to vector<64x16xf32>
    %add3A_226 = arith.addf %add3A_210, %slice3A_225 : vector<64x16xf32>
    %slice3A_227 = vector.extract_strided_slice %dot_general3A_224 {offsets = [0, 112], sizes = [64, 16], strides = [1, 1]} : vector<64x128xf32> to vector<64x16xf32>
    %add3A_228 = arith.addf %add3A_212, %slice3A_227 : vector<64x16xf32>
    %concatenate3A = tpu.concatenate %add3A_226, %add3A_228 in 1 : vector<64x16xf32>, vector<64x16xf32> -> vector<64x32xf32>
    %get3A_229 = arith.constant 0 : index
    %get3A_230 = arith.constant 0 : index
    %get3A_231 = vector.load %arg8[%get3A_229, %get3A_230] : memref<128x32xf32, #tpu.memory_space<vmem>>, vector<128x32xf32>
    %dot_general3A_232 = arith.constant dense<0.000000e+00> : vector<64x128xf32>
    %dot_general3A_233 = tpu.matmul %concatenate3A, %get3A_231, %dot_general3A_232 {dimension_numbers = #tpu.dot_dimension_numbers<[1], [1], [0], [0], [0, 0, 1, 0], [], []>, transpose_lhs_hint = false} : vector<64x32xf32>, vector<128x32xf32>, vector<64x128xf32> -> vector<64x128xf32>
    %get3A_234 = arith.constant 0 : index
    %get3A_235 = arith.constant 0 : index
    %get3A_236 = vector.load %arg9[%get3A_234, %get3A_235] : memref<1x128xf32, #tpu.memory_space<vmem>>, vector<1x128xf32>
    %add3A_237 = vector.broadcast %get3A_236 : vector<1x128xf32> to vector<64x128xf32>
    %add3A_238 = arith.addf %dot_general3A_233, %add3A_237 : vector<64x128xf32>
    %swap3A = arith.constant 0 : index
    %swap3A_239 = arith.constant 0 : index
    %swap3A_240 = vector.load %arg10[%swap3A, %swap3A_239] : memref<64x128xf32, #tpu.memory_space<vmem>>, vector<64x128xf32>
    tpu.vector_store %arg10[%swap3A, %swap3A_239], %add3A_238 {strides = array<i32>} : memref<64x128xf32, #tpu.memory_space<vmem>>, vector<64x128xf32>,
    return
  }
}

</mosaic_0001>

<sc_bundles>
// kernel: kernel.11.cloned.1.call-start
scs
__scs_entry_jumppad:
0x0: {  	(pc) =	sbr.rel $0x88, $3  }
0x1: {  	(tag) =	ssettag $0x0;
	lr =	simm.s32 $0x1  }
0x2: {  	[smem:$0x3F93] =	sst lr;
	_ =	strace $0xD0000000  }
0x3: {  	_ = 	snop  }
0x4: {  	_ = 	snop  }
0x5: {  	_ = 	snop  }
0x6: {  	_ = 	snop  }
0x7: {  	_ = 	snop  }
__scs_overlays_trampoline_lowered:
0x8: {  	[smem:$0x3FA2] =	sst s0  }
0x9: {  	[smem:$0x3FA3] =	sst s1  }
0xa: {  	[smem:$0x3FA4] =	sst s2  }
0xb: {  	[smem:$0x3FA5] =	sst s3  }
0xc: {  	[smem:$0x3FA6] =	sst s4  }
0xd: {  	[smem:$0x3FA7] =	sst s5  }
0xe: {  	[smem:$0x3FA8] =	sst s6  }
0xf: {  	[smem:$0x3FA9] =	sst s7  }
0x10: {  	[smem:$0x3FAA] =	sst s8  }
0x11: {  	[smem:$0x3FAB] =	sst s9;
	s0 =	simm.s32 @!p0 $0x0  }
0x12: {  	s1 =	sld [smem:$0x3F91];
	s0 =	simm.s32 @p0 $0x1  }
0x13: {  	[smem:$0x3FAC] =	sst s0;
	s0 =	simm.s32 @!p1 $0x0  }
0x14: {  	s2 =	sld [smem:$0x3F90];
	s0 =	simm.s32 @p1 $0x1  }
0x15: {  	[smem:$0x3FAD] =	sst s0;
	s0 =	simm.s32 @!p2 $0x0  }
0x16: {  	s3 =	sld [smem:$0x3FDB];
	s0 =	simm.s32 @p2 $0x1  }
0x17: {  	s4 =	simm.s32 $0x1BF5;
	[smem:$0x3FAF] =	sst s0  }
0x18: {  	s0 =	sld [smem:$0x3F92];
	_ =	swait.ge [sflag:s4], $0x0  }
0x19: {  	s7 =	sld [smem:$0x3F93]  }
0x1a: {  	s8 =	sadd.s32 $0xFFFFE003, lr  }
0x1b: {  	s9 =	sadd.s32 $0xFFFFFEF7, lr;
	s5 =	simm.s32 $0xFFFFFFFF;
	p2 =	slt.u32 s8, $0xFFFFF086  }
0x1c: {  	p1 =	slt.u32 s9, $0xF7A;
	s5 =	simm.s32 @!p2 $0x0  }
0x1d: {  	s5 =	simm.s32 @p1 $0x1;
	p0 =	seq.s32 s7, s2  }
0x1e: {  	s7 =	smul.u32 @!p0 $0xF7A, s2;
	p2 =	seq.s32 @!p0 s5, $0x0  }
0x1f: {  	s9 =	smul.u32 $0xF7A, s1;
	s8 =	simm.s32 @!p0 $0x1BF5;
	p2 =	por !p2, p0  }
0x20: {  	[sflag:s8] =	ssyncset.s32 @!p0 $0xFFFFF086;
	s6 =	sadd.s32 @!p0 s3, s7;
	s7 =	simm.s32 @!p0 $0x108  }
0x21: {  	s3 =	sadd.s32 s3, s9;
	s6 =	sadd.s32 @!p0 $0x88, s6;
	s7 =	simm.s32 @p2 $0x1082  }
0x22: {  	[simem:s7], [sflag:s8] =	dma.local @!p0 [hbm:s6], $0xF7A  }
0x23: {  	s9 =	sor.u32 $0xD0000000, s2;
	s6 =	simm.s32 $0x108;
	_ =	swait.ge @!p0 [sflag:s8], $0x0  }
0x24: {  	s3 =	sadd.s32 $0x88, s3;
	s6 =	simm.s32 @!p1 $0x1082;
	[sflag:s4] =	ssyncset.s32 $0xFFFFF086  }
0x25: {  	[simem:s6], [sflag:s4] =	dma.local [hbm:s3], $0xF7A  }
0x26: {  	[smem:$0x3F93] =	sst s1;
	(tag) =	ssettag s2;
	_ =	strace s9  }
0x27: {  	s1 =	sld [smem:$0x3FA3]  }
0x28: {  	s2 =	sld [smem:$0x3FA4]  }
0x29: {  	s4 =	sld [smem:$0x3FA6]  }
0x2a: {  	p0 =	seq.s32 s5, $0x0;
	s5 =	sld [smem:$0x3FA7]  }
0x2b: {  	s6 =	sld [smem:$0x3FA8]  }
0x2c: {  	s7 =	sld [smem:$0x3FA9]  }
0x2d: {  	s3 =	simm.s32 $0x108;
	s8 =	sld [smem:$0x3FAA]  }
0x2e: {  	s3 =	simm.s32 @!p0 $0x1082;
	s9 =	sld [smem:$0x3FAB]  }
0x2f: {  	lr =	sadd.s32 s0, s3;
	s0 =	sld [smem:$0x3FA2]  }
0x30: {  	s3 =	sld [smem:$0x3FA5]  }
0x31: {  	[smem:$0x3FAE] =	sst s10  }
0x32: {  	s10 =	sld [smem:$0x3FAC];
	_ =	sdelay $0x3  }
0x33: {  	p0 =	seq.s32 s10, $0x1;
	s10 =	sld [smem:$0x3FAE];
	_ =	sdelay $0x3  }
0x34: {  	[smem:$0x3FAE] =	sst s10  }
0x35: {  	s10 =	sld [smem:$0x3FAD];
	_ =	sdelay $0x3  }
0x36: {  	p1 =	seq.s32 s10, $0x1;
	s10 =	sld [smem:$0x3FAE];
	_ =	sdelay $0x3  }
0x37: {  	[smem:$0x3FAE] =	sst s10  }
0x38: {  	s10 =	sld [smem:$0x3FAF]  }
0x39: {  	_ = 	snop;
	(pc) =	sbr.ind lr, $3  }
0x3a: {  	_ = 	snop  }
0x3b: {  	_ = 	snop  }
0x3c: {  	p2 =	seq.s32 s10, $0x1;
	s10 =	sld [smem:$0x3FAE]  }
0x3d: {  	_ =	shalt  }
0x3e: {  	_ =	shalt  }
0x3f: {  	_ =	shalt  }
0x40: {  	_ =	shalt  }
0x41: {  	_ =	shalt  }
0x42: {  	_ =	shalt  }
0x43: {  	_ =	shalt  }
0x44: {  	_ =	shalt  }
0x45: {  	_ =	shalt  }
0x46: {  	_ =	shalt  }
0x47: {  	_ =	shalt  }
0x48: {  	_ =	shalt  }
0x49: {  	_ =	shalt  }
0x4a: {  	_ =	shalt  }
0x4b: {  	_ =	shalt  }
0x4c: {  	_ =	shalt  }
0x4d: {  	_ =	shalt  }
0x4e: {  	_ =	shalt  }
0x4f: {  	_ =	shalt  }
0x50: {  	_ =	shalt  }
0x51: {  	_ =	shalt  }
0x52: {  	_ =	shalt  }
0x53: {  	_ =	shalt  }
0x54: {  	_ =	shalt  }
0x55: {  	_ =	shalt  }
0x56: {  	_ =	shalt  }
0x57: {  	_ =	shalt  }
0x58: {  	_ =	shalt  }
0x59: {  	_ =	shalt  }
0x5a: {  	_ =	shalt  }
0x5b: {  	_ =	shalt  }
0x5c: {  	_ =	shalt  }
0x5d: {  	_ =	shalt  }
0x5e: {  	_ =	shalt  }
0x5f: {  	_ =	shalt  }
0x60: {  	_ =	shalt  }
0x61: {  	_ =	shalt  }
0x62: {  	_ =	shalt  }
0x63: {  	_ =	shalt  }
0x64: {  	_ =	shalt  }
0x65: {  	_ =	shalt  }
0x66: {  	_ =	shalt  }
0x67: {  	_ =	shalt  }
0x68: {  	_ =	shalt  }
0x69: {  	_ =	shalt  }
0x6a: {  	_ =	shalt  }
0x6b: {  	_ =	shalt  }
0x6c: {  	_ =	shalt  }
0x6d: {  	_ =	shalt  }
0x6e: {  	_ =	shalt  }
0x6f: {  	_ =	shalt  }
0x70: {  	_ =	shalt  }
0x71: {  	_ =	shalt  }
0x72: {  	_ =	shalt  }
0x73: {  	_ =	shalt  }
0x74: {  	_ =	shalt  }
0x75: {  	_ =	shalt  }
0x76: {  	_ =	shalt  }
0x77: {  	_ =	shalt  }
0x78: {  	_ =	shalt  }
0x79: {  	_ =	shalt  }
0x7a: {  	_ =	shalt  }
0x7b: {  	_ =	shalt  }
0x7c: {  	_ =	shalt  }
0x7d: {  	_ =	shalt  }
0x7e: {  	_ =	shalt  }
0x7f: {  	_ =	shalt  }
0x80: {  	_ =	shalt  }
0x81: {  	_ =	shalt  }
0x82: {  	_ =	shalt  }
0x83: {  	_ =	shalt  }
0x84: {  	_ =	shalt  }
0x85: {  	_ =	shalt  }
0x86: {  	_ =	shalt  }
0x87: {  	_ =	shalt  }
.Lfunc_end0:
.L_simem_size_0:
called_computation.1_lowered:
.L_overlay_start_0:
0x88: {  	s2 =	sld [smem:$0x3FD9]  }
0x89: {  	s3 =	sld [smem:$0x3FFE];
	_ =	sdelay $0x1  }
0x8a: {  	s1 =	srdreg.scid  }
0x8b: {  	s0 =	sand.u32 $0x1, s1  }
0x8c: {  	s17 =	sshll.u32 s0, $0xA;
	s2 =	sadd.s32 s3, s2  }
0x8d: {  	s2 =	sadd.s32 s2, s17  }
0x8e: {  	[smem:$0x3FBA] =	sst s2  }
0x8f: {  	_ = 	snop  }
0x90: {  	s2 =	sld [smem:$0x3FC5];
	(tm) =	ssettm $0x1  }
0x91: {  	s18 =	sld [smem:$0x3FFB];
	_ =	sdelay $0x3  }
0x92: {  	_ =	strace s18  }
0x93: {  	s3 =	sld [smem:$0x3FFC];
	_ =	sdelay $0x3  }
0x94: {  	_ =	strace s3  }
0x95: {  	s3 =	sld [smem:$0x3FFD];
	_ =	sdelay $0x3  }
0x96: {  	_ =	strace s3  }
0x97: {  	_ =	strace $0x8FFFFFFF  }
0x98: {  	s19 =	sld [smem:$0x3FDB];
	_ =	sdelay $0x1  }
0x99: {  	s4 =	simm.s32 $_scs_section_size  }
0x9a: {  	s5 =	simm.s32 $_size__tile_overlayer_lowered;
	s6 =	simm.s32 $_tile_overlayer_lowered  }
0x9b: {  	s22 =	simm.s32 $0x1BFF;
	s21 =	sshll.u32 s6, $0x1;
	s3 =	sadd.s32 s4, s19  }
0x9c: {  	s7 =	simm.s32 $0x0;
	s20 =	sshll.u32 s5, $0x1;
	s5 =	sadd.s32 s21, s3  }
0x9d: {  	[timem:s7], [sflag:s22] =	dma.local [hbm:s5], s20  }
0x9e: {  	_ =	swait.ge [sflag:s22], s20  }
0x9f: {  	s4 =	ssub.s32 $0x0, s20;
	[sflag:s22] =	ssyncset.done $0x0  }
0xa0: {  	[sflag:s22] =	ssyncadd.s32 s4;
	_ =	sdelay $0x1  }
0xa1: {  	s23 =	simm.s32 $0x1B8B  }
0xa2: {  	_ =	swait.ge [sflag:s23], $0x1  }
0xa3: {  	[sflag:s23] =	ssyncset.done $0x0  }
0xa4: {  	s25 =	simm.s32 $0x1B8E;
	s24 =	sld [smem:$0x3FFE];
	[sflag:s23] =	ssyncadd.s32 $0xFFFFFFFF  }
0xa5: {  	s26 =	simm.s32 $execute0_lowered;
	[smem:$0x3FD2] =	sst s25  }
0xa6: {  	s5 =	sshll.u32 s26, $0x1;
	_ =	strace $0x80000049;
	[dreg:$0x1] =	wrdreg $0xFFFFFFFF  }
0xa7: {  	s28 =	simm.s32 $_size_execute0_lowered;
	s3 =	sadd.s32 s3, s5;
	[dreg:$0x0] =	wrdreg $0x0  }
0xa8: {  	s5 =	sshll.u32 s28, $0x1;
	[dreg:$0x2] =	wrdreg s3  }
0xa9: {  	[dreg:$0x3] =	wrdreg s5  }
0xaa: {  	[dreg:$0x4] =	wrdreg $0xC0  }
0xab: {  	_ =	task [dreg:s7], $0x5FFFF  }
0xac: {  	[dreg:$0x1] =	wrdreg $0xFFFFFFFF  }
0xad: {  	[dreg:$0x0] =	wrdreg $0x60  }
0xae: {  	[dreg:$0x2] =	wrdreg s24  }
0xaf: {  	[dreg:$0x3] =	wrdreg s2  }
0xb0: {  	[dreg:$0x4] =	wrdreg $0x170100  }
0xb1: {  	[dreg:$0x5] =	wrdreg $0x148100  }
0xb2: {  	[dreg:$0x6] =	wrdreg $0x9  }
0xb3: {  	_ =	task.clear_ibuf [dreg:s7], $0x7FFFF;
	_ =	strace $0x90000049  }
0xb4: {  	s29 =	simm.s32 $0x9;
	_ =	strace $0x8000004B  }
0xb5: {  	_ =	swait.ge [sflag:s29], $0x1  }
0xb6: {  	[sflag:s29] =	ssyncadd.s32 $0xFFFFFFFF  }
0xb7: {  	_ =	strace $0x9000004B  }
0xb8: {  	_ =	sfence  }
0xb9: {  	s30 =	sld [smem:$0x0];
	_ =	sdelay $0x2  }
0xba: {  	s31 =	sshll.u32 s1, $0xD;
	s1 =	sshrl.u32 s1, $0x2  }
0xbb: {  	s3 =	sand.u32 $0x4000, s31;
	s1 =	sadd.s32 s1, s30  }
0xbc: {  	s0 =	sor.u32 s3, s0;
	s1 =	sshll.u32 s1, $0x11  }
0xbd: {  	s0 =	sor.u32 s1, s0  }
0xbe: {  	s0 =	sadd.s32 $0x8F2B, s0  }
0xbf: {  	[sflag:s0] =	ssyncadd.remote.s32 $0x1  }
0xc0: {  	_ =	sfence.sel $0xFFFF  }
0xc1: {  	[dreg:$0x0] =	wrdreg $0xFFFFFFFF;
	(pc) =	sbr.abs _section_cstart, $3  }
0xc2: {  	[dreg:$0x1] =	wrdreg $0xFFFFFFFF  }
0xc3: {  	_ =	task.clear_ibuf [dreg:s7], $0x2FFFF;
	_ =	strace $0x9FFFFFFF  }
0xc4: {  	(tm) =	ssettm $0x7FFFFFFF  }
0xc5: {  	_ =	shalt  }
tec
execute0_lowered:
.L_overlay_start_1:
0x0: {  	(tag) =	ssettag $0x1  }
0x1: {  	s1 =	rddreg [dreg:$0x0]  }
0x2: {  	s0 =	srdreg.scid;
	s3 =	rddreg [dreg:$0x2]  }
0x3: {  	s9 =	stileid.u32;
	s4 =	rddreg [dreg:$0x3];
	s5 =	simm.s32 $0x0  }
0x4: {  	s21 =	simm.s32 $0x12000;
	s31 =	simm.s32 $0x2;
	s0 =	sand.u32 $0x1, s0  }
0x5: {  	s14 =	smul.u32 $0x2800, s9;
	[smem:$0x7FF] =	sst s5;
	s11 =	sshll.u32 s9, $0x6  }
0x6: {  	s2 =	sshll.u32 s0, $0x4;
	s6 =	smul.u32 $0x28000, s0;
	_ =	strace $0x8000004A  }
0x7: {  	s7 =	ssub.s32 $0x2, s0;
	s13 =	sor.u32 $0x1C01, s11;
	p0 =	sne.s32 s0, $0x0  }
0x8: {  	s0 =	simm.s32 $0x0;
	s2 =	sor.u32 s9, s2;
	s24 =	sshrl.u32 s14, $0x3  }
0x9: {  	s8 =	sshrl.u32 s7, $0x1;
	s30 =	sadd.s32 s14, s3;
	s2 =	smul.u32 $0x2800, s2  }
0xa: {  	s6 =	sadd.s32 s14, s6;
	s17 =	ssub.s32 s7, s8;
	s14 =	sadd.s32 s14, s4  }
0xb: {  	s23 =	sshrl.u32 s30, $0x3;
	s6 =	sshrl.u32 s6, $0x3;
	s2 =	sshrl.u32 s2, $0x3  }
0xc: {  	s17 =	smax.u32 s17, $0x1;
	s16 =	sadd.s32 s6, s1;
	s2 =	sadd.s32 s2, s1  }
0xd: {  	s1 =	sadd.s32 s24, s1;
	s16 =	sadd.s32 $0x31E00, s16;
	s25 =	sadd.s32 $0x9E00, s2  }
0xe: {  	s24 =	simm.s32 $0x1;
	s2 =	sadd.s32 $0x13E00, s2;
	[dreg:$0x5] =	wrdreg s25  }
0xf: {  	s26 =	sadd.s32 $0x22E00, s1;
	s28 =	sadd.s32 $0x27E00, s1;
	[dreg:$0x6] =	wrdreg s2  }
0x10: {  	s29 =	sadd.s32 $0x2CE00, s1;
	s12 =	sadd.s32 $0x1DE00, s1;
	[dreg:$0x7] =	wrdreg s26  }
0x11: {  	s15 =	sadd.s32 $0x4E00, s1;
	s1 =	simm.s32 $0x3;
	[dreg:$0x8] =	wrdreg s28  }
0x12: {  	[dreg:$0x9] =	wrdreg s29;
	s25 =	simm.s32 $0x4;
	s26 =	simm.s32 $0x80  }
.LBB2_1:
0x13: {  	s2 =	rddreg [dreg:$0x5]  }
0x14: {  	[tilespmem:s5], [sflag:$0x1] =	stream.linear.gather [hbm4b:s2+s5], $0x2800, $0x38;
	[tilespmem:$0x19810] =	vst v63  }
0x15: {  	s10 =	rddreg [dreg:$0x6];
	s6 =	simm.s32 $0x2800  }
0x16: {  	[tilespmem:s6], [sflag:$0x1] =	stream.linear.gather [hbm4b:s10+s5], $0x2800, $0x38;
	[tilespmem:$0x19810] =	vst v63  }
0x17: {  	s18 =	rddreg [dreg:$0x7];
	s19 =	simm.s32 $0xD000  }
0x18: {  	[tilespmem:s19], [sflag:$0x1] =	stream.linear.gather [hbm4b:s18+s5], $0x2800, $0x38;
	[tilespmem:$0x19810] =	vst v63  }
0x19: {  	s20 =	rddreg [dreg:$0x8];
	s22 =	simm.s32 $0xF800  }
0x1a: {  	[tilespmem:s22], [sflag:$0x1] =	stream.linear.gather [hbm4b:s20+s5], $0x2800, $0x38;
	[tilespmem:$0x19810] =	vst v63  }
0x1b: {  	s28 =	rddreg [dreg:$0x9]  }
0x1c: {  	[tilespmem:s21], [sflag:$0x1] =	stream.linear.gather [hbm4b:s28+s5], $0x2800, $0x38;
	[tilespmem:$0x19810] =	vst v63  }
0x1d: {  	s29 =	rddreg [dreg:$0x1];
	s30 =	simm.s32 $0x14800  }
0x1e: {  	[tilespmem:s30], [sflag:$0x1] =	stream.linear.gather [hbm4b:s29+s5], $0x10, $0x38;
	[tilespmem:$0x19810] =	vst v63  }
0x1f: {  	[spmem:s23], [sflag:s13] =	dma.local [hbm:s12], $0x500  }
0x20: {  	_ =	swait.ge [sflag:s24], $0x2800  }
0x21: {  	[sflag:s24] =	ssyncset.done $0x0  }
0x22: {  	[sflag:s24] =	ssyncadd.s32 $0xFFFFD800  }
0x23: {  	_ =	swait.ge [sflag:s24], $0x2800  }
0x24: {  	[sflag:s24] =	ssyncset.done $0x0  }
0x25: {  	[sflag:s24] =	ssyncadd.s32 $0xFFFFD800  }
0x26: {  	_ =	swait.ge [sflag:s24], $0x2800  }
0x27: {  	[sflag:s24] =	ssyncset.done $0x0  }
0x28: {  	[sflag:s24] =	ssyncadd.s32 $0xFFFFD800  }
0x29: {  	_ =	swait.ge [sflag:s24], $0x2800  }
0x2a: {  	[sflag:s24] =	ssyncset.done $0x0  }
0x2b: {  	[sflag:s24] =	ssyncadd.s32 $0xFFFFD800  }
0x2c: {  	_ =	swait.ge [sflag:s24], $0x2800  }
0x2d: {  	[sflag:s24] =	ssyncset.done $0x0  }
0x2e: {  	[sflag:s24] =	ssyncadd.s32 $0xFFFFD800  }
0x2f: {  	_ =	swait.ge [sflag:s24], $0x10  }
0x30: {  	[sflag:s24] =	ssyncset.done $0x0  }
0x31: {  	[sflag:s24] =	ssyncadd.s32 $0xFFFFFFF0  }
0x32: {  	_ =	swait.ge [sflag:s24], $0x500  }
0x33: {  	[sflag:s24] =	ssyncset.done $0x0  }
0x34: {  	s2 =	simm.s32 $0x0;
	[sflag:s24] =	ssyncadd.s32 $0xFFFFFB00  }
0x35: {  	v1 =	vld [tilespmem:s2+$0xD000]  }
0x36: {  	v2 =	vld [tilespmem:s2+$0xF800];
	_ =	sdelay $0x1  }
0x37: {  	v3 =	vld [tilespmem:s2+$0x12000];
	_ =	sdelay $0x1  }
0x38: {  	v0 =	vld [tilespmem:$0x14800]  }
0x39: {  	v1 =	vadd.f32 v2, v1;
	_ =	sdelay $0x1  }
0x3a: {  	v1 =	vadd.f32 v3, v1;
	_ =	sdelay $0x1  }
0x3b: {  	s18 =	simm.s32 $0x10;
	v2 =	vadd.f32 v1, v0  }
0x3c: {  	s19 =	simm.s32 $0x80;
	v1 =	vld [tilespmem:s18+$0xD000]  }
.LBB2_2:
0x3d: {  	p1 =	sne.s32 s19, $0x9FC0;
	v3 =	vld [tilespmem:s18+$0xF800];
	v2 =	vmax.f32 v2, $0.0e+00  }
0x3e: {  	[tilespmem:s2+$0x12000] =	vst v2;
	s2 =	smov.u32 s18  }
0x3f: {  	v2 =	vld [tilespmem:s2+$0x12000];
	_ =	sdelay $0x2  }
0x40: {  	v1 =	vadd.f32 v3, v1  }
.Ltmp0:
0x41: {  	(pc) =	sbr.rel @p1 .LBB2_2-.Ltmp0, $3  }
0x42: {  	v1 =	vadd.f32 v2, v1;
	_ =	sdelay $0x1  }
0x43: {  	s18 =	sshra.s32 s19, $0x2;
	v2 =	vadd.f32 v1, v0  }
0x44: {  	s19 =	sadd.s32 $0x40, s19;
	v1 =	vld [tilespmem:s18+$0xD000]  }
0x45: {  	v3 =	vld [tilespmem:s18+$0xF800];
	v2 =	vmax.f32 v2, $0.0e+00  }
0x46: {  	[tilespmem:s2+$0x12000] =	vst v2  }
0x47: {  	v2 =	vld [tilespmem:s18+$0x12000];
	_ =	sdelay $0x2  }
0x48: {  	v1 =	vadd.f32 v3, v1;
	_ =	sdelay $0x1  }
0x49: {  	v1 =	vadd.f32 v2, v1;
	_ =	sdelay $0x1  }
0x4a: {  	v0 =	vadd.f32 v1, v0;
	_ =	sdelay $0x1  }
0x4b: {  	v0 =	vmax.f32 v0, $0.0e+00  }
0x4c: {  	[tilespmem:s18+$0x12000] =	vst v0  }
0x4d: {  	[spmem:s14] =	stream.linear.scatter [tilespmem:s21], [sflag:$0x4], $0x2800, $0x38;
	[tilespmem:$0x19810] =	vst v63  }
0x4e: {  	_ =	swait.ge [sflag:s25], $0x2800  }
0x4f: {  	[sflag:s25] =	ssyncset.done $0x0  }
0x50: {  	s2 =	simm.s32 @!p0 $0x0;
	s18 =	simm.s32 @!p0 $0x12000;
	[sflag:s25] =	ssyncadd.s32 $0xFFFFD800  }
0x51: {  	[hbm4b:s15+s2] =	stream.linear.scatter @!p0 [tilespmem:s18], [sflag:$0x4], $0x2800, $0x38;
	[tilespmem:$0x19810] =	vst v63  }
0x52: {  	s2 =	simm.s32 @!p0 $0x4  }
0x53: {  	_ =	swait.ge @!p0 [sflag:s2], $0x2800  }
0x54: {  	[sflag:s2] =	ssyncset.done @!p0 $0x0  }
0x55: {  	[sflag:s2] =	ssyncadd.s32 @!p0 $0xFFFFD800  }
0x56: {  	s6 =	simm.s32 $0x5000;
	s2 =	simm.s32 $0x0;
	[bflag:$0x0] =	sbarrier.arrive $0xFFFF  }
0x57: {  	[tilespmem:s6], [sflag:$0x2] =	stream.indirect.gather [spmem:s4], $0x10, s2, s26, $0xb8;
	[tilespmem:$0x19810] =	vst v63  }
0x58: {  	s19 =	simm.s32 $0x5800  }
0x59: {  	[tilespmem:s19], [sflag:$0x2] =	stream.indirect.gather [spmem:s4], $0x10, s26, s26, $0xb8;
	[tilespmem:$0x19810] =	vst v63  }
0x5a: {  	s20 =	simm.s32 $0x100;
	s7 =	simm.s32 $0x6000  }
0x5b: {  	[tilespmem:s7], [sflag:$0x2] =	stream.indirect.gather [spmem:s4], $0x10, s20, s26, $0xb8;
	[tilespmem:$0x19810] =	vst v63  }
0x5c: {  	s22 =	simm.s32 $0x180;
	s28 =	simm.s32 $0x6800  }
0x5d: {  	[tilespmem:s28], [sflag:$0x2] =	stream.indirect.gather [spmem:s4], $0x10, s22, s26, $0xb8;
	[tilespmem:$0x19810] =	vst v63  }
0x5e: {  	s29 =	simm.s32 $0x200;
	s30 =	simm.s32 $0x7000  }
0x5f: {  	[tilespmem:s30], [sflag:$0x2] =	stream.indirect.gather [spmem:s4], $0x10, s29, s26, $0xb8;
	[tilespmem:$0x19810] =	vst v63  }
0x60: {  	s8 =	simm.s32 $0x7800;
	s7 =	simm.s32 $0x280  }
0x61: {  	[tilespmem:s8], [sflag:$0x2] =	stream.indirect.gather [spmem:s4], $0x10, s7, s26, $0xb8;
	[tilespmem:$0x19810] =	vst v63  }
0x62: {  	s9 =	simm.s32 $0x300;
	s10 =	simm.s32 $0x8000  }
0x63: {  	[tilespmem:s10], [sflag:$0x2] =	stream.indirect.gather [spmem:s4], $0x10, s9, s26, $0xb8;
	[tilespmem:$0x19810] =	vst v63  }
0x64: {  	s18 =	simm.s32 $0x380;
	s19 =	simm.s32 $0x8800  }
0x65: {  	[tilespmem:s19], [sflag:$0x2] =	stream.indirect.gather [spmem:s4], $0x10, s18, s26, $0xb8;
	[tilespmem:$0x19810] =	vst v63  }
0x66: {  	_ =	swait.ge [sflag:s31], $0x800  }
0x67: {  	[sflag:s31] =	ssyncset.done $0x0  }
0x68: {  	[sflag:s31] =	ssyncadd.s32 $0xFFFFF800  }
0x69: {  	_ =	swait.ge [sflag:s31], $0x800  }
0x6a: {  	[sflag:s31] =	ssyncset.done $0x0  }
0x6b: {  	[sflag:s31] =	ssyncadd.s32 $0xFFFFF800  }
0x6c: {  	_ =	swait.ge [sflag:s31], $0x800  }
0x6d: {  	[sflag:s31] =	ssyncset.done $0x0  }
0x6e: {  	[sflag:s31] =	ssyncadd.s32 $0xFFFFF800  }
0x6f: {  	_ =	swait.ge [sflag:s31], $0x800  }
0x70: {  	[sflag:s31] =	ssyncset.done $0x0  }
0x71: {  	[sflag:s31] =	ssyncadd.s32 $0xFFFFF800  }
0x72: {  	_ =	swait.ge [sflag:s31], $0x800  }
0x73: {  	[sflag:s31] =	ssyncset.done $0x0  }
0x74: {  	[sflag:s31] =	ssyncadd.s32 $0xFFFFF800  }
0x75: {  	_ =	swait.ge [sflag:s31], $0x800  }
0x76: {  	[sflag:s31] =	ssyncset.done $0x0  }
0x77: {  	[sflag:s31] =	ssyncadd.s32 $0xFFFFF800  }
0x78: {  	_ =	swait.ge [sflag:s31], $0x800  }
0x79: {  	[sflag:s31] =	ssyncset.done $0x0  }
0x7a: {  	[sflag:s31] =	ssyncadd.s32 $0xFFFFF800  }
0x7b: {  	p1 =	por $0x0, $0x0;
	_ =	swait.ge [sflag:s31], $0x800  }
0x7c: {  	s20 =	simm.s32 @!p1 $0x400;
	s18 =	sand.u32 $0x4000, s2;
	[sflag:s31] =	ssyncset.done $0x0  }
0x7d: {  	s22 =	simm.s32 @!p1 $0x80;
	s19 =	ssub.s32 @!p1 $0x9000, s18;
	[sflag:s31] =	ssyncadd.s32 $0xFFFFF800  }
0x7e: {  	[tilespmem:s19], [sflag:$0x2] =	stream.indirect.gather @!p1 [spmem:s4], $0x10, s20, s22, $0xb8;
	[tilespmem:$0x19810] =	vst v63  }
0x7f: {  	s19 =	simm.s32 @!p1 $0x480;
	s20 =	ssub.s32 @!p1 $0x9800, s18  }
0x80: {  	[tilespmem:s20], [sflag:$0x2] =	stream.indirect.gather @!p1 [spmem:s4], $0x10, s19, s22, $0xb8;
	[tilespmem:$0x19810] =	vst v63  }
0x81: {  	s19 =	simm.s32 @!p1 $0x500;
	s20 =	ssub.s32 @!p1 $0xA000, s18  }
0x82: {  	[tilespmem:s20], [sflag:$0x2] =	stream.indirect.gather @!p1 [spmem:s4], $0x10, s19, s22, $0xb8;
	[tilespmem:$0x19810] =	vst v63  }
0x83: {  	s19 =	simm.s32 @!p1 $0x580;
	s20 =	ssub.s32 @!p1 $0xA800, s18  }
0x84: {  	[tilespmem:s20], [sflag:$0x2] =	stream.indirect.gather @!p1 [spmem:s4], $0x10, s19, s22, $0xb8;
	[tilespmem:$0x19810] =	vst v63  }
0x85: {  	s19 =	ssub.s32 @!p1 $0xB000, s18;
	s20 =	simm.s32 @!p1 $0x600  }
0x86: {  	[tilespmem:s19], [sflag:$0x2] =	stream.indirect.gather @!p1 [spmem:s4], $0x10, s20, s22, $0xb8;
	[tilespmem:$0x19810] =	vst v63  }
0x87: {  	s19 =	ssub.s32 @!p1 $0xB800, s18;
	s20 =	simm.s32 @!p1 $0x680  }
0x88: {  	[tilespmem:s19], [sflag:$0x2] =	stream.indirect.gather @!p1 [spmem:s4], $0x10, s20, s22, $0xb8;
	[tilespmem:$0x19810] =	vst v63  }
0x89: {  	s19 =	simm.s32 @!p1 $0x700;
	s20 =	ssub.s32 @!p1 $0xC000, s18  }
0x8a: {  	[tilespmem:s20], [sflag:$0x2] =	stream.indirect.gather @!p1 [spmem:s4], $0x10, s19, s22, $0xb8;
	[tilespmem:$0x19810] =	vst v63  }
0x8b: {  	s19 =	ssub.s32 @!p1 $0xC800, s18;
	s20 =	simm.s32 @!p1 $0x780  }
0x8c: {  	[tilespmem:s19], [sflag:$0x2] =	stream.indirect.gather @!p1 [spmem:s4], $0x10, s20, s22, $0xb8;
	[tilespmem:$0x19810] =	vst v63  }
0x8d: {  	s20 =	sadd.s32 $0x5000, s18;
	s22 =	simm.s32 $0x2800  }
0x8e: {  	[spmem:s3] =	stream.indirect.scatter.add.f32 [tilespmem:s20], [sflag:$0x3], $0x10, s22, s26, $0xb8;
	[tilespmem:$0x19810] =	vst v63  }
0x8f: {  	s29 =	simm.s32 $0x2880;
	s28 =	sadd.s32 $0x5800, s18  }
0x90: {  	[spmem:s3] =	stream.indirect.scatter.add.f32 [tilespmem:s28], [sflag:$0x3], $0x10, s29, s26, $0xb8;
	[tilespmem:$0x19810] =	vst v63  }
0x91: {  	s6 =	simm.s32 $0x2900;
	s30 =	sadd.s32 $0x6000, s18  }
0x92: {  	[spmem:s3] =	stream.indirect.scatter.add.f32 [tilespmem:s30], [sflag:$0x3], $0x10, s6, s26, $0xb8;
	[tilespmem:$0x19810] =	vst v63  }
0x93: {  	s8 =	simm.s32 $0x2980;
	s7 =	sadd.s32 $0x6800, s18  }
0x94: {  	[spmem:s3] =	stream.indirect.scatter.add.f32 [tilespmem:s7], [sflag:$0x3], $0x10, s8, s26, $0xb8;
	[tilespmem:$0x19810] =	vst v63  }
0x95: {  	s10 =	simm.s32 $0x2A00;
	s9 =	sadd.s32 $0x7000, s18  }
0x96: {  	[spmem:s3] =	stream.indirect.scatter.add.f32 [tilespmem:s9], [sflag:$0x3], $0x10, s10, s26, $0xb8;
	[tilespmem:$0x19810] =	vst v63  }
0x97: {  	s20 =	sadd.s32 $0x7800, s18;
	s22 =	simm.s32 $0x2A80  }
0x98: {  	[spmem:s3] =	stream.indirect.scatter.add.f32 [tilespmem:s20], [sflag:$0x3], $0x10, s22, s26, $0xb8;
	[tilespmem:$0x19810] =	vst v63  }
0x99: {  	s28 =	sor.u32 $0x8000, s18;
	s29 =	simm.s32 $0x2B00  }
0x9a: {  	[spmem:s3] =	stream.indirect.scatter.add.f32 [tilespmem:s28], [sflag:$0x3], $0x10, s29, s26, $0xb8;
	[tilespmem:$0x19810] =	vst v63  }
0x9b: {  	s18 =	sor.u32 $0x8800, s18;
	s30 =	simm.s32 $0x2B80  }
0x9c: {  	[spmem:s3] =	stream.indirect.scatter.add.f32 [tilespmem:s18], [sflag:$0x3], $0x10, s30, s26, $0xb8;
	[tilespmem:$0x19810] =	vst v63  }
0x9d: {  	_ =	swait.ge [sflag:s1], $0x800  }
0x9e: {  	[sflag:s1] =	ssyncset.done $0x0  }
0x9f: {  	[sflag:s1] =	ssyncadd.s32 $0xFFFFF800  }
0xa0: {  	_ =	swait.ge [sflag:s1], $0x800  }
0xa1: {  	[sflag:s1] =	ssyncset.done $0x0  }
0xa2: {  	[sflag:s1] =	ssyncadd.s32 $0xFFFFF800  }
0xa3: {  	_ =	swait.ge [sflag:s1], $0x800  }
0xa4: {  	[sflag:s1] =	ssyncset.done $0x0  }
0xa5: {  	[sflag:s1] =	ssyncadd.s32 $0xFFFFF800  }
0xa6: {  	_ =	swait.ge [sflag:s1], $0x800  }
0xa7: {  	[sflag:s1] =	ssyncset.done $0x0  }
0xa8: {  	[sflag:s1] =	ssyncadd.s32 $0xFFFFF800  }
0xa9: {  	_ =	swait.ge [sflag:s1], $0x800  }
0xaa: {  	[sflag:s1] =	ssyncset.done $0x0  }
0xab: {  	[sflag:s1] =	ssyncadd.s32 $0xFFFFF800  }
0xac: {  	_ =	swait.ge [sflag:s1], $0x800  }
0xad: {  	[sflag:s1] =	ssyncset.done $0x0  }
0xae: {  	[sflag:s1] =	ssyncadd.s32 $0xFFFFF800  }
0xaf: {  	_ =	swait.ge [sflag:s1], $0x800  }
0xb0: {  	[sflag:s1] =	ssyncset.done $0x0  }
0xb1: {  	[sflag:s1] =	ssyncadd.s32 $0xFFFFF800  }
0xb2: {  	s18 =	simm.s32 $0x1000;
	_ =	swait.ge [sflag:s1], $0x800  }
.LBB2_4:
0xb3: {  	[sflag:s1] =	ssyncset.done $0x0  }
0xb4: {  	s2 =	sadd.s32 $0x4000, s2;
	s19 =	smov.u32 s18;
	s18 =	sadd.s32 $0x1000, s18  }
0xb5: {  	p1 =	sne.s32 s18, $0xA000;
	[sflag:s1] =	ssyncadd.s32 $0xFFFFF800  }
0xb6: {  	_ =	swait.ge [sflag:s31], $0x800  }
0xb7: {  	[sflag:s31] =	ssyncset.done $0x0  }
0xb8: {  	[sflag:s31] =	ssyncadd.s32 $0xFFFFF800  }
0xb9: {  	_ =	swait.ge [sflag:s31], $0x800  }
0xba: {  	[sflag:s31] =	ssyncset.done $0x0  }
0xbb: {  	[sflag:s31] =	ssyncadd.s32 $0xFFFFF800  }
0xbc: {  	_ =	swait.ge [sflag:s31], $0x800  }
0xbd: {  	[sflag:s31] =	ssyncset.done $0x0  }
0xbe: {  	[sflag:s31] =	ssyncadd.s32 $0xFFFFF800  }
0xbf: {  	_ =	swait.ge [sflag:s31], $0x800  }
0xc0: {  	[sflag:s31] =	ssyncset.done $0x0  }
0xc1: {  	[sflag:s31] =	ssyncadd.s32 $0xFFFFF800  }
0xc2: {  	_ =	swait.ge [sflag:s31], $0x800  }
0xc3: {  	[sflag:s31] =	ssyncset.done $0x0  }
0xc4: {  	[sflag:s31] =	ssyncadd.s32 $0xFFFFF800  }
0xc5: {  	_ =	swait.ge [sflag:s31], $0x800  }
0xc6: {  	[sflag:s31] =	ssyncset.done $0x0  }
0xc7: {  	[sflag:s31] =	ssyncadd.s32 $0xFFFFF800  }
0xc8: {  	_ =	swait.ge [sflag:s31], $0x800  }
0xc9: {  	[sflag:s31] =	ssyncset.done $0x0  }
0xca: {  	s20 =	sand.u32 $0x4000, s2;
	p2 =	seq.s32 s19, $0x9000;
	[sflag:s31] =	ssyncadd.s32 $0xFFFFF800  }
0xcb: {  	s22 =	ssub.s32 @!p2 $0x9000, s20;
	s28 =	sshra.s32 @!p2 s19, $0x2;
	_ =	swait.ge [sflag:s31], $0x800  }
0xcc: {  	s29 =	sadd.s32 @!p2 $0x400, s28;
	s30 =	sadd.s32 @!p2 $0x500, s28;
	[sflag:s31] =	ssyncset.done $0x0  }
0xcd: {  	s6 =	simm.s32 @!p2 $0x80;
	s7 =	sadd.s32 @!p2 $0x480, s28;
	[sflag:s31] =	ssyncadd.s32 $0xFFFFF800  }
0xce: {  	[tilespmem:s22], [sflag:$0x2] =	stream.indirect.gather @!p2 [spmem:s4], $0x10, s29, s6, $0xb8;
	[tilespmem:$0x19810] =	vst v63  }
0xcf: {  	s8 =	sadd.s32 @!p2 $0x580, s28;
	s22 =	ssub.s32 @!p2 $0x9800, s20;
	s29 =	ssub.s32 @!p2 $0xA000, s20  }
0xd0: {  	[tilespmem:s22], [sflag:$0x2] =	stream.indirect.gather @!p2 [spmem:s4], $0x10, s7, s6, $0xb8;
	[tilespmem:$0x19810] =	vst v63  }
0xd1: {  	s9 =	sadd.s32 @!p2 $0x600, s28;
	s7 =	ssub.s32 @!p2 $0xA800, s20;
	s22 =	ssub.s32 @!p2 $0xB000, s20  }
0xd2: {  	[tilespmem:s29], [sflag:$0x2] =	stream.indirect.gather @!p2 [spmem:s4], $0x10, s30, s6, $0xb8;
	[tilespmem:$0x19810] =	vst v63  }
0xd3: {  	s10 =	sadd.s32 @!p2 $0x700, s28;
	s29 =	ssub.s32 @!p2 $0xB800, s20;
	s30 =	sadd.s32 @!p2 $0x680, s28  }
0xd4: {  	[tilespmem:s7], [sflag:$0x2] =	stream.indirect.gather @!p2 [spmem:s4], $0x10, s8, s6, $0xb8;
	[tilespmem:$0x19810] =	vst v63  }
0xd5: {  	s28 =	sadd.s32 @!p2 $0x780, s28;
	s7 =	ssub.s32 @!p2 $0xC000, s20;
	s8 =	ssub.s32 @!p2 $0xC800, s20  }
0xd6: {  	[tilespmem:s22], [sflag:$0x2] =	stream.indirect.gather @!p2 [spmem:s4], $0x10, s9, s6, $0xb8;
	[tilespmem:$0x19810] =	vst v63  }
0xd7: {  	_ = 	snop  }
0xd8: {  	[tilespmem:s29], [sflag:$0x2] =	stream.indirect.gather @!p2 [spmem:s4], $0x10, s30, s6, $0xb8;
	[tilespmem:$0x19810] =	vst v63  }
0xd9: {  	_ = 	snop  }
0xda: {  	[tilespmem:s7], [sflag:$0x2] =	stream.indirect.gather @!p2 [spmem:s4], $0x10, s10, s6, $0xb8;
	[tilespmem:$0x19810] =	vst v63  }
0xdb: {  	s9 =	sshra.s32 s19, $0x2;
	s7 =	sadd.s32 $0x5000, s20  }
0xdc: {  	[tilespmem:s8], [sflag:$0x2] =	stream.indirect.gather @!p2 [spmem:s4], $0x10, s28, s6, $0xb8;
	[tilespmem:$0x19810] =	vst v63  }
0xdd: {  	s10 =	sadd.s32 $0x2880, s9;
	s6 =	sadd.s32 $0x5800, s20;
	s8 =	sadd.s32 $0x2800, s9  }
0xde: {  	[spmem:s3] =	stream.indirect.scatter.add.f32 [tilespmem:s7], [sflag:$0x3], $0x10, s8, s26, $0xb8;
	[tilespmem:$0x19810] =	vst v63  }
0xdf: {  	s7 =	sadd.s32 $0x6000, s20;
	s8 =	sadd.s32 $0x2900, s9  }
0xe0: {  	[spmem:s3] =	stream.indirect.scatter.add.f32 [tilespmem:s6], [sflag:$0x3], $0x10, s10, s26, $0xb8;
	[tilespmem:$0x19810] =	vst v63  }
0xe1: {  	s6 =	sadd.s32 $0x6800, s20;
	s10 =	sadd.s32 $0x2980, s9  }
0xe2: {  	[spmem:s3] =	stream.indirect.scatter.add.f32 [tilespmem:s7], [sflag:$0x3], $0x10, s8, s26, $0xb8;
	[tilespmem:$0x19810] =	vst v63  }
0xe3: {  	s7 =	sadd.s32 $0x7000, s20;
	s8 =	sadd.s32 $0x2A00, s9  }
0xe4: {  	[spmem:s3] =	stream.indirect.scatter.add.f32 [tilespmem:s6], [sflag:$0x3], $0x10, s10, s26, $0xb8;
	[tilespmem:$0x19810] =	vst v63  }
0xe5: {  	s6 =	sadd.s32 $0x7800, s20;
	s10 =	sadd.s32 $0x2A80, s9  }
0xe6: {  	[spmem:s3] =	stream.indirect.scatter.add.f32 [tilespmem:s7], [sflag:$0x3], $0x10, s8, s26, $0xb8;
	[tilespmem:$0x19810] =	vst v63  }
0xe7: {  	s7 =	sor.u32 $0x8000, s20;
	s8 =	sadd.s32 $0x2B00, s9  }
0xe8: {  	[spmem:s3] =	stream.indirect.scatter.add.f32 [tilespmem:s6], [sflag:$0x3], $0x10, s10, s26, $0xb8;
	[tilespmem:$0x19810] =	vst v63  }
0xe9: {  	s9 =	sadd.s32 $0x2B80, s9;
	s6 =	sor.u32 $0x8800, s20  }
0xea: {  	[spmem:s3] =	stream.indirect.scatter.add.f32 [tilespmem:s7], [sflag:$0x3], $0x10, s8, s26, $0xb8;
	[tilespmem:$0x19810] =	vst v63  }
0xeb: {  	_ = 	snop  }
0xec: {  	[spmem:s3] =	stream.indirect.scatter.add.f32 [tilespmem:s6], [sflag:$0x3], $0x10, s9, s26, $0xb8;
	[tilespmem:$0x19810] =	vst v63  }
0xed: {  	_ =	swait.ge [sflag:s1], $0x800  }
0xee: {  	[sflag:s1] =	ssyncset.done $0x0  }
0xef: {  	[sflag:s1] =	ssyncadd.s32 $0xFFFFF800  }
0xf0: {  	_ =	swait.ge [sflag:s1], $0x800  }
0xf1: {  	[sflag:s1] =	ssyncset.done $0x0  }
0xf2: {  	[sflag:s1] =	ssyncadd.s32 $0xFFFFF800  }
0xf3: {  	_ =	swait.ge [sflag:s1], $0x800  }
0xf4: {  	[sflag:s1] =	ssyncset.done $0x0  }
0xf5: {  	[sflag:s1] =	ssyncadd.s32 $0xFFFFF800  }
0xf6: {  	_ =	swait.ge [sflag:s1], $0x800  }
0xf7: {  	[sflag:s1] =	ssyncset.done $0x0  }
0xf8: {  	[sflag:s1] =	ssyncadd.s32 $0xFFFFF800  }
0xf9: {  	_ =	swait.ge [sflag:s1], $0x800  }
0xfa: {  	[sflag:s1] =	ssyncset.done $0x0  }
0xfb: {  	[sflag:s1] =	ssyncadd.s32 $0xFFFFF800  }
0xfc: {  	_ =	swait.ge [sflag:s1], $0x800  }
0xfd: {  	[sflag:s1] =	ssyncset.done $0x0  }
.Ltmp1:
0xfe: {  	[sflag:s1] =	ssyncadd.s32 $0xFFFFF800;
	(pc) =	sbr.rel @p1 .LBB2_4-.Ltmp1, $4  }
0xff: {  	_ =	swait.ge [sflag:s1], $0x800  }
0x100: {  	[sflag:s1] =	ssyncset.done $0x0  }
0x101: {  	[sflag:s1] =	ssyncadd.s32 $0xFFFFF800  }
0x102: {  	_ =	swait.ge [sflag:s1], $0x800  }
0x103: {  	[sflag:s1] =	ssyncset.done $0x0;
	s0 =	sadd.s32 $0x1, s0  }
0x104: {  	[sflag:s1] =	ssyncadd.s32 $0xFFFFF800;
	p1 =	sne.s32 s0, s17  }
.Ltmp2:
0x105: {  	s2 =	sor.u32 $0x1C04, s11;
	[bflag:$0x0] =	sbarrier.arrive $0xFFFF;
	(pc) =	sbr.rel @p1 .LBB2_1-.Ltmp2, $4  }
0x106: {  	[hbm:s16], [sflag:s2] =	dma.local [spmem:s23], $0x500  }
0x107: {  	_ =	swait.ge [sflag:s25], $0x500  }
0x108: {  	[sflag:s25] =	ssyncset.done $0x0  }
0x109: {  	[sflag:s25] =	ssyncadd.s32 $0xFFFFFB00  }
0x10a: {  	_ =	sfence.sel $0x180000  }
0x10b: {  	[bflag:$0x0] =	sbarrier.arrive $0xFFFF  }
0x10c: {  	_ =	strace $0x9000004A  }
0x10d: {  	s0 =	stileid.u32;
	[bflag:$0x2] =	sbarrier.arrive $0xFFFF  }
0x10e: {  	p0 =	sne.s32 s0, $0x0;
	s0 =	rddreg [dreg:$0x4]  }
0x10f: {  	s0 =	sadd.s32 @!p0 $0x100000, s0  }
0x110: {  	[sflag:s0] =	ssyncadd.tile.s32 @!p0 $0x1;
	_ =	shalt  }
.Lfunc_end2:
_tile_overlayer_lowered:
.L_overlay_start_2:
0x111: {  	(tag) =	ssettag $0x2  }
0x112: {  	s0 =	rddreg [dreg:$0x0];
	s2 =	stileid.u32  }
0x113: {  	s1 =	rddreg [dreg:$0x1];
	p0 =	sne.s32 s2, $0x0  }
0x114: {  	s3 =	rddreg [dreg:$0x2];
	[bflag:$0x3] =	sbarrier.arrive $0xFFFF;
	s2 =	simm.s32 @!p0 $0x1C04  }
0x115: {  	[timem:s3], [sflag:s2] =	dma.local @!p0 [hbm:s0], s1  }
0x116: {  	s0 =	simm.s32 @!p0 $0x4  }
0x117: {  	_ =	swait.ge @!p0 [sflag:s0], s1  }
0x118: {  	s1 =	ssub.s32 @!p0 $0x0, s1;
	[sflag:s0] =	ssyncset.done @!p0 $0x0  }
0x119: {  	[sflag:s0] =	ssyncadd.s32 @!p0 s1  }
0x11a: {  	[bflag:$0x3] =	sbarrier.arrive $0xFFFF  }
0x11b: {  	_ =	shalt  }

// kernel: kernel.14.cloned.1.call-start
scs
__scs_entry_jumppad:
0x0: {  	(pc) =	sbr.rel $0x88, $3  }
0x1: {  	(tag) =	ssettag $0x0;
	lr =	simm.s32 $0x1  }
0x2: {  	[smem:$0x3F93] =	sst lr;
	_ =	strace $0xD0000000  }
0x3: {  	_ = 	snop  }
0x4: {  	_ = 	snop  }
0x5: {  	_ = 	snop  }
0x6: {  	_ = 	snop  }
0x7: {  	_ = 	snop  }
__scs_overlays_trampoline_lowered:
0x8: {  	[smem:$0x3FA2] =	sst s0  }
0x9: {  	[smem:$0x3FA3] =	sst s1  }
0xa: {  	[smem:$0x3FA4] =	sst s2  }
0xb: {  	[smem:$0x3FA5] =	sst s3  }
0xc: {  	[smem:$0x3FA6] =	sst s4  }
0xd: {  	[smem:$0x3FA7] =	sst s5  }
0xe: {  	[smem:$0x3FA8] =	sst s6  }
0xf: {  	[smem:$0x3FA9] =	sst s7  }
0x10: {  	[smem:$0x3FAA] =	sst s8  }
0x11: {  	[smem:$0x3FAB] =	sst s9;
	s0 =	simm.s32 @!p0 $0x0  }
0x12: {  	s1 =	sld [smem:$0x3F91];
	s0 =	simm.s32 @p0 $0x1  }
0x13: {  	[smem:$0x3FAC] =	sst s0;
	s0 =	simm.s32 @!p1 $0x0  }
0x14: {  	s2 =	sld [smem:$0x3F90];
	s0 =	simm.s32 @p1 $0x1  }
0x15: {  	[smem:$0x3FAD] =	sst s0;
	s0 =	simm.s32 @!p2 $0x0  }
0x16: {  	s3 =	sld [smem:$0x3FDB];
	s0 =	simm.s32 @p2 $0x1  }
0x17: {  	s4 =	simm.s32 $0x1BF5;
	[smem:$0x3FAF] =	sst s0  }
0x18: {  	s0 =	sld [smem:$0x3F92];
	_ =	swait.ge [sflag:s4], $0x0  }
0x19: {  	s7 =	sld [smem:$0x3F93]  }
0x1a: {  	s8 =	sadd.s32 $0xFFFFE003, lr  }
0x1b: {  	s9 =	sadd.s32 $0xFFFFFEF7, lr;
	s5 =	simm.s32 $0xFFFFFFFF;
	p2 =	slt.u32 s8, $0xFFFFF086  }
0x1c: {  	p1 =	slt.u32 s9, $0xF7A;
	s5 =	simm.s32 @!p2 $0x0  }
0x1d: {  	s5 =	simm.s32 @p1 $0x1;
	p0 =	seq.s32 s7, s2  }
0x1e: {  	s7 =	smul.u32 @!p0 $0xF7A, s2;
	p2 =	seq.s32 @!p0 s5, $0x0  }
0x1f: {  	s9 =	smul.u32 $0xF7A, s1;
	s8 =	simm.s32 @!p0 $0x1BF5;
	p2 =	por !p2, p0  }
0x20: {  	[sflag:s8] =	ssyncset.s32 @!p0 $0xFFFFF086;
	s6 =	sadd.s32 @!p0 s3, s7;
	s7 =	simm.s32 @!p0 $0x108  }
0x21: {  	s3 =	sadd.s32 s3, s9;
	s6 =	sadd.s32 @!p0 $0x88, s6;
	s7 =	simm.s32 @p2 $0x1082  }
0x22: {  	[simem:s7], [sflag:s8] =	dma.local @!p0 [hbm:s6], $0xF7A  }
0x23: {  	s9 =	sor.u32 $0xD0000000, s2;
	s6 =	simm.s32 $0x108;
	_ =	swait.ge @!p0 [sflag:s8], $0x0  }
0x24: {  	s3 =	sadd.s32 $0x88, s3;
	s6 =	simm.s32 @!p1 $0x1082;
	[sflag:s4] =	ssyncset.s32 $0xFFFFF086  }
0x25: {  	[simem:s6], [sflag:s4] =	dma.local [hbm:s3], $0xF7A  }
0x26: {  	[smem:$0x3F93] =	sst s1;
	(tag) =	ssettag s2;
	_ =	strace s9  }
0x27: {  	s1 =	sld [smem:$0x3FA3]  }
0x28: {  	s2 =	sld [smem:$0x3FA4]  }
0x29: {  	s4 =	sld [smem:$0x3FA6]  }
0x2a: {  	p0 =	seq.s32 s5, $0x0;
	s5 =	sld [smem:$0x3FA7]  }
0x2b: {  	s6 =	sld [smem:$0x3FA8]  }
0x2c: {  	s7 =	sld [smem:$0x3FA9]  }
0x2d: {  	s3 =	simm.s32 $0x108;
	s8 =	sld [smem:$0x3FAA]  }
0x2e: {  	s3 =	simm.s32 @!p0 $0x1082;
	s9 =	sld [smem:$0x3FAB]  }
0x2f: {  	lr =	sadd.s32 s0, s3;
	s0 =	sld [smem:$0x3FA2]  }
0x30: {  	s3 =	sld [smem:$0x3FA5]  }
0x31: {  	[smem:$0x3FAE] =	sst s10  }
0x32: {  	s10 =	sld [smem:$0x3FAC];
	_ =	sdelay $0x3  }
0x33: {  	p0 =	seq.s32 s10, $0x1;
	s10 =	sld [smem:$0x3FAE];
	_ =	sdelay $0x3  }
0x34: {  	[smem:$0x3FAE] =	sst s10  }
0x35: {  	s10 =	sld [smem:$0x3FAD];
	_ =	sdelay $0x3  }
0x36: {  	p1 =	seq.s32 s10, $0x1;
	s10 =	sld [smem:$0x3FAE];
	_ =	sdelay $0x3  }
0x37: {  	[smem:$0x3FAE] =	sst s10  }
0x38: {  	s10 =	sld [smem:$0x3FAF]  }
0x39: {  	_ = 	snop;
	(pc) =	sbr.ind lr, $3  }
0x3a: {  	_ = 	snop  }
0x3b: {  	_ = 	snop  }
0x3c: {  	p2 =	seq.s32 s10, $0x1;
	s10 =	sld [smem:$0x3FAE]  }
0x3d: {  	_ =	shalt  }
0x3e: {  	_ =	shalt  }
0x3f: {  	_ =	shalt  }
0x40: {  	_ =	shalt  }
0x41: {  	_ =	shalt  }
0x42: {  	_ =	shalt  }
0x43: {  	_ =	shalt  }
0x44: {  	_ =	shalt  }
0x45: {  	_ =	shalt  }
0x46: {  	_ =	shalt  }
0x47: {  	_ =	shalt  }
0x48: {  	_ =	shalt  }
0x49: {  	_ =	shalt  }
0x4a: {  	_ =	shalt  }
0x4b: {  	_ =	shalt  }
0x4c: {  	_ =	shalt  }
0x4d: {  	_ =	shalt  }
0x4e: {  	_ =	shalt  }
0x4f: {  	_ =	shalt  }
0x50: {  	_ =	shalt  }
0x51: {  	_ =	shalt  }
0x52: {  	_ =	shalt  }
0x53: {  	_ =	shalt  }
0x54: {  	_ =	shalt  }
0x55: {  	_ =	shalt  }
0x56: {  	_ =	shalt  }
0x57: {  	_ =	shalt  }
0x58: {  	_ =	shalt  }
0x59: {  	_ =	shalt  }
0x5a: {  	_ =	shalt  }
0x5b: {  	_ =	shalt  }
0x5c: {  	_ =	shalt  }
0x5d: {  	_ =	shalt  }
0x5e: {  	_ =	shalt  }
0x5f: {  	_ =	shalt  }
0x60: {  	_ =	shalt  }
0x61: {  	_ =	shalt  }
0x62: {  	_ =	shalt  }
0x63: {  	_ =	shalt  }
0x64: {  	_ =	shalt  }
0x65: {  	_ =	shalt  }
0x66: {  	_ =	shalt  }
0x67: {  	_ =	shalt  }
0x68: {  	_ =	shalt  }
0x69: {  	_ =	shalt  }
0x6a: {  	_ =	shalt  }
0x6b: {  	_ =	shalt  }
0x6c: {  	_ =	shalt  }
0x6d: {  	_ =	shalt  }
0x6e: {  	_ =	shalt  }
0x6f: {  	_ =	shalt  }
0x70: {  	_ =	shalt  }
0x71: {  	_ =	shalt  }
0x72: {  	_ =	shalt  }
0x73: {  	_ =	shalt  }
0x74: {  	_ =	shalt  }
0x75: {  	_ =	shalt  }
0x76: {  	_ =	shalt  }
0x77: {  	_ =	shalt  }
0x78: {  	_ =	shalt  }
0x79: {  	_ =	shalt  }
0x7a: {  	_ =	shalt  }
0x7b: {  	_ =	shalt  }
0x7c: {  	_ =	shalt  }
0x7d: {  	_ =	shalt  }
0x7e: {  	_ =	shalt  }
0x7f: {  	_ =	shalt  }
0x80: {  	_ =	shalt  }
0x81: {  	_ =	shalt  }
0x82: {  	_ =	shalt  }
0x83: {  	_ =	shalt  }
0x84: {  	_ =	shalt  }
0x85: {  	_ =	shalt  }
0x86: {  	_ =	shalt  }
0x87: {  	_ =	shalt  }
.Lfunc_end0:
.L_simem_size_0:
called_computation.2_lowered:
.L_overlay_start_0:
0x88: {  	s2 =	sld [smem:$0x3FD9]  }
0x89: {  	s3 =	sld [smem:$0x3FFE];
	_ =	sdelay $0x1  }
0x8a: {  	s1 =	srdreg.scid  }
0x8b: {  	s0 =	sand.u32 $0x1, s1  }
0x8c: {  	s16 =	sshll.u32 s0, $0xA;
	s2 =	sadd.s32 s3, s2  }
0x8d: {  	s2 =	sadd.s32 s2, s16  }
0x8e: {  	[smem:$0x3FBA] =	sst s2  }
0x8f: {  	_ = 	snop  }
0x90: {  	(tm) =	ssettm $0x1  }
0x91: {  	s17 =	sld [smem:$0x3FFB];
	_ =	sdelay $0x3  }
0x92: {  	_ =	strace s17  }
0x93: {  	s2 =	sld [smem:$0x3FFC];
	_ =	sdelay $0x3  }
0x94: {  	_ =	strace s2  }
0x95: {  	s2 =	sld [smem:$0x3FFD];
	_ =	sdelay $0x3  }
0x96: {  	_ =	strace s2  }
0x97: {  	_ =	strace $0x8FFFFFFF  }
0x98: {  	s18 =	sld [smem:$0x3FDB];
	_ =	sdelay $0x1  }
0x99: {  	s19 =	simm.s32 $_scs_section_size  }
0x9a: {  	s4 =	simm.s32 $_size__tile_overlayer_lowered;
	s5 =	simm.s32 $_tile_overlayer_lowered  }
0x9b: {  	s22 =	simm.s32 $0x1BFF;
	s21 =	sshll.u32 s5, $0x1;
	s2 =	sadd.s32 s19, s18  }
0x9c: {  	s6 =	simm.s32 $0x0;
	s20 =	sshll.u32 s4, $0x1;
	s4 =	sadd.s32 s21, s2  }
0x9d: {  	[timem:s6], [sflag:s22] =	dma.local [hbm:s4], s20  }
0x9e: {  	_ =	swait.ge [sflag:s22], s20  }
0x9f: {  	s3 =	ssub.s32 $0x0, s20;
	[sflag:s22] =	ssyncset.done $0x0  }
0xa0: {  	[sflag:s22] =	ssyncadd.s32 s3;
	_ =	sdelay $0x1  }
0xa1: {  	s23 =	simm.s32 $0x1B8B  }
0xa2: {  	_ =	swait.ge [sflag:s23], $0x1  }
0xa3: {  	[sflag:s23] =	ssyncset.done $0x0  }
0xa4: {  	s25 =	simm.s32 $0x1B8E;
	s24 =	sld [smem:$0x3FFE];
	[sflag:s23] =	ssyncadd.s32 $0xFFFFFFFF  }
0xa5: {  	s26 =	simm.s32 $execute0_lowered;
	[smem:$0x3FD2] =	sst s25  }
0xa6: {  	s4 =	sshll.u32 s26, $0x1;
	_ =	strace $0x8000004C;
	[dreg:$0x1] =	wrdreg $0xFFFFFFFF  }
0xa7: {  	s28 =	simm.s32 $_size_execute0_lowered;
	s2 =	sadd.s32 s2, s4;
	[dreg:$0x0] =	wrdreg $0x0  }
0xa8: {  	s4 =	sshll.u32 s28, $0x1;
	[dreg:$0x2] =	wrdreg s2  }
0xa9: {  	[dreg:$0x3] =	wrdreg s4  }
0xaa: {  	[dreg:$0x4] =	wrdreg $0xC0  }
0xab: {  	_ =	task [dreg:s6], $0x5FFFF  }
0xac: {  	[dreg:$0x1] =	wrdreg $0xFFFFFFFF  }
0xad: {  	[dreg:$0x0] =	wrdreg $0x60  }
0xae: {  	[dreg:$0x2] =	wrdreg s24  }
0xaf: {  	[dreg:$0x3] =	wrdreg $0xD0000  }
0xb0: {  	[dreg:$0x4] =	wrdreg $0xF8000  }
0xb1: {  	[dreg:$0x5] =	wrdreg $0x120000  }
0xb2: {  	[dreg:$0x6] =	wrdreg $0x148000  }
0xb3: {  	[dreg:$0x7] =	wrdreg $0x9  }
0xb4: {  	_ =	task.clear_ibuf [dreg:s6], $0x8FFFF;
	_ =	strace $0x9000004C  }
0xb5: {  	s29 =	simm.s32 $0x9;
	_ =	strace $0x8000004E  }
0xb6: {  	_ =	swait.ge [sflag:s29], $0x1  }
0xb7: {  	[sflag:s29] =	ssyncadd.s32 $0xFFFFFFFF  }
0xb8: {  	_ =	strace $0x9000004E  }
0xb9: {  	_ =	sfence  }
0xba: {  	s30 =	sld [smem:$0x0];
	_ =	sdelay $0x2  }
0xbb: {  	s31 =	sshll.u32 s1, $0xD;
	s1 =	sshrl.u32 s1, $0x2  }
0xbc: {  	s3 =	sand.u32 $0x4000, s31;
	s1 =	sadd.s32 s1, s30  }
0xbd: {  	s0 =	sor.u32 s3, s0;
	s1 =	sshll.u32 s1, $0x11  }
0xbe: {  	s0 =	sor.u32 s1, s0  }
0xbf: {  	s0 =	sadd.s32 $0x8F2B, s0  }
0xc0: {  	[sflag:s0] =	ssyncadd.remote.s32 $0x1  }
0xc1: {  	_ =	sfence.sel $0xFFFF  }
0xc2: {  	[dreg:$0x0] =	wrdreg $0xFFFFFFFF;
	(pc) =	sbr.abs _section_cstart, $3  }
0xc3: {  	[dreg:$0x1] =	wrdreg $0xFFFFFFFF  }
0xc4: {  	_ =	task.clear_ibuf [dreg:s6], $0x2FFFF;
	_ =	strace $0x9FFFFFFF  }
0xc5: {  	(tm) =	ssettm $0x7FFFFFFF  }
tec
execute0_lowered:
.L_overlay_start_1:
0x0: {  	(tag) =	ssettag $0x1  }
0x1: {  	s2 =	rddreg [dreg:$0x0]  }
0x2: {  	s0 =	srdreg.scid;
	s1 =	rddreg [dreg:$0x1]  }
0x3: {  	s10 =	stileid.u32;
	s3 =	rddreg [dreg:$0x2]  }
0x4: {  	s6 =	simm.s32 $0x0;
	s29 =	simm.s32 $0x100;
	s28 =	simm.s32 $0x0  }
0x5: {  	s0 =	sand.u32 $0x1, s0;
	s14 =	smul.u32 $0x2800, s10;
	[smem:$0x7FF] =	sst s6  }
0x6: {  	s4 =	sshll.u32 s0, $0x4;
	s8 =	smul.u32 $0x28000, s0;
	s0 =	ssub.s32 $0x2, s0  }
0x7: {  	s5 =	sor.u32 s10, s4;
	s4 =	rddreg [dreg:$0x3];
	s23 =	sshrl.u32 s14, $0x3  }
0x8: {  	s24 =	sshrl.u32 s0, $0x1;
	s17 =	sadd.s32 s14, s1;
	s10 =	sshll.u32 s10, $0x6  }
0x9: {  	s19 =	sadd.s32 s14, s3;
	s7 =	smul.u32 $0x2800, s5;
	s5 =	rddreg [dreg:$0x4]  }
0xa: {  	_ =	strace $0x8000004D;
	s22 =	sadd.s32 s14, s8;
	s13 =	sadd.s32 s23, s2  }
0xb: {  	s0 =	ssub.s32 s0, s24;
	s11 =	sor.u32 $0x1C01, s10;
	s20 =	sadd.s32 s14, s4  }
0xc: {  	s18 =	sshrl.u32 s17, $0x3;
	s19 =	sshrl.u32 s19, $0x3;
	s23 =	simm.s32 $0x80  }
0xd: {  	s24 =	simm.s32 $0x2;
	s30 =	sadd.s32 $0x4E00, s13;
	s31 =	sadd.s32 $0x22E00, s13  }
0xe: {  	s13 =	sadd.s32 $0x1DE00, s13;
	s21 =	sadd.s32 s14, s5;
	s16 =	smax.u32 s0, $0x1  }
0xf: {  	s20 =	sshrl.u32 s20, $0x3;
	s7 =	sshrl.u32 s7, $0x3;
	[dreg:$0x8] =	wrdreg s30  }
0x10: {  	[dreg:$0x9] =	wrdreg s31;
	s21 =	sshrl.u32 s21, $0x3;
	s9 =	sadd.s32 s7, s2  }
0x11: {  	s7 =	sshrl.u32 s22, $0x3;
	s22 =	simm.s32 $0x1;
	s25 =	sadd.s32 $0x9E00, s9  }
0x12: {  	s2 =	sadd.s32 s7, s2;
	s26 =	sadd.s32 $0x13E00, s9;
	[dreg:$0x6] =	wrdreg s25  }
0x13: {  	[dreg:$0x7] =	wrdreg s26;
	s14 =	sadd.s32 $0x27E00, s2;
	s15 =	sadd.s32 $0x31E00, s2  }
0x14: {  	s2 =	simm.s32 $0x180;
	s25 =	simm.s32 $0x3;
	s26 =	simm.s32 $0x4  }
.LBB2_1:
0x15: {  	s0 =	rddreg [dreg:$0x6]  }
0x16: {  	s8 =	rddreg [dreg:$0x7]  }
0x17: {  	[tilespmem:s6], [sflag:$0x1] =	stream.linear.gather [hbm4b:s0+s6], $0x2800, $0x38;
	[tilespmem:$0x17000] =	vst v63  }
0x18: {  	s7 =	simm.s32 $0x2800;
	s9 =	rddreg [dreg:$0x8]  }
0x19: {  	[tilespmem:s7], [sflag:$0x1] =	stream.linear.gather [hbm4b:s8+s6], $0x2800, $0x38;
	[tilespmem:$0x17000] =	vst v63  }
0x1a: {  	[spmem:s18], [sflag:s11] =	dma.local [hbm:s9], $0x500  }
0x1b: {  	s0 =	rddreg [dreg:$0x9]  }
0x1c: {  	[spmem:s19], [sflag:s11] =	dma.local [hbm:s0], $0x500  }
0x1d: {  	[spmem:s20], [sflag:s11] =	dma.local [hbm:s13], $0x500  }
0x1e: {  	[spmem:s21], [sflag:s11] =	dma.local [hbm:s13], $0x500  }
0x1f: {  	_ =	swait.ge [sflag:s22], $0x2800  }
0x20: {  	[sflag:s22] =	ssyncset.done $0x0  }
0x21: {  	[sflag:s22] =	ssyncadd.s32 $0xFFFFD800  }
0x22: {  	_ =	swait.ge [sflag:s22], $0x2800  }
0x23: {  	[sflag:s22] =	ssyncset.done $0x0  }
0x24: {  	[sflag:s22] =	ssyncadd.s32 $0xFFFFD800  }
0x25: {  	_ =	swait.ge [sflag:s22], $0x500  }
0x26: {  	[sflag:s22] =	ssyncset.done $0x0  }
0x27: {  	[sflag:s22] =	ssyncadd.s32 $0xFFFFFB00  }
0x28: {  	_ =	swait.ge [sflag:s22], $0x500  }
0x29: {  	[sflag:s22] =	ssyncset.done $0x0  }
0x2a: {  	[sflag:s22] =	ssyncadd.s32 $0xFFFFFB00  }
0x2b: {  	_ =	swait.ge [sflag:s22], $0x500  }
0x2c: {  	[sflag:s22] =	ssyncset.done $0x0  }
0x2d: {  	[sflag:s22] =	ssyncadd.s32 $0xFFFFFB00  }
0x2e: {  	_ =	swait.ge [sflag:s22], $0x500  }
0x2f: {  	[sflag:s22] =	ssyncset.done $0x0  }
0x30: {  	[sflag:s22] =	ssyncadd.s32 $0xFFFFFB00  }
0x31: {  	s12 =	simm.s32 $0x5000;
	[bflag:$0x0] =	sbarrier.arrive $0xFFFF  }
0x32: {  	[tilespmem:s12], [sflag:$0x2] =	stream.indirect.gather [spmem:s1], $0x10, s6, s23, $0xb8;
	[tilespmem:$0x17000] =	vst v63  }
0x33: {  	s17 =	simm.s32 $0x9000  }
0x34: {  	[tilespmem:s17], [sflag:$0x2] =	stream.indirect.gather [spmem:s3], $0x10, s6, s23, $0xb8;
	[tilespmem:$0x17000] =	vst v63  }
0x35: {  	s7 =	simm.s32 $0x5800  }
0x36: {  	[tilespmem:s7], [sflag:$0x2] =	stream.indirect.gather [spmem:s1], $0x10, s23, s23, $0xb8;
	[tilespmem:$0x17000] =	vst v63  }
0x37: {  	s8 =	simm.s32 $0x9800  }
0x38: {  	[tilespmem:s8], [sflag:$0x2] =	stream.indirect.gather [spmem:s3], $0x10, s23, s23, $0xb8;
	[tilespmem:$0x17000] =	vst v63  }
0x39: {  	s9 =	simm.s32 $0x6000  }
0x3a: {  	[tilespmem:s9], [sflag:$0x2] =	stream.indirect.gather [spmem:s1], $0x10, s29, s23, $0xb8;
	[tilespmem:$0x17000] =	vst v63  }
0x3b: {  	s12 =	simm.s32 $0xA000  }
0x3c: {  	[tilespmem:s12], [sflag:$0x2] =	stream.indirect.gather [spmem:s3], $0x10, s29, s23, $0xb8;
	[tilespmem:$0x17000] =	vst v63  }
0x3d: {  	s17 =	simm.s32 $0x6800  }
0x3e: {  	[tilespmem:s17], [sflag:$0x2] =	stream.indirect.gather [spmem:s1], $0x10, s2, s23, $0xb8;
	[tilespmem:$0x17000] =	vst v63  }
0x3f: {  	s7 =	simm.s32 $0xA800  }
0x40: {  	[tilespmem:s7], [sflag:$0x2] =	stream.indirect.gather [spmem:s3], $0x10, s2, s23, $0xb8;
	[tilespmem:$0x17000] =	vst v63  }
0x41: {  	_ =	swait.ge [sflag:s24], $0x800  }
0x42: {  	[sflag:s24] =	ssyncset.done $0x0  }
0x43: {  	[sflag:s24] =	ssyncadd.s32 $0xFFFFF800  }
0x44: {  	_ =	swait.ge [sflag:s24], $0x800  }
0x45: {  	[sflag:s24] =	ssyncset.done $0x0  }
0x46: {  	[sflag:s24] =	ssyncadd.s32 $0xFFFFF800  }
0x47: {  	_ =	swait.ge [sflag:s24], $0x800  }
0x48: {  	[sflag:s24] =	ssyncset.done $0x0  }
0x49: {  	[sflag:s24] =	ssyncadd.s32 $0xFFFFF800  }
0x4a: {  	_ =	swait.ge [sflag:s24], $0x800  }
0x4b: {  	[sflag:s24] =	ssyncset.done $0x0  }
0x4c: {  	[sflag:s24] =	ssyncadd.s32 $0xFFFFF800  }
0x4d: {  	_ =	swait.ge [sflag:s24], $0x800  }
0x4e: {  	[sflag:s24] =	ssyncset.done $0x0  }
0x4f: {  	[sflag:s24] =	ssyncadd.s32 $0xFFFFF800  }
0x50: {  	_ =	swait.ge [sflag:s24], $0x800  }
0x51: {  	[sflag:s24] =	ssyncset.done $0x0  }
0x52: {  	[sflag:s24] =	ssyncadd.s32 $0xFFFFF800  }
0x53: {  	_ =	swait.ge [sflag:s24], $0x800  }
0x54: {  	[sflag:s24] =	ssyncset.done $0x0  }
0x55: {  	[sflag:s24] =	ssyncadd.s32 $0xFFFFF800  }
0x56: {  	p0 =	por $0x0, $0x0;
	_ =	swait.ge [sflag:s24], $0x800  }
0x57: {  	s31 =	simm.s32 @!p0 $0x200;
	s0 =	sand.u32 $0x2000, s6;
	[sflag:s24] =	ssyncset.done $0x0  }
0x58: {  	s30 =	ssub.s32 @!p0 $0x7000, s0;
	s17 =	simm.s32 @!p0 $0x80;
	[sflag:s24] =	ssyncadd.s32 $0xFFFFF800  }
0x59: {  	[tilespmem:s30], [sflag:$0x2] =	stream.indirect.gather @!p0 [spmem:s1], $0x10, s31, s17, $0xb8;
	[tilespmem:$0x17000] =	vst v63  }
0x5a: {  	s30 =	ssub.s32 @!p0 $0xB000, s0  }
0x5b: {  	[tilespmem:s30], [sflag:$0x2] =	stream.indirect.gather @!p0 [spmem:s3], $0x10, s31, s17, $0xb8;
	[tilespmem:$0x17000] =	vst v63  }
0x5c: {  	s30 =	ssub.s32 @!p0 $0x7800, s0;
	s31 =	simm.s32 @!p0 $0x280  }
0x5d: {  	[tilespmem:s30], [sflag:$0x2] =	stream.indirect.gather @!p0 [spmem:s1], $0x10, s31, s17, $0xb8;
	[tilespmem:$0x17000] =	vst v63  }
0x5e: {  	s30 =	ssub.s32 @!p0 $0xB800, s0  }
0x5f: {  	[tilespmem:s30], [sflag:$0x2] =	stream.indirect.gather @!p0 [spmem:s3], $0x10, s31, s17, $0xb8;
	[tilespmem:$0x17000] =	vst v63  }
0x60: {  	s30 =	ssub.s32 @!p0 $0x8000, s0;
	s31 =	simm.s32 @!p0 $0x300  }
0x61: {  	[tilespmem:s30], [sflag:$0x2] =	stream.indirect.gather @!p0 [spmem:s1], $0x10, s31, s17, $0xb8;
	[tilespmem:$0x17000] =	vst v63  }
0x62: {  	s30 =	ssub.s32 @!p0 $0xC000, s0  }
0x63: {  	[tilespmem:s30], [sflag:$0x2] =	stream.indirect.gather @!p0 [spmem:s3], $0x10, s31, s17, $0xb8;
	[tilespmem:$0x17000] =	vst v63  }
0x64: {  	s30 =	ssub.s32 @!p0 $0x8800, s0;
	s31 =	simm.s32 @!p0 $0x380  }
0x65: {  	[tilespmem:s30], [sflag:$0x2] =	stream.indirect.gather @!p0 [spmem:s1], $0x10, s31, s17, $0xb8;
	[tilespmem:$0x17000] =	vst v63  }
0x66: {  	s30 =	ssub.s32 @!p0 $0xC800, s0  }
0x67: {  	[tilespmem:s30], [sflag:$0x2] =	stream.indirect.gather @!p0 [spmem:s3], $0x10, s31, s17, $0xb8;
	[tilespmem:$0x17000] =	vst v63  }
0x68: {  	s8 =	sor.u32 $0x5000, s0;
	s30 =	simm.s32 $0x2800  }
0x69: {  	[spmem:s4] =	stream.indirect.scatter.add.f32 [tilespmem:s8], [sflag:$0x3], $0x10, s30, s23, $0xb8;
	[tilespmem:$0x17000] =	vst v63  }
0x6a: {  	s9 =	sor.u32 $0x9000, s0  }
0x6b: {  	[spmem:s5] =	stream.indirect.scatter.add.f32 [tilespmem:s9], [sflag:$0x3], $0x10, s30, s23, $0xb8;
	[tilespmem:$0x17000] =	vst v63  }
0x6c: {  	s12 =	sor.u32 $0x5800, s0;
	s30 =	simm.s32 $0x2880  }
0x6d: {  	[spmem:s4] =	stream.indirect.scatter.add.f32 [tilespmem:s12], [sflag:$0x3], $0x10, s30, s23, $0xb8;
	[tilespmem:$0x17000] =	vst v63  }
0x6e: {  	s7 =	sor.u32 $0x9800, s0  }
0x6f: {  	[spmem:s5] =	stream.indirect.scatter.add.f32 [tilespmem:s7], [sflag:$0x3], $0x10, s30, s23, $0xb8;
	[tilespmem:$0x17000] =	vst v63  }
0x70: {  	s8 =	sadd.s32 $0x6000, s0;
	s30 =	simm.s32 $0x2900  }
0x71: {  	[spmem:s4] =	stream.indirect.scatter.add.f32 [tilespmem:s8], [sflag:$0x3], $0x10, s30, s23, $0xb8;
	[tilespmem:$0x17000] =	vst v63  }
0x72: {  	s9 =	sadd.s32 $0xA000, s0  }
0x73: {  	[spmem:s5] =	stream.indirect.scatter.add.f32 [tilespmem:s9], [sflag:$0x3], $0x10, s30, s23, $0xb8;
	[tilespmem:$0x17000] =	vst v63  }
0x74: {  	s12 =	sadd.s32 $0x6800, s0;
	s30 =	simm.s32 $0x2980  }
0x75: {  	[spmem:s4] =	stream.indirect.scatter.add.f32 [tilespmem:s12], [sflag:$0x3], $0x10, s30, s23, $0xb8;
	[tilespmem:$0x17000] =	vst v63  }
0x76: {  	s0 =	sadd.s32 $0xA800, s0  }
0x77: {  	[spmem:s5] =	stream.indirect.scatter.add.f32 [tilespmem:s0], [sflag:$0x3], $0x10, s30, s23, $0xb8;
	[tilespmem:$0x17000] =	vst v63  }
0x78: {  	_ =	swait.ge [sflag:s25], $0x800  }
0x79: {  	[sflag:s25] =	ssyncset.done $0x0  }
0x7a: {  	[sflag:s25] =	ssyncadd.s32 $0xFFFFF800  }
0x7b: {  	_ =	swait.ge [sflag:s25], $0x800  }
0x7c: {  	[sflag:s25] =	ssyncset.done $0x0  }
0x7d: {  	[sflag:s25] =	ssyncadd.s32 $0xFFFFF800  }
0x7e: {  	_ =	swait.ge [sflag:s25], $0x800  }
0x7f: {  	[sflag:s25] =	ssyncset.done $0x0  }
0x80: {  	[sflag:s25] =	ssyncadd.s32 $0xFFFFF800  }
0x81: {  	_ =	swait.ge [sflag:s25], $0x800  }
0x82: {  	[sflag:s25] =	ssyncset.done $0x0  }
0x83: {  	[sflag:s25] =	ssyncadd.s32 $0xFFFFF800  }
0x84: {  	_ =	swait.ge [sflag:s25], $0x800  }
0x85: {  	[sflag:s25] =	ssyncset.done $0x0  }
0x86: {  	[sflag:s25] =	ssyncadd.s32 $0xFFFFF800  }
0x87: {  	_ =	swait.ge [sflag:s25], $0x800  }
0x88: {  	[sflag:s25] =	ssyncset.done $0x0  }
0x89: {  	[sflag:s25] =	ssyncadd.s32 $0xFFFFF800  }
0x8a: {  	_ =	swait.ge [sflag:s25], $0x800  }
0x8b: {  	[sflag:s25] =	ssyncset.done $0x0  }
0x8c: {  	[sflag:s25] =	ssyncadd.s32 $0xFFFFF800  }
0x8d: {  	_ =	swait.ge [sflag:s25], $0x800  }
0x8e: {  	s31 =	simm.s32 $0x0;
	s30 =	simm.s32 $0x800;
	[sflag:s25] =	ssyncset.done $0x0  }
.LBB2_2:
0x8f: {  	[sflag:s25] =	ssyncadd.s32 $0xFFFFF800  }
0x90: {  	s31 =	sadd.s32 $0x2000, s31;
	s0 =	smov.u32 s30;
	s30 =	sadd.s32 $0x800, s30  }
0x91: {  	_ =	swait.ge [sflag:s24], $0x800;
	p0 =	sne.s32 s30, $0xA000  }
0x92: {  	[sflag:s24] =	ssyncset.done $0x0  }
0x93: {  	[sflag:s24] =	ssyncadd.s32 $0xFFFFF800  }
0x94: {  	_ =	swait.ge [sflag:s24], $0x800  }
0x95: {  	[sflag:s24] =	ssyncset.done $0x0  }
0x96: {  	[sflag:s24] =	ssyncadd.s32 $0xFFFFF800  }
0x97: {  	_ =	swait.ge [sflag:s24], $0x800  }
0x98: {  	[sflag:s24] =	ssyncset.done $0x0  }
0x99: {  	[sflag:s24] =	ssyncadd.s32 $0xFFFFF800  }
0x9a: {  	_ =	swait.ge [sflag:s24], $0x800  }
0x9b: {  	[sflag:s24] =	ssyncset.done $0x0  }
0x9c: {  	[sflag:s24] =	ssyncadd.s32 $0xFFFFF800  }
0x9d: {  	_ =	swait.ge [sflag:s24], $0x800  }
0x9e: {  	[sflag:s24] =	ssyncset.done $0x0  }
0x9f: {  	[sflag:s24] =	ssyncadd.s32 $0xFFFFF800  }
0xa0: {  	_ =	swait.ge [sflag:s24], $0x800  }
0xa1: {  	[sflag:s24] =	ssyncset.done $0x0  }
0xa2: {  	[sflag:s24] =	ssyncadd.s32 $0xFFFFF800  }
0xa3: {  	_ =	swait.ge [sflag:s24], $0x800  }
0xa4: {  	[sflag:s24] =	ssyncset.done $0x0  }
0xa5: {  	[sflag:s24] =	ssyncadd.s32 $0xFFFFF800  }
0xa6: {  	s17 =	sand.u32 $0x2000, s31;
	p1 =	seq.s32 s0, $0x9800;
	_ =	swait.ge [sflag:s24], $0x800  }
0xa7: {  	s7 =	sshra.s32 @!p1 s0, $0x2;
	s8 =	simm.s32 @!p1 $0x80;
	[sflag:s24] =	ssyncset.done $0x0  }
0xa8: {  	s9 =	ssub.s32 @!p1 $0x7000, s17;
	s12 =	sadd.s32 @!p1 $0x200, s7;
	[sflag:s24] =	ssyncadd.s32 $0xFFFFF800  }
0xa9: {  	[tilespmem:s9], [sflag:$0x2] =	stream.indirect.gather @!p1 [spmem:s1], $0x10, s12, s8, $0xb8;
	[tilespmem:$0x17000] =	vst v63  }
0xaa: {  	s9 =	ssub.s32 @!p1 $0xB000, s17  }
0xab: {  	[tilespmem:s9], [sflag:$0x2] =	stream.indirect.gather @!p1 [spmem:s3], $0x10, s12, s8, $0xb8;
	[tilespmem:$0x17000] =	vst v63  }
0xac: {  	s9 =	ssub.s32 @!p1 $0x7800, s17;
	s12 =	sadd.s32 @!p1 $0x280, s7  }
0xad: {  	[tilespmem:s9], [sflag:$0x2] =	stream.indirect.gather @!p1 [spmem:s1], $0x10, s12, s8, $0xb8;
	[tilespmem:$0x17000] =	vst v63  }
0xae: {  	s9 =	ssub.s32 @!p1 $0xB800, s17  }
0xaf: {  	[tilespmem:s9], [sflag:$0x2] =	stream.indirect.gather @!p1 [spmem:s3], $0x10, s12, s8, $0xb8;
	[tilespmem:$0x17000] =	vst v63  }
0xb0: {  	s9 =	ssub.s32 @!p1 $0x8000, s17;
	s12 =	sadd.s32 @!p1 $0x300, s7  }
0xb1: {  	[tilespmem:s9], [sflag:$0x2] =	stream.indirect.gather @!p1 [spmem:s1], $0x10, s12, s8, $0xb8;
	[tilespmem:$0x17000] =	vst v63  }
0xb2: {  	s9 =	ssub.s32 @!p1 $0xC000, s17  }
0xb3: {  	[tilespmem:s9], [sflag:$0x2] =	stream.indirect.gather @!p1 [spmem:s3], $0x10, s12, s8, $0xb8;
	[tilespmem:$0x17000] =	vst v63  }
0xb4: {  	s7 =	sadd.s32 @!p1 $0x380, s7;
	s9 =	ssub.s32 @!p1 $0x8800, s17  }
0xb5: {  	[tilespmem:s9], [sflag:$0x2] =	stream.indirect.gather @!p1 [spmem:s1], $0x10, s7, s8, $0xb8;
	[tilespmem:$0x17000] =	vst v63  }
0xb6: {  	s0 =	sshra.s32 s0, $0x2;
	s9 =	ssub.s32 @!p1 $0xC800, s17  }
0xb7: {  	[tilespmem:s9], [sflag:$0x2] =	stream.indirect.gather @!p1 [spmem:s3], $0x10, s7, s8, $0xb8;
	[tilespmem:$0x17000] =	vst v63  }
0xb8: {  	s7 =	sor.u32 $0x5000, s17;
	s8 =	sadd.s32 $0x2800, s0  }
0xb9: {  	[spmem:s4] =	stream.indirect.scatter.add.f32 [tilespmem:s7], [sflag:$0x3], $0x10, s8, s23, $0xb8;
	[tilespmem:$0x17000] =	vst v63  }
0xba: {  	s7 =	sor.u32 $0x9000, s17  }
0xbb: {  	[spmem:s5] =	stream.indirect.scatter.add.f32 [tilespmem:s7], [sflag:$0x3], $0x10, s8, s23, $0xb8;
	[tilespmem:$0x17000] =	vst v63  }
0xbc: {  	s7 =	sor.u32 $0x5800, s17;
	s8 =	sadd.s32 $0x2880, s0  }
0xbd: {  	[spmem:s4] =	stream.indirect.scatter.add.f32 [tilespmem:s7], [sflag:$0x3], $0x10, s8, s23, $0xb8;
	[tilespmem:$0x17000] =	vst v63  }
0xbe: {  	s7 =	sor.u32 $0x9800, s17  }
0xbf: {  	[spmem:s5] =	stream.indirect.scatter.add.f32 [tilespmem:s7], [sflag:$0x3], $0x10, s8, s23, $0xb8;
	[tilespmem:$0x17000] =	vst v63  }
0xc0: {  	s7 =	sadd.s32 $0x6000, s17;
	s8 =	sadd.s32 $0x2900, s0  }
0xc1: {  	[spmem:s4] =	stream.indirect.scatter.add.f32 [tilespmem:s7], [sflag:$0x3], $0x10, s8, s23, $0xb8;
	[tilespmem:$0x17000] =	vst v63  }
0xc2: {  	s7 =	sadd.s32 $0xA000, s17  }
0xc3: {  	[spmem:s5] =	stream.indirect.scatter.add.f32 [tilespmem:s7], [sflag:$0x3], $0x10, s8, s23, $0xb8;
	[tilespmem:$0x17000] =	vst v63  }
0xc4: {  	s0 =	sadd.s32 $0x2980, s0;
	s7 =	sadd.s32 $0x6800, s17  }
0xc5: {  	[spmem:s4] =	stream.indirect.scatter.add.f32 [tilespmem:s7], [sflag:$0x3], $0x10, s0, s23, $0xb8;
	[tilespmem:$0x17000] =	vst v63  }
0xc6: {  	s7 =	sadd.s32 $0xA800, s17  }
0xc7: {  	[spmem:s5] =	stream.indirect.scatter.add.f32 [tilespmem:s7], [sflag:$0x3], $0x10, s0, s23, $0xb8;
	[tilespmem:$0x17000] =	vst v63  }
0xc8: {  	_ =	swait.ge [sflag:s25], $0x800  }
0xc9: {  	[sflag:s25] =	ssyncset.done $0x0  }
0xca: {  	[sflag:s25] =	ssyncadd.s32 $0xFFFFF800  }
0xcb: {  	_ =	swait.ge [sflag:s25], $0x800  }
0xcc: {  	[sflag:s25] =	ssyncset.done $0x0  }
0xcd: {  	[sflag:s25] =	ssyncadd.s32 $0xFFFFF800  }
0xce: {  	_ =	swait.ge [sflag:s25], $0x800  }
0xcf: {  	[sflag:s25] =	ssyncset.done $0x0  }
0xd0: {  	[sflag:s25] =	ssyncadd.s32 $0xFFFFF800  }
0xd1: {  	_ =	swait.ge [sflag:s25], $0x800  }
0xd2: {  	[sflag:s25] =	ssyncset.done $0x0  }
0xd3: {  	[sflag:s25] =	ssyncadd.s32 $0xFFFFF800  }
0xd4: {  	_ =	swait.ge [sflag:s25], $0x800  }
0xd5: {  	[sflag:s25] =	ssyncset.done $0x0  }
0xd6: {  	[sflag:s25] =	ssyncadd.s32 $0xFFFFF800  }
0xd7: {  	_ =	swait.ge [sflag:s25], $0x800  }
0xd8: {  	[sflag:s25] =	ssyncset.done $0x0  }
0xd9: {  	[sflag:s25] =	ssyncadd.s32 $0xFFFFF800  }
.Ltmp0:
0xda: {  	_ =	swait.ge [sflag:s25], $0x800;
	(pc) =	sbr.rel @p0 .LBB2_2-.Ltmp0, $4  }
0xdb: {  	[sflag:s25] =	ssyncset.done $0x0  }
0xdc: {  	[sflag:s25] =	ssyncadd.s32 $0xFFFFF800  }
0xdd: {  	_ =	swait.ge [sflag:s25], $0x800  }
0xde: {  	[sflag:s25] =	ssyncset.done $0x0  }
0xdf: {  	[sflag:s25] =	ssyncadd.s32 $0xFFFFF800  }
0xe0: {  	s0 =	sor.u32 $0x1C04, s10;
	[bflag:$0x0] =	sbarrier.arrive $0xFFFF  }
0xe1: {  	[hbm:s14], [sflag:s0] =	dma.local [spmem:s20], $0x500  }
0xe2: {  	s28 =	sadd.s32 $0x1, s28;
	_ =	swait.ge [sflag:s26], $0x500  }
0xe3: {  	p0 =	sne.s32 s28, s16;
	[sflag:s26] =	ssyncset.done $0x0  }
.Ltmp1:
0xe4: {  	[sflag:s26] =	ssyncadd.s32 $0xFFFFFB00;
	(pc) =	sbr.rel @p0 .LBB2_1-.Ltmp1, $4  }
0xe5: {  	[hbm:s15], [sflag:s0] =	dma.local [spmem:s21], $0x500  }
0xe6: {  	_ =	swait.ge [sflag:s26], $0x500  }
0xe7: {  	[sflag:s26] =	ssyncset.done $0x0  }
0xe8: {  	[sflag:s26] =	ssyncadd.s32 $0xFFFFFB00  }
0xe9: {  	_ =	sfence.sel $0x180000  }
0xea: {  	[bflag:$0x0] =	sbarrier.arrive $0xFFFF  }
0xeb: {  	_ =	strace $0x9000004D  }
0xec: {  	s0 =	stileid.u32;
	[bflag:$0x2] =	sbarrier.arrive $0xFFFF  }
0xed: {  	p0 =	sne.s32 s0, $0x0;
	s0 =	rddreg [dreg:$0x5]  }
0xee: {  	s0 =	sadd.s32 @!p0 $0x100000, s0  }
0xef: {  	[sflag:s0] =	ssyncadd.tile.s32 @!p0 $0x1;
	_ =	shalt  }
.Lfunc_end2:
_tile_overlayer_lowered:
.L_overlay_start_2:
0xf0: {  	(tag) =	ssettag $0x2  }
0xf1: {  	s0 =	rddreg [dreg:$0x0];
	s2 =	stileid.u32  }
0xf2: {  	s1 =	rddreg [dreg:$0x1];
	p0 =	sne.s32 s2, $0x0  }
0xf3: {  	s3 =	rddreg [dreg:$0x2];
	[bflag:$0x3] =	sbarrier.arrive $0xFFFF;
	s2 =	simm.s32 @!p0 $0x1C04  }
0xf4: {  	[timem:s3], [sflag:s2] =	dma.local @!p0 [hbm:s0], s1  }
0xf5: {  	s0 =	simm.s32 @!p0 $0x4  }
0xf6: {  	_ =	swait.ge @!p0 [sflag:s0], s1  }
0xf7: {  	s1 =	ssub.s32 @!p0 $0x0, s1;
	[sflag:s0] =	ssyncset.done @!p0 $0x0  }
0xf8: {  	[sflag:s0] =	ssyncadd.s32 @!p0 s1  }
0xf9: {  	[bflag:$0x3] =	sbarrier.arrive $0xFFFF  }
0xfa: {  	_ =	shalt  }

// kernel: kernel.8.cloned.1.call-start
scs
__scs_entry_jumppad:
0x0: {  	(pc) =	sbr.rel $0x88, $3  }
0x1: {  	(tag) =	ssettag $0x0;
	lr =	simm.s32 $0x1  }
0x2: {  	[smem:$0x3F93] =	sst lr;
	_ =	strace $0xD0000000  }
0x3: {  	_ = 	snop  }
0x4: {  	_ = 	snop  }
0x5: {  	_ = 	snop  }
0x6: {  	_ = 	snop  }
0x7: {  	_ = 	snop  }
__scs_overlays_trampoline_lowered:
0x8: {  	[smem:$0x3FA2] =	sst s0  }
0x9: {  	[smem:$0x3FA3] =	sst s1  }
0xa: {  	[smem:$0x3FA4] =	sst s2  }
0xb: {  	[smem:$0x3FA5] =	sst s3  }
0xc: {  	[smem:$0x3FA6] =	sst s4  }
0xd: {  	[smem:$0x3FA7] =	sst s5  }
0xe: {  	[smem:$0x3FA8] =	sst s6  }
0xf: {  	[smem:$0x3FA9] =	sst s7  }
0x10: {  	[smem:$0x3FAA] =	sst s8  }
0x11: {  	[smem:$0x3FAB] =	sst s9;
	s0 =	simm.s32 @!p0 $0x0  }
0x12: {  	s1 =	sld [smem:$0x3F91];
	s0 =	simm.s32 @p0 $0x1  }
0x13: {  	[smem:$0x3FAC] =	sst s0;
	s0 =	simm.s32 @!p1 $0x0  }
0x14: {  	s2 =	sld [smem:$0x3F90];
	s0 =	simm.s32 @p1 $0x1  }
0x15: {  	[smem:$0x3FAD] =	sst s0;
	s0 =	simm.s32 @!p2 $0x0  }
0x16: {  	s3 =	sld [smem:$0x3FDB];
	s0 =	simm.s32 @p2 $0x1  }
0x17: {  	s4 =	simm.s32 $0x1BF5;
	[smem:$0x3FAF] =	sst s0  }
0x18: {  	s0 =	sld [smem:$0x3F92];
	_ =	swait.ge [sflag:s4], $0x0  }
0x19: {  	s7 =	sld [smem:$0x3F93]  }
0x1a: {  	s8 =	sadd.s32 $0xFFFFE003, lr  }
0x1b: {  	s9 =	sadd.s32 $0xFFFFFEF7, lr;
	s5 =	simm.s32 $0xFFFFFFFF;
	p2 =	slt.u32 s8, $0xFFFFF086  }
0x1c: {  	p1 =	slt.u32 s9, $0xF7A;
	s5 =	simm.s32 @!p2 $0x0  }
0x1d: {  	s5 =	simm.s32 @p1 $0x1;
	p0 =	seq.s32 s7, s2  }
0x1e: {  	s7 =	smul.u32 @!p0 $0xF7A, s2;
	p2 =	seq.s32 @!p0 s5, $0x0  }
0x1f: {  	s9 =	smul.u32 $0xF7A, s1;
	s8 =	simm.s32 @!p0 $0x1BF5;
	p2 =	por !p2, p0  }
0x20: {  	[sflag:s8] =	ssyncset.s32 @!p0 $0xFFFFF086;
	s6 =	sadd.s32 @!p0 s3, s7;
	s7 =	simm.s32 @!p0 $0x108  }
0x21: {  	s3 =	sadd.s32 s3, s9;
	s6 =	sadd.s32 @!p0 $0x88, s6;
	s7 =	simm.s32 @p2 $0x1082  }
0x22: {  	[simem:s7], [sflag:s8] =	dma.local @!p0 [hbm:s6], $0xF7A  }
0x23: {  	s9 =	sor.u32 $0xD0000000, s2;
	s6 =	simm.s32 $0x108;
	_ =	swait.ge @!p0 [sflag:s8], $0x0  }
0x24: {  	s3 =	sadd.s32 $0x88, s3;
	s6 =	simm.s32 @!p1 $0x1082;
	[sflag:s4] =	ssyncset.s32 $0xFFFFF086  }
0x25: {  	[simem:s6], [sflag:s4] =	dma.local [hbm:s3], $0xF7A  }
0x26: {  	[smem:$0x3F93] =	sst s1;
	(tag) =	ssettag s2;
	_ =	strace s9  }
0x27: {  	s1 =	sld [smem:$0x3FA3]  }
0x28: {  	s2 =	sld [smem:$0x3FA4]  }
0x29: {  	s4 =	sld [smem:$0x3FA6]  }
0x2a: {  	p0 =	seq.s32 s5, $0x0;
	s5 =	sld [smem:$0x3FA7]  }
0x2b: {  	s6 =	sld [smem:$0x3FA8]  }
0x2c: {  	s7 =	sld [smem:$0x3FA9]  }
0x2d: {  	s3 =	simm.s32 $0x108;
	s8 =	sld [smem:$0x3FAA]  }
0x2e: {  	s3 =	simm.s32 @!p0 $0x1082;
	s9 =	sld [smem:$0x3FAB]  }
0x2f: {  	lr =	sadd.s32 s0, s3;
	s0 =	sld [smem:$0x3FA2]  }
0x30: {  	s3 =	sld [smem:$0x3FA5]  }
0x31: {  	[smem:$0x3FAE] =	sst s10  }
0x32: {  	s10 =	sld [smem:$0x3FAC];
	_ =	sdelay $0x3  }
0x33: {  	p0 =	seq.s32 s10, $0x1;
	s10 =	sld [smem:$0x3FAE];
	_ =	sdelay $0x3  }
0x34: {  	[smem:$0x3FAE] =	sst s10  }
0x35: {  	s10 =	sld [smem:$0x3FAD];
	_ =	sdelay $0x3  }
0x36: {  	p1 =	seq.s32 s10, $0x1;
	s10 =	sld [smem:$0x3FAE];
	_ =	sdelay $0x3  }
0x37: {  	[smem:$0x3FAE] =	sst s10  }
0x38: {  	s10 =	sld [smem:$0x3FAF]  }
0x39: {  	_ = 	snop;
	(pc) =	sbr.ind lr, $3  }
0x3a: {  	_ = 	snop  }
0x3b: {  	_ = 	snop  }
0x3c: {  	p2 =	seq.s32 s10, $0x1;
	s10 =	sld [smem:$0x3FAE]  }
0x3d: {  	_ =	shalt  }
0x3e: {  	_ =	shalt  }
0x3f: {  	_ =	shalt  }
0x40: {  	_ =	shalt  }
0x41: {  	_ =	shalt  }
0x42: {  	_ =	shalt  }
0x43: {  	_ =	shalt  }
0x44: {  	_ =	shalt  }
0x45: {  	_ =	shalt  }
0x46: {  	_ =	shalt  }
0x47: {  	_ =	shalt  }
0x48: {  	_ =	shalt  }
0x49: {  	_ =	shalt  }
0x4a: {  	_ =	shalt  }
0x4b: {  	_ =	shalt  }
0x4c: {  	_ =	shalt  }
0x4d: {  	_ =	shalt  }
0x4e: {  	_ =	shalt  }
0x4f: {  	_ =	shalt  }
0x50: {  	_ =	shalt  }
0x51: {  	_ =	shalt  }
0x52: {  	_ =	shalt  }
0x53: {  	_ =	shalt  }
0x54: {  	_ =	shalt  }
0x55: {  	_ =	shalt  }
0x56: {  	_ =	shalt  }
0x57: {  	_ =	shalt  }
0x58: {  	_ =	shalt  }
0x59: {  	_ =	shalt  }
0x5a: {  	_ =	shalt  }
0x5b: {  	_ =	shalt  }
0x5c: {  	_ =	shalt  }
0x5d: {  	_ =	shalt  }
0x5e: {  	_ =	shalt  }
0x5f: {  	_ =	shalt  }
0x60: {  	_ =	shalt  }
0x61: {  	_ =	shalt  }
0x62: {  	_ =	shalt  }
0x63: {  	_ =	shalt  }
0x64: {  	_ =	shalt  }
0x65: {  	_ =	shalt  }
0x66: {  	_ =	shalt  }
0x67: {  	_ =	shalt  }
0x68: {  	_ =	shalt  }
0x69: {  	_ =	shalt  }
0x6a: {  	_ =	shalt  }
0x6b: {  	_ =	shalt  }
0x6c: {  	_ =	shalt  }
0x6d: {  	_ =	shalt  }
0x6e: {  	_ =	shalt  }
0x6f: {  	_ =	shalt  }
0x70: {  	_ =	shalt  }
0x71: {  	_ =	shalt  }
0x72: {  	_ =	shalt  }
0x73: {  	_ =	shalt  }
0x74: {  	_ =	shalt  }
0x75: {  	_ =	shalt  }
0x76: {  	_ =	shalt  }
0x77: {  	_ =	shalt  }
0x78: {  	_ =	shalt  }
0x79: {  	_ =	shalt  }
0x7a: {  	_ =	shalt  }
0x7b: {  	_ =	shalt  }
0x7c: {  	_ =	shalt  }
0x7d: {  	_ =	shalt  }
0x7e: {  	_ =	shalt  }
0x7f: {  	_ =	shalt  }
0x80: {  	_ =	shalt  }
0x81: {  	_ =	shalt  }
0x82: {  	_ =	shalt  }
0x83: {  	_ =	shalt  }
0x84: {  	_ =	shalt  }
0x85: {  	_ =	shalt  }
0x86: {  	_ =	shalt  }
0x87: {  	_ =	shalt  }
.Lfunc_end0:
.L_simem_size_0:
called_computation_lowered:
.L_overlay_start_0:
0x88: {  	s2 =	sld [smem:$0x3FD9]  }
0x89: {  	s3 =	sld [smem:$0x3FFE];
	_ =	sdelay $0x1  }
0x8a: {  	s1 =	srdreg.scid  }
0x8b: {  	s0 =	sand.u32 $0x1, s1  }
0x8c: {  	s16 =	sshll.u32 s0, $0xA;
	s2 =	sadd.s32 s3, s2  }
0x8d: {  	s2 =	sadd.s32 s2, s16  }
0x8e: {  	[smem:$0x3FBA] =	sst s2  }
0x8f: {  	_ = 	snop  }
0x90: {  	(tm) =	ssettm $0x1  }
0x91: {  	s17 =	sld [smem:$0x3FFB];
	_ =	sdelay $0x3  }
0x92: {  	_ =	strace s17  }
0x93: {  	s2 =	sld [smem:$0x3FFC];
	_ =	sdelay $0x3  }
0x94: {  	_ =	strace s2  }
0x95: {  	s2 =	sld [smem:$0x3FFD];
	_ =	sdelay $0x3  }
0x96: {  	_ =	strace s2  }
0x97: {  	_ =	strace $0x8FFFFFFF  }
0x98: {  	s18 =	sld [smem:$0x3FDB];
	_ =	sdelay $0x1  }
0x99: {  	s19 =	simm.s32 $_scs_section_size  }
0x9a: {  	s4 =	simm.s32 $_size__tile_overlayer_lowered;
	s5 =	simm.s32 $_tile_overlayer_lowered  }
0x9b: {  	s22 =	simm.s32 $0x1BFF;
	s21 =	sshll.u32 s5, $0x1;
	s2 =	sadd.s32 s19, s18  }
0x9c: {  	s6 =	simm.s32 $0x0;
	s20 =	sshll.u32 s4, $0x1;
	s4 =	sadd.s32 s21, s2  }
0x9d: {  	[timem:s6], [sflag:s22] =	dma.local [hbm:s4], s20  }
0x9e: {  	_ =	swait.ge [sflag:s22], s20  }
0x9f: {  	s3 =	ssub.s32 $0x0, s20;
	[sflag:s22] =	ssyncset.done $0x0  }
0xa0: {  	[sflag:s22] =	ssyncadd.s32 s3;
	_ =	sdelay $0x1  }
0xa1: {  	s23 =	simm.s32 $0x1B8B  }
0xa2: {  	_ =	swait.ge [sflag:s23], $0x1  }
0xa3: {  	[sflag:s23] =	ssyncset.done $0x0  }
0xa4: {  	s25 =	simm.s32 $0x1B8E;
	s24 =	sld [smem:$0x3FFE];
	[sflag:s23] =	ssyncadd.s32 $0xFFFFFFFF  }
0xa5: {  	s26 =	simm.s32 $execute0_lowered;
	[smem:$0x3FD2] =	sst s25  }
0xa6: {  	s4 =	sshll.u32 s26, $0x1;
	_ =	strace $0x80000046;
	[dreg:$0x1] =	wrdreg $0xFFFFFFFF  }
0xa7: {  	s28 =	simm.s32 $_size_execute0_lowered;
	s2 =	sadd.s32 s2, s4;
	[dreg:$0x0] =	wrdreg $0x0  }
0xa8: {  	s4 =	sshll.u32 s28, $0x1;
	[dreg:$0x2] =	wrdreg s2  }
0xa9: {  	[dreg:$0x3] =	wrdreg s4  }
0xaa: {  	[dreg:$0x4] =	wrdreg $0xC0  }
0xab: {  	_ =	task [dreg:s6], $0x5FFFF  }
0xac: {  	[dreg:$0x1] =	wrdreg $0xFFFFFFFF  }
0xad: {  	[dreg:$0x0] =	wrdreg $0x60  }
0xae: {  	[dreg:$0x2] =	wrdreg s24  }
0xaf: {  	[dreg:$0x3] =	wrdreg $0xD0000  }
0xb0: {  	[dreg:$0x4] =	wrdreg $0xF8000  }
0xb1: {  	[dreg:$0x5] =	wrdreg $0x9  }
0xb2: {  	_ =	task.clear_ibuf [dreg:s6], $0x6FFFF;
	_ =	strace $0x90000046  }
0xb3: {  	s29 =	simm.s32 $0x9;
	_ =	strace $0x80000048  }
0xb4: {  	_ =	swait.ge [sflag:s29], $0x1  }
0xb5: {  	[sflag:s29] =	ssyncadd.s32 $0xFFFFFFFF  }
0xb6: {  	_ =	strace $0x90000048  }
0xb7: {  	_ =	sfence  }
0xb8: {  	s30 =	sld [smem:$0x0];
	_ =	sdelay $0x2  }
0xb9: {  	s31 =	sshll.u32 s1, $0xD;
	s1 =	sshrl.u32 s1, $0x2  }
0xba: {  	s3 =	sand.u32 $0x4000, s31;
	s1 =	sadd.s32 s1, s30  }
0xbb: {  	s0 =	sor.u32 s3, s0;
	s1 =	sshll.u32 s1, $0x11  }
0xbc: {  	s0 =	sor.u32 s1, s0  }
0xbd: {  	s0 =	sadd.s32 $0x8F2B, s0  }
0xbe: {  	[sflag:s0] =	ssyncadd.remote.s32 $0x1  }
0xbf: {  	_ =	sfence.sel $0xFFFF  }
0xc0: {  	[dreg:$0x0] =	wrdreg $0xFFFFFFFF;
	(pc) =	sbr.abs _section_cstart, $3  }
0xc1: {  	[dreg:$0x1] =	wrdreg $0xFFFFFFFF  }
0xc2: {  	_ =	task.clear_ibuf [dreg:s6], $0x2FFFF;
	_ =	strace $0x9FFFFFFF  }
0xc3: {  	(tm) =	ssettm $0x7FFFFFFF  }
tec
execute0_lowered:
.L_overlay_start_1:
0x0: {  	(tag) =	ssettag $0x1  }
0x1: {  	s0 =	srdreg.scid;
	s1 =	rddreg [dreg:$0x0]  }
0x2: {  	s9 =	stileid.u32;
	s2 =	rddreg [dreg:$0x1]  }
0x3: {  	s16 =	simm.s32 $0x1;
	s17 =	simm.s32 $0x80;
	s18 =	simm.s32 $0x4  }
0x4: {  	s19 =	simm.s32 $0x0;
	s0 =	sand.u32 $0x1, s0;
	s10 =	smul.u32 $0x2800, s9  }
0x5: {  	s3 =	sshll.u32 s0, $0x4;
	s6 =	smul.u32 $0x28000, s0;
	s0 =	ssub.s32 $0x2, s0  }
0x6: {  	s4 =	sor.u32 s9, s3;
	s3 =	rddreg [dreg:$0x2];
	s30 =	sshrl.u32 s10, $0x3  }
0x7: {  	s8 =	sshrl.u32 s0, $0x1;
	s13 =	sadd.s32 s10, s2;
	s5 =	smul.u32 $0x2800, s4  }
0x8: {  	s4 =	simm.s32 $0x0;
	s29 =	sadd.s32 s10, s6;
	s11 =	sadd.s32 s30, s1  }
0x9: {  	s0 =	ssub.s32 s0, s8;
	s15 =	sadd.s32 s10, s3;
	s14 =	sshrl.u32 s13, $0x3  }
0xa: {  	s13 =	simm.s32 $0x3;
	[smem:$0x7FF] =	sst s4;
	s8 =	sadd.s32 $0x4E00, s11  }
0xb: {  	s10 =	sadd.s32 $0x1DE00, s11;
	s12 =	smax.u32 s0, $0x1;
	s5 =	sshrl.u32 s5, $0x3  }
0xc: {  	s15 =	sshrl.u32 s15, $0x3;
	s7 =	sadd.s32 s5, s1;
	s5 =	sshrl.u32 s29, $0x3  }
0xd: {  	s0 =	simm.s32 $0x2;
	_ =	strace $0x80000047;
	s1 =	sadd.s32 s5, s1  }
0xe: {  	s31 =	sadd.s32 $0x9E00, s7;
	s6 =	sadd.s32 $0x13E00, s7;
	s7 =	sshll.u32 s9, $0x6  }
0xf: {  	[dreg:$0x4] =	wrdreg s31;
	s9 =	sor.u32 $0x1C01, s7;
	s11 =	sadd.s32 $0x22E00, s1  }
.LBB2_1:
0x10: {  	s1 =	rddreg [dreg:$0x4]  }
0x11: {  	[tilespmem:s4], [sflag:$0x1] =	stream.linear.gather [hbm4b:s1+s4], $0x2800, $0x38;
	[tilespmem:$0x12000] =	vst v63  }
0x12: {  	s25 =	simm.s32 $0x2800  }
0x13: {  	[tilespmem:s25], [sflag:$0x1] =	stream.linear.gather [hbm4b:s6+s4], $0x2800, $0x38;
	[tilespmem:$0x12000] =	vst v63  }
0x14: {  	[spmem:s14], [sflag:s9] =	dma.local [hbm:s8], $0x500  }
0x15: {  	[spmem:s15], [sflag:s9] =	dma.local [hbm:s10], $0x500  }
0x16: {  	_ =	swait.ge [sflag:s16], $0x2800  }
0x17: {  	[sflag:s16] =	ssyncset.done $0x0  }
0x18: {  	[sflag:s16] =	ssyncadd.s32 $0xFFFFD800  }
0x19: {  	_ =	swait.ge [sflag:s16], $0x2800  }
0x1a: {  	[sflag:s16] =	ssyncset.done $0x0  }
0x1b: {  	[sflag:s16] =	ssyncadd.s32 $0xFFFFD800  }
0x1c: {  	_ =	swait.ge [sflag:s16], $0x500  }
0x1d: {  	[sflag:s16] =	ssyncset.done $0x0  }
0x1e: {  	[sflag:s16] =	ssyncadd.s32 $0xFFFFFB00  }
0x1f: {  	_ =	swait.ge [sflag:s16], $0x500  }
0x20: {  	[sflag:s16] =	ssyncset.done $0x0  }
0x21: {  	[sflag:s16] =	ssyncadd.s32 $0xFFFFFB00  }
0x22: {  	s26 =	simm.s32 $0x5000;
	[bflag:$0x0] =	sbarrier.arrive $0xFFFF  }
0x23: {  	[tilespmem:s26], [sflag:$0x2] =	stream.indirect.gather [spmem:s2], $0x10, s4, s17, $0xb8;
	[tilespmem:$0x12000] =	vst v63  }
0x24: {  	s28 =	simm.s32 $0x5800  }
0x25: {  	[tilespmem:s28], [sflag:$0x2] =	stream.indirect.gather [spmem:s2], $0x10, s17, s17, $0xb8;
	[tilespmem:$0x12000] =	vst v63  }
0x26: {  	s29 =	simm.s32 $0x100;
	s5 =	simm.s32 $0x6000  }
0x27: {  	[tilespmem:s5], [sflag:$0x2] =	stream.indirect.gather [spmem:s2], $0x10, s29, s17, $0xb8;
	[tilespmem:$0x12000] =	vst v63  }
0x28: {  	s30 =	simm.s32 $0x180;
	s31 =	simm.s32 $0x6800  }
0x29: {  	[tilespmem:s31], [sflag:$0x2] =	stream.indirect.gather [spmem:s2], $0x10, s30, s17, $0xb8;
	[tilespmem:$0x12000] =	vst v63  }
0x2a: {  	s20 =	simm.s32 $0x7000;
	s5 =	simm.s32 $0x200  }
0x2b: {  	[tilespmem:s20], [sflag:$0x2] =	stream.indirect.gather [spmem:s2], $0x10, s5, s17, $0xb8;
	[tilespmem:$0x12000] =	vst v63  }
0x2c: {  	s21 =	simm.s32 $0x280;
	s22 =	simm.s32 $0x7800  }
0x2d: {  	[tilespmem:s22], [sflag:$0x2] =	stream.indirect.gather [spmem:s2], $0x10, s21, s17, $0xb8;
	[tilespmem:$0x12000] =	vst v63  }
0x2e: {  	s23 =	simm.s32 $0x300;
	s24 =	simm.s32 $0x8000  }
0x2f: {  	[tilespmem:s24], [sflag:$0x2] =	stream.indirect.gather [spmem:s2], $0x10, s23, s17, $0xb8;
	[tilespmem:$0x12000] =	vst v63  }
0x30: {  	s25 =	simm.s32 $0x380;
	s26 =	simm.s32 $0x8800  }
0x31: {  	[tilespmem:s26], [sflag:$0x2] =	stream.indirect.gather [spmem:s2], $0x10, s25, s17, $0xb8;
	[tilespmem:$0x12000] =	vst v63  }
0x32: {  	_ =	swait.ge [sflag:s0], $0x800  }
0x33: {  	[sflag:s0] =	ssyncset.done $0x0  }
0x34: {  	[sflag:s0] =	ssyncadd.s32 $0xFFFFF800  }
0x35: {  	_ =	swait.ge [sflag:s0], $0x800  }
0x36: {  	[sflag:s0] =	ssyncset.done $0x0  }
0x37: {  	[sflag:s0] =	ssyncadd.s32 $0xFFFFF800  }
0x38: {  	_ =	swait.ge [sflag:s0], $0x800  }
0x39: {  	[sflag:s0] =	ssyncset.done $0x0  }
0x3a: {  	[sflag:s0] =	ssyncadd.s32 $0xFFFFF800  }
0x3b: {  	_ =	swait.ge [sflag:s0], $0x800  }
0x3c: {  	[sflag:s0] =	ssyncset.done $0x0  }
0x3d: {  	[sflag:s0] =	ssyncadd.s32 $0xFFFFF800  }
0x3e: {  	_ =	swait.ge [sflag:s0], $0x800  }
0x3f: {  	[sflag:s0] =	ssyncset.done $0x0  }
0x40: {  	[sflag:s0] =	ssyncadd.s32 $0xFFFFF800  }
0x41: {  	_ =	swait.ge [sflag:s0], $0x800  }
0x42: {  	[sflag:s0] =	ssyncset.done $0x0  }
0x43: {  	[sflag:s0] =	ssyncadd.s32 $0xFFFFF800  }
0x44: {  	_ =	swait.ge [sflag:s0], $0x800  }
0x45: {  	[sflag:s0] =	ssyncset.done $0x0  }
0x46: {  	[sflag:s0] =	ssyncadd.s32 $0xFFFFF800  }
0x47: {  	p0 =	por $0x0, $0x0;
	s20 =	sand.u32 $0x4000, s4;
	_ =	swait.ge [sflag:s0], $0x800  }
0x48: {  	s21 =	ssub.s32 @!p0 $0x9000, s20;
	[sflag:s0] =	ssyncset.done $0x0  }
0x49: {  	s22 =	simm.s32 @!p0 $0x400;
	s23 =	simm.s32 @!p0 $0x80;
	[sflag:s0] =	ssyncadd.s32 $0xFFFFF800  }
0x4a: {  	[tilespmem:s21], [sflag:$0x2] =	stream.indirect.gather @!p0 [spmem:s2], $0x10, s22, s23, $0xb8;
	[tilespmem:$0x12000] =	vst v63  }
0x4b: {  	s21 =	simm.s32 @!p0 $0x480;
	s22 =	ssub.s32 @!p0 $0x9800, s20  }
0x4c: {  	[tilespmem:s22], [sflag:$0x2] =	stream.indirect.gather @!p0 [spmem:s2], $0x10, s21, s23, $0xb8;
	[tilespmem:$0x12000] =	vst v63  }
0x4d: {  	s21 =	simm.s32 @!p0 $0x500;
	s22 =	ssub.s32 @!p0 $0xA000, s20  }
0x4e: {  	[tilespmem:s22], [sflag:$0x2] =	stream.indirect.gather @!p0 [spmem:s2], $0x10, s21, s23, $0xb8;
	[tilespmem:$0x12000] =	vst v63  }
0x4f: {  	s21 =	simm.s32 @!p0 $0x580;
	s22 =	ssub.s32 @!p0 $0xA800, s20  }
0x50: {  	[tilespmem:s22], [sflag:$0x2] =	stream.indirect.gather @!p0 [spmem:s2], $0x10, s21, s23, $0xb8;
	[tilespmem:$0x12000] =	vst v63  }
0x51: {  	s21 =	ssub.s32 @!p0 $0xB000, s20;
	s22 =	simm.s32 @!p0 $0x600  }
0x52: {  	[tilespmem:s21], [sflag:$0x2] =	stream.indirect.gather @!p0 [spmem:s2], $0x10, s22, s23, $0xb8;
	[tilespmem:$0x12000] =	vst v63  }
0x53: {  	s21 =	ssub.s32 @!p0 $0xB800, s20;
	s22 =	simm.s32 @!p0 $0x680  }
0x54: {  	[tilespmem:s21], [sflag:$0x2] =	stream.indirect.gather @!p0 [spmem:s2], $0x10, s22, s23, $0xb8;
	[tilespmem:$0x12000] =	vst v63  }
0x55: {  	s21 =	simm.s32 @!p0 $0x700;
	s22 =	ssub.s32 @!p0 $0xC000, s20  }
0x56: {  	[tilespmem:s22], [sflag:$0x2] =	stream.indirect.gather @!p0 [spmem:s2], $0x10, s21, s23, $0xb8;
	[tilespmem:$0x12000] =	vst v63  }
0x57: {  	s21 =	ssub.s32 @!p0 $0xC800, s20;
	s22 =	simm.s32 @!p0 $0x780  }
0x58: {  	[tilespmem:s21], [sflag:$0x2] =	stream.indirect.gather @!p0 [spmem:s2], $0x10, s22, s23, $0xb8;
	[tilespmem:$0x12000] =	vst v63  }
0x59: {  	s29 =	simm.s32 $0x2800;
	s28 =	sadd.s32 $0x5000, s20  }
0x5a: {  	[spmem:s3] =	stream.indirect.scatter.add.f32 [tilespmem:s28], [sflag:$0x3], $0x10, s29, s17, $0xb8;
	[tilespmem:$0x12000] =	vst v63  }
0x5b: {  	s31 =	simm.s32 $0x2880;
	s30 =	sadd.s32 $0x5800, s20  }
0x5c: {  	[spmem:s3] =	stream.indirect.scatter.add.f32 [tilespmem:s30], [sflag:$0x3], $0x10, s31, s17, $0xb8;
	[tilespmem:$0x12000] =	vst v63  }
0x5d: {  	s5 =	simm.s32 $0x2900;
	s1 =	sadd.s32 $0x6000, s20  }
0x5e: {  	[spmem:s3] =	stream.indirect.scatter.add.f32 [tilespmem:s1], [sflag:$0x3], $0x10, s5, s17, $0xb8;
	[tilespmem:$0x12000] =	vst v63  }
0x5f: {  	s22 =	sadd.s32 $0x6800, s20;
	s23 =	simm.s32 $0x2980  }
0x60: {  	[spmem:s3] =	stream.indirect.scatter.add.f32 [tilespmem:s22], [sflag:$0x3], $0x10, s23, s17, $0xb8;
	[tilespmem:$0x12000] =	vst v63  }
0x61: {  	s24 =	sadd.s32 $0x7000, s20;
	s25 =	simm.s32 $0x2A00  }
0x62: {  	[spmem:s3] =	stream.indirect.scatter.add.f32 [tilespmem:s24], [sflag:$0x3], $0x10, s25, s17, $0xb8;
	[tilespmem:$0x12000] =	vst v63  }
0x63: {  	s26 =	sadd.s32 $0x7800, s20;
	s28 =	simm.s32 $0x2A80  }
0x64: {  	[spmem:s3] =	stream.indirect.scatter.add.f32 [tilespmem:s26], [sflag:$0x3], $0x10, s28, s17, $0xb8;
	[tilespmem:$0x12000] =	vst v63  }
0x65: {  	s29 =	sor.u32 $0x8000, s20;
	s30 =	simm.s32 $0x2B00  }
0x66: {  	[spmem:s3] =	stream.indirect.scatter.add.f32 [tilespmem:s29], [sflag:$0x3], $0x10, s30, s17, $0xb8;
	[tilespmem:$0x12000] =	vst v63  }
0x67: {  	s20 =	sor.u32 $0x8800, s20;
	s31 =	simm.s32 $0x2B80  }
0x68: {  	[spmem:s3] =	stream.indirect.scatter.add.f32 [tilespmem:s20], [sflag:$0x3], $0x10, s31, s17, $0xb8;
	[tilespmem:$0x12000] =	vst v63  }
0x69: {  	_ =	swait.ge [sflag:s13], $0x800  }
0x6a: {  	[sflag:s13] =	ssyncset.done $0x0  }
0x6b: {  	[sflag:s13] =	ssyncadd.s32 $0xFFFFF800  }
0x6c: {  	_ =	swait.ge [sflag:s13], $0x800  }
0x6d: {  	[sflag:s13] =	ssyncset.done $0x0  }
0x6e: {  	[sflag:s13] =	ssyncadd.s32 $0xFFFFF800  }
0x6f: {  	_ =	swait.ge [sflag:s13], $0x800  }
0x70: {  	[sflag:s13] =	ssyncset.done $0x0  }
0x71: {  	[sflag:s13] =	ssyncadd.s32 $0xFFFFF800  }
0x72: {  	_ =	swait.ge [sflag:s13], $0x800  }
0x73: {  	[sflag:s13] =	ssyncset.done $0x0  }
0x74: {  	[sflag:s13] =	ssyncadd.s32 $0xFFFFF800  }
0x75: {  	_ =	swait.ge [sflag:s13], $0x800  }
0x76: {  	[sflag:s13] =	ssyncset.done $0x0  }
0x77: {  	[sflag:s13] =	ssyncadd.s32 $0xFFFFF800  }
0x78: {  	_ =	swait.ge [sflag:s13], $0x800  }
0x79: {  	[sflag:s13] =	ssyncset.done $0x0  }
0x7a: {  	[sflag:s13] =	ssyncadd.s32 $0xFFFFF800  }
0x7b: {  	_ =	swait.ge [sflag:s13], $0x800  }
0x7c: {  	[sflag:s13] =	ssyncset.done $0x0  }
0x7d: {  	[sflag:s13] =	ssyncadd.s32 $0xFFFFF800  }
0x7e: {  	s21 =	simm.s32 $0x0;
	s20 =	simm.s32 $0x1000;
	_ =	swait.ge [sflag:s13], $0x800  }
.LBB2_2:
0x7f: {  	[sflag:s13] =	ssyncset.done $0x0  }
0x80: {  	s21 =	sadd.s32 $0x4000, s21;
	s22 =	smov.u32 s20;
	s20 =	sadd.s32 $0x1000, s20  }
0x81: {  	p0 =	sne.s32 s20, $0xA000;
	[sflag:s13] =	ssyncadd.s32 $0xFFFFF800  }
0x82: {  	_ =	swait.ge [sflag:s0], $0x800  }
0x83: {  	[sflag:s0] =	ssyncset.done $0x0  }
0x84: {  	[sflag:s0] =	ssyncadd.s32 $0xFFFFF800  }
0x85: {  	_ =	swait.ge [sflag:s0], $0x800  }
0x86: {  	[sflag:s0] =	ssyncset.done $0x0  }
0x87: {  	[sflag:s0] =	ssyncadd.s32 $0xFFFFF800  }
0x88: {  	_ =	swait.ge [sflag:s0], $0x800  }
0x89: {  	[sflag:s0] =	ssyncset.done $0x0  }
0x8a: {  	[sflag:s0] =	ssyncadd.s32 $0xFFFFF800  }
0x8b: {  	_ =	swait.ge [sflag:s0], $0x800  }
0x8c: {  	[sflag:s0] =	ssyncset.done $0x0  }
0x8d: {  	[sflag:s0] =	ssyncadd.s32 $0xFFFFF800  }
0x8e: {  	_ =	swait.ge [sflag:s0], $0x800  }
0x8f: {  	[sflag:s0] =	ssyncset.done $0x0  }
0x90: {  	[sflag:s0] =	ssyncadd.s32 $0xFFFFF800  }
0x91: {  	_ =	swait.ge [sflag:s0], $0x800  }
0x92: {  	[sflag:s0] =	ssyncset.done $0x0  }
0x93: {  	[sflag:s0] =	ssyncadd.s32 $0xFFFFF800  }
0x94: {  	_ =	swait.ge [sflag:s0], $0x800  }
0x95: {  	[sflag:s0] =	ssyncset.done $0x0  }
0x96: {  	s23 =	sand.u32 $0x4000, s21;
	p1 =	seq.s32 s22, $0x9000;
	[sflag:s0] =	ssyncadd.s32 $0xFFFFF800  }
0x97: {  	s24 =	ssub.s32 @!p1 $0x9000, s23;
	s25 =	sshra.s32 @!p1 s22, $0x2;
	_ =	swait.ge [sflag:s0], $0x800  }
0x98: {  	s26 =	sadd.s32 @!p1 $0x400, s25;
	s28 =	sadd.s32 @!p1 $0x500, s25;
	[sflag:s0] =	ssyncset.done $0x0  }
0x99: {  	s29 =	simm.s32 @!p1 $0x80;
	s30 =	sadd.s32 @!p1 $0x480, s25;
	[sflag:s0] =	ssyncadd.s32 $0xFFFFF800  }
0x9a: {  	[tilespmem:s24], [sflag:$0x2] =	stream.indirect.gather @!p1 [spmem:s2], $0x10, s26, s29, $0xb8;
	[tilespmem:$0x12000] =	vst v63  }
0x9b: {  	s31 =	sadd.s32 @!p1 $0x580, s25;
	s24 =	ssub.s32 @!p1 $0x9800, s23;
	s26 =	ssub.s32 @!p1 $0xA000, s23  }
0x9c: {  	[tilespmem:s24], [sflag:$0x2] =	stream.indirect.gather @!p1 [spmem:s2], $0x10, s30, s29, $0xb8;
	[tilespmem:$0x12000] =	vst v63  }
0x9d: {  	s1 =	sadd.s32 @!p1 $0x600, s25;
	s24 =	ssub.s32 @!p1 $0xA800, s23;
	s30 =	ssub.s32 @!p1 $0xB000, s23  }
0x9e: {  	[tilespmem:s26], [sflag:$0x2] =	stream.indirect.gather @!p1 [spmem:s2], $0x10, s28, s29, $0xb8;
	[tilespmem:$0x12000] =	vst v63  }
0x9f: {  	s5 =	sadd.s32 @!p1 $0x700, s25;
	s26 =	ssub.s32 @!p1 $0xB800, s23;
	s28 =	sadd.s32 @!p1 $0x680, s25  }
0xa0: {  	[tilespmem:s24], [sflag:$0x2] =	stream.indirect.gather @!p1 [spmem:s2], $0x10, s31, s29, $0xb8;
	[tilespmem:$0x12000] =	vst v63  }
0xa1: {  	s25 =	sadd.s32 @!p1 $0x780, s25;
	s24 =	ssub.s32 @!p1 $0xC000, s23;
	s31 =	ssub.s32 @!p1 $0xC800, s23  }
0xa2: {  	[tilespmem:s30], [sflag:$0x2] =	stream.indirect.gather @!p1 [spmem:s2], $0x10, s1, s29, $0xb8;
	[tilespmem:$0x12000] =	vst v63  }
0xa3: {  	_ = 	snop  }
0xa4: {  	[tilespmem:s26], [sflag:$0x2] =	stream.indirect.gather @!p1 [spmem:s2], $0x10, s28, s29, $0xb8;
	[tilespmem:$0x12000] =	vst v63  }
0xa5: {  	_ = 	snop  }
0xa6: {  	[tilespmem:s24], [sflag:$0x2] =	stream.indirect.gather @!p1 [spmem:s2], $0x10, s5, s29, $0xb8;
	[tilespmem:$0x12000] =	vst v63  }
0xa7: {  	s1 =	sadd.s32 $0x5000, s23;
	s5 =	sshra.s32 s22, $0x2  }
0xa8: {  	[tilespmem:s31], [sflag:$0x2] =	stream.indirect.gather @!p1 [spmem:s2], $0x10, s25, s29, $0xb8;
	[tilespmem:$0x12000] =	vst v63  }
0xa9: {  	s22 =	sadd.s32 $0x5800, s23;
	s24 =	sadd.s32 $0x2800, s5;
	s25 =	sadd.s32 $0x2880, s5  }
0xaa: {  	[spmem:s3] =	stream.indirect.scatter.add.f32 [tilespmem:s1], [sflag:$0x3], $0x10, s24, s17, $0xb8;
	[tilespmem:$0x12000] =	vst v63  }
0xab: {  	s1 =	sadd.s32 $0x6000, s23;
	s24 =	sadd.s32 $0x2900, s5  }
0xac: {  	[spmem:s3] =	stream.indirect.scatter.add.f32 [tilespmem:s22], [sflag:$0x3], $0x10, s25, s17, $0xb8;
	[tilespmem:$0x12000] =	vst v63  }
0xad: {  	s22 =	sadd.s32 $0x6800, s23;
	s25 =	sadd.s32 $0x2980, s5  }
0xae: {  	[spmem:s3] =	stream.indirect.scatter.add.f32 [tilespmem:s1], [sflag:$0x3], $0x10, s24, s17, $0xb8;
	[tilespmem:$0x12000] =	vst v63  }
0xaf: {  	s1 =	sadd.s32 $0x7000, s23;
	s24 =	sadd.s32 $0x2A00, s5  }
0xb0: {  	[spmem:s3] =	stream.indirect.scatter.add.f32 [tilespmem:s22], [sflag:$0x3], $0x10, s25, s17, $0xb8;
	[tilespmem:$0x12000] =	vst v63  }
0xb1: {  	s22 =	sadd.s32 $0x7800, s23;
	s25 =	sadd.s32 $0x2A80, s5  }
0xb2: {  	[spmem:s3] =	stream.indirect.scatter.add.f32 [tilespmem:s1], [sflag:$0x3], $0x10, s24, s17, $0xb8;
	[tilespmem:$0x12000] =	vst v63  }
0xb3: {  	s1 =	sor.u32 $0x8000, s23;
	s24 =	sadd.s32 $0x2B00, s5  }
0xb4: {  	[spmem:s3] =	stream.indirect.scatter.add.f32 [tilespmem:s22], [sflag:$0x3], $0x10, s25, s17, $0xb8;
	[tilespmem:$0x12000] =	vst v63  }
0xb5: {  	s5 =	sadd.s32 $0x2B80, s5;
	s22 =	sor.u32 $0x8800, s23  }
0xb6: {  	[spmem:s3] =	stream.indirect.scatter.add.f32 [tilespmem:s1], [sflag:$0x3], $0x10, s24, s17, $0xb8;
	[tilespmem:$0x12000] =	vst v63  }
0xb7: {  	_ = 	snop  }
0xb8: {  	[spmem:s3] =	stream.indirect.scatter.add.f32 [tilespmem:s22], [sflag:$0x3], $0x10, s5, s17, $0xb8;
	[tilespmem:$0x12000] =	vst v63  }
0xb9: {  	_ =	swait.ge [sflag:s13], $0x800  }
0xba: {  	[sflag:s13] =	ssyncset.done $0x0  }
0xbb: {  	[sflag:s13] =	ssyncadd.s32 $0xFFFFF800  }
0xbc: {  	_ =	swait.ge [sflag:s13], $0x800  }
0xbd: {  	[sflag:s13] =	ssyncset.done $0x0  }
0xbe: {  	[sflag:s13] =	ssyncadd.s32 $0xFFFFF800  }
0xbf: {  	_ =	swait.ge [sflag:s13], $0x800  }
0xc0: {  	[sflag:s13] =	ssyncset.done $0x0  }
0xc1: {  	[sflag:s13] =	ssyncadd.s32 $0xFFFFF800  }
0xc2: {  	_ =	swait.ge [sflag:s13], $0x800  }
0xc3: {  	[sflag:s13] =	ssyncset.done $0x0  }
0xc4: {  	[sflag:s13] =	ssyncadd.s32 $0xFFFFF800  }
0xc5: {  	_ =	swait.ge [sflag:s13], $0x800  }
0xc6: {  	[sflag:s13] =	ssyncset.done $0x0  }
0xc7: {  	[sflag:s13] =	ssyncadd.s32 $0xFFFFF800  }
0xc8: {  	_ =	swait.ge [sflag:s13], $0x800  }
0xc9: {  	[sflag:s13] =	ssyncset.done $0x0  }
.Ltmp0:
0xca: {  	[sflag:s13] =	ssyncadd.s32 $0xFFFFF800;
	(pc) =	sbr.rel @p0 .LBB2_2-.Ltmp0, $4  }
0xcb: {  	_ =	swait.ge [sflag:s13], $0x800  }
0xcc: {  	[sflag:s13] =	ssyncset.done $0x0  }
0xcd: {  	[sflag:s13] =	ssyncadd.s32 $0xFFFFF800  }
0xce: {  	_ =	swait.ge [sflag:s13], $0x800  }
0xcf: {  	[sflag:s13] =	ssyncset.done $0x0;
	s19 =	sadd.s32 $0x1, s19  }
0xd0: {  	[sflag:s13] =	ssyncadd.s32 $0xFFFFF800;
	p0 =	sne.s32 s19, s12  }
.Ltmp1:
0xd1: {  	s1 =	sor.u32 $0x1C04, s7;
	[bflag:$0x0] =	sbarrier.arrive $0xFFFF;
	(pc) =	sbr.rel @p0 .LBB2_1-.Ltmp1, $4  }
0xd2: {  	[hbm:s11], [sflag:s1] =	dma.local [spmem:s15], $0x500  }
0xd3: {  	_ =	swait.ge [sflag:s18], $0x500  }
0xd4: {  	[sflag:s18] =	ssyncset.done $0x0  }
0xd5: {  	[sflag:s18] =	ssyncadd.s32 $0xFFFFFB00  }
0xd6: {  	_ =	sfence.sel $0x180000  }
0xd7: {  	[bflag:$0x0] =	sbarrier.arrive $0xFFFF  }
0xd8: {  	_ =	strace $0x90000047  }
0xd9: {  	s0 =	stileid.u32;
	[bflag:$0x2] =	sbarrier.arrive $0xFFFF  }
0xda: {  	p0 =	sne.s32 s0, $0x0;
	s0 =	rddreg [dreg:$0x3]  }
0xdb: {  	s0 =	sadd.s32 @!p0 $0x100000, s0  }
0xdc: {  	[sflag:s0] =	ssyncadd.tile.s32 @!p0 $0x1;
	_ =	shalt  }
.Lfunc_end2:
_tile_overlayer_lowered:
.L_overlay_start_2:
0xdd: {  	(tag) =	ssettag $0x2  }
0xde: {  	s0 =	rddreg [dreg:$0x0];
	s2 =	stileid.u32  }
0xdf: {  	s1 =	rddreg [dreg:$0x1];
	p0 =	sne.s32 s2, $0x0  }
0xe0: {  	s3 =	rddreg [dreg:$0x2];
	[bflag:$0x3] =	sbarrier.arrive $0xFFFF;
	s2 =	simm.s32 @!p0 $0x1C04  }
0xe1: {  	[timem:s3], [sflag:s2] =	dma.local @!p0 [hbm:s0], s1  }
0xe2: {  	s0 =	simm.s32 @!p0 $0x4  }
0xe3: {  	_ =	swait.ge @!p0 [sflag:s0], s1  }
0xe4: {  	s1 =	ssub.s32 @!p0 $0x0, s1;
	[sflag:s0] =	ssyncset.done @!p0 $0x0  }
0xe5: {  	[sflag:s0] =	ssyncadd.s32 @!p0 s1  }
0xe6: {  	[bflag:$0x3] =	sbarrier.arrive $0xFFFF  }
0xe7: {  	_ =	shalt  }

</sc_bundles>
